<compile_context>
chip_gen: v7x
topology: tpu7x:2x2x1
jax: 0.10.2.dev20260603
libtpu: 0.0.44.dev20260713+nightly
codegen_flags: <defaults>
</compile_context>

<pallas_src>
import functools

import jax
import jax.numpy as jnp
from jax import lax
from jax.experimental import pallas as pl
from jax.experimental.pallas import tpu as pltpu
from jax.experimental.pallas import tpu_sc as plsc

H = 512
W = 512
WINDOW = 32
N_SEEDS = 256
NEIGH = 5
MIN_SEED = 0.5
MASK_THRESH = 0.5

NT = 32
CAP = 512
TOT = NT * CAP
ROWS_PER_TILE = H // NT
BAND = ROWS_PER_TILE * W
NPIX = H * W
MBITS = 0x7FFFFF

_mesh = plsc.VectorSubcoreMesh(
    core_axis_name="c", subcore_axis_name="s", num_cores=2, num_subcores=16)


def _wid():
    return lax.axis_index("s") * 2 + lax.axis_index("c")


def _lane():
    return lax.iota(jnp.int32, 16)


def _tc_body(fields_ref, sig_ref, seed_ref, emb_ref, sig_out_ref, keys_ref):
    f = fields_ref[...]
    step = jnp.float32(W * 64.0 / 256.0 / (W - 1))
    col = lax.broadcasted_iota(jnp.int32, (H, W), 1).astype(jnp.float32) * step
    row = lax.broadcasted_iota(jnp.int32, (H, W), 0).astype(jnp.float32) * step
    emb_ref[pl.ds(0, 2048)] = (jnp.tanh(f[0]) + col).reshape(2048, 128)
    emb_ref[pl.ds(2048, 2048)] = (jnp.tanh(f[1]) + row).reshape(2048, 128)
    sg = sig_ref[...]
    sig_out_ref[pl.ds(0, 2048)] = sg[0].reshape(2048, 128)
    sig_out_ref[pl.ds(2048, 2048)] = sg[1].reshape(2048, 128)

    s = seed_ref[0]
    ninf = jnp.float32(-jnp.inf)
    rm = s
    for d in range(1, NEIGH + 1):
        left = jnp.concatenate([jnp.full((H, d), ninf), s[:, :-d]], axis=1)
        right = jnp.concatenate([s[:, d:], jnp.full((H, d), ninf)], axis=1)
        rm = jnp.maximum(rm, jnp.maximum(left, right))
    pm = rm
    for d in range(1, NEIGH + 1):
        up = jnp.concatenate([jnp.full((d, W), ninf), rm[:-d, :]], axis=0)
        dn = jnp.concatenate([rm[d:, :], jnp.full((d, W), ninf)], axis=0)
        pm = jnp.maximum(pm, jnp.maximum(up, dn))
    is_peak = (s == pm) & (s > MIN_SEED)
    keys_ref[...] = jnp.where(
        is_peak, lax.bitcast_convert_type(s, jnp.int32),
        jnp.int32(0)).reshape(2048, 128)


def _tc_stage(fields, sigma, seed_map):
    return pl.pallas_call(
        _tc_body,
        out_shape=(
            jax.ShapeDtypeStruct((4096, 128), jnp.float32),
            jax.ShapeDtypeStruct((4096, 128), jnp.float32),
            jax.ShapeDtypeStruct((2048, 128), jnp.int32),
        ),
    )(fields, sigma, seed_map)


@functools.partial(
    pl.kernel,
    mesh=_mesh,
    compiler_params=pltpu.CompilerParams(needs_layout_passes=False),
    out_type=(
        jax.ShapeDtypeStruct((NT, CAP), jnp.int32),
        jax.ShapeDtypeStruct((NT, CAP), jnp.int32),
        jax.ShapeDtypeStruct((NT, 16), jnp.int32),
    ),
    scratch_types=[
        pltpu.VMEM((BAND,), jnp.int32),
        pltpu.VMEM((CAP,), jnp.int32),
        pltpu.VMEM((CAP,), jnp.int32),
        pltpu.VMEM((16,), jnp.int32),
    ],
)
def _sc_compact(keys_hbm, ck_hbm, ci_hbm, cnt_hbm, keys_v, ck_v, ci_v, cnt_v):
    wid = _wid()
    base = wid * BAND
    lane = _lane()
    pltpu.sync_copy(keys_hbm.at[pl.ds(base, BAND)], keys_v)

    def body(j, cnt_vec):
        kv = keys_v[pl.ds(j * 16, 16)]
        mask = kv > 0
        pos = cnt_vec + plsc.cumsum(mask.astype(jnp.int32)) - 1
        okm = mask & (pos < CAP)
        plsc.store_scatter(ck_v, [pos], kv, mask=okm)
        plsc.store_scatter(ci_v, [pos], base + j * 16 + lane, mask=okm)
        return cnt_vec + plsc.all_reduce_population_count(okm)

    cnt_vec = lax.fori_loop(0, BAND // 16, body, jnp.zeros((16,), jnp.int32))
    cnt_v[...] = cnt_vec
    pltpu.sync_copy(ck_v, ck_hbm.at[wid])
    pltpu.sync_copy(ci_v, ci_hbm.at[wid])
    pltpu.sync_copy(cnt_v, cnt_hbm.at[wid])


@functools.partial(
    pl.kernel,
    mesh=_mesh,
    compiler_params=pltpu.CompilerParams(needs_layout_passes=False),
    out_type=jax.ShapeDtypeStruct((N_SEEDS + 16, 16), jnp.float32),
    scratch_types=[
        pltpu.VMEM((NT, CAP), jnp.int32),
        pltpu.VMEM((NT, CAP), jnp.int32),
        pltpu.VMEM((NT, 16), jnp.int32),
        pltpu.VMEM((TOT,), jnp.int32),
        pltpu.VMEM((TOT,), jnp.int32),
        pltpu.VMEM((TOT,), jnp.int32),
        pltpu.VMEM((TOT,), jnp.int32),
        pltpu.VMEM((CAP,), jnp.int32),
        pltpu.VMEM((CAP,), jnp.int32),
        pltpu.VMEM((16, 16), jnp.float32),
        pltpu.VMEM((16,), jnp.float32),
        pltpu.VMEM((16,), jnp.float32),
        pltpu.VMEM((16,), jnp.float32),
        pltpu.VMEM((16,), jnp.float32),
        pltpu.SemaphoreType.DMA,
    ],
)
def _sc_select(ck_hbm, ci_hbm, cnt_hbm, emb_hbm, sig_hbm, seeds_hbm,
               ck_v, ci_v, cnt_v, gk, gi, sk, si, wbi, wbr, rows,
               g0, g1, g2, g3, sem):
    wid = _wid()
    lane = _lane()
    zeros16 = jnp.zeros((16,), jnp.int32)

    pltpu.sync_copy(ck_hbm, ck_v)
    pltpu.sync_copy(ci_hbm, ci_v)
    pltpu.sync_copy(cnt_hbm, cnt_v)

    def outer(t, cnt_vec):
        c_t = cnt_v[t][0]

        def inner(j, cv):
            kv = ck_v[t, pl.ds(j * 16, 16)]
            iv = ci_v[t, pl.ds(j * 16, 16)]
            mask = (j * 16 + lane) < c_t
            pos = cv + plsc.cumsum(mask.astype(jnp.int32)) - 1
            plsc.store_scatter(gk, [pos], kv, mask=mask)
            plsc.store_scatter(gi, [pos], iv, mask=mask)
            return cv + plsc.all_reduce_population_count(mask)

        return lax.fori_loop(0, (c_t + 15) // 16, inner, cnt_vec)

    cnt_vec = lax.fori_loop(0, NT, outer, zeros16)
    n_total = cnt_vec[0]
    nv = (n_total + 15) // 16

    def count_ge(thr):
        def b(j, acc):
            kv = gk[pl.ds(j * 16, 16)]
            mm = kv & MBITS
            c = ((j * 16 + lane) < n_total) & (mm >= thr)
            return acc + plsc.all_reduce_population_count(c)

        return lax.fori_loop(0, nv, b, zeros16)[0]

    def bit_step(i, p):
        thr = p | lax.shift_left(jnp.int32(1), 22 - i)
        c1 = count_ge(thr)
        return jnp.where(c1 >= N_SEEDS, thr, p)

    p6 = lax.fori_loop(0, 6, bit_step, jnp.int32(0))

    def surv(j, cv):
        kv = gk[pl.ds(j * 16, 16)]
        iv = gi[pl.ds(j * 16, 16)]
        mask = ((j * 16 + lane) < n_total) & ((kv & MBITS) >= p6)
        pos = cv + plsc.cumsum(mask.astype(jnp.int32)) - 1
        plsc.store_scatter(sk, [pos], kv, mask=mask)
        plsc.store_scatter(si, [pos], iv, mask=mask)
        return cv + plsc.all_reduce_population_count(mask)

    s_total = lax.fori_loop(0, nv, surv, zeros16)[0]
    sv = (s_total + 15) // 16

    def count_ge2(thr):
        def b(j, acc):
            kv = sk[pl.ds(j * 16, 16)]
            mm = kv & MBITS
            c = ((j * 16 + lane) < s_total) & (mm >= thr)
            return acc + plsc.all_reduce_population_count(c)

        return lax.fori_loop(0, sv, b, zeros16)[0]

    def bit_step2(i, p):
        thr = p | lax.shift_left(jnp.int32(1), 22 - i)
        c1 = count_ge2(thr)
        return jnp.where(c1 >= N_SEEDS, thr, p)

    thr_m = lax.fori_loop(6, 23, bit_step2, p6)
    n_top = jnp.minimum(jnp.int32(N_SEEDS), n_total)

    def rank_of(mi, idxi):
        def rb(j, acc):
            kv = sk[pl.ds(j * 16, 16)]
            iv = si[pl.ds(j * 16, 16)]
            mm = kv & MBITS
            hi = ((j * 16 + lane) < s_total) & (
                (mm > mi) | ((mm == mi) & (iv < idxi)))
            return acc + plsc.all_reduce_population_count(hi)

        return lax.fori_loop(0, sv, rb, zeros16)[0]

    def qbody(q, w):
        i = wid + q * NT
        live = i < s_total
        isafe = jnp.full((16,), jnp.minimum(i, TOT - 1), jnp.int32)
        mi = plsc.load_gather(sk, [isafe])[0] & MBITS
        idxi = plsc.load_gather(si, [isafe])[0]
        live = live & (mi >= thr_m)
        r = lax.cond(live, lambda: rank_of(mi, idxi), lambda: jnp.int32(N_SEEDS))
        win = live & (r < N_SEEDS)
        lane0 = lane == 0
        plsc.store_scatter(wbi, [jnp.full((16,), w, jnp.int32)],
                           jnp.full((16,), idxi, jnp.int32), mask=lane0 & win)
        plsc.store_scatter(wbr, [jnp.full((16,), w, jnp.int32)],
                           jnp.full((16,), r, jnp.int32), mask=lane0 & win)
        return w + jnp.where(win, 1, 0)

    nq = (s_total - wid + NT - 1) // NT
    nq = jnp.maximum(nq, 0)
    w = lax.fori_loop(0, nq, qbody, jnp.int32(0))

    def zrow(j, _):
        plsc.store_scatter(rows, [jnp.full((16,), j, jnp.int32), lane],
                           jnp.zeros((16,), jnp.float32))
        return 0

    lax.fori_loop(0, 16, zrow, 0)
    pad0 = n_top + ((wid - n_top) % NT + NT) % NT

    def zfill(k, _):
        r = pad0 + k * NT

        @pl.when(r < N_SEEDS)
        def _():
            pltpu.sync_copy(rows.at[0], seeds_hbm.at[r])

        return 0

    lax.fori_loop(0, (N_SEEDS + NT - 1) // NT, zfill, 0)

    def chunk(c, _):
        iv = wbi[pl.ds(c * 16, 16)]
        lm = (c * 16 + lane) < w
        ivc = jnp.where(lm, iv, 0)
        pltpu.async_copy(emb_hbm.at[ivc], g0, sem).wait()
        pltpu.async_copy(emb_hbm.at[ivc + NPIX], g1, sem).wait()
        pltpu.async_copy(sig_hbm.at[ivc], g2, sem).wait()
        pltpu.async_copy(sig_hbm.at[ivc + NPIX], g3, sem).wait()

        def col(j):
            return [lane, jnp.full((16,), j, jnp.int32)]

        plsc.store_scatter(rows, col(0),
                           lax.shift_right_logical(ivc, 9).astype(jnp.float32))
        plsc.store_scatter(rows, col(1), (ivc & (W - 1)).astype(jnp.float32))
        plsc.store_scatter(rows, col(2), g0[...])
        plsc.store_scatter(rows, col(3), g1[...])
        plsc.store_scatter(rows, col(4), jnp.exp(g2[...] * 10.0))
        plsc.store_scatter(rows, col(5), jnp.exp(g3[...] * 10.0))
        plsc.store_scatter(rows, col(6), jnp.ones((16,), jnp.float32))

        def wr(k, _):
            pos = c * 16 + k

            @pl.when(pos < w)
            def _():
                rk = plsc.load_gather(
                    wbr, [jnp.full((16,), pos, jnp.int32)])[0]
                pltpu.sync_copy(rows.at[k], seeds_hbm.at[rk])

            return 0

        lax.fori_loop(0, 16, wr, 0)
        return 0

    lax.fori_loop(0, (w + 15) // 16, chunk, 0)


@functools.partial(
    pl.kernel,
    mesh=_mesh,
    compiler_params=pltpu.CompilerParams(needs_layout_passes=False),
    out_type=(
        jax.ShapeDtypeStruct((NPIX,), jnp.float32),
        jax.ShapeDtypeStruct((NPIX,), jnp.float32),
    ),
    scratch_types=[
        pltpu.VMEM((N_SEEDS, 16), jnp.float32),
        pltpu.VMEM((BAND + 128,), jnp.float32),
        pltpu.VMEM((BAND + 128,), jnp.float32),
        pltpu.VMEM((BAND + 128,), jnp.float32),
        pltpu.VMEM((BAND + 128,), jnp.float32),
        pltpu.SemaphoreType.DMA,
    ],
)
def _sc_paint(seeds_hbm, emb_hbm, lab_hbm, sco_hbm, seeds_v, e0v, e1v, mv, lv,
              sem):
    wid = _wid()
    lane = _lane()
    pltpu.sync_copy(seeds_hbm.at[pl.ds(0, N_SEEDS)], seeds_v)
    din = []
    for l in range(ROWS_PER_TILE):
        g = (wid + l * NT) * W
        din.append(pltpu.async_copy(
            emb_hbm.at[pl.ds(g, W)], e0v.at[pl.ds(l * W, W)], sem))
        din.append(pltpu.async_copy(
            emb_hbm.at[pl.ds(NPIX + g, W)], e1v.at[pl.ds(l * W, W)], sem))
    for d in din:
        d.wait()

    def zbody(j, _):
        z = jnp.zeros((16,), jnp.float32)
        mv[pl.ds(j * 16, 16)] = z
        lv[pl.ds(j * 16, 16)] = z
        return 0

    lax.fori_loop(0, BAND // 16, zbody, 0)

    def seed_body(e, _):
        rec = seeds_v[e]
        valid = rec[6]
        py = rec[0].astype(jnp.int32)
        px = rec[1].astype(jnp.int32)
        c0 = rec[2]
        c1 = rec[3]
        s0 = rec[4]
        s1 = rec[5]
        lab = (e + 1).astype(jnp.float32)
        ylo = jnp.maximum(py - WINDOW, 0)
        yhi = jnp.minimum(py + WINDOW, H)
        xlo = jnp.maximum(px - WINDOW, 0)
        xhi = jnp.minimum(px + WINDOW, W)
        y0 = ylo + jnp.mod(wid - ylo, NT)

        cb = lax.shift_right_logical(xlo, 4) * 16

        @pl.when(valid > 0.0)
        def _():
            def one_row(y):
                rowoff = ((y - wid) // NT) * W
                for cch in range(5):
                    base = rowoff + cb + cch * 16
                    bx = cb + cch * 16 + lane
                    mk = (bx >= xlo) & (bx < xhi)
                    a0 = e0v[pl.ds(base, 16)]
                    a1 = e1v[pl.ds(base, 16)]
                    pm = mv[pl.ds(base, 16)]
                    plv = lv[pl.ds(base, 16)]
                    d0 = a0 - c0
                    d1 = a1 - c1
                    pr = jnp.exp(-(d0 * d0 * s0 + d1 * d1 * s1))
                    upd = mk & (pr >= pm)
                    lc = jnp.where(pr >= MASK_THRESH, lab, 0.0)
                    nm = jnp.where(upd, jnp.maximum(pm, pr), pm)
                    nl = jnp.where(upd & (pr > pm), lc,
                                   jnp.where(upd & (pr == pm),
                                             jnp.maximum(plv, lc), plv))
                    mv[pl.ds(base, 16)] = nm
                    lv[pl.ds(base, 16)] = nl

            for k in range(2):
                y = y0 + k * NT

                @pl.when(y < yhi)
                def _():
                    one_row(y)

        return 0

    lax.fori_loop(0, N_SEEDS, seed_body, 0)
    dout = []
    for l in range(ROWS_PER_TILE):
        g = (wid + l * NT) * W
        dout.append(pltpu.async_copy(
            lv.at[pl.ds(l * W, W)], lab_hbm.at[pl.ds(g, W)], sem))
        dout.append(pltpu.async_copy(
            mv.at[pl.ds(l * W, W)], sco_hbm.at[pl.ds(g, W)], sem))
    for d in dout:
        d.wait()


def kernel(fields, sigma, seed_map):
    emb, sig, keys = _tc_stage(fields, sigma, seed_map)
    emb_flat = emb.reshape(-1)
    sig_flat = sig.reshape(-1)
    ck, ci, cnt = _sc_compact(keys.reshape(-1))
    seeds = _sc_select(ck, ci, cnt, emb_flat, sig_flat)
    lab_flat, sco_flat = _sc_paint(seeds, emb_flat)
    return lab_flat.reshape(H, W), sco_flat.reshape(H, W)

# --- scband reference (transcript-rebuilt; emitter-appended) ---
"""Pipeline reference for scband-instan-seg-torchscript-54125177864462 (READ-ONLY COPY).

The authoritative reference and input builder live on the scoring server;
editing this copy changes nothing except your own understanding.
"""

import jax, jax.numpy as jnp
import numpy as np

H = 512
W = 512
WINDOW = 32
N_SEEDS = 256
NEIGH = 5
MIN_SEED = 0.5
MASK_THRESH = 0.5


def setup_inputs(seed: int = 0) -> dict:
    key = jax.random.key(seed)
    k1, k2, k3 = jax.random.split(key, 3)
    fields = jax.random.normal(k1, (2, H, W), dtype=jnp.float32)
    sigma = jax.random.normal(k2, (2, H, W), dtype=jnp.float32) * 0.1
    seed_map = jax.random.uniform(k3, (1, H, W), dtype=jnp.float32)
    return {"fields": fields, "sigma": sigma, "seed_map": seed_map}


def _coordinate_map(h, w):
    # generate_coordinate_map(mode='linear', spatial_dim=2)
    xx = jnp.linspace(0.0, w * 64.0 / 256.0, w).reshape(1, 1, w) * jnp.ones((1, h, w), jnp.float32)
    yy = jnp.linspace(0.0, h * 64.0 / 256.0, h).reshape(1, h, 1) * jnp.ones((1, h, w), jnp.float32)
    return jnp.concatenate([xx, yy], axis=0)


def _forward(fields, sigma, seed_map):
    xxyy = _coordinate_map(H, W)
    # spatial embeddings: bounded offsets added to coordinate map
    spatial_emb = jnp.tanh(fields) + xxyy  # [2, H, W]
    seed = seed_map[0]  # [H, W]
    # torch_peak_local_max: max-pool based local maxima (first-max variant)
    k = 2 * NEIGH + 1
    pooled = jax.lax.reduce_window(seed, -jnp.inf, jax.lax.max, (k, k), (1, 1), 'SAME')
    is_peak = (seed == pooled) & (seed > MIN_SEED)
    scores = jnp.where(is_peak, seed, -jnp.inf).reshape(-1)
    top_vals, top_idx = jax.lax.top_k(scores, N_SEEDS)
    valid = (top_vals > MIN_SEED)
    py = top_idx // W
    px = top_idx % W
    # centres and sigmas gathered at seed locations
    c = spatial_emb[:, py, px]                 # [2, E]
    s = jnp.exp(sigma[:, py, px] * 10.0)       # [2, E]
    # per-seed 2*WINDOW x 2*WINDOW windows (mesh_grid_flat analogue)
    offs = jnp.arange(-WINDOW, WINDOW)
    wy = jnp.clip(py[:, None, None] + offs[None, :, None], 0, H - 1)
    wx = jnp.clip(px[:, None, None] + offs[None, None, :], 0, W - 1)
    wy = jnp.broadcast_to(wy, (N_SEEDS, 2 * WINDOW, 2 * WINDOW))
    wx = jnp.broadcast_to(wx, (N_SEEDS, 2 * WINDOW, 2 * WINDOW))
    emb_win = spatial_emb[:, wy, wx]           # [2, E, 2w, 2w]
    # feature_engineering: diff to centre, Gaussian instance probability
    diff = emb_win - c[:, :, None, None]
    dist = jnp.exp(-jnp.sum(diff * diff * s[:, :, None, None], axis=0))  # [E, 2w, 2w]
    dist = dist * valid[:, None, None].astype(dist.dtype)
    # convert(): overlap resolution (NMS analogue) via scatter-max on pixel canvas
    flat_idx = (wy * W + wx).reshape(-1)
    probs_flat = dist.reshape(-1)
    labels = jnp.arange(1, N_SEEDS + 1, dtype=jnp.float32)
    labels_flat = jnp.broadcast_to(labels[:, None, None], (N_SEEDS, 2 * WINDOW, 2 * WINDOW)).reshape(-1)
    scoremap = jnp.zeros((H * W,), jnp.float32).at[flat_idx].max(probs_flat)
    winner = (probs_flat >= scoremap[flat_idx]) & (probs_flat >= MASK_THRESH)
    labelmap = jnp.zeros((H * W,), jnp.float32).at[flat_idx].max(jnp.where(winner, labels_flat, 0.0))
    return labelmap.reshape(H, W), scoremap.reshape(H, W)


def reference(fields, sigma, seed_map):
    return _forward(fields, sigma, seed_map)

if __name__ == "__main__":
    import jax
    _d = setup_inputs()
    print(jax.jit(kernel)(*tuple(_d.values())))

</pallas_src>

<mosaic_0001>
#map = affine_map<(d0, d1) -> (0)>
#map1 = affine_map<(d0, d1) -> (0, 0)>
module attributes {stable_mosaic.version = 14 : i64} {
  func.func @_sc_compact(%arg0: i32, %arg1: i32, %arg2: memref<262144xi32, #tpu.memory_space<hbm>>, %arg3: memref<32x512xi32, #tpu.memory_space<hbm>>, %arg4: memref<32x512xi32, #tpu.memory_space<hbm>>, %arg5: memref<32x16xi32, #tpu.memory_space<hbm>>, %arg6: memref<8192xi32, #tpu.memory_space<vmem>>, %arg7: memref<512xi32, #tpu.memory_space<vmem>>, %arg8: memref<512xi32, #tpu.memory_space<vmem>>, %arg9: memref<16xi32, #tpu.memory_space<vmem>>) attributes {dimension_semantics = [#tpu.dimension_semantics<core_parallel>, #tpu.dimension_semantics<subcore_parallel>], iteration_bounds = array<i64: 2, 16>, scalar_prefetch = 0 : i64, scratch_operands = 4 : i64, tpu.core_type = #tpu.core_type<sc_vector_subcore>, window_params = [{transform_indices = #map}, {transform_indices = #map1}, {transform_indices = #map1}, {transform_indices = #map1}]} {
    %mul3A = arith.constant 2 : i32
    %mul3A_0 = arith.muli %arg1, %mul3A : i32
    %add3A = arith.addi %mul3A_0, %arg0 : i32
    %mul3A_1 = arith.constant 8192 : i32
    %mul3A_2 = arith.muli %add3A, %mul3A_1 : i32
    %iota3A = tpu.iota {dimensions = array<i32: 0>} : vector<16xi32>
    "tpu.region"() ({
      %run_scoped3A = tpu.sem_alloc : memref<!tpu.dma_semaphore, #tpu.memory_space<semaphore_mem>>
      %dma_start3A = tpu.memref_slice %arg2[%mul3A_2] : memref<262144xi32, #tpu.memory_space<hbm>> -> memref<8192xi32, #tpu.memory_space<hbm>>
      %dma_start3A_10 = tpu.memref_slice %arg2[%mul3A_2] : memref<262144xi32, #tpu.memory_space<hbm>> -> memref<8192xi32, #tpu.memory_space<hbm>>
      tpu.enqueue_dma source(%dma_start3A_10 : memref<8192xi32, #tpu.memory_space<hbm>>) target(%arg6 : memref<8192xi32, #tpu.memory_space<vmem>>) target_semaphore(%run_scoped3A : memref<!tpu.dma_semaphore, #tpu.memory_space<semaphore_mem>>)
      %dma_wait3A = tpu.memref_slice %arg2[%mul3A_2] : memref<262144xi32, #tpu.memory_space<hbm>> -> memref<8192xi32, #tpu.memory_space<hbm>>
      %dma_wait3A_11 = tpu.memref_slice %arg2[%mul3A_2] : memref<262144xi32, #tpu.memory_space<hbm>> -> memref<8192xi32, #tpu.memory_space<hbm>>
      tpu.wait_dma2 semaphore(%run_scoped3A : memref<!tpu.dma_semaphore, #tpu.memory_space<semaphore_mem>>) src(%dma_wait3A_11 : memref<8192xi32, #tpu.memory_space<hbm>>) dst(%arg6 : memref<8192xi32, #tpu.memory_space<vmem>>)
      tpu.yield
    }) : () -> ()
    %broadcast_in_dim3A = arith.constant 0 : i32
    %broadcast_in_dim3A_3 = vector.broadcast %broadcast_in_dim3A : i32 to vector<16xi32>
    %scan3A = arith.constant 0 : i32
    %scan3A_4 = arith.constant 512 : i32
    %scan3A_5 = arith.addi %scan3A, %scan3A_4 : i32
    %scan3A_6 = arith.constant 1 : i32
    %scan3A_7 = scf.for %scan3A_10 = %scan3A to %scan3A_5 step %scan3A_6 iter_args(%scan3A_11 = %broadcast_in_dim3A_3) -> (vector<16xi32>)  : i32 {
      %mul3A_12 = arith.constant 16 : i32
      %mul3A_13 = arith.muli %scan3A_10, %mul3A_12 : i32
      %get3A = arith.index_cast %mul3A_13 : i32 to index
      %get3A_14 = tpu.vector_load %arg6[%get3A] {strides = array<i32>} : memref<8192xi32, #tpu.memory_space<vmem>>, vector<16xi32>,
      %gt3A = arith.constant 0 : i32
      %gt3A_15 = vector.broadcast %gt3A : i32 to vector<16xi32>
      %gt3A_16 = arith.cmpi sgt, %get3A_14, %gt3A_15 : vector<16xi32>
      %convert_element_type3A = arith.extui %gt3A_16 : vector<16xi1> to vector<16xi32>
      %broadcast_in_dim3A_17 = arith.constant true
      %broadcast_in_dim3A_18 = vector.broadcast %broadcast_in_dim3A_17 : i1 to vector<16xi1>
      %masked_cumsum3A = tpu.scan <sum>, %convert_element_type3A masked %broadcast_in_dim3A_18 : vector<16xi32>, vector<16xi1> -> vector<16xi32>
      %add3A_19 = arith.addi %scan3A_11, %masked_cumsum3A : vector<16xi32>
      %sub3A = arith.constant 1 : i32
      %sub3A_20 = vector.broadcast %sub3A : i32 to vector<16xi32>
      %sub3A_21 = arith.subi %add3A_19, %sub3A_20 : vector<16xi32>
      %lt3A = arith.constant 512 : i32
      %lt3A_22 = vector.broadcast %lt3A : i32 to vector<16xi32>
      %lt3A_23 = arith.cmpi slt, %sub3A_21, %lt3A_22 : vector<16xi32>
      %and3A = arith.andi %gt3A_16, %lt3A_23 : vector<16xi1>
      tpu.vector_store_idx %arg7[%sub3A_21], %get3A_14 masked %and3A : memref<512xi32, #tpu.memory_space<vmem>>[vector<16xi32>], vector<16xi32>, vector<16xi1>
      %mul3A_24 = arith.constant 16 : i32
      %mul3A_25 = arith.muli %scan3A_10, %mul3A_24 : i32
      %add3A_26 = arith.addi %mul3A_2, %mul3A_25 : i32
      %add3A_27 = vector.broadcast %add3A_26 : i32 to vector<16xi32>
      %add3A_28 = arith.addi %add3A_27, %iota3A : vector<16xi32>
      tpu.vector_store_idx %arg8[%sub3A_21], %add3A_28 masked %and3A : memref<512xi32, #tpu.memory_space<vmem>>[vector<16xi32>], vector<16xi32>, vector<16xi1>
      %all_reduce_population_count3A = tpu.all_reduce %and3A {dim = 0 : i64, kind = #tpu.reduction_kind<sum>} : vector<16xi1> -> vector<16xi32>
      %add3A_29 = arith.addi %scan3A_11, %all_reduce_population_count3A : vector<16xi32>
      scf.yield %add3A_29 : vector<16xi32>
    }
    %scan3A_8 = arith.constant 512 : i32
    %swap3A = arith.constant 0 : index
    %swap3A_9 = tpu.vector_load %arg9[%swap3A] {strides = array<i32>} : memref<16xi32, #tpu.memory_space<vmem>>, vector<16xi32>,
    tpu.vector_store %arg9[%swap3A], %scan3A_7 {strides = array<i32>} : memref<16xi32, #tpu.memory_space<vmem>>, vector<16xi32>,
    "tpu.region"() ({
      %run_scoped3A = tpu.sem_alloc : memref<!tpu.dma_semaphore, #tpu.memory_space<semaphore_mem>>
      %dma_start3A = arith.constant 0 : i32
      %dma_start3A_10 = tpu.memref_slice %arg3[%add3A, %dma_start3A] : memref<32x512xi32, #tpu.memory_space<hbm>> -> memref<1x512xi32, #tpu.memory_space<hbm>>
      %dma_start3A_11 = tpu.memref_squeeze %dma_start3A_10 : memref<1x512xi32, #tpu.memory_space<hbm>> -> memref<512xi32, #tpu.memory_space<hbm>>
      %dma_start3A_12 = arith.constant 0 : i32
      %dma_start3A_13 = tpu.memref_slice %arg3[%add3A, %dma_start3A_12] : memref<32x512xi32, #tpu.memory_space<hbm>> -> memref<1x512xi32, #tpu.memory_space<hbm>>
      %dma_start3A_14 = tpu.memref_squeeze %dma_start3A_13 : memref<1x512xi32, #tpu.memory_space<hbm>> -> memref<512xi32, #tpu.memory_space<hbm>>
      tpu.enqueue_dma source(%arg7 : memref<512xi32, #tpu.memory_space<vmem>>) target(%dma_start3A_14 : memref<512xi32, #tpu.memory_space<hbm>>) target_semaphore(%run_scoped3A : memref<!tpu.dma_semaphore, #tpu.memory_space<semaphore_mem>>)
      %dma_wait3A = arith.constant 0 : i32
      %dma_wait3A_15 = tpu.memref_slice %arg3[%add3A, %dma_wait3A] : memref<32x512xi32, #tpu.memory_space<hbm>> -> memref<1x512xi32, #tpu.memory_space<hbm>>
      %dma_wait3A_16 = tpu.memref_squeeze %dma_wait3A_15 : memref<1x512xi32, #tpu.memory_space<hbm>> -> memref<512xi32, #tpu.memory_space<hbm>>
      %dma_wait3A_17 = arith.constant 0 : i32
      %dma_wait3A_18 = tpu.memref_slice %arg3[%add3A, %dma_wait3A_17] : memref<32x512xi32, #tpu.memory_space<hbm>> -> memref<1x512xi32, #tpu.memory_space<hbm>>
      %dma_wait3A_19 = tpu.memref_squeeze %dma_wait3A_18 : memref<1x512xi32, #tpu.memory_space<hbm>> -> memref<512xi32, #tpu.memory_space<hbm>>
      tpu.wait_dma2 semaphore(%run_scoped3A : memref<!tpu.dma_semaphore, #tpu.memory_space<semaphore_mem>>) src(%arg7 : memref<512xi32, #tpu.memory_space<vmem>>) dst(%dma_wait3A_19 : memref<512xi32, #tpu.memory_space<hbm>>)
      tpu.yield
    }) : () -> ()
    "tpu.region"() ({
      %run_scoped3A = tpu.sem_alloc : memref<!tpu.dma_semaphore, #tpu.memory_space<semaphore_mem>>
      %dma_start3A = arith.constant 0 : i32
      %dma_start3A_10 = tpu.memref_slice %arg4[%add3A, %dma_start3A] : memref<32x512xi32, #tpu.memory_space<hbm>> -> memref<1x512xi32, #tpu.memory_space<hbm>>
      %dma_start3A_11 = tpu.memref_squeeze %dma_start3A_10 : memref<1x512xi32, #tpu.memory_space<hbm>> -> memref<512xi32, #tpu.memory_space<hbm>>
      %dma_start3A_12 = arith.constant 0 : i32
      %dma_start3A_13 = tpu.memref_slice %arg4[%add3A, %dma_start3A_12] : memref<32x512xi32, #tpu.memory_space<hbm>> -> memref<1x512xi32, #tpu.memory_space<hbm>>
      %dma_start3A_14 = tpu.memref_squeeze %dma_start3A_13 : memref<1x512xi32, #tpu.memory_space<hbm>> -> memref<512xi32, #tpu.memory_space<hbm>>
      tpu.enqueue_dma source(%arg8 : memref<512xi32, #tpu.memory_space<vmem>>) target(%dma_start3A_14 : memref<512xi32, #tpu.memory_space<hbm>>) target_semaphore(%run_scoped3A : memref<!tpu.dma_semaphore, #tpu.memory_space<semaphore_mem>>)
      %dma_wait3A = arith.constant 0 : i32
      %dma_wait3A_15 = tpu.memref_slice %arg4[%add3A, %dma_wait3A] : memref<32x512xi32, #tpu.memory_space<hbm>> -> memref<1x512xi32, #tpu.memory_space<hbm>>
      %dma_wait3A_16 = tpu.memref_squeeze %dma_wait3A_15 : memref<1x512xi32, #tpu.memory_space<hbm>> -> memref<512xi32, #tpu.memory_space<hbm>>
      %dma_wait3A_17 = arith.constant 0 : i32
      %dma_wait3A_18 = tpu.memref_slice %arg4[%add3A, %dma_wait3A_17] : memref<32x512xi32, #tpu.memory_space<hbm>> -> memref<1x512xi32, #tpu.memory_space<hbm>>
      %dma_wait3A_19 = tpu.memref_squeeze %dma_wait3A_18 : memref<1x512xi32, #tpu.memory_space<hbm>> -> memref<512xi32, #tpu.memory_space<hbm>>
      tpu.wait_dma2 semaphore(%run_scoped3A : memref<!tpu.dma_semaphore, #tpu.memory_space<semaphore_mem>>) src(%arg8 : memref<512xi32, #tpu.memory_space<vmem>>) dst(%dma_wait3A_19 : memref<512xi32, #tpu.memory_space<hbm>>)
      tpu.yield
    }) : () -> ()
    "tpu.region"() ({
      %run_scoped3A = tpu.sem_alloc : memref<!tpu.dma_semaphore, #tpu.memory_space<semaphore_mem>>
      %dma_start3A = arith.constant 0 : i32
      %dma_start3A_10 = tpu.memref_slice %arg5[%add3A, %dma_start3A] : memref<32x16xi32, #tpu.memory_space<hbm>> -> memref<1x16xi32, #tpu.memory_space<hbm>>
      %dma_start3A_11 = tpu.memref_squeeze %dma_start3A_10 : memref<1x16xi32, #tpu.memory_space<hbm>> -> memref<16xi32, #tpu.memory_space<hbm>>
      %dma_start3A_12 = arith.constant 0 : i32
      %dma_start3A_13 = tpu.memref_slice %arg5[%add3A, %dma_start3A_12] : memref<32x16xi32, #tpu.memory_space<hbm>> -> memref<1x16xi32, #tpu.memory_space<hbm>>
      %dma_start3A_14 = tpu.memref_squeeze %dma_start3A_13 : memref<1x16xi32, #tpu.memory_space<hbm>> -> memref<16xi32, #tpu.memory_space<hbm>>
      tpu.enqueue_dma source(%arg9 : memref<16xi32, #tpu.memory_space<vmem>>) target(%dma_start3A_14 : memref<16xi32, #tpu.memory_space<hbm>>) target_semaphore(%run_scoped3A : memref<!tpu.dma_semaphore, #tpu.memory_space<semaphore_mem>>)
      %dma_wait3A = arith.constant 0 : i32
      %dma_wait3A_15 = tpu.memref_slice %arg5[%add3A, %dma_wait3A] : memref<32x16xi32, #tpu.memory_space<hbm>> -> memref<1x16xi32, #tpu.memory_space<hbm>>
      %dma_wait3A_16 = tpu.memref_squeeze %dma_wait3A_15 : memref<1x16xi32, #tpu.memory_space<hbm>> -> memref<16xi32, #tpu.memory_space<hbm>>
      %dma_wait3A_17 = arith.constant 0 : i32
      %dma_wait3A_18 = tpu.memref_slice %arg5[%add3A, %dma_wait3A_17] : memref<32x16xi32, #tpu.memory_space<hbm>> -> memref<1x16xi32, #tpu.memory_space<hbm>>
      %dma_wait3A_19 = tpu.memref_squeeze %dma_wait3A_18 : memref<1x16xi32, #tpu.memory_space<hbm>> -> memref<16xi32, #tpu.memory_space<hbm>>
      tpu.wait_dma2 semaphore(%run_scoped3A : memref<!tpu.dma_semaphore, #tpu.memory_space<semaphore_mem>>) src(%arg9 : memref<16xi32, #tpu.memory_space<vmem>>) dst(%dma_wait3A_19 : memref<16xi32, #tpu.memory_space<hbm>>)
      tpu.yield
    }) : () -> ()
    return
  }
}

#map = affine_map<(d0, d1) -> (0, 0)>
#map1 = affine_map<(d0, d1) -> (0)>
module attributes {stable_mosaic.version = 14 : i64} {
  func.func @_sc_select(%arg0: i32, %arg1: i32, %arg2: memref<32x512xi32, #tpu.memory_space<hbm>>, %arg3: memref<32x512xi32, #tpu.memory_space<hbm>>, %arg4: memref<32x16xi32, #tpu.memory_space<hbm>>, %arg5: memref<524288xf32, #tpu.memory_space<hbm>>, %arg6: memref<524288xf32, #tpu.memory_space<hbm>>, %arg7: memref<272x16xf32, #tpu.memory_space<hbm>>, %arg8: memref<32x512xi32, #tpu.memory_space<vmem>>, %arg9: memref<32x512xi32, #tpu.memory_space<vmem>>, %arg10: memref<32x16xi32, #tpu.memory_space<vmem>>, %arg11: memref<16384xi32, #tpu.memory_space<vmem>>, %arg12: memref<16384xi32, #tpu.memory_space<vmem>>, %arg13: memref<16384xi32, #tpu.memory_space<vmem>>, %arg14: memref<16384xi32, #tpu.memory_space<vmem>>, %arg15: memref<512xi32, #tpu.memory_space<vmem>>, %arg16: memref<512xi32, #tpu.memory_space<vmem>>, %arg17: memref<16x16xf32, #tpu.memory_space<vmem>>, %arg18: memref<16xf32, #tpu.memory_space<vmem>>, %arg19: memref<16xf32, #tpu.memory_space<vmem>>, %arg20: memref<16xf32, #tpu.memory_space<vmem>>, %arg21: memref<16xf32, #tpu.memory_space<vmem>>, %arg22: memref<!tpu.dma_semaphore, #tpu.memory_space<semaphore_mem>>) attributes {dimension_semantics = [#tpu.dimension_semantics<core_parallel>, #tpu.dimension_semantics<subcore_parallel>], iteration_bounds = array<i64: 2, 16>, scalar_prefetch = 0 : i64, scratch_operands = 15 : i64, tpu.core_type = #tpu.core_type<sc_vector_subcore>, window_params = [{transform_indices = #map}, {transform_indices = #map}, {transform_indices = #map}, {transform_indices = #map1}, {transform_indices = #map1}, {transform_indices = #map}]} {
    %mul3A = arith.constant 2 : i32
    %mul3A_0 = arith.muli %arg1, %mul3A : i32
    %add3A = arith.addi %mul3A_0, %arg0 : i32
    %iota3A = tpu.iota {dimensions = array<i32: 0>} : vector<16xi32>
    %broadcast_in_dim3A = arith.constant 0 : i32
    %broadcast_in_dim3A_1 = vector.broadcast %broadcast_in_dim3A : i32 to vector<16xi32>
    "tpu.region"() ({
      %run_scoped3A = tpu.sem_alloc : memref<!tpu.dma_semaphore, #tpu.memory_space<semaphore_mem>>
      tpu.enqueue_dma source(%arg2 : memref<32x512xi32, #tpu.memory_space<hbm>>) target(%arg8 : memref<32x512xi32, #tpu.memory_space<vmem>>) target_semaphore(%run_scoped3A : memref<!tpu.dma_semaphore, #tpu.memory_space<semaphore_mem>>)
      tpu.wait_dma2 semaphore(%run_scoped3A : memref<!tpu.dma_semaphore, #tpu.memory_space<semaphore_mem>>) src(%arg2 : memref<32x512xi32, #tpu.memory_space<hbm>>) dst(%arg8 : memref<32x512xi32, #tpu.memory_space<vmem>>)
      tpu.yield
    }) : () -> ()
    "tpu.region"() ({
      %run_scoped3A = tpu.sem_alloc : memref<!tpu.dma_semaphore, #tpu.memory_space<semaphore_mem>>
      tpu.enqueue_dma source(%arg3 : memref<32x512xi32, #tpu.memory_space<hbm>>) target(%arg9 : memref<32x512xi32, #tpu.memory_space<vmem>>) target_semaphore(%run_scoped3A : memref<!tpu.dma_semaphore, #tpu.memory_space<semaphore_mem>>)
      tpu.wait_dma2 semaphore(%run_scoped3A : memref<!tpu.dma_semaphore, #tpu.memory_space<semaphore_mem>>) src(%arg3 : memref<32x512xi32, #tpu.memory_space<hbm>>) dst(%arg9 : memref<32x512xi32, #tpu.memory_space<vmem>>)
      tpu.yield
    }) : () -> ()
    "tpu.region"() ({
      %run_scoped3A = tpu.sem_alloc : memref<!tpu.dma_semaphore, #tpu.memory_space<semaphore_mem>>
      tpu.enqueue_dma source(%arg4 : memref<32x16xi32, #tpu.memory_space<hbm>>) target(%arg10 : memref<32x16xi32, #tpu.memory_space<vmem>>) target_semaphore(%run_scoped3A : memref<!tpu.dma_semaphore, #tpu.memory_space<semaphore_mem>>)
      tpu.wait_dma2 semaphore(%run_scoped3A : memref<!tpu.dma_semaphore, #tpu.memory_space<semaphore_mem>>) src(%arg4 : memref<32x16xi32, #tpu.memory_space<hbm>>) dst(%arg10 : memref<32x16xi32, #tpu.memory_space<vmem>>)
      tpu.yield
    }) : () -> ()
    %scan3A = arith.constant 0 : i32
    %scan3A_2 = arith.constant 32 : i32
    %scan3A_3 = arith.addi %scan3A, %scan3A_2 : i32
    %scan3A_4 = arith.constant 1 : i32
    %scan3A_5 = scf.for %scan3A_205 = %scan3A to %scan3A_3 step %scan3A_4 iter_args(%scan3A_206 = %broadcast_in_dim3A_1) -> (vector<16xi32>)  : i32 {
      %get3A = arith.index_cast %scan3A_205 : i32 to index
      %get3A_207 = arith.constant 0 : index
      %get3A_208 = tpu.vector_load %arg10[%get3A, %get3A_207] {strides = array<i32>} : memref<32x16xi32, #tpu.memory_space<vmem>>, vector<16xi32>,
      %slice3A_209 = vector.extract_strided_slice %get3A_208 {offsets = [0], sizes = [1], strides = [1]} : vector<16xi32> to vector<1xi32>
      %squeeze3A_210 = vector.extract %slice3A_209[0] : i32 from vector<1xi32>
      %add3A_211 = arith.constant 15 : i32
      %add3A_212 = arith.addi %squeeze3A_210, %add3A_211 : i32
      %jit3A_213 = arith.constant 16 : i32
      %div3A_214 = arith.divsi %add3A_212, %jit3A_213 : i32
      %sign3A_215 = arith.constant 0 : i32
      %sign3A_216 = arith.cmpi sgt, %add3A_212, %sign3A_215 : i32
      %sign3A_217 = arith.extui %sign3A_216 : i1 to i32
      %sign3A_218 = arith.constant 0 : i32
      %sign3A_219 = arith.cmpi slt, %add3A_212, %sign3A_218 : i32
      %sign3A_220 = arith.extui %sign3A_219 : i1 to i32
      %sign3A_221 = arith.subi %sign3A_217, %sign3A_220 : i32
      %sign3A_222 = arith.constant 0 : i32
      %sign3A_223 = arith.cmpi sgt, %jit3A_213, %sign3A_222 : i32
      %sign3A_224 = arith.extui %sign3A_223 : i1 to i32
      %sign3A_225 = arith.constant 0 : i32
      %sign3A_226 = arith.cmpi slt, %jit3A_213, %sign3A_225 : i32
      %sign3A_227 = arith.extui %sign3A_226 : i1 to i32
      %sign3A_228 = arith.subi %sign3A_224, %sign3A_227 : i32
      %ne3A_229 = arith.cmpi ne, %sign3A_221, %sign3A_228 : i32
      %rem3A_230 = arith.remsi %add3A_212, %jit3A_213 : i32
      %ne3A_231 = arith.constant 0 : i32
      %ne3A_232 = arith.cmpi ne, %rem3A_230, %ne3A_231 : i32
      %and3A_233 = arith.andi %ne3A_229, %ne3A_232 : i1
      %sub3A_234 = arith.constant 1 : i32
      %sub3A_235 = arith.subi %div3A_214, %sub3A_234 : i32
      %select_n3A_236 = arith.select %and3A_233, %sub3A_235, %div3A_214 : i32
      %while3A_237 = arith.constant 0 : i32
      %while3A_238 = arith.subi %select_n3A_236, %while3A_237 : i32
      %while3A_239 = arith.addi %while3A_237, %while3A_238 : i32
      %while3A_240 = arith.constant 1 : i32
      %while3A_241 = arith.divsi %while3A_238, %while3A_240 : i32
      %while3A_242 = arith.muli %while3A_241, %while3A_240 : i32
      %while3A_243 = arith.addi %while3A_237, %while3A_242 : i32
      %while3A_244 = arith.constant 1 : i32
      %while3A_245 = scf.for %while3A_248 = %while3A_237 to %while3A_243 step %while3A_244 iter_args(%while3A_249 = %scan3A_206) -> (vector<16xi32>)  : i32 {
        %mul3A_250 = arith.constant 16 : i32
        %mul3A_251 = arith.muli %while3A_248, %mul3A_250 : i32
        %get3A_252 = arith.index_cast %scan3A_205 : i32 to index
        %get3A_253 = arith.index_cast %mul3A_251 : i32 to index
        %get3A_254 = tpu.vector_load %arg8[%get3A_252, %get3A_253] {strides = array<i32>} : memref<32x512xi32, #tpu.memory_space<vmem>>, vector<16xi32>,
        %mul3A_255 = arith.constant 16 : i32
        %mul3A_256 = arith.muli %while3A_248, %mul3A_255 : i32
        %get3A_257 = arith.index_cast %scan3A_205 : i32 to index
        %get3A_258 = arith.index_cast %mul3A_256 : i32 to index
        %get3A_259 = tpu.vector_load %arg9[%get3A_257, %get3A_258] {strides = array<i32>} : memref<32x512xi32, #tpu.memory_space<vmem>>, vector<16xi32>,
        %mul3A_260 = arith.constant 16 : i32
        %mul3A_261 = arith.muli %while3A_248, %mul3A_260 : i32
        %add3A_262 = vector.broadcast %mul3A_261 : i32 to vector<16xi32>
        %add3A_263 = arith.addi %add3A_262, %iota3A : vector<16xi32>
        %lt3A_264 = vector.broadcast %squeeze3A_210 : i32 to vector<16xi32>
        %lt3A_265 = arith.cmpi slt, %add3A_263, %lt3A_264 : vector<16xi32>
        %convert_element_type3A = arith.extui %lt3A_265 : vector<16xi1> to vector<16xi32>
        %broadcast_in_dim3A_266 = arith.constant true
        %broadcast_in_dim3A_267 = vector.broadcast %broadcast_in_dim3A_266 : i1 to vector<16xi1>
        %masked_cumsum3A = tpu.scan <sum>, %convert_element_type3A masked %broadcast_in_dim3A_267 : vector<16xi32>, vector<16xi1> -> vector<16xi32>
        %add3A_268 = arith.addi %while3A_249, %masked_cumsum3A : vector<16xi32>
        %sub3A_269 = arith.constant 1 : i32
        %sub3A_270 = vector.broadcast %sub3A_269 : i32 to vector<16xi32>
        %sub3A_271 = arith.subi %add3A_268, %sub3A_270 : vector<16xi32>
        tpu.vector_store_idx %arg11[%sub3A_271], %get3A_254 masked %lt3A_265 : memref<16384xi32, #tpu.memory_space<vmem>>[vector<16xi32>], vector<16xi32>, vector<16xi1>
        tpu.vector_store_idx %arg12[%sub3A_271], %get3A_259 masked %lt3A_265 : memref<16384xi32, #tpu.memory_space<vmem>>[vector<16xi32>], vector<16xi32>, vector<16xi1>
        %all_reduce_population_count3A = tpu.all_reduce %lt3A_265 {dim = 0 : i64, kind = #tpu.reduction_kind<sum>} : vector<16xi1> -> vector<16xi32>
        %add3A_272 = arith.addi %while3A_249, %all_reduce_population_count3A : vector<16xi32>
        scf.yield %add3A_272 : vector<16xi32>
      }
      %while3A_246 = arith.constant 1 : i32
      %while3A_247 = scf.for %while3A_248 = %while3A_243 to %while3A_239 step %while3A_246 iter_args(%while3A_249 = %while3A_245) -> (vector<16xi32>)  : i32 {
        %mul3A_250 = arith.constant 16 : i32
        %mul3A_251 = arith.muli %while3A_248, %mul3A_250 : i32
        %get3A_252 = arith.index_cast %scan3A_205 : i32 to index
        %get3A_253 = arith.index_cast %mul3A_251 : i32 to index
        %get3A_254 = tpu.vector_load %arg8[%get3A_252, %get3A_253] {strides = array<i32>} : memref<32x512xi32, #tpu.memory_space<vmem>>, vector<16xi32>,
        %mul3A_255 = arith.constant 16 : i32
        %mul3A_256 = arith.muli %while3A_248, %mul3A_255 : i32
        %get3A_257 = arith.index_cast %scan3A_205 : i32 to index
        %get3A_258 = arith.index_cast %mul3A_256 : i32 to index
        %get3A_259 = tpu.vector_load %arg9[%get3A_257, %get3A_258] {strides = array<i32>} : memref<32x512xi32, #tpu.memory_space<vmem>>, vector<16xi32>,
        %mul3A_260 = arith.constant 16 : i32
        %mul3A_261 = arith.muli %while3A_248, %mul3A_260 : i32
        %add3A_262 = vector.broadcast %mul3A_261 : i32 to vector<16xi32>
        %add3A_263 = arith.addi %add3A_262, %iota3A : vector<16xi32>
        %lt3A_264 = vector.broadcast %squeeze3A_210 : i32 to vector<16xi32>
        %lt3A_265 = arith.cmpi slt, %add3A_263, %lt3A_264 : vector<16xi32>
        %convert_element_type3A = arith.extui %lt3A_265 : vector<16xi1> to vector<16xi32>
        %broadcast_in_dim3A_266 = arith.constant true
        %broadcast_in_dim3A_267 = vector.broadcast %broadcast_in_dim3A_266 : i1 to vector<16xi1>
        %masked_cumsum3A = tpu.scan <sum>, %convert_element_type3A masked %broadcast_in_dim3A_267 : vector<16xi32>, vector<16xi1> -> vector<16xi32>
        %add3A_268 = arith.addi %while3A_249, %masked_cumsum3A : vector<16xi32>
        %sub3A_269 = arith.constant 1 : i32
        %sub3A_270 = vector.broadcast %sub3A_269 : i32 to vector<16xi32>
        %sub3A_271 = arith.subi %add3A_268, %sub3A_270 : vector<16xi32>
        tpu.vector_store_idx %arg11[%sub3A_271], %get3A_254 masked %lt3A_265 : memref<16384xi32, #tpu.memory_space<vmem>>[vector<16xi32>], vector<16xi32>, vector<16xi1>
        tpu.vector_store_idx %arg12[%sub3A_271], %get3A_259 masked %lt3A_265 : memref<16384xi32, #tpu.memory_space<vmem>>[vector<16xi32>], vector<16xi32>, vector<16xi1>
        %all_reduce_population_count3A = tpu.all_reduce %lt3A_265 {dim = 0 : i64, kind = #tpu.reduction_kind<sum>} : vector<16xi1> -> vector<16xi32>
        %add3A_272 = arith.addi %while3A_249, %all_reduce_population_count3A : vector<16xi32>
        scf.yield %add3A_272 : vector<16xi32>
      }
      scf.yield %while3A_247 : vector<16xi32>
    }
    %scan3A_6 = arith.constant 32 : i32
    %slice3A = vector.extract_strided_slice %scan3A_5 {offsets = [0], sizes = [1], strides = [1]} : vector<16xi32> to vector<1xi32>
    %squeeze3A = vector.extract %slice3A[0] : i32 from vector<1xi32>
    %add3A_7 = arith.constant 15 : i32
    %add3A_8 = arith.addi %squeeze3A, %add3A_7 : i32
    %jit3A = arith.constant 16 : i32
    %div3A = arith.divsi %add3A_8, %jit3A : i32
    %sign3A = arith.constant 0 : i32
    %sign3A_9 = arith.cmpi sgt, %add3A_8, %sign3A : i32
    %sign3A_10 = arith.extui %sign3A_9 : i1 to i32
    %sign3A_11 = arith.constant 0 : i32
    %sign3A_12 = arith.cmpi slt, %add3A_8, %sign3A_11 : i32
    %sign3A_13 = arith.extui %sign3A_12 : i1 to i32
    %sign3A_14 = arith.subi %sign3A_10, %sign3A_13 : i32
    %sign3A_15 = arith.constant 0 : i32
    %sign3A_16 = arith.cmpi sgt, %jit3A, %sign3A_15 : i32
    %sign3A_17 = arith.extui %sign3A_16 : i1 to i32
    %sign3A_18 = arith.constant 0 : i32
    %sign3A_19 = arith.cmpi slt, %jit3A, %sign3A_18 : i32
    %sign3A_20 = arith.extui %sign3A_19 : i1 to i32
    %sign3A_21 = arith.subi %sign3A_17, %sign3A_20 : i32
    %ne3A = arith.cmpi ne, %sign3A_14, %sign3A_21 : i32
    %rem3A = arith.remsi %add3A_8, %jit3A : i32
    %ne3A_22 = arith.constant 0 : i32
    %ne3A_23 = arith.cmpi ne, %rem3A, %ne3A_22 : i32
    %and3A = arith.andi %ne3A, %ne3A_23 : i1
    %sub3A = arith.constant 1 : i32
    %sub3A_24 = arith.subi %div3A, %sub3A : i32
    %select_n3A = arith.select %and3A, %sub3A_24, %div3A : i32
    %scan3A_25 = arith.constant 0 : i32
    %scan3A_26 = arith.constant 0 : i32
    %scan3A_27 = arith.constant 6 : i32
    %scan3A_28 = arith.addi %scan3A_26, %scan3A_27 : i32
    %scan3A_29 = arith.constant 1 : i32
    %scan3A_30 = scf.for %scan3A_205 = %scan3A_26 to %scan3A_28 step %scan3A_29 iter_args(%scan3A_206 = %scan3A_25) -> (i32)  : i32 {
      %sub3A_207 = arith.constant 22 : i32
      %sub3A_208 = arith.subi %sub3A_207, %scan3A_205 : i32
      %shift_left3A = arith.constant 1 : i32
      %shift_left3A_209 = arith.shli %shift_left3A, %sub3A_208 : i32
      %or3A = arith.ori %scan3A_206, %shift_left3A_209 : i32
      %while3A_210 = arith.constant 0 : i32
      %while3A_211 = arith.subi %select_n3A, %while3A_210 : i32
      %while3A_212 = arith.addi %while3A_210, %while3A_211 : i32
      %while3A_213 = arith.constant 1 : i32
      %while3A_214 = arith.divsi %while3A_211, %while3A_213 : i32
      %while3A_215 = arith.muli %while3A_214, %while3A_213 : i32
      %while3A_216 = arith.addi %while3A_210, %while3A_215 : i32
      %while3A_217 = arith.constant 1 : i32
      %while3A_218 = scf.for %while3A_225 = %while3A_210 to %while3A_216 step %while3A_217 iter_args(%while3A_226 = %broadcast_in_dim3A_1) -> (vector<16xi32>)  : i32 {
        %mul3A_227 = arith.constant 16 : i32
        %mul3A_228 = arith.muli %while3A_225, %mul3A_227 : i32
        %get3A = arith.index_cast %mul3A_228 : i32 to index
        %get3A_229 = tpu.vector_load %arg11[%get3A] {strides = array<i32>} : memref<16384xi32, #tpu.memory_space<vmem>>, vector<16xi32>,
        %and3A_230 = arith.constant 8388607 : i32
        %and3A_231 = vector.broadcast %and3A_230 : i32 to vector<16xi32>
        %and3A_232 = arith.andi %get3A_229, %and3A_231 : vector<16xi32>
        %mul3A_233 = arith.constant 16 : i32
        %mul3A_234 = arith.muli %while3A_225, %mul3A_233 : i32
        %add3A_235 = vector.broadcast %mul3A_234 : i32 to vector<16xi32>
        %add3A_236 = arith.addi %add3A_235, %iota3A : vector<16xi32>
        %lt3A_237 = vector.broadcast %squeeze3A : i32 to vector<16xi32>
        %lt3A_238 = arith.cmpi slt, %add3A_236, %lt3A_237 : vector<16xi32>
        %ge3A_239 = vector.broadcast %or3A : i32 to vector<16xi32>
        %ge3A_240 = arith.cmpi sge, %and3A_232, %ge3A_239 : vector<16xi32>
        %and3A_241 = arith.andi %lt3A_238, %ge3A_240 : vector<16xi1>
        %all_reduce_population_count3A = tpu.all_reduce %and3A_241 {dim = 0 : i64, kind = #tpu.reduction_kind<sum>} : vector<16xi1> -> vector<16xi32>
        %add3A_242 = arith.addi %while3A_226, %all_reduce_population_count3A : vector<16xi32>
        scf.yield %add3A_242 : vector<16xi32>
      }
      %while3A_219 = arith.constant 1 : i32
      %while3A_220 = scf.for %while3A_225 = %while3A_216 to %while3A_212 step %while3A_219 iter_args(%while3A_226 = %while3A_218) -> (vector<16xi32>)  : i32 {
        %mul3A_227 = arith.constant 16 : i32
        %mul3A_228 = arith.muli %while3A_225, %mul3A_227 : i32
        %get3A = arith.index_cast %mul3A_228 : i32 to index
        %get3A_229 = tpu.vector_load %arg11[%get3A] {strides = array<i32>} : memref<16384xi32, #tpu.memory_space<vmem>>, vector<16xi32>,
        %and3A_230 = arith.constant 8388607 : i32
        %and3A_231 = vector.broadcast %and3A_230 : i32 to vector<16xi32>
        %and3A_232 = arith.andi %get3A_229, %and3A_231 : vector<16xi32>
        %mul3A_233 = arith.constant 16 : i32
        %mul3A_234 = arith.muli %while3A_225, %mul3A_233 : i32
        %add3A_235 = vector.broadcast %mul3A_234 : i32 to vector<16xi32>
        %add3A_236 = arith.addi %add3A_235, %iota3A : vector<16xi32>
        %lt3A_237 = vector.broadcast %squeeze3A : i32 to vector<16xi32>
        %lt3A_238 = arith.cmpi slt, %add3A_236, %lt3A_237 : vector<16xi32>
        %ge3A_239 = vector.broadcast %or3A : i32 to vector<16xi32>
        %ge3A_240 = arith.cmpi sge, %and3A_232, %ge3A_239 : vector<16xi32>
        %and3A_241 = arith.andi %lt3A_238, %ge3A_240 : vector<16xi1>
        %all_reduce_population_count3A = tpu.all_reduce %and3A_241 {dim = 0 : i64, kind = #tpu.reduction_kind<sum>} : vector<16xi1> -> vector<16xi32>
        %add3A_242 = arith.addi %while3A_226, %all_reduce_population_count3A : vector<16xi32>
        scf.yield %add3A_242 : vector<16xi32>
      }
      %slice3A_221 = vector.extract_strided_slice %while3A_220 {offsets = [0], sizes = [1], strides = [1]} : vector<16xi32> to vector<1xi32>
      %squeeze3A_222 = vector.extract %slice3A_221[0] : i32 from vector<1xi32>
      %ge3A = arith.constant 256 : i32
      %ge3A_223 = arith.cmpi sge, %squeeze3A_222, %ge3A : i32
      %select_n3A_224 = arith.select %ge3A_223, %or3A, %scan3A_206 : i32
      scf.yield %select_n3A_224 : i32
    }
    %scan3A_31 = arith.constant 6 : i32
    %while3A = arith.constant 0 : i32
    %while3A_32 = arith.subi %select_n3A, %while3A : i32
    %while3A_33 = arith.addi %while3A, %while3A_32 : i32
    %while3A_34 = arith.constant 1 : i32
    %while3A_35 = arith.divsi %while3A_32, %while3A_34 : i32
    %while3A_36 = arith.muli %while3A_35, %while3A_34 : i32
    %while3A_37 = arith.addi %while3A, %while3A_36 : i32
    %while3A_38 = arith.constant 1 : i32
    %while3A_39 = scf.for %while3A_205 = %while3A to %while3A_37 step %while3A_38 iter_args(%while3A_206 = %broadcast_in_dim3A_1) -> (vector<16xi32>)  : i32 {
      %mul3A_207 = arith.constant 16 : i32
      %mul3A_208 = arith.muli %while3A_205, %mul3A_207 : i32
      %get3A = arith.index_cast %mul3A_208 : i32 to index
      %get3A_209 = tpu.vector_load %arg11[%get3A] {strides = array<i32>} : memref<16384xi32, #tpu.memory_space<vmem>>, vector<16xi32>,
      %mul3A_210 = arith.constant 16 : i32
      %mul3A_211 = arith.muli %while3A_205, %mul3A_210 : i32
      %get3A_212 = arith.index_cast %mul3A_211 : i32 to index
      %get3A_213 = tpu.vector_load %arg12[%get3A_212] {strides = array<i32>} : memref<16384xi32, #tpu.memory_space<vmem>>, vector<16xi32>,
      %mul3A_214 = arith.constant 16 : i32
      %mul3A_215 = arith.muli %while3A_205, %mul3A_214 : i32
      %add3A_216 = vector.broadcast %mul3A_215 : i32 to vector<16xi32>
      %add3A_217 = arith.addi %add3A_216, %iota3A : vector<16xi32>
      %lt3A_218 = vector.broadcast %squeeze3A : i32 to vector<16xi32>
      %lt3A_219 = arith.cmpi slt, %add3A_217, %lt3A_218 : vector<16xi32>
      %and3A_220 = arith.constant 8388607 : i32
      %and3A_221 = vector.broadcast %and3A_220 : i32 to vector<16xi32>
      %and3A_222 = arith.andi %get3A_209, %and3A_221 : vector<16xi32>
      %ge3A = vector.broadcast %scan3A_30 : i32 to vector<16xi32>
      %ge3A_223 = arith.cmpi sge, %and3A_222, %ge3A : vector<16xi32>
      %and3A_224 = arith.andi %lt3A_219, %ge3A_223 : vector<16xi1>
      %convert_element_type3A = arith.extui %and3A_224 : vector<16xi1> to vector<16xi32>
      %broadcast_in_dim3A_225 = arith.constant true
      %broadcast_in_dim3A_226 = vector.broadcast %broadcast_in_dim3A_225 : i1 to vector<16xi1>
      %masked_cumsum3A = tpu.scan <sum>, %convert_element_type3A masked %broadcast_in_dim3A_226 : vector<16xi32>, vector<16xi1> -> vector<16xi32>
      %add3A_227 = arith.addi %while3A_206, %masked_cumsum3A : vector<16xi32>
      %sub3A_228 = arith.constant 1 : i32
      %sub3A_229 = vector.broadcast %sub3A_228 : i32 to vector<16xi32>
      %sub3A_230 = arith.subi %add3A_227, %sub3A_229 : vector<16xi32>
      tpu.vector_store_idx %arg13[%sub3A_230], %get3A_209 masked %and3A_224 : memref<16384xi32, #tpu.memory_space<vmem>>[vector<16xi32>], vector<16xi32>, vector<16xi1>
      tpu.vector_store_idx %arg14[%sub3A_230], %get3A_213 masked %and3A_224 : memref<16384xi32, #tpu.memory_space<vmem>>[vector<16xi32>], vector<16xi32>, vector<16xi1>
      %all_reduce_population_count3A = tpu.all_reduce %and3A_224 {dim = 0 : i64, kind = #tpu.reduction_kind<sum>} : vector<16xi1> -> vector<16xi32>
      %add3A_231 = arith.addi %while3A_206, %all_reduce_population_count3A : vector<16xi32>
      scf.yield %add3A_231 : vector<16xi32>
    }
    %while3A_40 = arith.constant 1 : i32
    %while3A_41 = scf.for %while3A_205 = %while3A_37 to %while3A_33 step %while3A_40 iter_args(%while3A_206 = %while3A_39) -> (vector<16xi32>)  : i32 {
      %mul3A_207 = arith.constant 16 : i32
      %mul3A_208 = arith.muli %while3A_205, %mul3A_207 : i32
      %get3A = arith.index_cast %mul3A_208 : i32 to index
      %get3A_209 = tpu.vector_load %arg11[%get3A] {strides = array<i32>} : memref<16384xi32, #tpu.memory_space<vmem>>, vector<16xi32>,
      %mul3A_210 = arith.constant 16 : i32
      %mul3A_211 = arith.muli %while3A_205, %mul3A_210 : i32
      %get3A_212 = arith.index_cast %mul3A_211 : i32 to index
      %get3A_213 = tpu.vector_load %arg12[%get3A_212] {strides = array<i32>} : memref<16384xi32, #tpu.memory_space<vmem>>, vector<16xi32>,
      %mul3A_214 = arith.constant 16 : i32
      %mul3A_215 = arith.muli %while3A_205, %mul3A_214 : i32
      %add3A_216 = vector.broadcast %mul3A_215 : i32 to vector<16xi32>
      %add3A_217 = arith.addi %add3A_216, %iota3A : vector<16xi32>
      %lt3A_218 = vector.broadcast %squeeze3A : i32 to vector<16xi32>
      %lt3A_219 = arith.cmpi slt, %add3A_217, %lt3A_218 : vector<16xi32>
      %and3A_220 = arith.constant 8388607 : i32
      %and3A_221 = vector.broadcast %and3A_220 : i32 to vector<16xi32>
      %and3A_222 = arith.andi %get3A_209, %and3A_221 : vector<16xi32>
      %ge3A = vector.broadcast %scan3A_30 : i32 to vector<16xi32>
      %ge3A_223 = arith.cmpi sge, %and3A_222, %ge3A : vector<16xi32>
      %and3A_224 = arith.andi %lt3A_219, %ge3A_223 : vector<16xi1>
      %convert_element_type3A = arith.extui %and3A_224 : vector<16xi1> to vector<16xi32>
      %broadcast_in_dim3A_225 = arith.constant true
      %broadcast_in_dim3A_226 = vector.broadcast %broadcast_in_dim3A_225 : i1 to vector<16xi1>
      %masked_cumsum3A = tpu.scan <sum>, %convert_element_type3A masked %broadcast_in_dim3A_226 : vector<16xi32>, vector<16xi1> -> vector<16xi32>
      %add3A_227 = arith.addi %while3A_206, %masked_cumsum3A : vector<16xi32>
      %sub3A_228 = arith.constant 1 : i32
      %sub3A_229 = vector.broadcast %sub3A_228 : i32 to vector<16xi32>
      %sub3A_230 = arith.subi %add3A_227, %sub3A_229 : vector<16xi32>
      tpu.vector_store_idx %arg13[%sub3A_230], %get3A_209 masked %and3A_224 : memref<16384xi32, #tpu.memory_space<vmem>>[vector<16xi32>], vector<16xi32>, vector<16xi1>
      tpu.vector_store_idx %arg14[%sub3A_230], %get3A_213 masked %and3A_224 : memref<16384xi32, #tpu.memory_space<vmem>>[vector<16xi32>], vector<16xi32>, vector<16xi1>
      %all_reduce_population_count3A = tpu.all_reduce %and3A_224 {dim = 0 : i64, kind = #tpu.reduction_kind<sum>} : vector<16xi1> -> vector<16xi32>
      %add3A_231 = arith.addi %while3A_206, %all_reduce_population_count3A : vector<16xi32>
      scf.yield %add3A_231 : vector<16xi32>
    }
    %slice3A_42 = vector.extract_strided_slice %while3A_41 {offsets = [0], sizes = [1], strides = [1]} : vector<16xi32> to vector<1xi32>
    %squeeze3A_43 = vector.extract %slice3A_42[0] : i32 from vector<1xi32>
    %add3A_44 = arith.constant 15 : i32
    %add3A_45 = arith.addi %squeeze3A_43, %add3A_44 : i32
    %jit3A_46 = arith.constant 16 : i32
    %div3A_47 = arith.divsi %add3A_45, %jit3A_46 : i32
    %sign3A_48 = arith.constant 0 : i32
    %sign3A_49 = arith.cmpi sgt, %add3A_45, %sign3A_48 : i32
    %sign3A_50 = arith.extui %sign3A_49 : i1 to i32
    %sign3A_51 = arith.constant 0 : i32
    %sign3A_52 = arith.cmpi slt, %add3A_45, %sign3A_51 : i32
    %sign3A_53 = arith.extui %sign3A_52 : i1 to i32
    %sign3A_54 = arith.subi %sign3A_50, %sign3A_53 : i32
    %sign3A_55 = arith.constant 0 : i32
    %sign3A_56 = arith.cmpi sgt, %jit3A_46, %sign3A_55 : i32
    %sign3A_57 = arith.extui %sign3A_56 : i1 to i32
    %sign3A_58 = arith.constant 0 : i32
    %sign3A_59 = arith.cmpi slt, %jit3A_46, %sign3A_58 : i32
    %sign3A_60 = arith.extui %sign3A_59 : i1 to i32
    %sign3A_61 = arith.subi %sign3A_57, %sign3A_60 : i32
    %ne3A_62 = arith.cmpi ne, %sign3A_54, %sign3A_61 : i32
    %rem3A_63 = arith.remsi %add3A_45, %jit3A_46 : i32
    %ne3A_64 = arith.constant 0 : i32
    %ne3A_65 = arith.cmpi ne, %rem3A_63, %ne3A_64 : i32
    %and3A_66 = arith.andi %ne3A_62, %ne3A_65 : i1
    %sub3A_67 = arith.constant 1 : i32
    %sub3A_68 = arith.subi %div3A_47, %sub3A_67 : i32
    %select_n3A_69 = arith.select %and3A_66, %sub3A_68, %div3A_47 : i32
    %scan3A_70 = arith.constant 6 : i32
    %scan3A_71 = arith.constant 17 : i32
    %scan3A_72 = arith.addi %scan3A_70, %scan3A_71 : i32
    %scan3A_73 = arith.constant 1 : i32
    %scan3A_74 = scf.for %scan3A_205 = %scan3A_70 to %scan3A_72 step %scan3A_73 iter_args(%scan3A_206 = %scan3A_30) -> (i32)  : i32 {
      %sub3A_207 = arith.constant 22 : i32
      %sub3A_208 = arith.subi %sub3A_207, %scan3A_205 : i32
      %shift_left3A = arith.constant 1 : i32
      %shift_left3A_209 = arith.shli %shift_left3A, %sub3A_208 : i32
      %or3A = arith.ori %scan3A_206, %shift_left3A_209 : i32
      %while3A_210 = arith.constant 0 : i32
      %while3A_211 = arith.subi %select_n3A_69, %while3A_210 : i32
      %while3A_212 = arith.addi %while3A_210, %while3A_211 : i32
      %while3A_213 = arith.constant 1 : i32
      %while3A_214 = arith.divsi %while3A_211, %while3A_213 : i32
      %while3A_215 = arith.muli %while3A_214, %while3A_213 : i32
      %while3A_216 = arith.addi %while3A_210, %while3A_215 : i32
      %while3A_217 = arith.constant 1 : i32
      %while3A_218 = scf.for %while3A_225 = %while3A_210 to %while3A_216 step %while3A_217 iter_args(%while3A_226 = %broadcast_in_dim3A_1) -> (vector<16xi32>)  : i32 {
        %mul3A_227 = arith.constant 16 : i32
        %mul3A_228 = arith.muli %while3A_225, %mul3A_227 : i32
        %get3A = arith.index_cast %mul3A_228 : i32 to index
        %get3A_229 = tpu.vector_load %arg13[%get3A] {strides = array<i32>} : memref<16384xi32, #tpu.memory_space<vmem>>, vector<16xi32>,
        %and3A_230 = arith.constant 8388607 : i32
        %and3A_231 = vector.broadcast %and3A_230 : i32 to vector<16xi32>
        %and3A_232 = arith.andi %get3A_229, %and3A_231 : vector<16xi32>
        %mul3A_233 = arith.constant 16 : i32
        %mul3A_234 = arith.muli %while3A_225, %mul3A_233 : i32
        %add3A_235 = vector.broadcast %mul3A_234 : i32 to vector<16xi32>
        %add3A_236 = arith.addi %add3A_235, %iota3A : vector<16xi32>
        %lt3A_237 = vector.broadcast %squeeze3A_43 : i32 to vector<16xi32>
        %lt3A_238 = arith.cmpi slt, %add3A_236, %lt3A_237 : vector<16xi32>
        %ge3A_239 = vector.broadcast %or3A : i32 to vector<16xi32>
        %ge3A_240 = arith.cmpi sge, %and3A_232, %ge3A_239 : vector<16xi32>
        %and3A_241 = arith.andi %lt3A_238, %ge3A_240 : vector<16xi1>
        %all_reduce_population_count3A = tpu.all_reduce %and3A_241 {dim = 0 : i64, kind = #tpu.reduction_kind<sum>} : vector<16xi1> -> vector<16xi32>
        %add3A_242 = arith.addi %while3A_226, %all_reduce_population_count3A : vector<16xi32>
        scf.yield %add3A_242 : vector<16xi32>
      }
      %while3A_219 = arith.constant 1 : i32
      %while3A_220 = scf.for %while3A_225 = %while3A_216 to %while3A_212 step %while3A_219 iter_args(%while3A_226 = %while3A_218) -> (vector<16xi32>)  : i32 {
        %mul3A_227 = arith.constant 16 : i32
        %mul3A_228 = arith.muli %while3A_225, %mul3A_227 : i32
        %get3A = arith.index_cast %mul3A_228 : i32 to index
        %get3A_229 = tpu.vector_load %arg13[%get3A] {strides = array<i32>} : memref<16384xi32, #tpu.memory_space<vmem>>, vector<16xi32>,
        %and3A_230 = arith.constant 8388607 : i32
        %and3A_231 = vector.broadcast %and3A_230 : i32 to vector<16xi32>
        %and3A_232 = arith.andi %get3A_229, %and3A_231 : vector<16xi32>
        %mul3A_233 = arith.constant 16 : i32
        %mul3A_234 = arith.muli %while3A_225, %mul3A_233 : i32
        %add3A_235 = vector.broadcast %mul3A_234 : i32 to vector<16xi32>
        %add3A_236 = arith.addi %add3A_235, %iota3A : vector<16xi32>
        %lt3A_237 = vector.broadcast %squeeze3A_43 : i32 to vector<16xi32>
        %lt3A_238 = arith.cmpi slt, %add3A_236, %lt3A_237 : vector<16xi32>
        %ge3A_239 = vector.broadcast %or3A : i32 to vector<16xi32>
        %ge3A_240 = arith.cmpi sge, %and3A_232, %ge3A_239 : vector<16xi32>
        %and3A_241 = arith.andi %lt3A_238, %ge3A_240 : vector<16xi1>
        %all_reduce_population_count3A = tpu.all_reduce %and3A_241 {dim = 0 : i64, kind = #tpu.reduction_kind<sum>} : vector<16xi1> -> vector<16xi32>
        %add3A_242 = arith.addi %while3A_226, %all_reduce_population_count3A : vector<16xi32>
        scf.yield %add3A_242 : vector<16xi32>
      }
      %slice3A_221 = vector.extract_strided_slice %while3A_220 {offsets = [0], sizes = [1], strides = [1]} : vector<16xi32> to vector<1xi32>
      %squeeze3A_222 = vector.extract %slice3A_221[0] : i32 from vector<1xi32>
      %ge3A = arith.constant 256 : i32
      %ge3A_223 = arith.cmpi sge, %squeeze3A_222, %ge3A : i32
      %select_n3A_224 = arith.select %ge3A_223, %or3A, %scan3A_206 : i32
      scf.yield %select_n3A_224 : i32
    }
    %scan3A_75 = arith.constant 17 : i32
    %min3A = arith.constant 256 : i32
    %min3A_76 = arith.minsi %min3A, %squeeze3A : i32
    %sub3A_77 = arith.subi %squeeze3A_43, %add3A : i32
    %add3A_78 = arith.constant 32 : i32
    %add3A_79 = arith.addi %sub3A_77, %add3A_78 : i32
    %sub3A_80 = arith.constant 1 : i32
    %sub3A_81 = arith.subi %add3A_79, %sub3A_80 : i32
    %jit3A_82 = arith.constant 32 : i32
    %div3A_83 = arith.divsi %sub3A_81, %jit3A_82 : i32
    %sign3A_84 = arith.constant 0 : i32
    %sign3A_85 = arith.cmpi sgt, %sub3A_81, %sign3A_84 : i32
    %sign3A_86 = arith.extui %sign3A_85 : i1 to i32
    %sign3A_87 = arith.constant 0 : i32
    %sign3A_88 = arith.cmpi slt, %sub3A_81, %sign3A_87 : i32
    %sign3A_89 = arith.extui %sign3A_88 : i1 to i32
    %sign3A_90 = arith.subi %sign3A_86, %sign3A_89 : i32
    %sign3A_91 = arith.constant 0 : i32
    %sign3A_92 = arith.cmpi sgt, %jit3A_82, %sign3A_91 : i32
    %sign3A_93 = arith.extui %sign3A_92 : i1 to i32
    %sign3A_94 = arith.constant 0 : i32
    %sign3A_95 = arith.cmpi slt, %jit3A_82, %sign3A_94 : i32
    %sign3A_96 = arith.extui %sign3A_95 : i1 to i32
    %sign3A_97 = arith.subi %sign3A_93, %sign3A_96 : i32
    %ne3A_98 = arith.cmpi ne, %sign3A_90, %sign3A_97 : i32
    %rem3A_99 = arith.remsi %sub3A_81, %jit3A_82 : i32
    %ne3A_100 = arith.constant 0 : i32
    %ne3A_101 = arith.cmpi ne, %rem3A_99, %ne3A_100 : i32
    %and3A_102 = arith.andi %ne3A_98, %ne3A_101 : i1
    %sub3A_103 = arith.constant 1 : i32
    %sub3A_104 = arith.subi %div3A_83, %sub3A_103 : i32
    %select_n3A_105 = arith.select %and3A_102, %sub3A_104, %div3A_83 : i32
    %max3A = arith.constant 0 : i32
    %max3A_106 = arith.maxsi %select_n3A_105, %max3A : i32
    %while3A_107 = arith.constant 0 : i32
    %while3A_108 = arith.constant 0 : i32
    %while3A_109 = arith.subi %max3A_106, %while3A_107 : i32
    %while3A_110 = arith.addi %while3A_107, %while3A_109 : i32
    %while3A_111 = arith.constant 1 : i32
    %while3A_112 = arith.divsi %while3A_109, %while3A_111 : i32
    %while3A_113 = arith.muli %while3A_112, %while3A_111 : i32
    %while3A_114 = arith.addi %while3A_107, %while3A_113 : i32
    %while3A_115 = arith.constant 1 : i32
    %while3A_116 = scf.for %while3A_205 = %while3A_107 to %while3A_114 step %while3A_115 iter_args(%while3A_206 = %while3A_108) -> (i32)  : i32 {
      %mul3A_207 = arith.constant 32 : i32
      %mul3A_208 = arith.muli %while3A_205, %mul3A_207 : i32
      %add3A_209 = arith.addi %add3A, %mul3A_208 : i32
      %lt3A_210 = arith.cmpi slt, %add3A_209, %squeeze3A_43 : i32
      %min3A_211 = arith.constant 16383 : i32
      %min3A_212 = arith.minsi %add3A_209, %min3A_211 : i32
      %broadcast_in_dim3A_213 = vector.broadcast %min3A_212 : i32 to vector<16xi32>
      %gather3A = tpu.vector_load_idx %arg13[%broadcast_in_dim3A_213] : memref<16384xi32, #tpu.memory_space<vmem>>[vector<16xi32>], vector<16xi32>,
      %slice3A_214 = vector.extract_strided_slice %gather3A {offsets = [0], sizes = [1], strides = [1]} : vector<16xi32> to vector<1xi32>
      %squeeze3A_215 = vector.extract %slice3A_214[0] : i32 from vector<1xi32>
      %and3A_216 = arith.constant 8388607 : i32
      %and3A_217 = arith.andi %squeeze3A_215, %and3A_216 : i32
      %gather3A_218 = tpu.vector_load_idx %arg14[%broadcast_in_dim3A_213] : memref<16384xi32, #tpu.memory_space<vmem>>[vector<16xi32>], vector<16xi32>,
      %slice3A_219 = vector.extract_strided_slice %gather3A_218 {offsets = [0], sizes = [1], strides = [1]} : vector<16xi32> to vector<1xi32>
      %squeeze3A_220 = vector.extract %slice3A_219[0] : i32 from vector<1xi32>
      %ge3A = arith.cmpi sge, %and3A_217, %scan3A_74 : i32
      %and3A_221 = arith.andi %lt3A_210, %ge3A : i1
      %convert_element_type3A = arith.extui %and3A_221 : i1 to i32
      %cond3A = arith.constant 0 : i32
      %cond3A_222 = arith.cmpi ne, %convert_element_type3A, %cond3A : i32
      %cond3A_223 = scf.if %cond3A_222 -> (i32) {
        %while3A_242 = arith.constant 0 : i32
        %while3A_243 = arith.subi %select_n3A_69, %while3A_242 : i32
        %while3A_244 = arith.addi %while3A_242, %while3A_243 : i32
        %while3A_245 = arith.constant 1 : i32
        %while3A_246 = arith.divsi %while3A_243, %while3A_245 : i32
        %while3A_247 = arith.muli %while3A_246, %while3A_245 : i32
        %while3A_248 = arith.addi %while3A_242, %while3A_247 : i32
        %while3A_249 = arith.constant 1 : i32
        %while3A_250 = scf.for %while3A_255 = %while3A_242 to %while3A_248 step %while3A_249 iter_args(%while3A_256 = %broadcast_in_dim3A_1) -> (vector<16xi32>)  : i32 {
          %mul3A_257 = arith.constant 16 : i32
          %mul3A_258 = arith.muli %while3A_255, %mul3A_257 : i32
          %get3A = arith.index_cast %mul3A_258 : i32 to index
          %get3A_259 = tpu.vector_load %arg13[%get3A] {strides = array<i32>} : memref<16384xi32, #tpu.memory_space<vmem>>, vector<16xi32>,
          %mul3A_260 = arith.constant 16 : i32
          %mul3A_261 = arith.muli %while3A_255, %mul3A_260 : i32
          %get3A_262 = arith.index_cast %mul3A_261 : i32 to index
          %get3A_263 = tpu.vector_load %arg14[%get3A_262] {strides = array<i32>} : memref<16384xi32, #tpu.memory_space<vmem>>, vector<16xi32>,
          %and3A_264 = arith.constant 8388607 : i32
          %and3A_265 = vector.broadcast %and3A_264 : i32 to vector<16xi32>
          %and3A_266 = arith.andi %get3A_259, %and3A_265 : vector<16xi32>
          %mul3A_267 = arith.constant 16 : i32
          %mul3A_268 = arith.muli %while3A_255, %mul3A_267 : i32
          %add3A_269 = vector.broadcast %mul3A_268 : i32 to vector<16xi32>
          %add3A_270 = arith.addi %add3A_269, %iota3A : vector<16xi32>
          %lt3A_271 = vector.broadcast %squeeze3A_43 : i32 to vector<16xi32>
          %lt3A_272 = arith.cmpi slt, %add3A_270, %lt3A_271 : vector<16xi32>
          %gt3A = vector.broadcast %and3A_217 : i32 to vector<16xi32>
          %gt3A_273 = arith.cmpi sgt, %and3A_266, %gt3A : vector<16xi32>
          %eq3A_274 = vector.broadcast %and3A_217 : i32 to vector<16xi32>
          %eq3A_275 = arith.cmpi eq, %and3A_266, %eq3A_274 : vector<16xi32>
          %lt3A_276 = vector.broadcast %squeeze3A_220 : i32 to vector<16xi32>
          %lt3A_277 = arith.cmpi slt, %get3A_263, %lt3A_276 : vector<16xi32>
          %and3A_278 = arith.andi %eq3A_275, %lt3A_277 : vector<16xi1>
          %or3A = arith.ori %gt3A_273, %and3A_278 : vector<16xi1>
          %and3A_279 = arith.andi %lt3A_272, %or3A : vector<16xi1>
          %all_reduce_population_count3A = tpu.all_reduce %and3A_279 {dim = 0 : i64, kind = #tpu.reduction_kind<sum>} : vector<16xi1> -> vector<16xi32>
          %add3A_280 = arith.addi %while3A_256, %all_reduce_population_count3A : vector<16xi32>
          scf.yield %add3A_280 : vector<16xi32>
        }
        %while3A_251 = arith.constant 1 : i32
        %while3A_252 = scf.for %while3A_255 = %while3A_248 to %while3A_244 step %while3A_251 iter_args(%while3A_256 = %while3A_250) -> (vector<16xi32>)  : i32 {
          %mul3A_257 = arith.constant 16 : i32
          %mul3A_258 = arith.muli %while3A_255, %mul3A_257 : i32
          %get3A = arith.index_cast %mul3A_258 : i32 to index
          %get3A_259 = tpu.vector_load %arg13[%get3A] {strides = array<i32>} : memref<16384xi32, #tpu.memory_space<vmem>>, vector<16xi32>,
          %mul3A_260 = arith.constant 16 : i32
          %mul3A_261 = arith.muli %while3A_255, %mul3A_260 : i32
          %get3A_262 = arith.index_cast %mul3A_261 : i32 to index
          %get3A_263 = tpu.vector_load %arg14[%get3A_262] {strides = array<i32>} : memref<16384xi32, #tpu.memory_space<vmem>>, vector<16xi32>,
          %and3A_264 = arith.constant 8388607 : i32
          %and3A_265 = vector.broadcast %and3A_264 : i32 to vector<16xi32>
          %and3A_266 = arith.andi %get3A_259, %and3A_265 : vector<16xi32>
          %mul3A_267 = arith.constant 16 : i32
          %mul3A_268 = arith.muli %while3A_255, %mul3A_267 : i32
          %add3A_269 = vector.broadcast %mul3A_268 : i32 to vector<16xi32>
          %add3A_270 = arith.addi %add3A_269, %iota3A : vector<16xi32>
          %lt3A_271 = vector.broadcast %squeeze3A_43 : i32 to vector<16xi32>
          %lt3A_272 = arith.cmpi slt, %add3A_270, %lt3A_271 : vector<16xi32>
          %gt3A = vector.broadcast %and3A_217 : i32 to vector<16xi32>
          %gt3A_273 = arith.cmpi sgt, %and3A_266, %gt3A : vector<16xi32>
          %eq3A_274 = vector.broadcast %and3A_217 : i32 to vector<16xi32>
          %eq3A_275 = arith.cmpi eq, %and3A_266, %eq3A_274 : vector<16xi32>
          %lt3A_276 = vector.broadcast %squeeze3A_220 : i32 to vector<16xi32>
          %lt3A_277 = arith.cmpi slt, %get3A_263, %lt3A_276 : vector<16xi32>
          %and3A_278 = arith.andi %eq3A_275, %lt3A_277 : vector<16xi1>
          %or3A = arith.ori %gt3A_273, %and3A_278 : vector<16xi1>
          %and3A_279 = arith.andi %lt3A_272, %or3A : vector<16xi1>
          %all_reduce_population_count3A = tpu.all_reduce %and3A_279 {dim = 0 : i64, kind = #tpu.reduction_kind<sum>} : vector<16xi1> -> vector<16xi32>
          %add3A_280 = arith.addi %while3A_256, %all_reduce_population_count3A : vector<16xi32>
          scf.yield %add3A_280 : vector<16xi32>
        }
        %slice3A_253 = vector.extract_strided_slice %while3A_252 {offsets = [0], sizes = [1], strides = [1]} : vector<16xi32> to vector<1xi32>
        %squeeze3A_254 = vector.extract %slice3A_253[0] : i32 from vector<1xi32>
        scf.yield %squeeze3A_254 : i32
      } else {
        %cond3A_242 = arith.constant 256 : i32
        scf.yield %cond3A_242 : i32
      }
      %lt3A_224 = arith.constant 256 : i32
      %lt3A_225 = arith.cmpi slt, %cond3A_223, %lt3A_224 : i32
      %and3A_226 = arith.andi %and3A_221, %lt3A_225 : i1
      %eq3A_227 = arith.constant 0 : i32
      %eq3A_228 = vector.broadcast %eq3A_227 : i32 to vector<16xi32>
      %eq3A_229 = arith.cmpi eq, %iota3A, %eq3A_228 : vector<16xi32>
      %broadcast_in_dim3A_230 = vector.broadcast %while3A_206 : i32 to vector<16xi32>
      %broadcast_in_dim3A_231 = vector.broadcast %squeeze3A_220 : i32 to vector<16xi32>
      %and3A_232 = vector.broadcast %and3A_226 : i1 to vector<16xi1>
      %and3A_233 = arith.andi %eq3A_229, %and3A_232 : vector<16xi1>
      tpu.vector_store_idx %arg15[%broadcast_in_dim3A_230], %broadcast_in_dim3A_231 masked %and3A_233 : memref<512xi32, #tpu.memory_space<vmem>>[vector<16xi32>], vector<16xi32>, vector<16xi1>
      %broadcast_in_dim3A_234 = vector.broadcast %while3A_206 : i32 to vector<16xi32>
      %broadcast_in_dim3A_235 = vector.broadcast %cond3A_223 : i32 to vector<16xi32>
      %and3A_236 = vector.broadcast %and3A_226 : i1 to vector<16xi1>
      %and3A_237 = arith.andi %eq3A_229, %and3A_236 : vector<16xi1>
      tpu.vector_store_idx %arg16[%broadcast_in_dim3A_234], %broadcast_in_dim3A_235 masked %and3A_237 : memref<512xi32, #tpu.memory_space<vmem>>[vector<16xi32>], vector<16xi32>, vector<16xi1>
      %jit3A_238 = arith.constant 1 : i32
      %jit3A_239 = arith.constant 0 : i32
      %select_n3A_240 = arith.select %and3A_226, %jit3A_238, %jit3A_239 : i32
      %add3A_241 = arith.addi %while3A_206, %select_n3A_240 : i32
      scf.yield %add3A_241 : i32
    }
    %while3A_117 = arith.constant 1 : i32
    %while3A_118 = scf.for %while3A_205 = %while3A_114 to %while3A_110 step %while3A_117 iter_args(%while3A_206 = %while3A_116) -> (i32)  : i32 {
      %mul3A_207 = arith.constant 32 : i32
      %mul3A_208 = arith.muli %while3A_205, %mul3A_207 : i32
      %add3A_209 = arith.addi %add3A, %mul3A_208 : i32
      %lt3A_210 = arith.cmpi slt, %add3A_209, %squeeze3A_43 : i32
      %min3A_211 = arith.constant 16383 : i32
      %min3A_212 = arith.minsi %add3A_209, %min3A_211 : i32
      %broadcast_in_dim3A_213 = vector.broadcast %min3A_212 : i32 to vector<16xi32>
      %gather3A = tpu.vector_load_idx %arg13[%broadcast_in_dim3A_213] : memref<16384xi32, #tpu.memory_space<vmem>>[vector<16xi32>], vector<16xi32>,
      %slice3A_214 = vector.extract_strided_slice %gather3A {offsets = [0], sizes = [1], strides = [1]} : vector<16xi32> to vector<1xi32>
      %squeeze3A_215 = vector.extract %slice3A_214[0] : i32 from vector<1xi32>
      %and3A_216 = arith.constant 8388607 : i32
      %and3A_217 = arith.andi %squeeze3A_215, %and3A_216 : i32
      %gather3A_218 = tpu.vector_load_idx %arg14[%broadcast_in_dim3A_213] : memref<16384xi32, #tpu.memory_space<vmem>>[vector<16xi32>], vector<16xi32>,
      %slice3A_219 = vector.extract_strided_slice %gather3A_218 {offsets = [0], sizes = [1], strides = [1]} : vector<16xi32> to vector<1xi32>
      %squeeze3A_220 = vector.extract %slice3A_219[0] : i32 from vector<1xi32>
      %ge3A = arith.cmpi sge, %and3A_217, %scan3A_74 : i32
      %and3A_221 = arith.andi %lt3A_210, %ge3A : i1
      %convert_element_type3A = arith.extui %and3A_221 : i1 to i32
      %cond3A = arith.constant 0 : i32
      %cond3A_222 = arith.cmpi ne, %convert_element_type3A, %cond3A : i32
      %cond3A_223 = scf.if %cond3A_222 -> (i32) {
        %while3A_242 = arith.constant 0 : i32
        %while3A_243 = arith.subi %select_n3A_69, %while3A_242 : i32
        %while3A_244 = arith.addi %while3A_242, %while3A_243 : i32
        %while3A_245 = arith.constant 1 : i32
        %while3A_246 = arith.divsi %while3A_243, %while3A_245 : i32
        %while3A_247 = arith.muli %while3A_246, %while3A_245 : i32
        %while3A_248 = arith.addi %while3A_242, %while3A_247 : i32
        %while3A_249 = arith.constant 1 : i32
        %while3A_250 = scf.for %while3A_255 = %while3A_242 to %while3A_248 step %while3A_249 iter_args(%while3A_256 = %broadcast_in_dim3A_1) -> (vector<16xi32>)  : i32 {
          %mul3A_257 = arith.constant 16 : i32
          %mul3A_258 = arith.muli %while3A_255, %mul3A_257 : i32
          %get3A = arith.index_cast %mul3A_258 : i32 to index
          %get3A_259 = tpu.vector_load %arg13[%get3A] {strides = array<i32>} : memref<16384xi32, #tpu.memory_space<vmem>>, vector<16xi32>,
          %mul3A_260 = arith.constant 16 : i32
          %mul3A_261 = arith.muli %while3A_255, %mul3A_260 : i32
          %get3A_262 = arith.index_cast %mul3A_261 : i32 to index
          %get3A_263 = tpu.vector_load %arg14[%get3A_262] {strides = array<i32>} : memref<16384xi32, #tpu.memory_space<vmem>>, vector<16xi32>,
          %and3A_264 = arith.constant 8388607 : i32
          %and3A_265 = vector.broadcast %and3A_264 : i32 to vector<16xi32>
          %and3A_266 = arith.andi %get3A_259, %and3A_265 : vector<16xi32>
          %mul3A_267 = arith.constant 16 : i32
          %mul3A_268 = arith.muli %while3A_255, %mul3A_267 : i32
          %add3A_269 = vector.broadcast %mul3A_268 : i32 to vector<16xi32>
          %add3A_270 = arith.addi %add3A_269, %iota3A : vector<16xi32>
          %lt3A_271 = vector.broadcast %squeeze3A_43 : i32 to vector<16xi32>
          %lt3A_272 = arith.cmpi slt, %add3A_270, %lt3A_271 : vector<16xi32>
          %gt3A = vector.broadcast %and3A_217 : i32 to vector<16xi32>
          %gt3A_273 = arith.cmpi sgt, %and3A_266, %gt3A : vector<16xi32>
          %eq3A_274 = vector.broadcast %and3A_217 : i32 to vector<16xi32>
          %eq3A_275 = arith.cmpi eq, %and3A_266, %eq3A_274 : vector<16xi32>
          %lt3A_276 = vector.broadcast %squeeze3A_220 : i32 to vector<16xi32>
          %lt3A_277 = arith.cmpi slt, %get3A_263, %lt3A_276 : vector<16xi32>
          %and3A_278 = arith.andi %eq3A_275, %lt3A_277 : vector<16xi1>
          %or3A = arith.ori %gt3A_273, %and3A_278 : vector<16xi1>
          %and3A_279 = arith.andi %lt3A_272, %or3A : vector<16xi1>
          %all_reduce_population_count3A = tpu.all_reduce %and3A_279 {dim = 0 : i64, kind = #tpu.reduction_kind<sum>} : vector<16xi1> -> vector<16xi32>
          %add3A_280 = arith.addi %while3A_256, %all_reduce_population_count3A : vector<16xi32>
          scf.yield %add3A_280 : vector<16xi32>
        }
        %while3A_251 = arith.constant 1 : i32
        %while3A_252 = scf.for %while3A_255 = %while3A_248 to %while3A_244 step %while3A_251 iter_args(%while3A_256 = %while3A_250) -> (vector<16xi32>)  : i32 {
          %mul3A_257 = arith.constant 16 : i32
          %mul3A_258 = arith.muli %while3A_255, %mul3A_257 : i32
          %get3A = arith.index_cast %mul3A_258 : i32 to index
          %get3A_259 = tpu.vector_load %arg13[%get3A] {strides = array<i32>} : memref<16384xi32, #tpu.memory_space<vmem>>, vector<16xi32>,
          %mul3A_260 = arith.constant 16 : i32
          %mul3A_261 = arith.muli %while3A_255, %mul3A_260 : i32
          %get3A_262 = arith.index_cast %mul3A_261 : i32 to index
          %get3A_263 = tpu.vector_load %arg14[%get3A_262] {strides = array<i32>} : memref<16384xi32, #tpu.memory_space<vmem>>, vector<16xi32>,
          %and3A_264 = arith.constant 8388607 : i32
          %and3A_265 = vector.broadcast %and3A_264 : i32 to vector<16xi32>
          %and3A_266 = arith.andi %get3A_259, %and3A_265 : vector<16xi32>
          %mul3A_267 = arith.constant 16 : i32
          %mul3A_268 = arith.muli %while3A_255, %mul3A_267 : i32
          %add3A_269 = vector.broadcast %mul3A_268 : i32 to vector<16xi32>
          %add3A_270 = arith.addi %add3A_269, %iota3A : vector<16xi32>
          %lt3A_271 = vector.broadcast %squeeze3A_43 : i32 to vector<16xi32>
          %lt3A_272 = arith.cmpi slt, %add3A_270, %lt3A_271 : vector<16xi32>
          %gt3A = vector.broadcast %and3A_217 : i32 to vector<16xi32>
          %gt3A_273 = arith.cmpi sgt, %and3A_266, %gt3A : vector<16xi32>
          %eq3A_274 = vector.broadcast %and3A_217 : i32 to vector<16xi32>
          %eq3A_275 = arith.cmpi eq, %and3A_266, %eq3A_274 : vector<16xi32>
          %lt3A_276 = vector.broadcast %squeeze3A_220 : i32 to vector<16xi32>
          %lt3A_277 = arith.cmpi slt, %get3A_263, %lt3A_276 : vector<16xi32>
          %and3A_278 = arith.andi %eq3A_275, %lt3A_277 : vector<16xi1>
          %or3A = arith.ori %gt3A_273, %and3A_278 : vector<16xi1>
          %and3A_279 = arith.andi %lt3A_272, %or3A : vector<16xi1>
          %all_reduce_population_count3A = tpu.all_reduce %and3A_279 {dim = 0 : i64, kind = #tpu.reduction_kind<sum>} : vector<16xi1> -> vector<16xi32>
          %add3A_280 = arith.addi %while3A_256, %all_reduce_population_count3A : vector<16xi32>
          scf.yield %add3A_280 : vector<16xi32>
        }
        %slice3A_253 = vector.extract_strided_slice %while3A_252 {offsets = [0], sizes = [1], strides = [1]} : vector<16xi32> to vector<1xi32>
        %squeeze3A_254 = vector.extract %slice3A_253[0] : i32 from vector<1xi32>
        scf.yield %squeeze3A_254 : i32
      } else {
        %cond3A_242 = arith.constant 256 : i32
        scf.yield %cond3A_242 : i32
      }
      %lt3A_224 = arith.constant 256 : i32
      %lt3A_225 = arith.cmpi slt, %cond3A_223, %lt3A_224 : i32
      %and3A_226 = arith.andi %and3A_221, %lt3A_225 : i1
      %eq3A_227 = arith.constant 0 : i32
      %eq3A_228 = vector.broadcast %eq3A_227 : i32 to vector<16xi32>
      %eq3A_229 = arith.cmpi eq, %iota3A, %eq3A_228 : vector<16xi32>
      %broadcast_in_dim3A_230 = vector.broadcast %while3A_206 : i32 to vector<16xi32>
      %broadcast_in_dim3A_231 = vector.broadcast %squeeze3A_220 : i32 to vector<16xi32>
      %and3A_232 = vector.broadcast %and3A_226 : i1 to vector<16xi1>
      %and3A_233 = arith.andi %eq3A_229, %and3A_232 : vector<16xi1>
      tpu.vector_store_idx %arg15[%broadcast_in_dim3A_230], %broadcast_in_dim3A_231 masked %and3A_233 : memref<512xi32, #tpu.memory_space<vmem>>[vector<16xi32>], vector<16xi32>, vector<16xi1>
      %broadcast_in_dim3A_234 = vector.broadcast %while3A_206 : i32 to vector<16xi32>
      %broadcast_in_dim3A_235 = vector.broadcast %cond3A_223 : i32 to vector<16xi32>
      %and3A_236 = vector.broadcast %and3A_226 : i1 to vector<16xi1>
      %and3A_237 = arith.andi %eq3A_229, %and3A_236 : vector<16xi1>
      tpu.vector_store_idx %arg16[%broadcast_in_dim3A_234], %broadcast_in_dim3A_235 masked %and3A_237 : memref<512xi32, #tpu.memory_space<vmem>>[vector<16xi32>], vector<16xi32>, vector<16xi1>
      %jit3A_238 = arith.constant 1 : i32
      %jit3A_239 = arith.constant 0 : i32
      %select_n3A_240 = arith.select %and3A_226, %jit3A_238, %jit3A_239 : i32
      %add3A_241 = arith.addi %while3A_206, %select_n3A_240 : i32
      scf.yield %add3A_241 : i32
    }
    %scan3A_119 = arith.constant 0 : i32
    %scan3A_120 = arith.constant 0 : i32
    %scan3A_121 = arith.constant 16 : i32
    %scan3A_122 = arith.addi %scan3A_120, %scan3A_121 : i32
    %scan3A_123 = arith.constant 1 : i32
    %scan3A_124 = scf.for %scan3A_205 = %scan3A_120 to %scan3A_122 step %scan3A_123 iter_args(%scan3A_206 = %scan3A_119) -> (i32)  : i32 {
      %broadcast_in_dim3A_207 = vector.broadcast %scan3A_205 : i32 to vector<16xi32>
      %broadcast_in_dim3A_208 = arith.constant 0.000000e+00 : f32
      %broadcast_in_dim3A_209 = vector.broadcast %broadcast_in_dim3A_208 : f32 to vector<16xf32>
      tpu.vector_store_idx %arg17[%broadcast_in_dim3A_207, %iota3A], %broadcast_in_dim3A_209 : memref<16x16xf32, #tpu.memory_space<vmem>>[vector<16xi32>, vector<16xi32>], vector<16xf32>,
      %scan3A_210 = arith.constant 0 : i32
      scf.yield %scan3A_210 : i32
    }
    %scan3A_125 = arith.constant 16 : i32
    %sub3A_126 = arith.subi %add3A, %min3A_76 : i32
    %jit3A_127 = arith.constant 32 : i32
    %eq3A = arith.constant 0 : i32
    %eq3A_128 = arith.cmpi eq, %jit3A_127, %eq3A : i32
    %jit3A_129 = arith.constant 1 : i32
    %select_n3A_130 = arith.select %eq3A_128, %jit3A_129, %jit3A_127 : i32
    %rem3A_131 = arith.remsi %sub3A_126, %select_n3A_130 : i32
    %ne3A_132 = arith.constant 0 : i32
    %ne3A_133 = arith.cmpi ne, %rem3A_131, %ne3A_132 : i32
    %lt3A = arith.constant 0 : i32
    %lt3A_134 = arith.cmpi slt, %rem3A_131, %lt3A : i32
    %lt3A_135 = arith.constant 0 : i32
    %lt3A_136 = arith.cmpi slt, %select_n3A_130, %lt3A_135 : i32
    %ne3A_137 = arith.xori %lt3A_134, %lt3A_136 : i1
    %and3A_138 = arith.andi %ne3A_137, %ne3A_133 : i1
    %add3A_139 = arith.addi %rem3A_131, %select_n3A_130 : i32
    %select_n3A_140 = arith.select %and3A_138, %add3A_139, %rem3A_131 : i32
    %add3A_141 = arith.constant 32 : i32
    %add3A_142 = arith.addi %select_n3A_140, %add3A_141 : i32
    %jit3A_143 = arith.constant 32 : i32
    %eq3A_144 = arith.constant 0 : i32
    %eq3A_145 = arith.cmpi eq, %jit3A_143, %eq3A_144 : i32
    %jit3A_146 = arith.constant 1 : i32
    %select_n3A_147 = arith.select %eq3A_145, %jit3A_146, %jit3A_143 : i32
    %rem3A_148 = arith.remsi %add3A_142, %select_n3A_147 : i32
    %ne3A_149 = arith.constant 0 : i32
    %ne3A_150 = arith.cmpi ne, %rem3A_148, %ne3A_149 : i32
    %lt3A_151 = arith.constant 0 : i32
    %lt3A_152 = arith.cmpi slt, %rem3A_148, %lt3A_151 : i32
    %lt3A_153 = arith.constant 0 : i32
    %lt3A_154 = arith.cmpi slt, %select_n3A_147, %lt3A_153 : i32
    %ne3A_155 = arith.xori %lt3A_152, %lt3A_154 : i1
    %and3A_156 = arith.andi %ne3A_155, %ne3A_150 : i1
    %add3A_157 = arith.addi %rem3A_148, %select_n3A_147 : i32
    %select_n3A_158 = arith.select %and3A_156, %add3A_157, %rem3A_148 : i32
    %add3A_159 = arith.addi %min3A_76, %select_n3A_158 : i32
    %scan3A_160 = arith.constant 0 : i32
    %scan3A_161 = arith.constant 0 : i32
    %scan3A_162 = arith.constant 8 : i32
    %scan3A_163 = arith.addi %scan3A_161, %scan3A_162 : i32
    %scan3A_164 = arith.constant 1 : i32
    %scan3A_165 = scf.for %scan3A_205 = %scan3A_161 to %scan3A_163 step %scan3A_164 iter_args(%scan3A_206 = %scan3A_160) -> (i32)  : i32 {
      %mul3A_207 = arith.constant 32 : i32
      %mul3A_208 = arith.muli %scan3A_205, %mul3A_207 : i32
      %add3A_209 = arith.addi %add3A_159, %mul3A_208 : i32
      %lt3A_210 = arith.constant 256 : i32
      %lt3A_211 = arith.cmpi slt, %add3A_209, %lt3A_210 : i32
      %convert_element_type3A = arith.extui %lt3A_211 : i1 to i32
      %cond3A = arith.constant 0 : i32
      %cond3A_212 = arith.cmpi ne, %convert_element_type3A, %cond3A : i32
      scf.if %cond3A_212 {
        %run_scoped3A = arith.constant 0 : i32
        "tpu.region"() ({
          %run_scoped3A_214 = tpu.sem_alloc : memref<!tpu.dma_semaphore, #tpu.memory_space<semaphore_mem>>
          %dma_start3A = arith.constant 0 : i32
          %dma_start3A_215 = tpu.memref_slice %arg17[%run_scoped3A, %dma_start3A] : memref<16x16xf32, #tpu.memory_space<vmem>> -> memref<1x16xf32, #tpu.memory_space<vmem>>
          %dma_start3A_216 = tpu.memref_squeeze %dma_start3A_215 : memref<1x16xf32, #tpu.memory_space<vmem>> -> memref<16xf32, #tpu.memory_space<vmem>>
          %dma_start3A_217 = arith.constant 0 : i32
          %dma_start3A_218 = tpu.memref_slice %arg7[%add3A_209, %dma_start3A_217] : memref<272x16xf32, #tpu.memory_space<hbm>> -> memref<1x16xf32, #tpu.memory_space<hbm>>
          %dma_start3A_219 = tpu.memref_squeeze %dma_start3A_218 : memref<1x16xf32, #tpu.memory_space<hbm>> -> memref<16xf32, #tpu.memory_space<hbm>>
          %dma_start3A_220 = arith.constant 0 : i32
          %dma_start3A_221 = tpu.memref_slice %arg7[%add3A_209, %dma_start3A_220] : memref<272x16xf32, #tpu.memory_space<hbm>> -> memref<1x16xf32, #tpu.memory_space<hbm>>
          %dma_start3A_222 = tpu.memref_squeeze %dma_start3A_221 : memref<1x16xf32, #tpu.memory_space<hbm>> -> memref<16xf32, #tpu.memory_space<hbm>>
          %dma_start3A_223 = arith.constant 0 : i32
          %dma_start3A_224 = tpu.memref_slice %arg17[%run_scoped3A, %dma_start3A_223] : memref<16x16xf32, #tpu.memory_space<vmem>> -> memref<1x16xf32, #tpu.memory_space<vmem>>
          %dma_start3A_225 = tpu.memref_squeeze %dma_start3A_224 : memref<1x16xf32, #tpu.memory_space<vmem>> -> memref<16xf32, #tpu.memory_space<vmem>>
          tpu.enqueue_dma source(%dma_start3A_225 : memref<16xf32, #tpu.memory_space<vmem>>) target(%dma_start3A_222 : memref<16xf32, #tpu.memory_space<hbm>>) target_semaphore(%run_scoped3A_214 : memref<!tpu.dma_semaphore, #tpu.memory_space<semaphore_mem>>)
          %dma_wait3A = arith.constant 0 : i32
          %dma_wait3A_226 = tpu.memref_slice %arg17[%run_scoped3A, %dma_wait3A] : memref<16x16xf32, #tpu.memory_space<vmem>> -> memref<1x16xf32, #tpu.memory_space<vmem>>
          %dma_wait3A_227 = tpu.memref_squeeze %dma_wait3A_226 : memref<1x16xf32, #tpu.memory_space<vmem>> -> memref<16xf32, #tpu.memory_space<vmem>>
          %dma_wait3A_228 = arith.constant 0 : i32
          %dma_wait3A_229 = tpu.memref_slice %arg7[%add3A_209, %dma_wait3A_228] : memref<272x16xf32, #tpu.memory_space<hbm>> -> memref<1x16xf32, #tpu.memory_space<hbm>>
          %dma_wait3A_230 = tpu.memref_squeeze %dma_wait3A_229 : memref<1x16xf32, #tpu.memory_space<hbm>> -> memref<16xf32, #tpu.memory_space<hbm>>
          %dma_wait3A_231 = arith.constant 0 : i32
          %dma_wait3A_232 = tpu.memref_slice %arg7[%add3A_209, %dma_wait3A_231] : memref<272x16xf32, #tpu.memory_space<hbm>> -> memref<1x16xf32, #tpu.memory_space<hbm>>
          %dma_wait3A_233 = tpu.memref_squeeze %dma_wait3A_232 : memref<1x16xf32, #tpu.memory_space<hbm>> -> memref<16xf32, #tpu.memory_space<hbm>>
          %dma_wait3A_234 = arith.constant 0 : i32
          %dma_wait3A_235 = tpu.memref_slice %arg17[%run_scoped3A, %dma_wait3A_234] : memref<16x16xf32, #tpu.memory_space<vmem>> -> memref<1x16xf32, #tpu.memory_space<vmem>>
          %dma_wait3A_236 = tpu.memref_squeeze %dma_wait3A_235 : memref<1x16xf32, #tpu.memory_space<vmem>> -> memref<16xf32, #tpu.memory_space<vmem>>
          tpu.wait_dma2 semaphore(%run_scoped3A_214 : memref<!tpu.dma_semaphore, #tpu.memory_space<semaphore_mem>>) src(%dma_wait3A_236 : memref<16xf32, #tpu.memory_space<vmem>>) dst(%dma_wait3A_233 : memref<16xf32, #tpu.memory_space<hbm>>)
          tpu.yield
        }) : () -> ()
      } else {
      }
      %scan3A_213 = arith.constant 0 : i32
      scf.yield %scan3A_213 : i32
    }
    %scan3A_166 = arith.constant 8 : i32
    %add3A_167 = arith.constant 15 : i32
    %add3A_168 = arith.addi %while3A_118, %add3A_167 : i32
    %jit3A_169 = arith.constant 16 : i32
    %div3A_170 = arith.divsi %add3A_168, %jit3A_169 : i32
    %sign3A_171 = arith.constant 0 : i32
    %sign3A_172 = arith.cmpi sgt, %add3A_168, %sign3A_171 : i32
    %sign3A_173 = arith.extui %sign3A_172 : i1 to i32
    %sign3A_174 = arith.constant 0 : i32
    %sign3A_175 = arith.cmpi slt, %add3A_168, %sign3A_174 : i32
    %sign3A_176 = arith.extui %sign3A_175 : i1 to i32
    %sign3A_177 = arith.subi %sign3A_173, %sign3A_176 : i32
    %sign3A_178 = arith.constant 0 : i32
    %sign3A_179 = arith.cmpi sgt, %jit3A_169, %sign3A_178 : i32
    %sign3A_180 = arith.extui %sign3A_179 : i1 to i32
    %sign3A_181 = arith.constant 0 : i32
    %sign3A_182 = arith.cmpi slt, %jit3A_169, %sign3A_181 : i32
    %sign3A_183 = arith.extui %sign3A_182 : i1 to i32
    %sign3A_184 = arith.subi %sign3A_180, %sign3A_183 : i32
    %ne3A_185 = arith.cmpi ne, %sign3A_177, %sign3A_184 : i32
    %rem3A_186 = arith.remsi %add3A_168, %jit3A_169 : i32
    %ne3A_187 = arith.constant 0 : i32
    %ne3A_188 = arith.cmpi ne, %rem3A_186, %ne3A_187 : i32
    %and3A_189 = arith.andi %ne3A_185, %ne3A_188 : i1
    %sub3A_190 = arith.constant 1 : i32
    %sub3A_191 = arith.subi %div3A_170, %sub3A_190 : i32
    %select_n3A_192 = arith.select %and3A_189, %sub3A_191, %div3A_170 : i32
    %while3A_193 = arith.constant 0 : i32
    %while3A_194 = arith.constant 0 : i32
    %while3A_195 = arith.subi %select_n3A_192, %while3A_193 : i32
    %while3A_196 = arith.addi %while3A_193, %while3A_195 : i32
    %while3A_197 = arith.constant 1 : i32
    %while3A_198 = arith.divsi %while3A_195, %while3A_197 : i32
    %while3A_199 = arith.muli %while3A_198, %while3A_197 : i32
    %while3A_200 = arith.addi %while3A_193, %while3A_199 : i32
    %while3A_201 = arith.constant 1 : i32
    %while3A_202 = scf.for %while3A_205 = %while3A_193 to %while3A_200 step %while3A_201 iter_args(%while3A_206 = %while3A_194) -> (i32)  : i32 {
      %mul3A_207 = arith.constant 16 : i32
      %mul3A_208 = arith.muli %while3A_205, %mul3A_207 : i32
      %get3A = arith.index_cast %mul3A_208 : i32 to index
      %get3A_209 = tpu.vector_load %arg15[%get3A] {strides = array<i32>} : memref<512xi32, #tpu.memory_space<vmem>>, vector<16xi32>,
      %mul3A_210 = arith.constant 16 : i32
      %mul3A_211 = arith.muli %while3A_205, %mul3A_210 : i32
      %add3A_212 = vector.broadcast %mul3A_211 : i32 to vector<16xi32>
      %add3A_213 = arith.addi %add3A_212, %iota3A : vector<16xi32>
      %lt3A_214 = vector.broadcast %while3A_118 : i32 to vector<16xi32>
      %lt3A_215 = arith.cmpi slt, %add3A_213, %lt3A_214 : vector<16xi32>
      %jit3A_216 = arith.constant 0 : i32
      %broadcast_in_dim3A_217 = vector.broadcast %jit3A_216 : i32 to vector<16xi32>
      %select_n3A_218 = arith.select %lt3A_215, %get3A_209, %broadcast_in_dim3A_217 : vector<16xi1>, vector<16xi32>
      %dma_start3A = arith.constant 0 : i32
      %dma_start3A_219 = tpu.memref_slice %arg5[%dma_start3A] : memref<524288xf32, #tpu.memory_space<hbm>> -> memref<524288xf32, #tpu.memory_space<hbm>>
      tpu.enqueue_indirect_dma source(%dma_start3A_219 : memref<524288xf32, #tpu.memory_space<hbm>>) target(%arg18 : memref<16xf32, #tpu.memory_space<vmem>>) offsets(%select_n3A_218 : vector<16xi32>) semaphore(%arg22 : memref<!tpu.dma_semaphore, #tpu.memory_space<semaphore_mem>>)
      %dma_wait3A = arith.constant 0 : i32
      %dma_wait3A_220 = tpu.memref_slice %arg5[%dma_wait3A] : memref<524288xf32, #tpu.memory_space<hbm>> -> memref<524288xf32, #tpu.memory_space<hbm>>
      tpu.wait_indirect_dma semaphore(%arg22 : memref<!tpu.dma_semaphore, #tpu.memory_space<semaphore_mem>>) src(%dma_wait3A_220 : memref<524288xf32, #tpu.memory_space<hbm>>) dst(%arg18 : memref<16xf32, #tpu.memory_space<vmem>>)
      %add3A_221 = arith.constant 262144 : i32
      %add3A_222 = vector.broadcast %add3A_221 : i32 to vector<16xi32>
      %add3A_223 = arith.addi %select_n3A_218, %add3A_222 : vector<16xi32>
      %dma_start3A_224 = arith.constant 0 : i32
      %dma_start3A_225 = tpu.memref_slice %arg5[%dma_start3A_224] : memref<524288xf32, #tpu.memory_space<hbm>> -> memref<524288xf32, #tpu.memory_space<hbm>>
      tpu.enqueue_indirect_dma source(%dma_start3A_225 : memref<524288xf32, #tpu.memory_space<hbm>>) target(%arg19 : memref<16xf32, #tpu.memory_space<vmem>>) offsets(%add3A_223 : vector<16xi32>) semaphore(%arg22 : memref<!tpu.dma_semaphore, #tpu.memory_space<semaphore_mem>>)
      %dma_wait3A_226 = arith.constant 0 : i32
      %dma_wait3A_227 = tpu.memref_slice %arg5[%dma_wait3A_226] : memref<524288xf32, #tpu.memory_space<hbm>> -> memref<524288xf32, #tpu.memory_space<hbm>>
      tpu.wait_indirect_dma semaphore(%arg22 : memref<!tpu.dma_semaphore, #tpu.memory_space<semaphore_mem>>) src(%dma_wait3A_227 : memref<524288xf32, #tpu.memory_space<hbm>>) dst(%arg19 : memref<16xf32, #tpu.memory_space<vmem>>)
      %dma_start3A_228 = arith.constant 0 : i32
      %dma_start3A_229 = tpu.memref_slice %arg6[%dma_start3A_228] : memref<524288xf32, #tpu.memory_space<hbm>> -> memref<524288xf32, #tpu.memory_space<hbm>>
      tpu.enqueue_indirect_dma source(%dma_start3A_229 : memref<524288xf32, #tpu.memory_space<hbm>>) target(%arg20 : memref<16xf32, #tpu.memory_space<vmem>>) offsets(%select_n3A_218 : vector<16xi32>) semaphore(%arg22 : memref<!tpu.dma_semaphore, #tpu.memory_space<semaphore_mem>>)
      %dma_wait3A_230 = arith.constant 0 : i32
      %dma_wait3A_231 = tpu.memref_slice %arg6[%dma_wait3A_230] : memref<524288xf32, #tpu.memory_space<hbm>> -> memref<524288xf32, #tpu.memory_space<hbm>>
      tpu.wait_indirect_dma semaphore(%arg22 : memref<!tpu.dma_semaphore, #tpu.memory_space<semaphore_mem>>) src(%dma_wait3A_231 : memref<524288xf32, #tpu.memory_space<hbm>>) dst(%arg20 : memref<16xf32, #tpu.memory_space<vmem>>)
      %add3A_232 = arith.constant 262144 : i32
      %add3A_233 = vector.broadcast %add3A_232 : i32 to vector<16xi32>
      %add3A_234 = arith.addi %select_n3A_218, %add3A_233 : vector<16xi32>
      %dma_start3A_235 = arith.constant 0 : i32
      %dma_start3A_236 = tpu.memref_slice %arg6[%dma_start3A_235] : memref<524288xf32, #tpu.memory_space<hbm>> -> memref<524288xf32, #tpu.memory_space<hbm>>
      tpu.enqueue_indirect_dma source(%dma_start3A_236 : memref<524288xf32, #tpu.memory_space<hbm>>) target(%arg21 : memref<16xf32, #tpu.memory_space<vmem>>) offsets(%add3A_234 : vector<16xi32>) semaphore(%arg22 : memref<!tpu.dma_semaphore, #tpu.memory_space<semaphore_mem>>)
      %dma_wait3A_237 = arith.constant 0 : i32
      %dma_wait3A_238 = tpu.memref_slice %arg6[%dma_wait3A_237] : memref<524288xf32, #tpu.memory_space<hbm>> -> memref<524288xf32, #tpu.memory_space<hbm>>
      tpu.wait_indirect_dma semaphore(%arg22 : memref<!tpu.dma_semaphore, #tpu.memory_space<semaphore_mem>>) src(%dma_wait3A_238 : memref<524288xf32, #tpu.memory_space<hbm>>) dst(%arg21 : memref<16xf32, #tpu.memory_space<vmem>>)
      %broadcast_in_dim3A_239 = arith.constant 0 : i32
      %broadcast_in_dim3A_240 = vector.broadcast %broadcast_in_dim3A_239 : i32 to vector<16xi32>
      %shift_right_logical3A = arith.constant 9 : i32
      %shift_right_logical3A_241 = vector.broadcast %shift_right_logical3A : i32 to vector<16xi32>
      %shift_right_logical3A_242 = arith.shrui %select_n3A_218, %shift_right_logical3A_241 : vector<16xi32>
      %convert_element_type3A = arith.sitofp %shift_right_logical3A_242 : vector<16xi32> to vector<16xf32>
      tpu.vector_store_idx %arg17[%iota3A, %broadcast_in_dim3A_240], %convert_element_type3A : memref<16x16xf32, #tpu.memory_space<vmem>>[vector<16xi32>, vector<16xi32>], vector<16xf32>,
      %broadcast_in_dim3A_243 = arith.constant 1 : i32
      %broadcast_in_dim3A_244 = vector.broadcast %broadcast_in_dim3A_243 : i32 to vector<16xi32>
      %and3A_245 = arith.constant 511 : i32
      %and3A_246 = vector.broadcast %and3A_245 : i32 to vector<16xi32>
      %and3A_247 = arith.andi %select_n3A_218, %and3A_246 : vector<16xi32>
      %convert_element_type3A_248 = arith.sitofp %and3A_247 : vector<16xi32> to vector<16xf32>
      tpu.vector_store_idx %arg17[%iota3A, %broadcast_in_dim3A_244], %convert_element_type3A_248 : memref<16x16xf32, #tpu.memory_space<vmem>>[vector<16xi32>, vector<16xi32>], vector<16xf32>,
      %broadcast_in_dim3A_249 = arith.constant 2 : i32
      %broadcast_in_dim3A_250 = vector.broadcast %broadcast_in_dim3A_249 : i32 to vector<16xi32>
      %get3A_251 = arith.constant 0 : index
      %get3A_252 = tpu.vector_load %arg18[%get3A_251] {strides = array<i32>} : memref<16xf32, #tpu.memory_space<vmem>>, vector<16xf32>,
      tpu.vector_store_idx %arg17[%iota3A, %broadcast_in_dim3A_250], %get3A_252 : memref<16x16xf32, #tpu.memory_space<vmem>>[vector<16xi32>, vector<16xi32>], vector<16xf32>,
      %broadcast_in_dim3A_253 = arith.constant 3 : i32
      %broadcast_in_dim3A_254 = vector.broadcast %broadcast_in_dim3A_253 : i32 to vector<16xi32>
      %get3A_255 = arith.constant 0 : index
      %get3A_256 = tpu.vector_load %arg19[%get3A_255] {strides = array<i32>} : memref<16xf32, #tpu.memory_space<vmem>>, vector<16xf32>,
      tpu.vector_store_idx %arg17[%iota3A, %broadcast_in_dim3A_254], %get3A_256 : memref<16x16xf32, #tpu.memory_space<vmem>>[vector<16xi32>, vector<16xi32>], vector<16xf32>,
      %broadcast_in_dim3A_257 = arith.constant 4 : i32
      %broadcast_in_dim3A_258 = vector.broadcast %broadcast_in_dim3A_257 : i32 to vector<16xi32>
      %get3A_259 = arith.constant 0 : index
      %get3A_260 = tpu.vector_load %arg20[%get3A_259] {strides = array<i32>} : memref<16xf32, #tpu.memory_space<vmem>>, vector<16xf32>,
      %mul3A_261 = arith.constant 1.000000e+01 : f32
      %mul3A_262 = vector.broadcast %mul3A_261 : f32 to vector<16xf32>
      %mul3A_263 = arith.mulf %get3A_260, %mul3A_262 : vector<16xf32>
      %exp3A = math.exp %mul3A_263 : vector<16xf32>
      tpu.vector_store_idx %arg17[%iota3A, %broadcast_in_dim3A_258], %exp3A : memref<16x16xf32, #tpu.memory_space<vmem>>[vector<16xi32>, vector<16xi32>], vector<16xf32>,
      %broadcast_in_dim3A_264 = arith.constant 5 : i32
      %broadcast_in_dim3A_265 = vector.broadcast %broadcast_in_dim3A_264 : i32 to vector<16xi32>
      %get3A_266 = arith.constant 0 : index
      %get3A_267 = tpu.vector_load %arg21[%get3A_266] {strides = array<i32>} : memref<16xf32, #tpu.memory_space<vmem>>, vector<16xf32>,
      %mul3A_268 = arith.constant 1.000000e+01 : f32
      %mul3A_269 = vector.broadcast %mul3A_268 : f32 to vector<16xf32>
      %mul3A_270 = arith.mulf %get3A_267, %mul3A_269 : vector<16xf32>
      %exp3A_271 = math.exp %mul3A_270 : vector<16xf32>
      tpu.vector_store_idx %arg17[%iota3A, %broadcast_in_dim3A_265], %exp3A_271 : memref<16x16xf32, #tpu.memory_space<vmem>>[vector<16xi32>, vector<16xi32>], vector<16xf32>,
      %broadcast_in_dim3A_272 = arith.constant 6 : i32
      %broadcast_in_dim3A_273 = vector.broadcast %broadcast_in_dim3A_272 : i32 to vector<16xi32>
      %broadcast_in_dim3A_274 = arith.constant 1.000000e+00 : f32
      %broadcast_in_dim3A_275 = vector.broadcast %broadcast_in_dim3A_274 : f32 to vector<16xf32>
      tpu.vector_store_idx %arg17[%iota3A, %broadcast_in_dim3A_273], %broadcast_in_dim3A_275 : memref<16x16xf32, #tpu.memory_space<vmem>>[vector<16xi32>, vector<16xi32>], vector<16xf32>,
      %scan3A_276 = arith.constant 0 : i32
      %scan3A_277 = arith.constant 0 : i32
      %scan3A_278 = arith.constant 16 : i32
      %scan3A_279 = arith.addi %scan3A_277, %scan3A_278 : i32
      %scan3A_280 = arith.constant 1 : i32
      %scan3A_281 = scf.for %scan3A_284 = %scan3A_277 to %scan3A_279 step %scan3A_280 iter_args(%scan3A_285 = %scan3A_276) -> (i32)  : i32 {
        %mul3A_286 = arith.constant 16 : i32
        %mul3A_287 = arith.muli %while3A_205, %mul3A_286 : i32
        %add3A_288 = arith.addi %mul3A_287, %scan3A_284 : i32
        %lt3A_289 = arith.cmpi slt, %add3A_288, %while3A_118 : i32
        %convert_element_type3A_290 = arith.extui %lt3A_289 : i1 to i32
        %cond3A = arith.constant 0 : i32
        %cond3A_291 = arith.cmpi ne, %convert_element_type3A_290, %cond3A : i32
        scf.if %cond3A_291 {
          %broadcast_in_dim3A_293 = vector.broadcast %add3A_288 : i32 to vector<16xi32>
          %gather3A = tpu.vector_load_idx %arg16[%broadcast_in_dim3A_293] : memref<512xi32, #tpu.memory_space<vmem>>[vector<16xi32>], vector<16xi32>,
          %slice3A_294 = vector.extract_strided_slice %gather3A {offsets = [0], sizes = [1], strides = [1]} : vector<16xi32> to vector<1xi32>
          %squeeze3A_295 = vector.extract %slice3A_294[0] : i32 from vector<1xi32>
          "tpu.region"() ({
            %run_scoped3A = tpu.sem_alloc : memref<!tpu.dma_semaphore, #tpu.memory_space<semaphore_mem>>
            %dma_start3A_296 = arith.constant 0 : i32
            %dma_start3A_297 = tpu.memref_slice %arg17[%scan3A_284, %dma_start3A_296] : memref<16x16xf32, #tpu.memory_space<vmem>> -> memref<1x16xf32, #tpu.memory_space<vmem>>
            %dma_start3A_298 = tpu.memref_squeeze %dma_start3A_297 : memref<1x16xf32, #tpu.memory_space<vmem>> -> memref<16xf32, #tpu.memory_space<vmem>>
            %dma_start3A_299 = arith.constant 0 : i32
            %dma_start3A_300 = tpu.memref_slice %arg7[%squeeze3A_295, %dma_start3A_299] : memref<272x16xf32, #tpu.memory_space<hbm>> -> memref<1x16xf32, #tpu.memory_space<hbm>>
            %dma_start3A_301 = tpu.memref_squeeze %dma_start3A_300 : memref<1x16xf32, #tpu.memory_space<hbm>> -> memref<16xf32, #tpu.memory_space<hbm>>
            %dma_start3A_302 = arith.constant 0 : i32
            %dma_start3A_303 = tpu.memref_slice %arg7[%squeeze3A_295, %dma_start3A_302] : memref<272x16xf32, #tpu.memory_space<hbm>> -> memref<1x16xf32, #tpu.memory_space<hbm>>
            %dma_start3A_304 = tpu.memref_squeeze %dma_start3A_303 : memref<1x16xf32, #tpu.memory_space<hbm>> -> memref<16xf32, #tpu.memory_space<hbm>>
            %dma_start3A_305 = arith.constant 0 : i32
            %dma_start3A_306 = tpu.memref_slice %arg17[%scan3A_284, %dma_start3A_305] : memref<16x16xf32, #tpu.memory_space<vmem>> -> memref<1x16xf32, #tpu.memory_space<vmem>>
            %dma_start3A_307 = tpu.memref_squeeze %dma_start3A_306 : memref<1x16xf32, #tpu.memory_space<vmem>> -> memref<16xf32, #tpu.memory_space<vmem>>
            tpu.enqueue_dma source(%dma_start3A_307 : memref<16xf32, #tpu.memory_space<vmem>>) target(%dma_start3A_304 : memref<16xf32, #tpu.memory_space<hbm>>) target_semaphore(%run_scoped3A : memref<!tpu.dma_semaphore, #tpu.memory_space<semaphore_mem>>)
            %dma_wait3A_308 = arith.constant 0 : i32
            %dma_wait3A_309 = tpu.memref_slice %arg17[%scan3A_284, %dma_wait3A_308] : memref<16x16xf32, #tpu.memory_space<vmem>> -> memref<1x16xf32, #tpu.memory_space<vmem>>
            %dma_wait3A_310 = tpu.memref_squeeze %dma_wait3A_309 : memref<1x16xf32, #tpu.memory_space<vmem>> -> memref<16xf32, #tpu.memory_space<vmem>>
            %dma_wait3A_311 = arith.constant 0 : i32
            %dma_wait3A_312 = tpu.memref_slice %arg7[%squeeze3A_295, %dma_wait3A_311] : memref<272x16xf32, #tpu.memory_space<hbm>> -> memref<1x16xf32, #tpu.memory_space<hbm>>
            %dma_wait3A_313 = tpu.memref_squeeze %dma_wait3A_312 : memref<1x16xf32, #tpu.memory_space<hbm>> -> memref<16xf32, #tpu.memory_space<hbm>>
            %dma_wait3A_314 = arith.constant 0 : i32
            %dma_wait3A_315 = tpu.memref_slice %arg7[%squeeze3A_295, %dma_wait3A_314] : memref<272x16xf32, #tpu.memory_space<hbm>> -> memref<1x16xf32, #tpu.memory_space<hbm>>
            %dma_wait3A_316 = tpu.memref_squeeze %dma_wait3A_315 : memref<1x16xf32, #tpu.memory_space<hbm>> -> memref<16xf32, #tpu.memory_space<hbm>>
            %dma_wait3A_317 = arith.constant 0 : i32
            %dma_wait3A_318 = tpu.memref_slice %arg17[%scan3A_284, %dma_wait3A_317] : memref<16x16xf32, #tpu.memory_space<vmem>> -> memref<1x16xf32, #tpu.memory_space<vmem>>
            %dma_wait3A_319 = tpu.memref_squeeze %dma_wait3A_318 : memref<1x16xf32, #tpu.memory_space<vmem>> -> memref<16xf32, #tpu.memory_space<vmem>>
            tpu.wait_dma2 semaphore(%run_scoped3A : memref<!tpu.dma_semaphore, #tpu.memory_space<semaphore_mem>>) src(%dma_wait3A_319 : memref<16xf32, #tpu.memory_space<vmem>>) dst(%dma_wait3A_316 : memref<16xf32, #tpu.memory_space<hbm>>)
            tpu.yield
          }) : () -> ()
        } else {
        }
        %scan3A_292 = arith.constant 0 : i32
        scf.yield %scan3A_292 : i32
      }
      %scan3A_282 = arith.constant 16 : i32
      %while3A_283 = arith.constant 0 : i32
      scf.yield %while3A_283 : i32
    }
    %while3A_203 = arith.constant 1 : i32
    %while3A_204 = scf.for %while3A_205 = %while3A_200 to %while3A_196 step %while3A_203 iter_args(%while3A_206 = %while3A_202) -> (i32)  : i32 {
      %mul3A_207 = arith.constant 16 : i32
      %mul3A_208 = arith.muli %while3A_205, %mul3A_207 : i32
      %get3A = arith.index_cast %mul3A_208 : i32 to index
      %get3A_209 = tpu.vector_load %arg15[%get3A] {strides = array<i32>} : memref<512xi32, #tpu.memory_space<vmem>>, vector<16xi32>,
      %mul3A_210 = arith.constant 16 : i32
      %mul3A_211 = arith.muli %while3A_205, %mul3A_210 : i32
      %add3A_212 = vector.broadcast %mul3A_211 : i32 to vector<16xi32>
      %add3A_213 = arith.addi %add3A_212, %iota3A : vector<16xi32>
      %lt3A_214 = vector.broadcast %while3A_118 : i32 to vector<16xi32>
      %lt3A_215 = arith.cmpi slt, %add3A_213, %lt3A_214 : vector<16xi32>
      %jit3A_216 = arith.constant 0 : i32
      %broadcast_in_dim3A_217 = vector.broadcast %jit3A_216 : i32 to vector<16xi32>
      %select_n3A_218 = arith.select %lt3A_215, %get3A_209, %broadcast_in_dim3A_217 : vector<16xi1>, vector<16xi32>
      %dma_start3A = arith.constant 0 : i32
      %dma_start3A_219 = tpu.memref_slice %arg5[%dma_start3A] : memref<524288xf32, #tpu.memory_space<hbm>> -> memref<524288xf32, #tpu.memory_space<hbm>>
      tpu.enqueue_indirect_dma source(%dma_start3A_219 : memref<524288xf32, #tpu.memory_space<hbm>>) target(%arg18 : memref<16xf32, #tpu.memory_space<vmem>>) offsets(%select_n3A_218 : vector<16xi32>) semaphore(%arg22 : memref<!tpu.dma_semaphore, #tpu.memory_space<semaphore_mem>>)
      %dma_wait3A = arith.constant 0 : i32
      %dma_wait3A_220 = tpu.memref_slice %arg5[%dma_wait3A] : memref<524288xf32, #tpu.memory_space<hbm>> -> memref<524288xf32, #tpu.memory_space<hbm>>
      tpu.wait_indirect_dma semaphore(%arg22 : memref<!tpu.dma_semaphore, #tpu.memory_space<semaphore_mem>>) src(%dma_wait3A_220 : memref<524288xf32, #tpu.memory_space<hbm>>) dst(%arg18 : memref<16xf32, #tpu.memory_space<vmem>>)
      %add3A_221 = arith.constant 262144 : i32
      %add3A_222 = vector.broadcast %add3A_221 : i32 to vector<16xi32>
      %add3A_223 = arith.addi %select_n3A_218, %add3A_222 : vector<16xi32>
      %dma_start3A_224 = arith.constant 0 : i32
      %dma_start3A_225 = tpu.memref_slice %arg5[%dma_start3A_224] : memref<524288xf32, #tpu.memory_space<hbm>> -> memref<524288xf32, #tpu.memory_space<hbm>>
      tpu.enqueue_indirect_dma source(%dma_start3A_225 : memref<524288xf32, #tpu.memory_space<hbm>>) target(%arg19 : memref<16xf32, #tpu.memory_space<vmem>>) offsets(%add3A_223 : vector<16xi32>) semaphore(%arg22 : memref<!tpu.dma_semaphore, #tpu.memory_space<semaphore_mem>>)
      %dma_wait3A_226 = arith.constant 0 : i32
      %dma_wait3A_227 = tpu.memref_slice %arg5[%dma_wait3A_226] : memref<524288xf32, #tpu.memory_space<hbm>> -> memref<524288xf32, #tpu.memory_space<hbm>>
      tpu.wait_indirect_dma semaphore(%arg22 : memref<!tpu.dma_semaphore, #tpu.memory_space<semaphore_mem>>) src(%dma_wait3A_227 : memref<524288xf32, #tpu.memory_space<hbm>>) dst(%arg19 : memref<16xf32, #tpu.memory_space<vmem>>)
      %dma_start3A_228 = arith.constant 0 : i32
      %dma_start3A_229 = tpu.memref_slice %arg6[%dma_start3A_228] : memref<524288xf32, #tpu.memory_space<hbm>> -> memref<524288xf32, #tpu.memory_space<hbm>>
      tpu.enqueue_indirect_dma source(%dma_start3A_229 : memref<524288xf32, #tpu.memory_space<hbm>>) target(%arg20 : memref<16xf32, #tpu.memory_space<vmem>>) offsets(%select_n3A_218 : vector<16xi32>) semaphore(%arg22 : memref<!tpu.dma_semaphore, #tpu.memory_space<semaphore_mem>>)
      %dma_wait3A_230 = arith.constant 0 : i32
      %dma_wait3A_231 = tpu.memref_slice %arg6[%dma_wait3A_230] : memref<524288xf32, #tpu.memory_space<hbm>> -> memref<524288xf32, #tpu.memory_space<hbm>>
      tpu.wait_indirect_dma semaphore(%arg22 : memref<!tpu.dma_semaphore, #tpu.memory_space<semaphore_mem>>) src(%dma_wait3A_231 : memref<524288xf32, #tpu.memory_space<hbm>>) dst(%arg20 : memref<16xf32, #tpu.memory_space<vmem>>)
      %add3A_232 = arith.constant 262144 : i32
      %add3A_233 = vector.broadcast %add3A_232 : i32 to vector<16xi32>
      %add3A_234 = arith.addi %select_n3A_218, %add3A_233 : vector<16xi32>
      %dma_start3A_235 = arith.constant 0 : i32
      %dma_start3A_236 = tpu.memref_slice %arg6[%dma_start3A_235] : memref<524288xf32, #tpu.memory_space<hbm>> -> memref<524288xf32, #tpu.memory_space<hbm>>
      tpu.enqueue_indirect_dma source(%dma_start3A_236 : memref<524288xf32, #tpu.memory_space<hbm>>) target(%arg21 : memref<16xf32, #tpu.memory_space<vmem>>) offsets(%add3A_234 : vector<16xi32>) semaphore(%arg22 : memref<!tpu.dma_semaphore, #tpu.memory_space<semaphore_mem>>)
      %dma_wait3A_237 = arith.constant 0 : i32
      %dma_wait3A_238 = tpu.memref_slice %arg6[%dma_wait3A_237] : memref<524288xf32, #tpu.memory_space<hbm>> -> memref<524288xf32, #tpu.memory_space<hbm>>
      tpu.wait_indirect_dma semaphore(%arg22 : memref<!tpu.dma_semaphore, #tpu.memory_space<semaphore_mem>>) src(%dma_wait3A_238 : memref<524288xf32, #tpu.memory_space<hbm>>) dst(%arg21 : memref<16xf32, #tpu.memory_space<vmem>>)
      %broadcast_in_dim3A_239 = arith.constant 0 : i32
      %broadcast_in_dim3A_240 = vector.broadcast %broadcast_in_dim3A_239 : i32 to vector<16xi32>
      %shift_right_logical3A = arith.constant 9 : i32
      %shift_right_logical3A_241 = vector.broadcast %shift_right_logical3A : i32 to vector<16xi32>
      %shift_right_logical3A_242 = arith.shrui %select_n3A_218, %shift_right_logical3A_241 : vector<16xi32>
      %convert_element_type3A = arith.sitofp %shift_right_logical3A_242 : vector<16xi32> to vector<16xf32>
      tpu.vector_store_idx %arg17[%iota3A, %broadcast_in_dim3A_240], %convert_element_type3A : memref<16x16xf32, #tpu.memory_space<vmem>>[vector<16xi32>, vector<16xi32>], vector<16xf32>,
      %broadcast_in_dim3A_243 = arith.constant 1 : i32
      %broadcast_in_dim3A_244 = vector.broadcast %broadcast_in_dim3A_243 : i32 to vector<16xi32>
      %and3A_245 = arith.constant 511 : i32
      %and3A_246 = vector.broadcast %and3A_245 : i32 to vector<16xi32>
      %and3A_247 = arith.andi %select_n3A_218, %and3A_246 : vector<16xi32>
      %convert_element_type3A_248 = arith.sitofp %and3A_247 : vector<16xi32> to vector<16xf32>
      tpu.vector_store_idx %arg17[%iota3A, %broadcast_in_dim3A_244], %convert_element_type3A_248 : memref<16x16xf32, #tpu.memory_space<vmem>>[vector<16xi32>, vector<16xi32>], vector<16xf32>,
      %broadcast_in_dim3A_249 = arith.constant 2 : i32
      %broadcast_in_dim3A_250 = vector.broadcast %broadcast_in_dim3A_249 : i32 to vector<16xi32>
      %get3A_251 = arith.constant 0 : index
      %get3A_252 = tpu.vector_load %arg18[%get3A_251] {strides = array<i32>} : memref<16xf32, #tpu.memory_space<vmem>>, vector<16xf32>,
      tpu.vector_store_idx %arg17[%iota3A, %broadcast_in_dim3A_250], %get3A_252 : memref<16x16xf32, #tpu.memory_space<vmem>>[vector<16xi32>, vector<16xi32>], vector<16xf32>,
      %broadcast_in_dim3A_253 = arith.constant 3 : i32
      %broadcast_in_dim3A_254 = vector.broadcast %broadcast_in_dim3A_253 : i32 to vector<16xi32>
      %get3A_255 = arith.constant 0 : index
      %get3A_256 = tpu.vector_load %arg19[%get3A_255] {strides = array<i32>} : memref<16xf32, #tpu.memory_space<vmem>>, vector<16xf32>,
      tpu.vector_store_idx %arg17[%iota3A, %broadcast_in_dim3A_254], %get3A_256 : memref<16x16xf32, #tpu.memory_space<vmem>>[vector<16xi32>, vector<16xi32>], vector<16xf32>,
      %broadcast_in_dim3A_257 = arith.constant 4 : i32
      %broadcast_in_dim3A_258 = vector.broadcast %broadcast_in_dim3A_257 : i32 to vector<16xi32>
      %get3A_259 = arith.constant 0 : index
      %get3A_260 = tpu.vector_load %arg20[%get3A_259] {strides = array<i32>} : memref<16xf32, #tpu.memory_space<vmem>>, vector<16xf32>,
      %mul3A_261 = arith.constant 1.000000e+01 : f32
      %mul3A_262 = vector.broadcast %mul3A_261 : f32 to vector<16xf32>
      %mul3A_263 = arith.mulf %get3A_260, %mul3A_262 : vector<16xf32>
      %exp3A = math.exp %mul3A_263 : vector<16xf32>
      tpu.vector_store_idx %arg17[%iota3A, %broadcast_in_dim3A_258], %exp3A : memref<16x16xf32, #tpu.memory_space<vmem>>[vector<16xi32>, vector<16xi32>], vector<16xf32>,
      %broadcast_in_dim3A_264 = arith.constant 5 : i32
      %broadcast_in_dim3A_265 = vector.broadcast %broadcast_in_dim3A_264 : i32 to vector<16xi32>
      %get3A_266 = arith.constant 0 : index
      %get3A_267 = tpu.vector_load %arg21[%get3A_266] {strides = array<i32>} : memref<16xf32, #tpu.memory_space<vmem>>, vector<16xf32>,
      %mul3A_268 = arith.constant 1.000000e+01 : f32
      %mul3A_269 = vector.broadcast %mul3A_268 : f32 to vector<16xf32>
      %mul3A_270 = arith.mulf %get3A_267, %mul3A_269 : vector<16xf32>
      %exp3A_271 = math.exp %mul3A_270 : vector<16xf32>
      tpu.vector_store_idx %arg17[%iota3A, %broadcast_in_dim3A_265], %exp3A_271 : memref<16x16xf32, #tpu.memory_space<vmem>>[vector<16xi32>, vector<16xi32>], vector<16xf32>,
      %broadcast_in_dim3A_272 = arith.constant 6 : i32
      %broadcast_in_dim3A_273 = vector.broadcast %broadcast_in_dim3A_272 : i32 to vector<16xi32>
      %broadcast_in_dim3A_274 = arith.constant 1.000000e+00 : f32
      %broadcast_in_dim3A_275 = vector.broadcast %broadcast_in_dim3A_274 : f32 to vector<16xf32>
      tpu.vector_store_idx %arg17[%iota3A, %broadcast_in_dim3A_273], %broadcast_in_dim3A_275 : memref<16x16xf32, #tpu.memory_space<vmem>>[vector<16xi32>, vector<16xi32>], vector<16xf32>,
      %scan3A_276 = arith.constant 0 : i32
      %scan3A_277 = arith.constant 0 : i32
      %scan3A_278 = arith.constant 16 : i32
      %scan3A_279 = arith.addi %scan3A_277, %scan3A_278 : i32
      %scan3A_280 = arith.constant 1 : i32
      %scan3A_281 = scf.for %scan3A_284 = %scan3A_277 to %scan3A_279 step %scan3A_280 iter_args(%scan3A_285 = %scan3A_276) -> (i32)  : i32 {
        %mul3A_286 = arith.constant 16 : i32
        %mul3A_287 = arith.muli %while3A_205, %mul3A_286 : i32
        %add3A_288 = arith.addi %mul3A_287, %scan3A_284 : i32
        %lt3A_289 = arith.cmpi slt, %add3A_288, %while3A_118 : i32
        %convert_element_type3A_290 = arith.extui %lt3A_289 : i1 to i32
        %cond3A = arith.constant 0 : i32
        %cond3A_291 = arith.cmpi ne, %convert_element_type3A_290, %cond3A : i32
        scf.if %cond3A_291 {
          %broadcast_in_dim3A_293 = vector.broadcast %add3A_288 : i32 to vector<16xi32>
          %gather3A = tpu.vector_load_idx %arg16[%broadcast_in_dim3A_293] : memref<512xi32, #tpu.memory_space<vmem>>[vector<16xi32>], vector<16xi32>,
          %slice3A_294 = vector.extract_strided_slice %gather3A {offsets = [0], sizes = [1], strides = [1]} : vector<16xi32> to vector<1xi32>
          %squeeze3A_295 = vector.extract %slice3A_294[0] : i32 from vector<1xi32>
          "tpu.region"() ({
            %run_scoped3A = tpu.sem_alloc : memref<!tpu.dma_semaphore, #tpu.memory_space<semaphore_mem>>
            %dma_start3A_296 = arith.constant 0 : i32
            %dma_start3A_297 = tpu.memref_slice %arg17[%scan3A_284, %dma_start3A_296] : memref<16x16xf32, #tpu.memory_space<vmem>> -> memref<1x16xf32, #tpu.memory_space<vmem>>
            %dma_start3A_298 = tpu.memref_squeeze %dma_start3A_297 : memref<1x16xf32, #tpu.memory_space<vmem>> -> memref<16xf32, #tpu.memory_space<vmem>>
            %dma_start3A_299 = arith.constant 0 : i32
            %dma_start3A_300 = tpu.memref_slice %arg7[%squeeze3A_295, %dma_start3A_299] : memref<272x16xf32, #tpu.memory_space<hbm>> -> memref<1x16xf32, #tpu.memory_space<hbm>>
            %dma_start3A_301 = tpu.memref_squeeze %dma_start3A_300 : memref<1x16xf32, #tpu.memory_space<hbm>> -> memref<16xf32, #tpu.memory_space<hbm>>
            %dma_start3A_302 = arith.constant 0 : i32
            %dma_start3A_303 = tpu.memref_slice %arg7[%squeeze3A_295, %dma_start3A_302] : memref<272x16xf32, #tpu.memory_space<hbm>> -> memref<1x16xf32, #tpu.memory_space<hbm>>
            %dma_start3A_304 = tpu.memref_squeeze %dma_start3A_303 : memref<1x16xf32, #tpu.memory_space<hbm>> -> memref<16xf32, #tpu.memory_space<hbm>>
            %dma_start3A_305 = arith.constant 0 : i32
            %dma_start3A_306 = tpu.memref_slice %arg17[%scan3A_284, %dma_start3A_305] : memref<16x16xf32, #tpu.memory_space<vmem>> -> memref<1x16xf32, #tpu.memory_space<vmem>>
            %dma_start3A_307 = tpu.memref_squeeze %dma_start3A_306 : memref<1x16xf32, #tpu.memory_space<vmem>> -> memref<16xf32, #tpu.memory_space<vmem>>
            tpu.enqueue_dma source(%dma_start3A_307 : memref<16xf32, #tpu.memory_space<vmem>>) target(%dma_start3A_304 : memref<16xf32, #tpu.memory_space<hbm>>) target_semaphore(%run_scoped3A : memref<!tpu.dma_semaphore, #tpu.memory_space<semaphore_mem>>)
            %dma_wait3A_308 = arith.constant 0 : i32
            %dma_wait3A_309 = tpu.memref_slice %arg17[%scan3A_284, %dma_wait3A_308] : memref<16x16xf32, #tpu.memory_space<vmem>> -> memref<1x16xf32, #tpu.memory_space<vmem>>
            %dma_wait3A_310 = tpu.memref_squeeze %dma_wait3A_309 : memref<1x16xf32, #tpu.memory_space<vmem>> -> memref<16xf32, #tpu.memory_space<vmem>>
            %dma_wait3A_311 = arith.constant 0 : i32
            %dma_wait3A_312 = tpu.memref_slice %arg7[%squeeze3A_295, %dma_wait3A_311] : memref<272x16xf32, #tpu.memory_space<hbm>> -> memref<1x16xf32, #tpu.memory_space<hbm>>
            %dma_wait3A_313 = tpu.memref_squeeze %dma_wait3A_312 : memref<1x16xf32, #tpu.memory_space<hbm>> -> memref<16xf32, #tpu.memory_space<hbm>>
            %dma_wait3A_314 = arith.constant 0 : i32
            %dma_wait3A_315 = tpu.memref_slice %arg7[%squeeze3A_295, %dma_wait3A_314] : memref<272x16xf32, #tpu.memory_space<hbm>> -> memref<1x16xf32, #tpu.memory_space<hbm>>
            %dma_wait3A_316 = tpu.memref_squeeze %dma_wait3A_315 : memref<1x16xf32, #tpu.memory_space<hbm>> -> memref<16xf32, #tpu.memory_space<hbm>>
            %dma_wait3A_317 = arith.constant 0 : i32
            %dma_wait3A_318 = tpu.memref_slice %arg17[%scan3A_284, %dma_wait3A_317] : memref<16x16xf32, #tpu.memory_space<vmem>> -> memref<1x16xf32, #tpu.memory_space<vmem>>
            %dma_wait3A_319 = tpu.memref_squeeze %dma_wait3A_318 : memref<1x16xf32, #tpu.memory_space<vmem>> -> memref<16xf32, #tpu.memory_space<vmem>>
            tpu.wait_dma2 semaphore(%run_scoped3A : memref<!tpu.dma_semaphore, #tpu.memory_space<semaphore_mem>>) src(%dma_wait3A_319 : memref<16xf32, #tpu.memory_space<vmem>>) dst(%dma_wait3A_316 : memref<16xf32, #tpu.memory_space<hbm>>)
            tpu.yield
          }) : () -> ()
        } else {
        }
        %scan3A_292 = arith.constant 0 : i32
        scf.yield %scan3A_292 : i32
      }
      %scan3A_282 = arith.constant 16 : i32
      %while3A_283 = arith.constant 0 : i32
      scf.yield %while3A_283 : i32
    }
    return
  }
}

#map = affine_map<(d0, d1) -> (0, 0)>
#map1 = affine_map<(d0, d1) -> (0)>
module attributes {stable_mosaic.version = 14 : i64} {
  func.func @_sc_paint(%arg0: i32, %arg1: i32, %arg2: memref<272x16xf32, #tpu.memory_space<hbm>>, %arg3: memref<524288xf32, #tpu.memory_space<hbm>>, %arg4: memref<262144xf32, #tpu.memory_space<hbm>>, %arg5: memref<262144xf32, #tpu.memory_space<hbm>>, %arg6: memref<256x16xf32, #tpu.memory_space<vmem>>, %arg7: memref<8320xf32, #tpu.memory_space<vmem>>, %arg8: memref<8320xf32, #tpu.memory_space<vmem>>, %arg9: memref<8320xf32, #tpu.memory_space<vmem>>, %arg10: memref<8320xf32, #tpu.memory_space<vmem>>, %arg11: memref<!tpu.dma_semaphore, #tpu.memory_space<semaphore_mem>>) attributes {dimension_semantics = [#tpu.dimension_semantics<core_parallel>, #tpu.dimension_semantics<subcore_parallel>], iteration_bounds = array<i64: 2, 16>, scalar_prefetch = 0 : i64, scratch_operands = 6 : i64, tpu.core_type = #tpu.core_type<sc_vector_subcore>, window_params = [{transform_indices = #map}, {transform_indices = #map1}, {transform_indices = #map1}, {transform_indices = #map1}]} {
    %mul3A = arith.constant 2 : i32
    %mul3A_0 = arith.muli %arg1, %mul3A : i32
    %add3A = arith.addi %mul3A_0, %arg0 : i32
    %iota3A = tpu.iota {dimensions = array<i32: 0>} : vector<16xi32>
    "tpu.region"() ({
      %run_scoped3A = tpu.sem_alloc : memref<!tpu.dma_semaphore, #tpu.memory_space<semaphore_mem>>
      %dma_start3A_940 = arith.constant 0 : i32
      %dma_start3A_941 = arith.constant 0 : i32
      %dma_start3A_942 = tpu.memref_slice %arg2[%dma_start3A_940, %dma_start3A_941] : memref<272x16xf32, #tpu.memory_space<hbm>> -> memref<256x16xf32, #tpu.memory_space<hbm>>
      %dma_start3A_943 = arith.constant 0 : i32
      %dma_start3A_944 = arith.constant 0 : i32
      %dma_start3A_945 = tpu.memref_slice %arg2[%dma_start3A_943, %dma_start3A_944] : memref<272x16xf32, #tpu.memory_space<hbm>> -> memref<256x16xf32, #tpu.memory_space<hbm>>
      tpu.enqueue_dma source(%dma_start3A_945 : memref<256x16xf32, #tpu.memory_space<hbm>>) target(%arg6 : memref<256x16xf32, #tpu.memory_space<vmem>>) target_semaphore(%run_scoped3A : memref<!tpu.dma_semaphore, #tpu.memory_space<semaphore_mem>>)
      %dma_wait3A_946 = arith.constant 0 : i32
      %dma_wait3A_947 = arith.constant 0 : i32
      %dma_wait3A_948 = tpu.memref_slice %arg2[%dma_wait3A_946, %dma_wait3A_947] : memref<272x16xf32, #tpu.memory_space<hbm>> -> memref<256x16xf32, #tpu.memory_space<hbm>>
      %dma_wait3A_949 = arith.constant 0 : i32
      %dma_wait3A_950 = arith.constant 0 : i32
      %dma_wait3A_951 = tpu.memref_slice %arg2[%dma_wait3A_949, %dma_wait3A_950] : memref<272x16xf32, #tpu.memory_space<hbm>> -> memref<256x16xf32, #tpu.memory_space<hbm>>
      tpu.wait_dma2 semaphore(%run_scoped3A : memref<!tpu.dma_semaphore, #tpu.memory_space<semaphore_mem>>) src(%dma_wait3A_951 : memref<256x16xf32, #tpu.memory_space<hbm>>) dst(%arg6 : memref<256x16xf32, #tpu.memory_space<vmem>>)
      tpu.yield
    }) : () -> ()
    %add3A_1 = arith.constant 0 : i32
    %add3A_2 = arith.addi %add3A, %add3A_1 : i32
    %mul3A_3 = arith.constant 512 : i32
    %mul3A_4 = arith.muli %add3A_2, %mul3A_3 : i32
    %dma_start3A = arith.constant 0 : i32
    %dma_start3A_5 = tpu.memref_slice %arg7[%dma_start3A] : memref<8320xf32, #tpu.memory_space<vmem>> -> memref<512xf32, #tpu.memory_space<vmem>>
    %dma_start3A_6 = tpu.memref_slice %arg3[%mul3A_4] : memref<524288xf32, #tpu.memory_space<hbm>> -> memref<512xf32, #tpu.memory_space<hbm>>
    %dma_start3A_7 = arith.constant 0 : i32
    %dma_start3A_8 = tpu.memref_slice %arg7[%dma_start3A_7] : memref<8320xf32, #tpu.memory_space<vmem>> -> memref<512xf32, #tpu.memory_space<vmem>>
    %dma_start3A_9 = tpu.memref_slice %arg3[%mul3A_4] : memref<524288xf32, #tpu.memory_space<hbm>> -> memref<512xf32, #tpu.memory_space<hbm>>
    tpu.enqueue_dma source(%dma_start3A_9 : memref<512xf32, #tpu.memory_space<hbm>>) target(%dma_start3A_8 : memref<512xf32, #tpu.memory_space<vmem>>) target_semaphore(%arg11 : memref<!tpu.dma_semaphore, #tpu.memory_space<semaphore_mem>>)
    %add3A_10 = arith.constant 262144 : i32
    %add3A_11 = arith.addi %add3A_10, %mul3A_4 : i32
    %dma_start3A_12 = arith.constant 0 : i32
    %dma_start3A_13 = tpu.memref_slice %arg8[%dma_start3A_12] : memref<8320xf32, #tpu.memory_space<vmem>> -> memref<512xf32, #tpu.memory_space<vmem>>
    %dma_start3A_14 = tpu.memref_slice %arg3[%add3A_11] : memref<524288xf32, #tpu.memory_space<hbm>> -> memref<512xf32, #tpu.memory_space<hbm>>
    %dma_start3A_15 = arith.constant 0 : i32
    %dma_start3A_16 = tpu.memref_slice %arg8[%dma_start3A_15] : memref<8320xf32, #tpu.memory_space<vmem>> -> memref<512xf32, #tpu.memory_space<vmem>>
    %dma_start3A_17 = tpu.memref_slice %arg3[%add3A_11] : memref<524288xf32, #tpu.memory_space<hbm>> -> memref<512xf32, #tpu.memory_space<hbm>>
    tpu.enqueue_dma source(%dma_start3A_17 : memref<512xf32, #tpu.memory_space<hbm>>) target(%dma_start3A_16 : memref<512xf32, #tpu.memory_space<vmem>>) target_semaphore(%arg11 : memref<!tpu.dma_semaphore, #tpu.memory_space<semaphore_mem>>)
    %add3A_18 = arith.constant 32 : i32
    %add3A_19 = arith.addi %add3A, %add3A_18 : i32
    %mul3A_20 = arith.constant 512 : i32
    %mul3A_21 = arith.muli %add3A_19, %mul3A_20 : i32
    %dma_start3A_22 = arith.constant 512 : i32
    %dma_start3A_23 = tpu.memref_slice %arg7[%dma_start3A_22] : memref<8320xf32, #tpu.memory_space<vmem>> -> memref<512xf32, #tpu.memory_space<vmem>>
    %dma_start3A_24 = tpu.memref_slice %arg3[%mul3A_21] : memref<524288xf32, #tpu.memory_space<hbm>> -> memref<512xf32, #tpu.memory_space<hbm>>
    %dma_start3A_25 = arith.constant 512 : i32
    %dma_start3A_26 = tpu.memref_slice %arg7[%dma_start3A_25] : memref<8320xf32, #tpu.memory_space<vmem>> -> memref<512xf32, #tpu.memory_space<vmem>>
    %dma_start3A_27 = tpu.memref_slice %arg3[%mul3A_21] : memref<524288xf32, #tpu.memory_space<hbm>> -> memref<512xf32, #tpu.memory_space<hbm>>
    tpu.enqueue_dma source(%dma_start3A_27 : memref<512xf32, #tpu.memory_space<hbm>>) target(%dma_start3A_26 : memref<512xf32, #tpu.memory_space<vmem>>) target_semaphore(%arg11 : memref<!tpu.dma_semaphore, #tpu.memory_space<semaphore_mem>>)
    %add3A_28 = arith.constant 262144 : i32
    %add3A_29 = arith.addi %add3A_28, %mul3A_21 : i32
    %dma_start3A_30 = arith.constant 512 : i32
    %dma_start3A_31 = tpu.memref_slice %arg8[%dma_start3A_30] : memref<8320xf32, #tpu.memory_space<vmem>> -> memref<512xf32, #tpu.memory_space<vmem>>
    %dma_start3A_32 = tpu.memref_slice %arg3[%add3A_29] : memref<524288xf32, #tpu.memory_space<hbm>> -> memref<512xf32, #tpu.memory_space<hbm>>
    %dma_start3A_33 = arith.constant 512 : i32
    %dma_start3A_34 = tpu.memref_slice %arg8[%dma_start3A_33] : memref<8320xf32, #tpu.memory_space<vmem>> -> memref<512xf32, #tpu.memory_space<vmem>>
    %dma_start3A_35 = tpu.memref_slice %arg3[%add3A_29] : memref<524288xf32, #tpu.memory_space<hbm>> -> memref<512xf32, #tpu.memory_space<hbm>>
    tpu.enqueue_dma source(%dma_start3A_35 : memref<512xf32, #tpu.memory_space<hbm>>) target(%dma_start3A_34 : memref<512xf32, #tpu.memory_space<vmem>>) target_semaphore(%arg11 : memref<!tpu.dma_semaphore, #tpu.memory_space<semaphore_mem>>)
    %add3A_36 = arith.constant 64 : i32
    %add3A_37 = arith.addi %add3A, %add3A_36 : i32
    %mul3A_38 = arith.constant 512 : i32
    %mul3A_39 = arith.muli %add3A_37, %mul3A_38 : i32
    %dma_start3A_40 = arith.constant 1024 : i32
    %dma_start3A_41 = tpu.memref_slice %arg7[%dma_start3A_40] : memref<8320xf32, #tpu.memory_space<vmem>> -> memref<512xf32, #tpu.memory_space<vmem>>
    %dma_start3A_42 = tpu.memref_slice %arg3[%mul3A_39] : memref<524288xf32, #tpu.memory_space<hbm>> -> memref<512xf32, #tpu.memory_space<hbm>>
    %dma_start3A_43 = arith.constant 1024 : i32
    %dma_start3A_44 = tpu.memref_slice %arg7[%dma_start3A_43] : memref<8320xf32, #tpu.memory_space<vmem>> -> memref<512xf32, #tpu.memory_space<vmem>>
    %dma_start3A_45 = tpu.memref_slice %arg3[%mul3A_39] : memref<524288xf32, #tpu.memory_space<hbm>> -> memref<512xf32, #tpu.memory_space<hbm>>
    tpu.enqueue_dma source(%dma_start3A_45 : memref<512xf32, #tpu.memory_space<hbm>>) target(%dma_start3A_44 : memref<512xf32, #tpu.memory_space<vmem>>) target_semaphore(%arg11 : memref<!tpu.dma_semaphore, #tpu.memory_space<semaphore_mem>>)
    %add3A_46 = arith.constant 262144 : i32
    %add3A_47 = arith.addi %add3A_46, %mul3A_39 : i32
    %dma_start3A_48 = arith.constant 1024 : i32
    %dma_start3A_49 = tpu.memref_slice %arg8[%dma_start3A_48] : memref<8320xf32, #tpu.memory_space<vmem>> -> memref<512xf32, #tpu.memory_space<vmem>>
    %dma_start3A_50 = tpu.memref_slice %arg3[%add3A_47] : memref<524288xf32, #tpu.memory_space<hbm>> -> memref<512xf32, #tpu.memory_space<hbm>>
    %dma_start3A_51 = arith.constant 1024 : i32
    %dma_start3A_52 = tpu.memref_slice %arg8[%dma_start3A_51] : memref<8320xf32, #tpu.memory_space<vmem>> -> memref<512xf32, #tpu.memory_space<vmem>>
    %dma_start3A_53 = tpu.memref_slice %arg3[%add3A_47] : memref<524288xf32, #tpu.memory_space<hbm>> -> memref<512xf32, #tpu.memory_space<hbm>>
    tpu.enqueue_dma source(%dma_start3A_53 : memref<512xf32, #tpu.memory_space<hbm>>) target(%dma_start3A_52 : memref<512xf32, #tpu.memory_space<vmem>>) target_semaphore(%arg11 : memref<!tpu.dma_semaphore, #tpu.memory_space<semaphore_mem>>)
    %add3A_54 = arith.constant 96 : i32
    %add3A_55 = arith.addi %add3A, %add3A_54 : i32
    %mul3A_56 = arith.constant 512 : i32
    %mul3A_57 = arith.muli %add3A_55, %mul3A_56 : i32
    %dma_start3A_58 = arith.constant 1536 : i32
    %dma_start3A_59 = tpu.memref_slice %arg7[%dma_start3A_58] : memref<8320xf32, #tpu.memory_space<vmem>> -> memref<512xf32, #tpu.memory_space<vmem>>
    %dma_start3A_60 = tpu.memref_slice %arg3[%mul3A_57] : memref<524288xf32, #tpu.memory_space<hbm>> -> memref<512xf32, #tpu.memory_space<hbm>>
    %dma_start3A_61 = arith.constant 1536 : i32
    %dma_start3A_62 = tpu.memref_slice %arg7[%dma_start3A_61] : memref<8320xf32, #tpu.memory_space<vmem>> -> memref<512xf32, #tpu.memory_space<vmem>>
    %dma_start3A_63 = tpu.memref_slice %arg3[%mul3A_57] : memref<524288xf32, #tpu.memory_space<hbm>> -> memref<512xf32, #tpu.memory_space<hbm>>
    tpu.enqueue_dma source(%dma_start3A_63 : memref<512xf32, #tpu.memory_space<hbm>>) target(%dma_start3A_62 : memref<512xf32, #tpu.memory_space<vmem>>) target_semaphore(%arg11 : memref<!tpu.dma_semaphore, #tpu.memory_space<semaphore_mem>>)
    %add3A_64 = arith.constant 262144 : i32
    %add3A_65 = arith.addi %add3A_64, %mul3A_57 : i32
    %dma_start3A_66 = arith.constant 1536 : i32
    %dma_start3A_67 = tpu.memref_slice %arg8[%dma_start3A_66] : memref<8320xf32, #tpu.memory_space<vmem>> -> memref<512xf32, #tpu.memory_space<vmem>>
    %dma_start3A_68 = tpu.memref_slice %arg3[%add3A_65] : memref<524288xf32, #tpu.memory_space<hbm>> -> memref<512xf32, #tpu.memory_space<hbm>>
    %dma_start3A_69 = arith.constant 1536 : i32
    %dma_start3A_70 = tpu.memref_slice %arg8[%dma_start3A_69] : memref<8320xf32, #tpu.memory_space<vmem>> -> memref<512xf32, #tpu.memory_space<vmem>>
    %dma_start3A_71 = tpu.memref_slice %arg3[%add3A_65] : memref<524288xf32, #tpu.memory_space<hbm>> -> memref<512xf32, #tpu.memory_space<hbm>>
    tpu.enqueue_dma source(%dma_start3A_71 : memref<512xf32, #tpu.memory_space<hbm>>) target(%dma_start3A_70 : memref<512xf32, #tpu.memory_space<vmem>>) target_semaphore(%arg11 : memref<!tpu.dma_semaphore, #tpu.memory_space<semaphore_mem>>)
    %add3A_72 = arith.constant 128 : i32
    %add3A_73 = arith.addi %add3A, %add3A_72 : i32
    %mul3A_74 = arith.constant 512 : i32
    %mul3A_75 = arith.muli %add3A_73, %mul3A_74 : i32
    %dma_start3A_76 = arith.constant 2048 : i32
    %dma_start3A_77 = tpu.memref_slice %arg7[%dma_start3A_76] : memref<8320xf32, #tpu.memory_space<vmem>> -> memref<512xf32, #tpu.memory_space<vmem>>
    %dma_start3A_78 = tpu.memref_slice %arg3[%mul3A_75] : memref<524288xf32, #tpu.memory_space<hbm>> -> memref<512xf32, #tpu.memory_space<hbm>>
    %dma_start3A_79 = arith.constant 2048 : i32
    %dma_start3A_80 = tpu.memref_slice %arg7[%dma_start3A_79] : memref<8320xf32, #tpu.memory_space<vmem>> -> memref<512xf32, #tpu.memory_space<vmem>>
    %dma_start3A_81 = tpu.memref_slice %arg3[%mul3A_75] : memref<524288xf32, #tpu.memory_space<hbm>> -> memref<512xf32, #tpu.memory_space<hbm>>
    tpu.enqueue_dma source(%dma_start3A_81 : memref<512xf32, #tpu.memory_space<hbm>>) target(%dma_start3A_80 : memref<512xf32, #tpu.memory_space<vmem>>) target_semaphore(%arg11 : memref<!tpu.dma_semaphore, #tpu.memory_space<semaphore_mem>>)
    %add3A_82 = arith.constant 262144 : i32
    %add3A_83 = arith.addi %add3A_82, %mul3A_75 : i32
    %dma_start3A_84 = arith.constant 2048 : i32
    %dma_start3A_85 = tpu.memref_slice %arg8[%dma_start3A_84] : memref<8320xf32, #tpu.memory_space<vmem>> -> memref<512xf32, #tpu.memory_space<vmem>>
    %dma_start3A_86 = tpu.memref_slice %arg3[%add3A_83] : memref<524288xf32, #tpu.memory_space<hbm>> -> memref<512xf32, #tpu.memory_space<hbm>>
    %dma_start3A_87 = arith.constant 2048 : i32
    %dma_start3A_88 = tpu.memref_slice %arg8[%dma_start3A_87] : memref<8320xf32, #tpu.memory_space<vmem>> -> memref<512xf32, #tpu.memory_space<vmem>>
    %dma_start3A_89 = tpu.memref_slice %arg3[%add3A_83] : memref<524288xf32, #tpu.memory_space<hbm>> -> memref<512xf32, #tpu.memory_space<hbm>>
    tpu.enqueue_dma source(%dma_start3A_89 : memref<512xf32, #tpu.memory_space<hbm>>) target(%dma_start3A_88 : memref<512xf32, #tpu.memory_space<vmem>>) target_semaphore(%arg11 : memref<!tpu.dma_semaphore, #tpu.memory_space<semaphore_mem>>)
    %add3A_90 = arith.constant 160 : i32
    %add3A_91 = arith.addi %add3A, %add3A_90 : i32
    %mul3A_92 = arith.constant 512 : i32
    %mul3A_93 = arith.muli %add3A_91, %mul3A_92 : i32
    %dma_start3A_94 = arith.constant 2560 : i32
    %dma_start3A_95 = tpu.memref_slice %arg7[%dma_start3A_94] : memref<8320xf32, #tpu.memory_space<vmem>> -> memref<512xf32, #tpu.memory_space<vmem>>
    %dma_start3A_96 = tpu.memref_slice %arg3[%mul3A_93] : memref<524288xf32, #tpu.memory_space<hbm>> -> memref<512xf32, #tpu.memory_space<hbm>>
    %dma_start3A_97 = arith.constant 2560 : i32
    %dma_start3A_98 = tpu.memref_slice %arg7[%dma_start3A_97] : memref<8320xf32, #tpu.memory_space<vmem>> -> memref<512xf32, #tpu.memory_space<vmem>>
    %dma_start3A_99 = tpu.memref_slice %arg3[%mul3A_93] : memref<524288xf32, #tpu.memory_space<hbm>> -> memref<512xf32, #tpu.memory_space<hbm>>
    tpu.enqueue_dma source(%dma_start3A_99 : memref<512xf32, #tpu.memory_space<hbm>>) target(%dma_start3A_98 : memref<512xf32, #tpu.memory_space<vmem>>) target_semaphore(%arg11 : memref<!tpu.dma_semaphore, #tpu.memory_space<semaphore_mem>>)
    %add3A_100 = arith.constant 262144 : i32
    %add3A_101 = arith.addi %add3A_100, %mul3A_93 : i32
    %dma_start3A_102 = arith.constant 2560 : i32
    %dma_start3A_103 = tpu.memref_slice %arg8[%dma_start3A_102] : memref<8320xf32, #tpu.memory_space<vmem>> -> memref<512xf32, #tpu.memory_space<vmem>>
    %dma_start3A_104 = tpu.memref_slice %arg3[%add3A_101] : memref<524288xf32, #tpu.memory_space<hbm>> -> memref<512xf32, #tpu.memory_space<hbm>>
    %dma_start3A_105 = arith.constant 2560 : i32
    %dma_start3A_106 = tpu.memref_slice %arg8[%dma_start3A_105] : memref<8320xf32, #tpu.memory_space<vmem>> -> memref<512xf32, #tpu.memory_space<vmem>>
    %dma_start3A_107 = tpu.memref_slice %arg3[%add3A_101] : memref<524288xf32, #tpu.memory_space<hbm>> -> memref<512xf32, #tpu.memory_space<hbm>>
    tpu.enqueue_dma source(%dma_start3A_107 : memref<512xf32, #tpu.memory_space<hbm>>) target(%dma_start3A_106 : memref<512xf32, #tpu.memory_space<vmem>>) target_semaphore(%arg11 : memref<!tpu.dma_semaphore, #tpu.memory_space<semaphore_mem>>)
    %add3A_108 = arith.constant 192 : i32
    %add3A_109 = arith.addi %add3A, %add3A_108 : i32
    %mul3A_110 = arith.constant 512 : i32
    %mul3A_111 = arith.muli %add3A_109, %mul3A_110 : i32
    %dma_start3A_112 = arith.constant 3072 : i32
    %dma_start3A_113 = tpu.memref_slice %arg7[%dma_start3A_112] : memref<8320xf32, #tpu.memory_space<vmem>> -> memref<512xf32, #tpu.memory_space<vmem>>
    %dma_start3A_114 = tpu.memref_slice %arg3[%mul3A_111] : memref<524288xf32, #tpu.memory_space<hbm>> -> memref<512xf32, #tpu.memory_space<hbm>>
    %dma_start3A_115 = arith.constant 3072 : i32
    %dma_start3A_116 = tpu.memref_slice %arg7[%dma_start3A_115] : memref<8320xf32, #tpu.memory_space<vmem>> -> memref<512xf32, #tpu.memory_space<vmem>>
    %dma_start3A_117 = tpu.memref_slice %arg3[%mul3A_111] : memref<524288xf32, #tpu.memory_space<hbm>> -> memref<512xf32, #tpu.memory_space<hbm>>
    tpu.enqueue_dma source(%dma_start3A_117 : memref<512xf32, #tpu.memory_space<hbm>>) target(%dma_start3A_116 : memref<512xf32, #tpu.memory_space<vmem>>) target_semaphore(%arg11 : memref<!tpu.dma_semaphore, #tpu.memory_space<semaphore_mem>>)
    %add3A_118 = arith.constant 262144 : i32
    %add3A_119 = arith.addi %add3A_118, %mul3A_111 : i32
    %dma_start3A_120 = arith.constant 3072 : i32
    %dma_start3A_121 = tpu.memref_slice %arg8[%dma_start3A_120] : memref<8320xf32, #tpu.memory_space<vmem>> -> memref<512xf32, #tpu.memory_space<vmem>>
    %dma_start3A_122 = tpu.memref_slice %arg3[%add3A_119] : memref<524288xf32, #tpu.memory_space<hbm>> -> memref<512xf32, #tpu.memory_space<hbm>>
    %dma_start3A_123 = arith.constant 3072 : i32
    %dma_start3A_124 = tpu.memref_slice %arg8[%dma_start3A_123] : memref<8320xf32, #tpu.memory_space<vmem>> -> memref<512xf32, #tpu.memory_space<vmem>>
    %dma_start3A_125 = tpu.memref_slice %arg3[%add3A_119] : memref<524288xf32, #tpu.memory_space<hbm>> -> memref<512xf32, #tpu.memory_space<hbm>>
    tpu.enqueue_dma source(%dma_start3A_125 : memref<512xf32, #tpu.memory_space<hbm>>) target(%dma_start3A_124 : memref<512xf32, #tpu.memory_space<vmem>>) target_semaphore(%arg11 : memref<!tpu.dma_semaphore, #tpu.memory_space<semaphore_mem>>)
    %add3A_126 = arith.constant 224 : i32
    %add3A_127 = arith.addi %add3A, %add3A_126 : i32
    %mul3A_128 = arith.constant 512 : i32
    %mul3A_129 = arith.muli %add3A_127, %mul3A_128 : i32
    %dma_start3A_130 = arith.constant 3584 : i32
    %dma_start3A_131 = tpu.memref_slice %arg7[%dma_start3A_130] : memref<8320xf32, #tpu.memory_space<vmem>> -> memref<512xf32, #tpu.memory_space<vmem>>
    %dma_start3A_132 = tpu.memref_slice %arg3[%mul3A_129] : memref<524288xf32, #tpu.memory_space<hbm>> -> memref<512xf32, #tpu.memory_space<hbm>>
    %dma_start3A_133 = arith.constant 3584 : i32
    %dma_start3A_134 = tpu.memref_slice %arg7[%dma_start3A_133] : memref<8320xf32, #tpu.memory_space<vmem>> -> memref<512xf32, #tpu.memory_space<vmem>>
    %dma_start3A_135 = tpu.memref_slice %arg3[%mul3A_129] : memref<524288xf32, #tpu.memory_space<hbm>> -> memref<512xf32, #tpu.memory_space<hbm>>
    tpu.enqueue_dma source(%dma_start3A_135 : memref<512xf32, #tpu.memory_space<hbm>>) target(%dma_start3A_134 : memref<512xf32, #tpu.memory_space<vmem>>) target_semaphore(%arg11 : memref<!tpu.dma_semaphore, #tpu.memory_space<semaphore_mem>>)
    %add3A_136 = arith.constant 262144 : i32
    %add3A_137 = arith.addi %add3A_136, %mul3A_129 : i32
    %dma_start3A_138 = arith.constant 3584 : i32
    %dma_start3A_139 = tpu.memref_slice %arg8[%dma_start3A_138] : memref<8320xf32, #tpu.memory_space<vmem>> -> memref<512xf32, #tpu.memory_space<vmem>>
    %dma_start3A_140 = tpu.memref_slice %arg3[%add3A_137] : memref<524288xf32, #tpu.memory_space<hbm>> -> memref<512xf32, #tpu.memory_space<hbm>>
    %dma_start3A_141 = arith.constant 3584 : i32
    %dma_start3A_142 = tpu.memref_slice %arg8[%dma_start3A_141] : memref<8320xf32, #tpu.memory_space<vmem>> -> memref<512xf32, #tpu.memory_space<vmem>>
    %dma_start3A_143 = tpu.memref_slice %arg3[%add3A_137] : memref<524288xf32, #tpu.memory_space<hbm>> -> memref<512xf32, #tpu.memory_space<hbm>>
    tpu.enqueue_dma source(%dma_start3A_143 : memref<512xf32, #tpu.memory_space<hbm>>) target(%dma_start3A_142 : memref<512xf32, #tpu.memory_space<vmem>>) target_semaphore(%arg11 : memref<!tpu.dma_semaphore, #tpu.memory_space<semaphore_mem>>)
    %add3A_144 = arith.constant 256 : i32
    %add3A_145 = arith.addi %add3A, %add3A_144 : i32
    %mul3A_146 = arith.constant 512 : i32
    %mul3A_147 = arith.muli %add3A_145, %mul3A_146 : i32
    %dma_start3A_148 = arith.constant 4096 : i32
    %dma_start3A_149 = tpu.memref_slice %arg7[%dma_start3A_148] : memref<8320xf32, #tpu.memory_space<vmem>> -> memref<512xf32, #tpu.memory_space<vmem>>
    %dma_start3A_150 = tpu.memref_slice %arg3[%mul3A_147] : memref<524288xf32, #tpu.memory_space<hbm>> -> memref<512xf32, #tpu.memory_space<hbm>>
    %dma_start3A_151 = arith.constant 4096 : i32
    %dma_start3A_152 = tpu.memref_slice %arg7[%dma_start3A_151] : memref<8320xf32, #tpu.memory_space<vmem>> -> memref<512xf32, #tpu.memory_space<vmem>>
    %dma_start3A_153 = tpu.memref_slice %arg3[%mul3A_147] : memref<524288xf32, #tpu.memory_space<hbm>> -> memref<512xf32, #tpu.memory_space<hbm>>
    tpu.enqueue_dma source(%dma_start3A_153 : memref<512xf32, #tpu.memory_space<hbm>>) target(%dma_start3A_152 : memref<512xf32, #tpu.memory_space<vmem>>) target_semaphore(%arg11 : memref<!tpu.dma_semaphore, #tpu.memory_space<semaphore_mem>>)
    %add3A_154 = arith.constant 262144 : i32
    %add3A_155 = arith.addi %add3A_154, %mul3A_147 : i32
    %dma_start3A_156 = arith.constant 4096 : i32
    %dma_start3A_157 = tpu.memref_slice %arg8[%dma_start3A_156] : memref<8320xf32, #tpu.memory_space<vmem>> -> memref<512xf32, #tpu.memory_space<vmem>>
    %dma_start3A_158 = tpu.memref_slice %arg3[%add3A_155] : memref<524288xf32, #tpu.memory_space<hbm>> -> memref<512xf32, #tpu.memory_space<hbm>>
    %dma_start3A_159 = arith.constant 4096 : i32
    %dma_start3A_160 = tpu.memref_slice %arg8[%dma_start3A_159] : memref<8320xf32, #tpu.memory_space<vmem>> -> memref<512xf32, #tpu.memory_space<vmem>>
    %dma_start3A_161 = tpu.memref_slice %arg3[%add3A_155] : memref<524288xf32, #tpu.memory_space<hbm>> -> memref<512xf32, #tpu.memory_space<hbm>>
    tpu.enqueue_dma source(%dma_start3A_161 : memref<512xf32, #tpu.memory_space<hbm>>) target(%dma_start3A_160 : memref<512xf32, #tpu.memory_space<vmem>>) target_semaphore(%arg11 : memref<!tpu.dma_semaphore, #tpu.memory_space<semaphore_mem>>)
    %add3A_162 = arith.constant 288 : i32
    %add3A_163 = arith.addi %add3A, %add3A_162 : i32
    %mul3A_164 = arith.constant 512 : i32
    %mul3A_165 = arith.muli %add3A_163, %mul3A_164 : i32
    %dma_start3A_166 = arith.constant 4608 : i32
    %dma_start3A_167 = tpu.memref_slice %arg7[%dma_start3A_166] : memref<8320xf32, #tpu.memory_space<vmem>> -> memref<512xf32, #tpu.memory_space<vmem>>
    %dma_start3A_168 = tpu.memref_slice %arg3[%mul3A_165] : memref<524288xf32, #tpu.memory_space<hbm>> -> memref<512xf32, #tpu.memory_space<hbm>>
    %dma_start3A_169 = arith.constant 4608 : i32
    %dma_start3A_170 = tpu.memref_slice %arg7[%dma_start3A_169] : memref<8320xf32, #tpu.memory_space<vmem>> -> memref<512xf32, #tpu.memory_space<vmem>>
    %dma_start3A_171 = tpu.memref_slice %arg3[%mul3A_165] : memref<524288xf32, #tpu.memory_space<hbm>> -> memref<512xf32, #tpu.memory_space<hbm>>
    tpu.enqueue_dma source(%dma_start3A_171 : memref<512xf32, #tpu.memory_space<hbm>>) target(%dma_start3A_170 : memref<512xf32, #tpu.memory_space<vmem>>) target_semaphore(%arg11 : memref<!tpu.dma_semaphore, #tpu.memory_space<semaphore_mem>>)
    %add3A_172 = arith.constant 262144 : i32
    %add3A_173 = arith.addi %add3A_172, %mul3A_165 : i32
    %dma_start3A_174 = arith.constant 4608 : i32
    %dma_start3A_175 = tpu.memref_slice %arg8[%dma_start3A_174] : memref<8320xf32, #tpu.memory_space<vmem>> -> memref<512xf32, #tpu.memory_space<vmem>>
    %dma_start3A_176 = tpu.memref_slice %arg3[%add3A_173] : memref<524288xf32, #tpu.memory_space<hbm>> -> memref<512xf32, #tpu.memory_space<hbm>>
    %dma_start3A_177 = arith.constant 4608 : i32
    %dma_start3A_178 = tpu.memref_slice %arg8[%dma_start3A_177] : memref<8320xf32, #tpu.memory_space<vmem>> -> memref<512xf32, #tpu.memory_space<vmem>>
    %dma_start3A_179 = tpu.memref_slice %arg3[%add3A_173] : memref<524288xf32, #tpu.memory_space<hbm>> -> memref<512xf32, #tpu.memory_space<hbm>>
    tpu.enqueue_dma source(%dma_start3A_179 : memref<512xf32, #tpu.memory_space<hbm>>) target(%dma_start3A_178 : memref<512xf32, #tpu.memory_space<vmem>>) target_semaphore(%arg11 : memref<!tpu.dma_semaphore, #tpu.memory_space<semaphore_mem>>)
    %add3A_180 = arith.constant 320 : i32
    %add3A_181 = arith.addi %add3A, %add3A_180 : i32
    %mul3A_182 = arith.constant 512 : i32
    %mul3A_183 = arith.muli %add3A_181, %mul3A_182 : i32
    %dma_start3A_184 = arith.constant 5120 : i32
    %dma_start3A_185 = tpu.memref_slice %arg7[%dma_start3A_184] : memref<8320xf32, #tpu.memory_space<vmem>> -> memref<512xf32, #tpu.memory_space<vmem>>
    %dma_start3A_186 = tpu.memref_slice %arg3[%mul3A_183] : memref<524288xf32, #tpu.memory_space<hbm>> -> memref<512xf32, #tpu.memory_space<hbm>>
    %dma_start3A_187 = arith.constant 5120 : i32
    %dma_start3A_188 = tpu.memref_slice %arg7[%dma_start3A_187] : memref<8320xf32, #tpu.memory_space<vmem>> -> memref<512xf32, #tpu.memory_space<vmem>>
    %dma_start3A_189 = tpu.memref_slice %arg3[%mul3A_183] : memref<524288xf32, #tpu.memory_space<hbm>> -> memref<512xf32, #tpu.memory_space<hbm>>
    tpu.enqueue_dma source(%dma_start3A_189 : memref<512xf32, #tpu.memory_space<hbm>>) target(%dma_start3A_188 : memref<512xf32, #tpu.memory_space<vmem>>) target_semaphore(%arg11 : memref<!tpu.dma_semaphore, #tpu.memory_space<semaphore_mem>>)
    %add3A_190 = arith.constant 262144 : i32
    %add3A_191 = arith.addi %add3A_190, %mul3A_183 : i32
    %dma_start3A_192 = arith.constant 5120 : i32
    %dma_start3A_193 = tpu.memref_slice %arg8[%dma_start3A_192] : memref<8320xf32, #tpu.memory_space<vmem>> -> memref<512xf32, #tpu.memory_space<vmem>>
    %dma_start3A_194 = tpu.memref_slice %arg3[%add3A_191] : memref<524288xf32, #tpu.memory_space<hbm>> -> memref<512xf32, #tpu.memory_space<hbm>>
    %dma_start3A_195 = arith.constant 5120 : i32
    %dma_start3A_196 = tpu.memref_slice %arg8[%dma_start3A_195] : memref<8320xf32, #tpu.memory_space<vmem>> -> memref<512xf32, #tpu.memory_space<vmem>>
    %dma_start3A_197 = tpu.memref_slice %arg3[%add3A_191] : memref<524288xf32, #tpu.memory_space<hbm>> -> memref<512xf32, #tpu.memory_space<hbm>>
    tpu.enqueue_dma source(%dma_start3A_197 : memref<512xf32, #tpu.memory_space<hbm>>) target(%dma_start3A_196 : memref<512xf32, #tpu.memory_space<vmem>>) target_semaphore(%arg11 : memref<!tpu.dma_semaphore, #tpu.memory_space<semaphore_mem>>)
    %add3A_198 = arith.constant 352 : i32
    %add3A_199 = arith.addi %add3A, %add3A_198 : i32
    %mul3A_200 = arith.constant 512 : i32
    %mul3A_201 = arith.muli %add3A_199, %mul3A_200 : i32
    %dma_start3A_202 = arith.constant 5632 : i32
    %dma_start3A_203 = tpu.memref_slice %arg7[%dma_start3A_202] : memref<8320xf32, #tpu.memory_space<vmem>> -> memref<512xf32, #tpu.memory_space<vmem>>
    %dma_start3A_204 = tpu.memref_slice %arg3[%mul3A_201] : memref<524288xf32, #tpu.memory_space<hbm>> -> memref<512xf32, #tpu.memory_space<hbm>>
    %dma_start3A_205 = arith.constant 5632 : i32
    %dma_start3A_206 = tpu.memref_slice %arg7[%dma_start3A_205] : memref<8320xf32, #tpu.memory_space<vmem>> -> memref<512xf32, #tpu.memory_space<vmem>>
    %dma_start3A_207 = tpu.memref_slice %arg3[%mul3A_201] : memref<524288xf32, #tpu.memory_space<hbm>> -> memref<512xf32, #tpu.memory_space<hbm>>
    tpu.enqueue_dma source(%dma_start3A_207 : memref<512xf32, #tpu.memory_space<hbm>>) target(%dma_start3A_206 : memref<512xf32, #tpu.memory_space<vmem>>) target_semaphore(%arg11 : memref<!tpu.dma_semaphore, #tpu.memory_space<semaphore_mem>>)
    %add3A_208 = arith.constant 262144 : i32
    %add3A_209 = arith.addi %add3A_208, %mul3A_201 : i32
    %dma_start3A_210 = arith.constant 5632 : i32
    %dma_start3A_211 = tpu.memref_slice %arg8[%dma_start3A_210] : memref<8320xf32, #tpu.memory_space<vmem>> -> memref<512xf32, #tpu.memory_space<vmem>>
    %dma_start3A_212 = tpu.memref_slice %arg3[%add3A_209] : memref<524288xf32, #tpu.memory_space<hbm>> -> memref<512xf32, #tpu.memory_space<hbm>>
    %dma_start3A_213 = arith.constant 5632 : i32
    %dma_start3A_214 = tpu.memref_slice %arg8[%dma_start3A_213] : memref<8320xf32, #tpu.memory_space<vmem>> -> memref<512xf32, #tpu.memory_space<vmem>>
    %dma_start3A_215 = tpu.memref_slice %arg3[%add3A_209] : memref<524288xf32, #tpu.memory_space<hbm>> -> memref<512xf32, #tpu.memory_space<hbm>>
    tpu.enqueue_dma source(%dma_start3A_215 : memref<512xf32, #tpu.memory_space<hbm>>) target(%dma_start3A_214 : memref<512xf32, #tpu.memory_space<vmem>>) target_semaphore(%arg11 : memref<!tpu.dma_semaphore, #tpu.memory_space<semaphore_mem>>)
    %add3A_216 = arith.constant 384 : i32
    %add3A_217 = arith.addi %add3A, %add3A_216 : i32
    %mul3A_218 = arith.constant 512 : i32
    %mul3A_219 = arith.muli %add3A_217, %mul3A_218 : i32
    %dma_start3A_220 = arith.constant 6144 : i32
    %dma_start3A_221 = tpu.memref_slice %arg7[%dma_start3A_220] : memref<8320xf32, #tpu.memory_space<vmem>> -> memref<512xf32, #tpu.memory_space<vmem>>
    %dma_start3A_222 = tpu.memref_slice %arg3[%mul3A_219] : memref<524288xf32, #tpu.memory_space<hbm>> -> memref<512xf32, #tpu.memory_space<hbm>>
    %dma_start3A_223 = arith.constant 6144 : i32
    %dma_start3A_224 = tpu.memref_slice %arg7[%dma_start3A_223] : memref<8320xf32, #tpu.memory_space<vmem>> -> memref<512xf32, #tpu.memory_space<vmem>>
    %dma_start3A_225 = tpu.memref_slice %arg3[%mul3A_219] : memref<524288xf32, #tpu.memory_space<hbm>> -> memref<512xf32, #tpu.memory_space<hbm>>
    tpu.enqueue_dma source(%dma_start3A_225 : memref<512xf32, #tpu.memory_space<hbm>>) target(%dma_start3A_224 : memref<512xf32, #tpu.memory_space<vmem>>) target_semaphore(%arg11 : memref<!tpu.dma_semaphore, #tpu.memory_space<semaphore_mem>>)
    %add3A_226 = arith.constant 262144 : i32
    %add3A_227 = arith.addi %add3A_226, %mul3A_219 : i32
    %dma_start3A_228 = arith.constant 6144 : i32
    %dma_start3A_229 = tpu.memref_slice %arg8[%dma_start3A_228] : memref<8320xf32, #tpu.memory_space<vmem>> -> memref<512xf32, #tpu.memory_space<vmem>>
    %dma_start3A_230 = tpu.memref_slice %arg3[%add3A_227] : memref<524288xf32, #tpu.memory_space<hbm>> -> memref<512xf32, #tpu.memory_space<hbm>>
    %dma_start3A_231 = arith.constant 6144 : i32
    %dma_start3A_232 = tpu.memref_slice %arg8[%dma_start3A_231] : memref<8320xf32, #tpu.memory_space<vmem>> -> memref<512xf32, #tpu.memory_space<vmem>>
    %dma_start3A_233 = tpu.memref_slice %arg3[%add3A_227] : memref<524288xf32, #tpu.memory_space<hbm>> -> memref<512xf32, #tpu.memory_space<hbm>>
    tpu.enqueue_dma source(%dma_start3A_233 : memref<512xf32, #tpu.memory_space<hbm>>) target(%dma_start3A_232 : memref<512xf32, #tpu.memory_space<vmem>>) target_semaphore(%arg11 : memref<!tpu.dma_semaphore, #tpu.memory_space<semaphore_mem>>)
    %add3A_234 = arith.constant 416 : i32
    %add3A_235 = arith.addi %add3A, %add3A_234 : i32
    %mul3A_236 = arith.constant 512 : i32
    %mul3A_237 = arith.muli %add3A_235, %mul3A_236 : i32
    %dma_start3A_238 = arith.constant 6656 : i32
    %dma_start3A_239 = tpu.memref_slice %arg7[%dma_start3A_238] : memref<8320xf32, #tpu.memory_space<vmem>> -> memref<512xf32, #tpu.memory_space<vmem>>
    %dma_start3A_240 = tpu.memref_slice %arg3[%mul3A_237] : memref<524288xf32, #tpu.memory_space<hbm>> -> memref<512xf32, #tpu.memory_space<hbm>>
    %dma_start3A_241 = arith.constant 6656 : i32
    %dma_start3A_242 = tpu.memref_slice %arg7[%dma_start3A_241] : memref<8320xf32, #tpu.memory_space<vmem>> -> memref<512xf32, #tpu.memory_space<vmem>>
    %dma_start3A_243 = tpu.memref_slice %arg3[%mul3A_237] : memref<524288xf32, #tpu.memory_space<hbm>> -> memref<512xf32, #tpu.memory_space<hbm>>
    tpu.enqueue_dma source(%dma_start3A_243 : memref<512xf32, #tpu.memory_space<hbm>>) target(%dma_start3A_242 : memref<512xf32, #tpu.memory_space<vmem>>) target_semaphore(%arg11 : memref<!tpu.dma_semaphore, #tpu.memory_space<semaphore_mem>>)
    %add3A_244 = arith.constant 262144 : i32
    %add3A_245 = arith.addi %add3A_244, %mul3A_237 : i32
    %dma_start3A_246 = arith.constant 6656 : i32
    %dma_start3A_247 = tpu.memref_slice %arg8[%dma_start3A_246] : memref<8320xf32, #tpu.memory_space<vmem>> -> memref<512xf32, #tpu.memory_space<vmem>>
    %dma_start3A_248 = tpu.memref_slice %arg3[%add3A_245] : memref<524288xf32, #tpu.memory_space<hbm>> -> memref<512xf32, #tpu.memory_space<hbm>>
    %dma_start3A_249 = arith.constant 6656 : i32
    %dma_start3A_250 = tpu.memref_slice %arg8[%dma_start3A_249] : memref<8320xf32, #tpu.memory_space<vmem>> -> memref<512xf32, #tpu.memory_space<vmem>>
    %dma_start3A_251 = tpu.memref_slice %arg3[%add3A_245] : memref<524288xf32, #tpu.memory_space<hbm>> -> memref<512xf32, #tpu.memory_space<hbm>>
    tpu.enqueue_dma source(%dma_start3A_251 : memref<512xf32, #tpu.memory_space<hbm>>) target(%dma_start3A_250 : memref<512xf32, #tpu.memory_space<vmem>>) target_semaphore(%arg11 : memref<!tpu.dma_semaphore, #tpu.memory_space<semaphore_mem>>)
    %add3A_252 = arith.constant 448 : i32
    %add3A_253 = arith.addi %add3A, %add3A_252 : i32
    %mul3A_254 = arith.constant 512 : i32
    %mul3A_255 = arith.muli %add3A_253, %mul3A_254 : i32
    %dma_start3A_256 = arith.constant 7168 : i32
    %dma_start3A_257 = tpu.memref_slice %arg7[%dma_start3A_256] : memref<8320xf32, #tpu.memory_space<vmem>> -> memref<512xf32, #tpu.memory_space<vmem>>
    %dma_start3A_258 = tpu.memref_slice %arg3[%mul3A_255] : memref<524288xf32, #tpu.memory_space<hbm>> -> memref<512xf32, #tpu.memory_space<hbm>>
    %dma_start3A_259 = arith.constant 7168 : i32
    %dma_start3A_260 = tpu.memref_slice %arg7[%dma_start3A_259] : memref<8320xf32, #tpu.memory_space<vmem>> -> memref<512xf32, #tpu.memory_space<vmem>>
    %dma_start3A_261 = tpu.memref_slice %arg3[%mul3A_255] : memref<524288xf32, #tpu.memory_space<hbm>> -> memref<512xf32, #tpu.memory_space<hbm>>
    tpu.enqueue_dma source(%dma_start3A_261 : memref<512xf32, #tpu.memory_space<hbm>>) target(%dma_start3A_260 : memref<512xf32, #tpu.memory_space<vmem>>) target_semaphore(%arg11 : memref<!tpu.dma_semaphore, #tpu.memory_space<semaphore_mem>>)
    %add3A_262 = arith.constant 262144 : i32
    %add3A_263 = arith.addi %add3A_262, %mul3A_255 : i32
    %dma_start3A_264 = arith.constant 7168 : i32
    %dma_start3A_265 = tpu.memref_slice %arg8[%dma_start3A_264] : memref<8320xf32, #tpu.memory_space<vmem>> -> memref<512xf32, #tpu.memory_space<vmem>>
    %dma_start3A_266 = tpu.memref_slice %arg3[%add3A_263] : memref<524288xf32, #tpu.memory_space<hbm>> -> memref<512xf32, #tpu.memory_space<hbm>>
    %dma_start3A_267 = arith.constant 7168 : i32
    %dma_start3A_268 = tpu.memref_slice %arg8[%dma_start3A_267] : memref<8320xf32, #tpu.memory_space<vmem>> -> memref<512xf32, #tpu.memory_space<vmem>>
    %dma_start3A_269 = tpu.memref_slice %arg3[%add3A_263] : memref<524288xf32, #tpu.memory_space<hbm>> -> memref<512xf32, #tpu.memory_space<hbm>>
    tpu.enqueue_dma source(%dma_start3A_269 : memref<512xf32, #tpu.memory_space<hbm>>) target(%dma_start3A_268 : memref<512xf32, #tpu.memory_space<vmem>>) target_semaphore(%arg11 : memref<!tpu.dma_semaphore, #tpu.memory_space<semaphore_mem>>)
    %add3A_270 = arith.constant 480 : i32
    %add3A_271 = arith.addi %add3A, %add3A_270 : i32
    %mul3A_272 = arith.constant 512 : i32
    %mul3A_273 = arith.muli %add3A_271, %mul3A_272 : i32
    %dma_start3A_274 = arith.constant 7680 : i32
    %dma_start3A_275 = tpu.memref_slice %arg7[%dma_start3A_274] : memref<8320xf32, #tpu.memory_space<vmem>> -> memref<512xf32, #tpu.memory_space<vmem>>
    %dma_start3A_276 = tpu.memref_slice %arg3[%mul3A_273] : memref<524288xf32, #tpu.memory_space<hbm>> -> memref<512xf32, #tpu.memory_space<hbm>>
    %dma_start3A_277 = arith.constant 7680 : i32
    %dma_start3A_278 = tpu.memref_slice %arg7[%dma_start3A_277] : memref<8320xf32, #tpu.memory_space<vmem>> -> memref<512xf32, #tpu.memory_space<vmem>>
    %dma_start3A_279 = tpu.memref_slice %arg3[%mul3A_273] : memref<524288xf32, #tpu.memory_space<hbm>> -> memref<512xf32, #tpu.memory_space<hbm>>
    tpu.enqueue_dma source(%dma_start3A_279 : memref<512xf32, #tpu.memory_space<hbm>>) target(%dma_start3A_278 : memref<512xf32, #tpu.memory_space<vmem>>) target_semaphore(%arg11 : memref<!tpu.dma_semaphore, #tpu.memory_space<semaphore_mem>>)
    %add3A_280 = arith.constant 262144 : i32
    %add3A_281 = arith.addi %add3A_280, %mul3A_273 : i32
    %dma_start3A_282 = arith.constant 7680 : i32
    %dma_start3A_283 = tpu.memref_slice %arg8[%dma_start3A_282] : memref<8320xf32, #tpu.memory_space<vmem>> -> memref<512xf32, #tpu.memory_space<vmem>>
    %dma_start3A_284 = tpu.memref_slice %arg3[%add3A_281] : memref<524288xf32, #tpu.memory_space<hbm>> -> memref<512xf32, #tpu.memory_space<hbm>>
    %dma_start3A_285 = arith.constant 7680 : i32
    %dma_start3A_286 = tpu.memref_slice %arg8[%dma_start3A_285] : memref<8320xf32, #tpu.memory_space<vmem>> -> memref<512xf32, #tpu.memory_space<vmem>>
    %dma_start3A_287 = tpu.memref_slice %arg3[%add3A_281] : memref<524288xf32, #tpu.memory_space<hbm>> -> memref<512xf32, #tpu.memory_space<hbm>>
    tpu.enqueue_dma source(%dma_start3A_287 : memref<512xf32, #tpu.memory_space<hbm>>) target(%dma_start3A_286 : memref<512xf32, #tpu.memory_space<vmem>>) target_semaphore(%arg11 : memref<!tpu.dma_semaphore, #tpu.memory_space<semaphore_mem>>)
    %dma_wait3A = arith.constant 0 : i32
    %dma_wait3A_288 = tpu.memref_slice %arg7[%dma_wait3A] : memref<8320xf32, #tpu.memory_space<vmem>> -> memref<512xf32, #tpu.memory_space<vmem>>
    %dma_wait3A_289 = tpu.memref_slice %arg3[%mul3A_4] : memref<524288xf32, #tpu.memory_space<hbm>> -> memref<512xf32, #tpu.memory_space<hbm>>
    %dma_wait3A_290 = arith.constant 0 : i32
    %dma_wait3A_291 = tpu.memref_slice %arg7[%dma_wait3A_290] : memref<8320xf32, #tpu.memory_space<vmem>> -> memref<512xf32, #tpu.memory_space<vmem>>
    %dma_wait3A_292 = tpu.memref_slice %arg3[%mul3A_4] : memref<524288xf32, #tpu.memory_space<hbm>> -> memref<512xf32, #tpu.memory_space<hbm>>
    tpu.wait_dma2 semaphore(%arg11 : memref<!tpu.dma_semaphore, #tpu.memory_space<semaphore_mem>>) src(%dma_wait3A_292 : memref<512xf32, #tpu.memory_space<hbm>>) dst(%dma_wait3A_291 : memref<512xf32, #tpu.memory_space<vmem>>)
    %dma_wait3A_293 = arith.constant 0 : i32
    %dma_wait3A_294 = tpu.memref_slice %arg8[%dma_wait3A_293] : memref<8320xf32, #tpu.memory_space<vmem>> -> memref<512xf32, #tpu.memory_space<vmem>>
    %dma_wait3A_295 = tpu.memref_slice %arg3[%add3A_11] : memref<524288xf32, #tpu.memory_space<hbm>> -> memref<512xf32, #tpu.memory_space<hbm>>
    %dma_wait3A_296 = arith.constant 0 : i32
    %dma_wait3A_297 = tpu.memref_slice %arg8[%dma_wait3A_296] : memref<8320xf32, #tpu.memory_space<vmem>> -> memref<512xf32, #tpu.memory_space<vmem>>
    %dma_wait3A_298 = tpu.memref_slice %arg3[%add3A_11] : memref<524288xf32, #tpu.memory_space<hbm>> -> memref<512xf32, #tpu.memory_space<hbm>>
    tpu.wait_dma2 semaphore(%arg11 : memref<!tpu.dma_semaphore, #tpu.memory_space<semaphore_mem>>) src(%dma_wait3A_298 : memref<512xf32, #tpu.memory_space<hbm>>) dst(%dma_wait3A_297 : memref<512xf32, #tpu.memory_space<vmem>>)
    %dma_wait3A_299 = arith.constant 512 : i32
    %dma_wait3A_300 = tpu.memref_slice %arg7[%dma_wait3A_299] : memref<8320xf32, #tpu.memory_space<vmem>> -> memref<512xf32, #tpu.memory_space<vmem>>
    %dma_wait3A_301 = tpu.memref_slice %arg3[%mul3A_21] : memref<524288xf32, #tpu.memory_space<hbm>> -> memref<512xf32, #tpu.memory_space<hbm>>
    %dma_wait3A_302 = arith.constant 512 : i32
    %dma_wait3A_303 = tpu.memref_slice %arg7[%dma_wait3A_302] : memref<8320xf32, #tpu.memory_space<vmem>> -> memref<512xf32, #tpu.memory_space<vmem>>
    %dma_wait3A_304 = tpu.memref_slice %arg3[%mul3A_21] : memref<524288xf32, #tpu.memory_space<hbm>> -> memref<512xf32, #tpu.memory_space<hbm>>
    tpu.wait_dma2 semaphore(%arg11 : memref<!tpu.dma_semaphore, #tpu.memory_space<semaphore_mem>>) src(%dma_wait3A_304 : memref<512xf32, #tpu.memory_space<hbm>>) dst(%dma_wait3A_303 : memref<512xf32, #tpu.memory_space<vmem>>)
    %dma_wait3A_305 = arith.constant 512 : i32
    %dma_wait3A_306 = tpu.memref_slice %arg8[%dma_wait3A_305] : memref<8320xf32, #tpu.memory_space<vmem>> -> memref<512xf32, #tpu.memory_space<vmem>>
    %dma_wait3A_307 = tpu.memref_slice %arg3[%add3A_29] : memref<524288xf32, #tpu.memory_space<hbm>> -> memref<512xf32, #tpu.memory_space<hbm>>
    %dma_wait3A_308 = arith.constant 512 : i32
    %dma_wait3A_309 = tpu.memref_slice %arg8[%dma_wait3A_308] : memref<8320xf32, #tpu.memory_space<vmem>> -> memref<512xf32, #tpu.memory_space<vmem>>
    %dma_wait3A_310 = tpu.memref_slice %arg3[%add3A_29] : memref<524288xf32, #tpu.memory_space<hbm>> -> memref<512xf32, #tpu.memory_space<hbm>>
    tpu.wait_dma2 semaphore(%arg11 : memref<!tpu.dma_semaphore, #tpu.memory_space<semaphore_mem>>) src(%dma_wait3A_310 : memref<512xf32, #tpu.memory_space<hbm>>) dst(%dma_wait3A_309 : memref<512xf32, #tpu.memory_space<vmem>>)
    %dma_wait3A_311 = arith.constant 1024 : i32
    %dma_wait3A_312 = tpu.memref_slice %arg7[%dma_wait3A_311] : memref<8320xf32, #tpu.memory_space<vmem>> -> memref<512xf32, #tpu.memory_space<vmem>>
    %dma_wait3A_313 = tpu.memref_slice %arg3[%mul3A_39] : memref<524288xf32, #tpu.memory_space<hbm>> -> memref<512xf32, #tpu.memory_space<hbm>>
    %dma_wait3A_314 = arith.constant 1024 : i32
    %dma_wait3A_315 = tpu.memref_slice %arg7[%dma_wait3A_314] : memref<8320xf32, #tpu.memory_space<vmem>> -> memref<512xf32, #tpu.memory_space<vmem>>
    %dma_wait3A_316 = tpu.memref_slice %arg3[%mul3A_39] : memref<524288xf32, #tpu.memory_space<hbm>> -> memref<512xf32, #tpu.memory_space<hbm>>
    tpu.wait_dma2 semaphore(%arg11 : memref<!tpu.dma_semaphore, #tpu.memory_space<semaphore_mem>>) src(%dma_wait3A_316 : memref<512xf32, #tpu.memory_space<hbm>>) dst(%dma_wait3A_315 : memref<512xf32, #tpu.memory_space<vmem>>)
    %dma_wait3A_317 = arith.constant 1024 : i32
    %dma_wait3A_318 = tpu.memref_slice %arg8[%dma_wait3A_317] : memref<8320xf32, #tpu.memory_space<vmem>> -> memref<512xf32, #tpu.memory_space<vmem>>
    %dma_wait3A_319 = tpu.memref_slice %arg3[%add3A_47] : memref<524288xf32, #tpu.memory_space<hbm>> -> memref<512xf32, #tpu.memory_space<hbm>>
    %dma_wait3A_320 = arith.constant 1024 : i32
    %dma_wait3A_321 = tpu.memref_slice %arg8[%dma_wait3A_320] : memref<8320xf32, #tpu.memory_space<vmem>> -> memref<512xf32, #tpu.memory_space<vmem>>
    %dma_wait3A_322 = tpu.memref_slice %arg3[%add3A_47] : memref<524288xf32, #tpu.memory_space<hbm>> -> memref<512xf32, #tpu.memory_space<hbm>>
    tpu.wait_dma2 semaphore(%arg11 : memref<!tpu.dma_semaphore, #tpu.memory_space<semaphore_mem>>) src(%dma_wait3A_322 : memref<512xf32, #tpu.memory_space<hbm>>) dst(%dma_wait3A_321 : memref<512xf32, #tpu.memory_space<vmem>>)
    %dma_wait3A_323 = arith.constant 1536 : i32
    %dma_wait3A_324 = tpu.memref_slice %arg7[%dma_wait3A_323] : memref<8320xf32, #tpu.memory_space<vmem>> -> memref<512xf32, #tpu.memory_space<vmem>>
    %dma_wait3A_325 = tpu.memref_slice %arg3[%mul3A_57] : memref<524288xf32, #tpu.memory_space<hbm>> -> memref<512xf32, #tpu.memory_space<hbm>>
    %dma_wait3A_326 = arith.constant 1536 : i32
    %dma_wait3A_327 = tpu.memref_slice %arg7[%dma_wait3A_326] : memref<8320xf32, #tpu.memory_space<vmem>> -> memref<512xf32, #tpu.memory_space<vmem>>
    %dma_wait3A_328 = tpu.memref_slice %arg3[%mul3A_57] : memref<524288xf32, #tpu.memory_space<hbm>> -> memref<512xf32, #tpu.memory_space<hbm>>
    tpu.wait_dma2 semaphore(%arg11 : memref<!tpu.dma_semaphore, #tpu.memory_space<semaphore_mem>>) src(%dma_wait3A_328 : memref<512xf32, #tpu.memory_space<hbm>>) dst(%dma_wait3A_327 : memref<512xf32, #tpu.memory_space<vmem>>)
    %dma_wait3A_329 = arith.constant 1536 : i32
    %dma_wait3A_330 = tpu.memref_slice %arg8[%dma_wait3A_329] : memref<8320xf32, #tpu.memory_space<vmem>> -> memref<512xf32, #tpu.memory_space<vmem>>
    %dma_wait3A_331 = tpu.memref_slice %arg3[%add3A_65] : memref<524288xf32, #tpu.memory_space<hbm>> -> memref<512xf32, #tpu.memory_space<hbm>>
    %dma_wait3A_332 = arith.constant 1536 : i32
    %dma_wait3A_333 = tpu.memref_slice %arg8[%dma_wait3A_332] : memref<8320xf32, #tpu.memory_space<vmem>> -> memref<512xf32, #tpu.memory_space<vmem>>
    %dma_wait3A_334 = tpu.memref_slice %arg3[%add3A_65] : memref<524288xf32, #tpu.memory_space<hbm>> -> memref<512xf32, #tpu.memory_space<hbm>>
    tpu.wait_dma2 semaphore(%arg11 : memref<!tpu.dma_semaphore, #tpu.memory_space<semaphore_mem>>) src(%dma_wait3A_334 : memref<512xf32, #tpu.memory_space<hbm>>) dst(%dma_wait3A_333 : memref<512xf32, #tpu.memory_space<vmem>>)
    %dma_wait3A_335 = arith.constant 2048 : i32
    %dma_wait3A_336 = tpu.memref_slice %arg7[%dma_wait3A_335] : memref<8320xf32, #tpu.memory_space<vmem>> -> memref<512xf32, #tpu.memory_space<vmem>>
    %dma_wait3A_337 = tpu.memref_slice %arg3[%mul3A_75] : memref<524288xf32, #tpu.memory_space<hbm>> -> memref<512xf32, #tpu.memory_space<hbm>>
    %dma_wait3A_338 = arith.constant 2048 : i32
    %dma_wait3A_339 = tpu.memref_slice %arg7[%dma_wait3A_338] : memref<8320xf32, #tpu.memory_space<vmem>> -> memref<512xf32, #tpu.memory_space<vmem>>
    %dma_wait3A_340 = tpu.memref_slice %arg3[%mul3A_75] : memref<524288xf32, #tpu.memory_space<hbm>> -> memref<512xf32, #tpu.memory_space<hbm>>
    tpu.wait_dma2 semaphore(%arg11 : memref<!tpu.dma_semaphore, #tpu.memory_space<semaphore_mem>>) src(%dma_wait3A_340 : memref<512xf32, #tpu.memory_space<hbm>>) dst(%dma_wait3A_339 : memref<512xf32, #tpu.memory_space<vmem>>)
    %dma_wait3A_341 = arith.constant 2048 : i32
    %dma_wait3A_342 = tpu.memref_slice %arg8[%dma_wait3A_341] : memref<8320xf32, #tpu.memory_space<vmem>> -> memref<512xf32, #tpu.memory_space<vmem>>
    %dma_wait3A_343 = tpu.memref_slice %arg3[%add3A_83] : memref<524288xf32, #tpu.memory_space<hbm>> -> memref<512xf32, #tpu.memory_space<hbm>>
    %dma_wait3A_344 = arith.constant 2048 : i32
    %dma_wait3A_345 = tpu.memref_slice %arg8[%dma_wait3A_344] : memref<8320xf32, #tpu.memory_space<vmem>> -> memref<512xf32, #tpu.memory_space<vmem>>
    %dma_wait3A_346 = tpu.memref_slice %arg3[%add3A_83] : memref<524288xf32, #tpu.memory_space<hbm>> -> memref<512xf32, #tpu.memory_space<hbm>>
    tpu.wait_dma2 semaphore(%arg11 : memref<!tpu.dma_semaphore, #tpu.memory_space<semaphore_mem>>) src(%dma_wait3A_346 : memref<512xf32, #tpu.memory_space<hbm>>) dst(%dma_wait3A_345 : memref<512xf32, #tpu.memory_space<vmem>>)
    %dma_wait3A_347 = arith.constant 2560 : i32
    %dma_wait3A_348 = tpu.memref_slice %arg7[%dma_wait3A_347] : memref<8320xf32, #tpu.memory_space<vmem>> -> memref<512xf32, #tpu.memory_space<vmem>>
    %dma_wait3A_349 = tpu.memref_slice %arg3[%mul3A_93] : memref<524288xf32, #tpu.memory_space<hbm>> -> memref<512xf32, #tpu.memory_space<hbm>>
    %dma_wait3A_350 = arith.constant 2560 : i32
    %dma_wait3A_351 = tpu.memref_slice %arg7[%dma_wait3A_350] : memref<8320xf32, #tpu.memory_space<vmem>> -> memref<512xf32, #tpu.memory_space<vmem>>
    %dma_wait3A_352 = tpu.memref_slice %arg3[%mul3A_93] : memref<524288xf32, #tpu.memory_space<hbm>> -> memref<512xf32, #tpu.memory_space<hbm>>
    tpu.wait_dma2 semaphore(%arg11 : memref<!tpu.dma_semaphore, #tpu.memory_space<semaphore_mem>>) src(%dma_wait3A_352 : memref<512xf32, #tpu.memory_space<hbm>>) dst(%dma_wait3A_351 : memref<512xf32, #tpu.memory_space<vmem>>)
    %dma_wait3A_353 = arith.constant 2560 : i32
    %dma_wait3A_354 = tpu.memref_slice %arg8[%dma_wait3A_353] : memref<8320xf32, #tpu.memory_space<vmem>> -> memref<512xf32, #tpu.memory_space<vmem>>
    %dma_wait3A_355 = tpu.memref_slice %arg3[%add3A_101] : memref<524288xf32, #tpu.memory_space<hbm>> -> memref<512xf32, #tpu.memory_space<hbm>>
    %dma_wait3A_356 = arith.constant 2560 : i32
    %dma_wait3A_357 = tpu.memref_slice %arg8[%dma_wait3A_356] : memref<8320xf32, #tpu.memory_space<vmem>> -> memref<512xf32, #tpu.memory_space<vmem>>
    %dma_wait3A_358 = tpu.memref_slice %arg3[%add3A_101] : memref<524288xf32, #tpu.memory_space<hbm>> -> memref<512xf32, #tpu.memory_space<hbm>>
    tpu.wait_dma2 semaphore(%arg11 : memref<!tpu.dma_semaphore, #tpu.memory_space<semaphore_mem>>) src(%dma_wait3A_358 : memref<512xf32, #tpu.memory_space<hbm>>) dst(%dma_wait3A_357 : memref<512xf32, #tpu.memory_space<vmem>>)
    %dma_wait3A_359 = arith.constant 3072 : i32
    %dma_wait3A_360 = tpu.memref_slice %arg7[%dma_wait3A_359] : memref<8320xf32, #tpu.memory_space<vmem>> -> memref<512xf32, #tpu.memory_space<vmem>>
    %dma_wait3A_361 = tpu.memref_slice %arg3[%mul3A_111] : memref<524288xf32, #tpu.memory_space<hbm>> -> memref<512xf32, #tpu.memory_space<hbm>>
    %dma_wait3A_362 = arith.constant 3072 : i32
    %dma_wait3A_363 = tpu.memref_slice %arg7[%dma_wait3A_362] : memref<8320xf32, #tpu.memory_space<vmem>> -> memref<512xf32, #tpu.memory_space<vmem>>
    %dma_wait3A_364 = tpu.memref_slice %arg3[%mul3A_111] : memref<524288xf32, #tpu.memory_space<hbm>> -> memref<512xf32, #tpu.memory_space<hbm>>
    tpu.wait_dma2 semaphore(%arg11 : memref<!tpu.dma_semaphore, #tpu.memory_space<semaphore_mem>>) src(%dma_wait3A_364 : memref<512xf32, #tpu.memory_space<hbm>>) dst(%dma_wait3A_363 : memref<512xf32, #tpu.memory_space<vmem>>)
    %dma_wait3A_365 = arith.constant 3072 : i32
    %dma_wait3A_366 = tpu.memref_slice %arg8[%dma_wait3A_365] : memref<8320xf32, #tpu.memory_space<vmem>> -> memref<512xf32, #tpu.memory_space<vmem>>
    %dma_wait3A_367 = tpu.memref_slice %arg3[%add3A_119] : memref<524288xf32, #tpu.memory_space<hbm>> -> memref<512xf32, #tpu.memory_space<hbm>>
    %dma_wait3A_368 = arith.constant 3072 : i32
    %dma_wait3A_369 = tpu.memref_slice %arg8[%dma_wait3A_368] : memref<8320xf32, #tpu.memory_space<vmem>> -> memref<512xf32, #tpu.memory_space<vmem>>
    %dma_wait3A_370 = tpu.memref_slice %arg3[%add3A_119] : memref<524288xf32, #tpu.memory_space<hbm>> -> memref<512xf32, #tpu.memory_space<hbm>>
    tpu.wait_dma2 semaphore(%arg11 : memref<!tpu.dma_semaphore, #tpu.memory_space<semaphore_mem>>) src(%dma_wait3A_370 : memref<512xf32, #tpu.memory_space<hbm>>) dst(%dma_wait3A_369 : memref<512xf32, #tpu.memory_space<vmem>>)
    %dma_wait3A_371 = arith.constant 3584 : i32
    %dma_wait3A_372 = tpu.memref_slice %arg7[%dma_wait3A_371] : memref<8320xf32, #tpu.memory_space<vmem>> -> memref<512xf32, #tpu.memory_space<vmem>>
    %dma_wait3A_373 = tpu.memref_slice %arg3[%mul3A_129] : memref<524288xf32, #tpu.memory_space<hbm>> -> memref<512xf32, #tpu.memory_space<hbm>>
    %dma_wait3A_374 = arith.constant 3584 : i32
    %dma_wait3A_375 = tpu.memref_slice %arg7[%dma_wait3A_374] : memref<8320xf32, #tpu.memory_space<vmem>> -> memref<512xf32, #tpu.memory_space<vmem>>
    %dma_wait3A_376 = tpu.memref_slice %arg3[%mul3A_129] : memref<524288xf32, #tpu.memory_space<hbm>> -> memref<512xf32, #tpu.memory_space<hbm>>
    tpu.wait_dma2 semaphore(%arg11 : memref<!tpu.dma_semaphore, #tpu.memory_space<semaphore_mem>>) src(%dma_wait3A_376 : memref<512xf32, #tpu.memory_space<hbm>>) dst(%dma_wait3A_375 : memref<512xf32, #tpu.memory_space<vmem>>)
    %dma_wait3A_377 = arith.constant 3584 : i32
    %dma_wait3A_378 = tpu.memref_slice %arg8[%dma_wait3A_377] : memref<8320xf32, #tpu.memory_space<vmem>> -> memref<512xf32, #tpu.memory_space<vmem>>
    %dma_wait3A_379 = tpu.memref_slice %arg3[%add3A_137] : memref<524288xf32, #tpu.memory_space<hbm>> -> memref<512xf32, #tpu.memory_space<hbm>>
    %dma_wait3A_380 = arith.constant 3584 : i32
    %dma_wait3A_381 = tpu.memref_slice %arg8[%dma_wait3A_380] : memref<8320xf32, #tpu.memory_space<vmem>> -> memref<512xf32, #tpu.memory_space<vmem>>
    %dma_wait3A_382 = tpu.memref_slice %arg3[%add3A_137] : memref<524288xf32, #tpu.memory_space<hbm>> -> memref<512xf32, #tpu.memory_space<hbm>>
    tpu.wait_dma2 semaphore(%arg11 : memref<!tpu.dma_semaphore, #tpu.memory_space<semaphore_mem>>) src(%dma_wait3A_382 : memref<512xf32, #tpu.memory_space<hbm>>) dst(%dma_wait3A_381 : memref<512xf32, #tpu.memory_space<vmem>>)
    %dma_wait3A_383 = arith.constant 4096 : i32
    %dma_wait3A_384 = tpu.memref_slice %arg7[%dma_wait3A_383] : memref<8320xf32, #tpu.memory_space<vmem>> -> memref<512xf32, #tpu.memory_space<vmem>>
    %dma_wait3A_385 = tpu.memref_slice %arg3[%mul3A_147] : memref<524288xf32, #tpu.memory_space<hbm>> -> memref<512xf32, #tpu.memory_space<hbm>>
    %dma_wait3A_386 = arith.constant 4096 : i32
    %dma_wait3A_387 = tpu.memref_slice %arg7[%dma_wait3A_386] : memref<8320xf32, #tpu.memory_space<vmem>> -> memref<512xf32, #tpu.memory_space<vmem>>
    %dma_wait3A_388 = tpu.memref_slice %arg3[%mul3A_147] : memref<524288xf32, #tpu.memory_space<hbm>> -> memref<512xf32, #tpu.memory_space<hbm>>
    tpu.wait_dma2 semaphore(%arg11 : memref<!tpu.dma_semaphore, #tpu.memory_space<semaphore_mem>>) src(%dma_wait3A_388 : memref<512xf32, #tpu.memory_space<hbm>>) dst(%dma_wait3A_387 : memref<512xf32, #tpu.memory_space<vmem>>)
    %dma_wait3A_389 = arith.constant 4096 : i32
    %dma_wait3A_390 = tpu.memref_slice %arg8[%dma_wait3A_389] : memref<8320xf32, #tpu.memory_space<vmem>> -> memref<512xf32, #tpu.memory_space<vmem>>
    %dma_wait3A_391 = tpu.memref_slice %arg3[%add3A_155] : memref<524288xf32, #tpu.memory_space<hbm>> -> memref<512xf32, #tpu.memory_space<hbm>>
    %dma_wait3A_392 = arith.constant 4096 : i32
    %dma_wait3A_393 = tpu.memref_slice %arg8[%dma_wait3A_392] : memref<8320xf32, #tpu.memory_space<vmem>> -> memref<512xf32, #tpu.memory_space<vmem>>
    %dma_wait3A_394 = tpu.memref_slice %arg3[%add3A_155] : memref<524288xf32, #tpu.memory_space<hbm>> -> memref<512xf32, #tpu.memory_space<hbm>>
    tpu.wait_dma2 semaphore(%arg11 : memref<!tpu.dma_semaphore, #tpu.memory_space<semaphore_mem>>) src(%dma_wait3A_394 : memref<512xf32, #tpu.memory_space<hbm>>) dst(%dma_wait3A_393 : memref<512xf32, #tpu.memory_space<vmem>>)
    %dma_wait3A_395 = arith.constant 4608 : i32
    %dma_wait3A_396 = tpu.memref_slice %arg7[%dma_wait3A_395] : memref<8320xf32, #tpu.memory_space<vmem>> -> memref<512xf32, #tpu.memory_space<vmem>>
    %dma_wait3A_397 = tpu.memref_slice %arg3[%mul3A_165] : memref<524288xf32, #tpu.memory_space<hbm>> -> memref<512xf32, #tpu.memory_space<hbm>>
    %dma_wait3A_398 = arith.constant 4608 : i32
    %dma_wait3A_399 = tpu.memref_slice %arg7[%dma_wait3A_398] : memref<8320xf32, #tpu.memory_space<vmem>> -> memref<512xf32, #tpu.memory_space<vmem>>
    %dma_wait3A_400 = tpu.memref_slice %arg3[%mul3A_165] : memref<524288xf32, #tpu.memory_space<hbm>> -> memref<512xf32, #tpu.memory_space<hbm>>
    tpu.wait_dma2 semaphore(%arg11 : memref<!tpu.dma_semaphore, #tpu.memory_space<semaphore_mem>>) src(%dma_wait3A_400 : memref<512xf32, #tpu.memory_space<hbm>>) dst(%dma_wait3A_399 : memref<512xf32, #tpu.memory_space<vmem>>)
    %dma_wait3A_401 = arith.constant 4608 : i32
    %dma_wait3A_402 = tpu.memref_slice %arg8[%dma_wait3A_401] : memref<8320xf32, #tpu.memory_space<vmem>> -> memref<512xf32, #tpu.memory_space<vmem>>
    %dma_wait3A_403 = tpu.memref_slice %arg3[%add3A_173] : memref<524288xf32, #tpu.memory_space<hbm>> -> memref<512xf32, #tpu.memory_space<hbm>>
    %dma_wait3A_404 = arith.constant 4608 : i32
    %dma_wait3A_405 = tpu.memref_slice %arg8[%dma_wait3A_404] : memref<8320xf32, #tpu.memory_space<vmem>> -> memref<512xf32, #tpu.memory_space<vmem>>
    %dma_wait3A_406 = tpu.memref_slice %arg3[%add3A_173] : memref<524288xf32, #tpu.memory_space<hbm>> -> memref<512xf32, #tpu.memory_space<hbm>>
    tpu.wait_dma2 semaphore(%arg11 : memref<!tpu.dma_semaphore, #tpu.memory_space<semaphore_mem>>) src(%dma_wait3A_406 : memref<512xf32, #tpu.memory_space<hbm>>) dst(%dma_wait3A_405 : memref<512xf32, #tpu.memory_space<vmem>>)
    %dma_wait3A_407 = arith.constant 5120 : i32
    %dma_wait3A_408 = tpu.memref_slice %arg7[%dma_wait3A_407] : memref<8320xf32, #tpu.memory_space<vmem>> -> memref<512xf32, #tpu.memory_space<vmem>>
    %dma_wait3A_409 = tpu.memref_slice %arg3[%mul3A_183] : memref<524288xf32, #tpu.memory_space<hbm>> -> memref<512xf32, #tpu.memory_space<hbm>>
    %dma_wait3A_410 = arith.constant 5120 : i32
    %dma_wait3A_411 = tpu.memref_slice %arg7[%dma_wait3A_410] : memref<8320xf32, #tpu.memory_space<vmem>> -> memref<512xf32, #tpu.memory_space<vmem>>
    %dma_wait3A_412 = tpu.memref_slice %arg3[%mul3A_183] : memref<524288xf32, #tpu.memory_space<hbm>> -> memref<512xf32, #tpu.memory_space<hbm>>
    tpu.wait_dma2 semaphore(%arg11 : memref<!tpu.dma_semaphore, #tpu.memory_space<semaphore_mem>>) src(%dma_wait3A_412 : memref<512xf32, #tpu.memory_space<hbm>>) dst(%dma_wait3A_411 : memref<512xf32, #tpu.memory_space<vmem>>)
    %dma_wait3A_413 = arith.constant 5120 : i32
    %dma_wait3A_414 = tpu.memref_slice %arg8[%dma_wait3A_413] : memref<8320xf32, #tpu.memory_space<vmem>> -> memref<512xf32, #tpu.memory_space<vmem>>
    %dma_wait3A_415 = tpu.memref_slice %arg3[%add3A_191] : memref<524288xf32, #tpu.memory_space<hbm>> -> memref<512xf32, #tpu.memory_space<hbm>>
    %dma_wait3A_416 = arith.constant 5120 : i32
    %dma_wait3A_417 = tpu.memref_slice %arg8[%dma_wait3A_416] : memref<8320xf32, #tpu.memory_space<vmem>> -> memref<512xf32, #tpu.memory_space<vmem>>
    %dma_wait3A_418 = tpu.memref_slice %arg3[%add3A_191] : memref<524288xf32, #tpu.memory_space<hbm>> -> memref<512xf32, #tpu.memory_space<hbm>>
    tpu.wait_dma2 semaphore(%arg11 : memref<!tpu.dma_semaphore, #tpu.memory_space<semaphore_mem>>) src(%dma_wait3A_418 : memref<512xf32, #tpu.memory_space<hbm>>) dst(%dma_wait3A_417 : memref<512xf32, #tpu.memory_space<vmem>>)
    %dma_wait3A_419 = arith.constant 5632 : i32
    %dma_wait3A_420 = tpu.memref_slice %arg7[%dma_wait3A_419] : memref<8320xf32, #tpu.memory_space<vmem>> -> memref<512xf32, #tpu.memory_space<vmem>>
    %dma_wait3A_421 = tpu.memref_slice %arg3[%mul3A_201] : memref<524288xf32, #tpu.memory_space<hbm>> -> memref<512xf32, #tpu.memory_space<hbm>>
    %dma_wait3A_422 = arith.constant 5632 : i32
    %dma_wait3A_423 = tpu.memref_slice %arg7[%dma_wait3A_422] : memref<8320xf32, #tpu.memory_space<vmem>> -> memref<512xf32, #tpu.memory_space<vmem>>
    %dma_wait3A_424 = tpu.memref_slice %arg3[%mul3A_201] : memref<524288xf32, #tpu.memory_space<hbm>> -> memref<512xf32, #tpu.memory_space<hbm>>
    tpu.wait_dma2 semaphore(%arg11 : memref<!tpu.dma_semaphore, #tpu.memory_space<semaphore_mem>>) src(%dma_wait3A_424 : memref<512xf32, #tpu.memory_space<hbm>>) dst(%dma_wait3A_423 : memref<512xf32, #tpu.memory_space<vmem>>)
    %dma_wait3A_425 = arith.constant 5632 : i32
    %dma_wait3A_426 = tpu.memref_slice %arg8[%dma_wait3A_425] : memref<8320xf32, #tpu.memory_space<vmem>> -> memref<512xf32, #tpu.memory_space<vmem>>
    %dma_wait3A_427 = tpu.memref_slice %arg3[%add3A_209] : memref<524288xf32, #tpu.memory_space<hbm>> -> memref<512xf32, #tpu.memory_space<hbm>>
    %dma_wait3A_428 = arith.constant 5632 : i32
    %dma_wait3A_429 = tpu.memref_slice %arg8[%dma_wait3A_428] : memref<8320xf32, #tpu.memory_space<vmem>> -> memref<512xf32, #tpu.memory_space<vmem>>
    %dma_wait3A_430 = tpu.memref_slice %arg3[%add3A_209] : memref<524288xf32, #tpu.memory_space<hbm>> -> memref<512xf32, #tpu.memory_space<hbm>>
    tpu.wait_dma2 semaphore(%arg11 : memref<!tpu.dma_semaphore, #tpu.memory_space<semaphore_mem>>) src(%dma_wait3A_430 : memref<512xf32, #tpu.memory_space<hbm>>) dst(%dma_wait3A_429 : memref<512xf32, #tpu.memory_space<vmem>>)
    %dma_wait3A_431 = arith.constant 6144 : i32
    %dma_wait3A_432 = tpu.memref_slice %arg7[%dma_wait3A_431] : memref<8320xf32, #tpu.memory_space<vmem>> -> memref<512xf32, #tpu.memory_space<vmem>>
    %dma_wait3A_433 = tpu.memref_slice %arg3[%mul3A_219] : memref<524288xf32, #tpu.memory_space<hbm>> -> memref<512xf32, #tpu.memory_space<hbm>>
    %dma_wait3A_434 = arith.constant 6144 : i32
    %dma_wait3A_435 = tpu.memref_slice %arg7[%dma_wait3A_434] : memref<8320xf32, #tpu.memory_space<vmem>> -> memref<512xf32, #tpu.memory_space<vmem>>
    %dma_wait3A_436 = tpu.memref_slice %arg3[%mul3A_219] : memref<524288xf32, #tpu.memory_space<hbm>> -> memref<512xf32, #tpu.memory_space<hbm>>
    tpu.wait_dma2 semaphore(%arg11 : memref<!tpu.dma_semaphore, #tpu.memory_space<semaphore_mem>>) src(%dma_wait3A_436 : memref<512xf32, #tpu.memory_space<hbm>>) dst(%dma_wait3A_435 : memref<512xf32, #tpu.memory_space<vmem>>)
    %dma_wait3A_437 = arith.constant 6144 : i32
    %dma_wait3A_438 = tpu.memref_slice %arg8[%dma_wait3A_437] : memref<8320xf32, #tpu.memory_space<vmem>> -> memref<512xf32, #tpu.memory_space<vmem>>
    %dma_wait3A_439 = tpu.memref_slice %arg3[%add3A_227] : memref<524288xf32, #tpu.memory_space<hbm>> -> memref<512xf32, #tpu.memory_space<hbm>>
    %dma_wait3A_440 = arith.constant 6144 : i32
    %dma_wait3A_441 = tpu.memref_slice %arg8[%dma_wait3A_440] : memref<8320xf32, #tpu.memory_space<vmem>> -> memref<512xf32, #tpu.memory_space<vmem>>
    %dma_wait3A_442 = tpu.memref_slice %arg3[%add3A_227] : memref<524288xf32, #tpu.memory_space<hbm>> -> memref<512xf32, #tpu.memory_space<hbm>>
    tpu.wait_dma2 semaphore(%arg11 : memref<!tpu.dma_semaphore, #tpu.memory_space<semaphore_mem>>) src(%dma_wait3A_442 : memref<512xf32, #tpu.memory_space<hbm>>) dst(%dma_wait3A_441 : memref<512xf32, #tpu.memory_space<vmem>>)
    %dma_wait3A_443 = arith.constant 6656 : i32
    %dma_wait3A_444 = tpu.memref_slice %arg7[%dma_wait3A_443] : memref<8320xf32, #tpu.memory_space<vmem>> -> memref<512xf32, #tpu.memory_space<vmem>>
    %dma_wait3A_445 = tpu.memref_slice %arg3[%mul3A_237] : memref<524288xf32, #tpu.memory_space<hbm>> -> memref<512xf32, #tpu.memory_space<hbm>>
    %dma_wait3A_446 = arith.constant 6656 : i32
    %dma_wait3A_447 = tpu.memref_slice %arg7[%dma_wait3A_446] : memref<8320xf32, #tpu.memory_space<vmem>> -> memref<512xf32, #tpu.memory_space<vmem>>
    %dma_wait3A_448 = tpu.memref_slice %arg3[%mul3A_237] : memref<524288xf32, #tpu.memory_space<hbm>> -> memref<512xf32, #tpu.memory_space<hbm>>
    tpu.wait_dma2 semaphore(%arg11 : memref<!tpu.dma_semaphore, #tpu.memory_space<semaphore_mem>>) src(%dma_wait3A_448 : memref<512xf32, #tpu.memory_space<hbm>>) dst(%dma_wait3A_447 : memref<512xf32, #tpu.memory_space<vmem>>)
    %dma_wait3A_449 = arith.constant 6656 : i32
    %dma_wait3A_450 = tpu.memref_slice %arg8[%dma_wait3A_449] : memref<8320xf32, #tpu.memory_space<vmem>> -> memref<512xf32, #tpu.memory_space<vmem>>
    %dma_wait3A_451 = tpu.memref_slice %arg3[%add3A_245] : memref<524288xf32, #tpu.memory_space<hbm>> -> memref<512xf32, #tpu.memory_space<hbm>>
    %dma_wait3A_452 = arith.constant 6656 : i32
    %dma_wait3A_453 = tpu.memref_slice %arg8[%dma_wait3A_452] : memref<8320xf32, #tpu.memory_space<vmem>> -> memref<512xf32, #tpu.memory_space<vmem>>
    %dma_wait3A_454 = tpu.memref_slice %arg3[%add3A_245] : memref<524288xf32, #tpu.memory_space<hbm>> -> memref<512xf32, #tpu.memory_space<hbm>>
    tpu.wait_dma2 semaphore(%arg11 : memref<!tpu.dma_semaphore, #tpu.memory_space<semaphore_mem>>) src(%dma_wait3A_454 : memref<512xf32, #tpu.memory_space<hbm>>) dst(%dma_wait3A_453 : memref<512xf32, #tpu.memory_space<vmem>>)
    %dma_wait3A_455 = arith.constant 7168 : i32
    %dma_wait3A_456 = tpu.memref_slice %arg7[%dma_wait3A_455] : memref<8320xf32, #tpu.memory_space<vmem>> -> memref<512xf32, #tpu.memory_space<vmem>>
    %dma_wait3A_457 = tpu.memref_slice %arg3[%mul3A_255] : memref<524288xf32, #tpu.memory_space<hbm>> -> memref<512xf32, #tpu.memory_space<hbm>>
    %dma_wait3A_458 = arith.constant 7168 : i32
    %dma_wait3A_459 = tpu.memref_slice %arg7[%dma_wait3A_458] : memref<8320xf32, #tpu.memory_space<vmem>> -> memref<512xf32, #tpu.memory_space<vmem>>
    %dma_wait3A_460 = tpu.memref_slice %arg3[%mul3A_255] : memref<524288xf32, #tpu.memory_space<hbm>> -> memref<512xf32, #tpu.memory_space<hbm>>
    tpu.wait_dma2 semaphore(%arg11 : memref<!tpu.dma_semaphore, #tpu.memory_space<semaphore_mem>>) src(%dma_wait3A_460 : memref<512xf32, #tpu.memory_space<hbm>>) dst(%dma_wait3A_459 : memref<512xf32, #tpu.memory_space<vmem>>)
    %dma_wait3A_461 = arith.constant 7168 : i32
    %dma_wait3A_462 = tpu.memref_slice %arg8[%dma_wait3A_461] : memref<8320xf32, #tpu.memory_space<vmem>> -> memref<512xf32, #tpu.memory_space<vmem>>
    %dma_wait3A_463 = tpu.memref_slice %arg3[%add3A_263] : memref<524288xf32, #tpu.memory_space<hbm>> -> memref<512xf32, #tpu.memory_space<hbm>>
    %dma_wait3A_464 = arith.constant 7168 : i32
    %dma_wait3A_465 = tpu.memref_slice %arg8[%dma_wait3A_464] : memref<8320xf32, #tpu.memory_space<vmem>> -> memref<512xf32, #tpu.memory_space<vmem>>
    %dma_wait3A_466 = tpu.memref_slice %arg3[%add3A_263] : memref<524288xf32, #tpu.memory_space<hbm>> -> memref<512xf32, #tpu.memory_space<hbm>>
    tpu.wait_dma2 semaphore(%arg11 : memref<!tpu.dma_semaphore, #tpu.memory_space<semaphore_mem>>) src(%dma_wait3A_466 : memref<512xf32, #tpu.memory_space<hbm>>) dst(%dma_wait3A_465 : memref<512xf32, #tpu.memory_space<vmem>>)
    %dma_wait3A_467 = arith.constant 7680 : i32
    %dma_wait3A_468 = tpu.memref_slice %arg7[%dma_wait3A_467] : memref<8320xf32, #tpu.memory_space<vmem>> -> memref<512xf32, #tpu.memory_space<vmem>>
    %dma_wait3A_469 = tpu.memref_slice %arg3[%mul3A_273] : memref<524288xf32, #tpu.memory_space<hbm>> -> memref<512xf32, #tpu.memory_space<hbm>>
    %dma_wait3A_470 = arith.constant 7680 : i32
    %dma_wait3A_471 = tpu.memref_slice %arg7[%dma_wait3A_470] : memref<8320xf32, #tpu.memory_space<vmem>> -> memref<512xf32, #tpu.memory_space<vmem>>
    %dma_wait3A_472 = tpu.memref_slice %arg3[%mul3A_273] : memref<524288xf32, #tpu.memory_space<hbm>> -> memref<512xf32, #tpu.memory_space<hbm>>
    tpu.wait_dma2 semaphore(%arg11 : memref<!tpu.dma_semaphore, #tpu.memory_space<semaphore_mem>>) src(%dma_wait3A_472 : memref<512xf32, #tpu.memory_space<hbm>>) dst(%dma_wait3A_471 : memref<512xf32, #tpu.memory_space<vmem>>)
    %dma_wait3A_473 = arith.constant 7680 : i32
    %dma_wait3A_474 = tpu.memref_slice %arg8[%dma_wait3A_473] : memref<8320xf32, #tpu.memory_space<vmem>> -> memref<512xf32, #tpu.memory_space<vmem>>
    %dma_wait3A_475 = tpu.memref_slice %arg3[%add3A_281] : memref<524288xf32, #tpu.memory_space<hbm>> -> memref<512xf32, #tpu.memory_space<hbm>>
    %dma_wait3A_476 = arith.constant 7680 : i32
    %dma_wait3A_477 = tpu.memref_slice %arg8[%dma_wait3A_476] : memref<8320xf32, #tpu.memory_space<vmem>> -> memref<512xf32, #tpu.memory_space<vmem>>
    %dma_wait3A_478 = tpu.memref_slice %arg3[%add3A_281] : memref<524288xf32, #tpu.memory_space<hbm>> -> memref<512xf32, #tpu.memory_space<hbm>>
    tpu.wait_dma2 semaphore(%arg11 : memref<!tpu.dma_semaphore, #tpu.memory_space<semaphore_mem>>) src(%dma_wait3A_478 : memref<512xf32, #tpu.memory_space<hbm>>) dst(%dma_wait3A_477 : memref<512xf32, #tpu.memory_space<vmem>>)
    %scan3A = arith.constant 0 : i32
    %scan3A_479 = arith.constant 0 : i32
    %scan3A_480 = arith.constant 512 : i32
    %scan3A_481 = arith.addi %scan3A_479, %scan3A_480 : i32
    %scan3A_482 = arith.constant 1 : i32
    %scan3A_483 = scf.for %scan3A_940 = %scan3A_479 to %scan3A_481 step %scan3A_482 iter_args(%scan3A_941 = %scan3A) -> (i32)  : i32 {
      %broadcast_in_dim3A = arith.constant 0.000000e+00 : f32
      %broadcast_in_dim3A_942 = vector.broadcast %broadcast_in_dim3A : f32 to vector<16xf32>
      %mul3A_943 = arith.constant 16 : i32
      %mul3A_944 = arith.muli %scan3A_940, %mul3A_943 : i32
      %swap3A = arith.index_cast %mul3A_944 : i32 to index
      %swap3A_945 = tpu.vector_load %arg9[%swap3A] {strides = array<i32>} : memref<8320xf32, #tpu.memory_space<vmem>>, vector<16xf32>,
      tpu.vector_store %arg9[%swap3A], %broadcast_in_dim3A_942 {strides = array<i32>} : memref<8320xf32, #tpu.memory_space<vmem>>, vector<16xf32>,
      %mul3A_946 = arith.constant 16 : i32
      %mul3A_947 = arith.muli %scan3A_940, %mul3A_946 : i32
      %swap3A_948 = arith.index_cast %mul3A_947 : i32 to index
      %swap3A_949 = tpu.vector_load %arg10[%swap3A_948] {strides = array<i32>} : memref<8320xf32, #tpu.memory_space<vmem>>, vector<16xf32>,
      tpu.vector_store %arg10[%swap3A_948], %broadcast_in_dim3A_942 {strides = array<i32>} : memref<8320xf32, #tpu.memory_space<vmem>>, vector<16xf32>,
      %scan3A_950 = arith.constant 0 : i32
      scf.yield %scan3A_950 : i32
    }
    %scan3A_484 = arith.constant 512 : i32
    %scan3A_485 = arith.constant 0 : i32
    %scan3A_486 = arith.constant 0 : i32
    %scan3A_487 = arith.constant 256 : i32
    %scan3A_488 = arith.addi %scan3A_486, %scan3A_487 : i32
    %scan3A_489 = arith.constant 1 : i32
    %scan3A_490 = scf.for %scan3A_940 = %scan3A_486 to %scan3A_488 step %scan3A_489 iter_args(%scan3A_941 = %scan3A_485) -> (i32)  : i32 {
      %get3A = arith.index_cast %scan3A_940 : i32 to index
      %get3A_942 = arith.constant 0 : index
      %get3A_943 = tpu.vector_load %arg6[%get3A, %get3A_942] {strides = array<i32>} : memref<256x16xf32, #tpu.memory_space<vmem>>, vector<16xf32>,
      %slice3A = vector.extract_strided_slice %get3A_943 {offsets = [6], sizes = [1], strides = [1]} : vector<16xf32> to vector<1xf32>
      %squeeze3A = vector.extract %slice3A[0] : f32 from vector<1xf32>
      %slice3A_944 = vector.extract_strided_slice %get3A_943 {offsets = [0], sizes = [1], strides = [1]} : vector<16xf32> to vector<1xf32>
      %squeeze3A_945 = vector.extract %slice3A_944[0] : f32 from vector<1xf32>
      %convert_element_type3A = arith.fptosi %squeeze3A_945 : f32 to i32
      %slice3A_946 = vector.extract_strided_slice %get3A_943 {offsets = [1], sizes = [1], strides = [1]} : vector<16xf32> to vector<1xf32>
      %squeeze3A_947 = vector.extract %slice3A_946[0] : f32 from vector<1xf32>
      %convert_element_type3A_948 = arith.fptosi %squeeze3A_947 : f32 to i32
      %slice3A_949 = vector.extract_strided_slice %get3A_943 {offsets = [2], sizes = [1], strides = [1]} : vector<16xf32> to vector<1xf32>
      %squeeze3A_950 = vector.extract %slice3A_949[0] : f32 from vector<1xf32>
      %slice3A_951 = vector.extract_strided_slice %get3A_943 {offsets = [3], sizes = [1], strides = [1]} : vector<16xf32> to vector<1xf32>
      %squeeze3A_952 = vector.extract %slice3A_951[0] : f32 from vector<1xf32>
      %slice3A_953 = vector.extract_strided_slice %get3A_943 {offsets = [4], sizes = [1], strides = [1]} : vector<16xf32> to vector<1xf32>
      %squeeze3A_954 = vector.extract %slice3A_953[0] : f32 from vector<1xf32>
      %slice3A_955 = vector.extract_strided_slice %get3A_943 {offsets = [5], sizes = [1], strides = [1]} : vector<16xf32> to vector<1xf32>
      %squeeze3A_956 = vector.extract %slice3A_955[0] : f32 from vector<1xf32>
      %add3A_957 = arith.constant 1 : i32
      %add3A_958 = arith.addi %scan3A_940, %add3A_957 : i32
      %convert_element_type3A_959 = arith.sitofp %add3A_958 : i32 to f32
      %sub3A = arith.constant 32 : i32
      %sub3A_960 = arith.subi %convert_element_type3A, %sub3A : i32
      %max3A = arith.constant 0 : i32
      %max3A_961 = arith.maxsi %sub3A_960, %max3A : i32
      %add3A_962 = arith.constant 32 : i32
      %add3A_963 = arith.addi %convert_element_type3A, %add3A_962 : i32
      %min3A = arith.constant 512 : i32
      %min3A_964 = arith.minsi %add3A_963, %min3A : i32
      %sub3A_965 = arith.constant 32 : i32
      %sub3A_966 = arith.subi %convert_element_type3A_948, %sub3A_965 : i32
      %max3A_967 = arith.constant 0 : i32
      %max3A_968 = arith.maxsi %sub3A_966, %max3A_967 : i32
      %add3A_969 = arith.constant 32 : i32
      %add3A_970 = arith.addi %convert_element_type3A_948, %add3A_969 : i32
      %min3A_971 = arith.constant 512 : i32
      %min3A_972 = arith.minsi %add3A_970, %min3A_971 : i32
      %sub3A_973 = arith.subi %add3A, %max3A_961 : i32
      %jit3A = arith.constant 32 : i32
      %eq3A = arith.constant 0 : i32
      %eq3A_974 = arith.cmpi eq, %jit3A, %eq3A : i32
      %jit3A_975 = arith.constant 1 : i32
      %select_n3A = arith.select %eq3A_974, %jit3A_975, %jit3A : i32
      %rem3A = arith.remsi %sub3A_973, %select_n3A : i32
      %ne3A = arith.constant 0 : i32
      %ne3A_976 = arith.cmpi ne, %rem3A, %ne3A : i32
      %lt3A = arith.constant 0 : i32
      %lt3A_977 = arith.cmpi slt, %rem3A, %lt3A : i32
      %lt3A_978 = arith.constant 0 : i32
      %lt3A_979 = arith.cmpi slt, %select_n3A, %lt3A_978 : i32
      %ne3A_980 = arith.xori %lt3A_977, %lt3A_979 : i1
      %and3A = arith.andi %ne3A_980, %ne3A_976 : i1
      %add3A_981 = arith.addi %rem3A, %select_n3A : i32
      %select_n3A_982 = arith.select %and3A, %add3A_981, %rem3A : i32
      %add3A_983 = arith.addi %max3A_961, %select_n3A_982 : i32
      %shift_right_logical3A = arith.constant 4 : i32
      %shift_right_logical3A_984 = arith.shrui %max3A_968, %shift_right_logical3A : i32
      %mul3A_985 = arith.constant 16 : i32
      %mul3A_986 = arith.muli %shift_right_logical3A_984, %mul3A_985 : i32
      %gt3A = arith.constant 0.000000e+00 : f32
      %gt3A_987 = arith.cmpf ogt, %squeeze3A, %gt3A : f32
      %convert_element_type3A_988 = arith.extui %gt3A_987 : i1 to i32
      %cond3A = arith.constant 0 : i32
      %cond3A_989 = arith.cmpi ne, %convert_element_type3A_988, %cond3A : i32
      scf.if %cond3A_989 {
        %add3A_991 = arith.constant 0 : i32
        %add3A_992 = arith.addi %add3A_983, %add3A_991 : i32
        %lt3A_993 = arith.cmpi slt, %add3A_992, %min3A_964 : i32
        %convert_element_type3A_994 = arith.extui %lt3A_993 : i1 to i32
        %cond3A_995 = arith.constant 0 : i32
        %cond3A_996 = arith.cmpi ne, %convert_element_type3A_994, %cond3A_995 : i32
        scf.if %cond3A_996 {
          %sub3A_1003 = arith.subi %add3A_992, %add3A : i32
          %jit3A_1004 = arith.constant 32 : i32
          %div3A = arith.divsi %sub3A_1003, %jit3A_1004 : i32
          %sign3A = arith.constant 0 : i32
          %sign3A_1005 = arith.cmpi sgt, %sub3A_1003, %sign3A : i32
          %sign3A_1006 = arith.extui %sign3A_1005 : i1 to i32
          %sign3A_1007 = arith.constant 0 : i32
          %sign3A_1008 = arith.cmpi slt, %sub3A_1003, %sign3A_1007 : i32
          %sign3A_1009 = arith.extui %sign3A_1008 : i1 to i32
          %sign3A_1010 = arith.subi %sign3A_1006, %sign3A_1009 : i32
          %sign3A_1011 = arith.constant 0 : i32
          %sign3A_1012 = arith.cmpi sgt, %jit3A_1004, %sign3A_1011 : i32
          %sign3A_1013 = arith.extui %sign3A_1012 : i1 to i32
          %sign3A_1014 = arith.constant 0 : i32
          %sign3A_1015 = arith.cmpi slt, %jit3A_1004, %sign3A_1014 : i32
          %sign3A_1016 = arith.extui %sign3A_1015 : i1 to i32
          %sign3A_1017 = arith.subi %sign3A_1013, %sign3A_1016 : i32
          %ne3A_1018 = arith.cmpi ne, %sign3A_1010, %sign3A_1017 : i32
          %rem3A_1019 = arith.remsi %sub3A_1003, %jit3A_1004 : i32
          %ne3A_1020 = arith.constant 0 : i32
          %ne3A_1021 = arith.cmpi ne, %rem3A_1019, %ne3A_1020 : i32
          %and3A_1022 = arith.andi %ne3A_1018, %ne3A_1021 : i1
          %sub3A_1023 = arith.constant 1 : i32
          %sub3A_1024 = arith.subi %div3A, %sub3A_1023 : i32
          %select_n3A_1025 = arith.select %and3A_1022, %sub3A_1024, %div3A : i32
          %mul3A_1026 = arith.constant 512 : i32
          %mul3A_1027 = arith.muli %select_n3A_1025, %mul3A_1026 : i32
          %add3A_1028 = arith.addi %mul3A_1027, %mul3A_986 : i32
          %add3A_1029 = arith.constant 0 : i32
          %add3A_1030 = arith.addi %add3A_1028, %add3A_1029 : i32
          %add3A_1031 = arith.constant 0 : i32
          %add3A_1032 = arith.addi %mul3A_986, %add3A_1031 : i32
          %add3A_1033 = vector.broadcast %add3A_1032 : i32 to vector<16xi32>
          %add3A_1034 = arith.addi %add3A_1033, %iota3A : vector<16xi32>
          %ge3A = vector.broadcast %max3A_968 : i32 to vector<16xi32>
          %ge3A_1035 = arith.cmpi sge, %add3A_1034, %ge3A : vector<16xi32>
          %lt3A_1036 = vector.broadcast %min3A_972 : i32 to vector<16xi32>
          %lt3A_1037 = arith.cmpi slt, %add3A_1034, %lt3A_1036 : vector<16xi32>
          %and3A_1038 = arith.andi %ge3A_1035, %lt3A_1037 : vector<16xi1>
          %get3A_1039 = arith.index_cast %add3A_1030 : i32 to index
          %get3A_1040 = tpu.vector_load %arg7[%get3A_1039] {strides = array<i32>} : memref<8320xf32, #tpu.memory_space<vmem>>, vector<16xf32>,
          %get3A_1041 = arith.index_cast %add3A_1030 : i32 to index
          %get3A_1042 = tpu.vector_load %arg8[%get3A_1041] {strides = array<i32>} : memref<8320xf32, #tpu.memory_space<vmem>>, vector<16xf32>,
          %get3A_1043 = arith.index_cast %add3A_1030 : i32 to index
          %get3A_1044 = tpu.vector_load %arg9[%get3A_1043] {strides = array<i32>} : memref<8320xf32, #tpu.memory_space<vmem>>, vector<16xf32>,
          %get3A_1045 = arith.index_cast %add3A_1030 : i32 to index
          %get3A_1046 = tpu.vector_load %arg10[%get3A_1045] {strides = array<i32>} : memref<8320xf32, #tpu.memory_space<vmem>>, vector<16xf32>,
          %sub3A_1047 = vector.broadcast %squeeze3A_950 : f32 to vector<16xf32>
          %sub3A_1048 = arith.subf %get3A_1040, %sub3A_1047 : vector<16xf32>
          %sub3A_1049 = vector.broadcast %squeeze3A_952 : f32 to vector<16xf32>
          %sub3A_1050 = arith.subf %get3A_1042, %sub3A_1049 : vector<16xf32>
          %mul3A_1051 = arith.mulf %sub3A_1048, %sub3A_1048 : vector<16xf32>
          %mul3A_1052 = vector.broadcast %squeeze3A_954 : f32 to vector<16xf32>
          %mul3A_1053 = arith.mulf %mul3A_1051, %mul3A_1052 : vector<16xf32>
          %mul3A_1054 = arith.mulf %sub3A_1050, %sub3A_1050 : vector<16xf32>
          %mul3A_1055 = vector.broadcast %squeeze3A_956 : f32 to vector<16xf32>
          %mul3A_1056 = arith.mulf %mul3A_1054, %mul3A_1055 : vector<16xf32>
          %add3A_1057 = arith.addf %mul3A_1053, %mul3A_1056 : vector<16xf32>
          %neg3A = arith.constant 0.000000e+00 : f32
          %neg3A_1058 = vector.broadcast %neg3A : f32 to vector<16xf32>
          %neg3A_1059 = arith.subf %neg3A_1058, %add3A_1057 : vector<16xf32>
          %exp3A = math.exp %neg3A_1059 : vector<16xf32>
          %ge3A_1060 = arith.cmpf oge, %exp3A, %get3A_1044 : vector<16xf32>
          %and3A_1061 = arith.andi %and3A_1038, %ge3A_1060 : vector<16xi1>
          %ge3A_1062 = arith.constant 5.000000e-01 : f32
          %ge3A_1063 = vector.broadcast %ge3A_1062 : f32 to vector<16xf32>
          %ge3A_1064 = arith.cmpf oge, %exp3A, %ge3A_1063 : vector<16xf32>
          %jit3A_1065 = arith.constant 0.000000e+00 : f32
          %broadcast_in_dim3A = vector.broadcast %convert_element_type3A_959 : f32 to vector<16xf32>
          %broadcast_in_dim3A_1066 = vector.broadcast %jit3A_1065 : f32 to vector<16xf32>
          %select_n3A_1067 = arith.select %ge3A_1064, %broadcast_in_dim3A, %broadcast_in_dim3A_1066 : vector<16xi1>, vector<16xf32>
          %max3A_1068 = arith.maximumf %get3A_1044, %exp3A : vector<16xf32>
          %select_n3A_1069 = arith.select %and3A_1061, %max3A_1068, %get3A_1044 : vector<16xi1>, vector<16xf32>
          %gt3A_1070 = arith.cmpf ogt, %exp3A, %get3A_1044 : vector<16xf32>
          %and3A_1071 = arith.andi %and3A_1061, %gt3A_1070 : vector<16xi1>
          %eq3A_1072 = arith.cmpf oeq, %exp3A, %get3A_1044 : vector<16xf32>
          %and3A_1073 = arith.andi %and3A_1061, %eq3A_1072 : vector<16xi1>
          %max3A_1074 = arith.maximumf %get3A_1046, %select_n3A_1067 : vector<16xf32>
          %select_n3A_1075 = arith.select %and3A_1073, %max3A_1074, %get3A_1046 : vector<16xi1>, vector<16xf32>
          %select_n3A_1076 = arith.select %and3A_1071, %select_n3A_1067, %select_n3A_1075 : vector<16xi1>, vector<16xf32>
          %swap3A = arith.index_cast %add3A_1030 : i32 to index
          %swap3A_1077 = tpu.vector_load %arg9[%swap3A] {strides = array<i32>} : memref<8320xf32, #tpu.memory_space<vmem>>, vector<16xf32>,
          tpu.vector_store %arg9[%swap3A], %select_n3A_1069 {strides = array<i32>} : memref<8320xf32, #tpu.memory_space<vmem>>, vector<16xf32>,
          %swap3A_1078 = arith.index_cast %add3A_1030 : i32 to index
          %swap3A_1079 = tpu.vector_load %arg10[%swap3A_1078] {strides = array<i32>} : memref<8320xf32, #tpu.memory_space<vmem>>, vector<16xf32>,
          tpu.vector_store %arg10[%swap3A_1078], %select_n3A_1076 {strides = array<i32>} : memref<8320xf32, #tpu.memory_space<vmem>>, vector<16xf32>,
          %add3A_1080 = arith.addi %mul3A_1027, %mul3A_986 : i32
          %add3A_1081 = arith.constant 16 : i32
          %add3A_1082 = arith.addi %add3A_1080, %add3A_1081 : i32
          %add3A_1083 = arith.constant 16 : i32
          %add3A_1084 = arith.addi %mul3A_986, %add3A_1083 : i32
          %add3A_1085 = vector.broadcast %add3A_1084 : i32 to vector<16xi32>
          %add3A_1086 = arith.addi %add3A_1085, %iota3A : vector<16xi32>
          %ge3A_1087 = vector.broadcast %max3A_968 : i32 to vector<16xi32>
          %ge3A_1088 = arith.cmpi sge, %add3A_1086, %ge3A_1087 : vector<16xi32>
          %lt3A_1089 = vector.broadcast %min3A_972 : i32 to vector<16xi32>
          %lt3A_1090 = arith.cmpi slt, %add3A_1086, %lt3A_1089 : vector<16xi32>
          %and3A_1091 = arith.andi %ge3A_1088, %lt3A_1090 : vector<16xi1>
          %get3A_1092 = arith.index_cast %add3A_1082 : i32 to index
          %get3A_1093 = tpu.vector_load %arg7[%get3A_1092] {strides = array<i32>} : memref<8320xf32, #tpu.memory_space<vmem>>, vector<16xf32>,
          %get3A_1094 = arith.index_cast %add3A_1082 : i32 to index
          %get3A_1095 = tpu.vector_load %arg8[%get3A_1094] {strides = array<i32>} : memref<8320xf32, #tpu.memory_space<vmem>>, vector<16xf32>,
          %get3A_1096 = arith.index_cast %add3A_1082 : i32 to index
          %get3A_1097 = tpu.vector_load %arg9[%get3A_1096] {strides = array<i32>} : memref<8320xf32, #tpu.memory_space<vmem>>, vector<16xf32>,
          %get3A_1098 = arith.index_cast %add3A_1082 : i32 to index
          %get3A_1099 = tpu.vector_load %arg10[%get3A_1098] {strides = array<i32>} : memref<8320xf32, #tpu.memory_space<vmem>>, vector<16xf32>,
          %sub3A_1100 = vector.broadcast %squeeze3A_950 : f32 to vector<16xf32>
          %sub3A_1101 = arith.subf %get3A_1093, %sub3A_1100 : vector<16xf32>
          %sub3A_1102 = vector.broadcast %squeeze3A_952 : f32 to vector<16xf32>
          %sub3A_1103 = arith.subf %get3A_1095, %sub3A_1102 : vector<16xf32>
          %mul3A_1104 = arith.mulf %sub3A_1101, %sub3A_1101 : vector<16xf32>
          %mul3A_1105 = vector.broadcast %squeeze3A_954 : f32 to vector<16xf32>
          %mul3A_1106 = arith.mulf %mul3A_1104, %mul3A_1105 : vector<16xf32>
          %mul3A_1107 = arith.mulf %sub3A_1103, %sub3A_1103 : vector<16xf32>
          %mul3A_1108 = vector.broadcast %squeeze3A_956 : f32 to vector<16xf32>
          %mul3A_1109 = arith.mulf %mul3A_1107, %mul3A_1108 : vector<16xf32>
          %add3A_1110 = arith.addf %mul3A_1106, %mul3A_1109 : vector<16xf32>
          %neg3A_1111 = arith.constant 0.000000e+00 : f32
          %neg3A_1112 = vector.broadcast %neg3A_1111 : f32 to vector<16xf32>
          %neg3A_1113 = arith.subf %neg3A_1112, %add3A_1110 : vector<16xf32>
          %exp3A_1114 = math.exp %neg3A_1113 : vector<16xf32>
          %ge3A_1115 = arith.cmpf oge, %exp3A_1114, %get3A_1097 : vector<16xf32>
          %and3A_1116 = arith.andi %and3A_1091, %ge3A_1115 : vector<16xi1>
          %ge3A_1117 = arith.constant 5.000000e-01 : f32
          %ge3A_1118 = vector.broadcast %ge3A_1117 : f32 to vector<16xf32>
          %ge3A_1119 = arith.cmpf oge, %exp3A_1114, %ge3A_1118 : vector<16xf32>
          %jit3A_1120 = arith.constant 0.000000e+00 : f32
          %broadcast_in_dim3A_1121 = vector.broadcast %convert_element_type3A_959 : f32 to vector<16xf32>
          %broadcast_in_dim3A_1122 = vector.broadcast %jit3A_1120 : f32 to vector<16xf32>
          %select_n3A_1123 = arith.select %ge3A_1119, %broadcast_in_dim3A_1121, %broadcast_in_dim3A_1122 : vector<16xi1>, vector<16xf32>
          %max3A_1124 = arith.maximumf %get3A_1097, %exp3A_1114 : vector<16xf32>
          %select_n3A_1125 = arith.select %and3A_1116, %max3A_1124, %get3A_1097 : vector<16xi1>, vector<16xf32>
          %gt3A_1126 = arith.cmpf ogt, %exp3A_1114, %get3A_1097 : vector<16xf32>
          %and3A_1127 = arith.andi %and3A_1116, %gt3A_1126 : vector<16xi1>
          %eq3A_1128 = arith.cmpf oeq, %exp3A_1114, %get3A_1097 : vector<16xf32>
          %and3A_1129 = arith.andi %and3A_1116, %eq3A_1128 : vector<16xi1>
          %max3A_1130 = arith.maximumf %get3A_1099, %select_n3A_1123 : vector<16xf32>
          %select_n3A_1131 = arith.select %and3A_1129, %max3A_1130, %get3A_1099 : vector<16xi1>, vector<16xf32>
          %select_n3A_1132 = arith.select %and3A_1127, %select_n3A_1123, %select_n3A_1131 : vector<16xi1>, vector<16xf32>
          %swap3A_1133 = arith.index_cast %add3A_1082 : i32 to index
          %swap3A_1134 = tpu.vector_load %arg9[%swap3A_1133] {strides = array<i32>} : memref<8320xf32, #tpu.memory_space<vmem>>, vector<16xf32>,
          tpu.vector_store %arg9[%swap3A_1133], %select_n3A_1125 {strides = array<i32>} : memref<8320xf32, #tpu.memory_space<vmem>>, vector<16xf32>,
          %swap3A_1135 = arith.index_cast %add3A_1082 : i32 to index
          %swap3A_1136 = tpu.vector_load %arg10[%swap3A_1135] {strides = array<i32>} : memref<8320xf32, #tpu.memory_space<vmem>>, vector<16xf32>,
          tpu.vector_store %arg10[%swap3A_1135], %select_n3A_1132 {strides = array<i32>} : memref<8320xf32, #tpu.memory_space<vmem>>, vector<16xf32>,
          %add3A_1137 = arith.addi %mul3A_1027, %mul3A_986 : i32
          %add3A_1138 = arith.constant 32 : i32
          %add3A_1139 = arith.addi %add3A_1137, %add3A_1138 : i32
          %add3A_1140 = arith.constant 32 : i32
          %add3A_1141 = arith.addi %mul3A_986, %add3A_1140 : i32
          %add3A_1142 = vector.broadcast %add3A_1141 : i32 to vector<16xi32>
          %add3A_1143 = arith.addi %add3A_1142, %iota3A : vector<16xi32>
          %ge3A_1144 = vector.broadcast %max3A_968 : i32 to vector<16xi32>
          %ge3A_1145 = arith.cmpi sge, %add3A_1143, %ge3A_1144 : vector<16xi32>
          %lt3A_1146 = vector.broadcast %min3A_972 : i32 to vector<16xi32>
          %lt3A_1147 = arith.cmpi slt, %add3A_1143, %lt3A_1146 : vector<16xi32>
          %and3A_1148 = arith.andi %ge3A_1145, %lt3A_1147 : vector<16xi1>
          %get3A_1149 = arith.index_cast %add3A_1139 : i32 to index
          %get3A_1150 = tpu.vector_load %arg7[%get3A_1149] {strides = array<i32>} : memref<8320xf32, #tpu.memory_space<vmem>>, vector<16xf32>,
          %get3A_1151 = arith.index_cast %add3A_1139 : i32 to index
          %get3A_1152 = tpu.vector_load %arg8[%get3A_1151] {strides = array<i32>} : memref<8320xf32, #tpu.memory_space<vmem>>, vector<16xf32>,
          %get3A_1153 = arith.index_cast %add3A_1139 : i32 to index
          %get3A_1154 = tpu.vector_load %arg9[%get3A_1153] {strides = array<i32>} : memref<8320xf32, #tpu.memory_space<vmem>>, vector<16xf32>,
          %get3A_1155 = arith.index_cast %add3A_1139 : i32 to index
          %get3A_1156 = tpu.vector_load %arg10[%get3A_1155] {strides = array<i32>} : memref<8320xf32, #tpu.memory_space<vmem>>, vector<16xf32>,
          %sub3A_1157 = vector.broadcast %squeeze3A_950 : f32 to vector<16xf32>
          %sub3A_1158 = arith.subf %get3A_1150, %sub3A_1157 : vector<16xf32>
          %sub3A_1159 = vector.broadcast %squeeze3A_952 : f32 to vector<16xf32>
          %sub3A_1160 = arith.subf %get3A_1152, %sub3A_1159 : vector<16xf32>
          %mul3A_1161 = arith.mulf %sub3A_1158, %sub3A_1158 : vector<16xf32>
          %mul3A_1162 = vector.broadcast %squeeze3A_954 : f32 to vector<16xf32>
          %mul3A_1163 = arith.mulf %mul3A_1161, %mul3A_1162 : vector<16xf32>
          %mul3A_1164 = arith.mulf %sub3A_1160, %sub3A_1160 : vector<16xf32>
          %mul3A_1165 = vector.broadcast %squeeze3A_956 : f32 to vector<16xf32>
          %mul3A_1166 = arith.mulf %mul3A_1164, %mul3A_1165 : vector<16xf32>
          %add3A_1167 = arith.addf %mul3A_1163, %mul3A_1166 : vector<16xf32>
          %neg3A_1168 = arith.constant 0.000000e+00 : f32
          %neg3A_1169 = vector.broadcast %neg3A_1168 : f32 to vector<16xf32>
          %neg3A_1170 = arith.subf %neg3A_1169, %add3A_1167 : vector<16xf32>
          %exp3A_1171 = math.exp %neg3A_1170 : vector<16xf32>
          %ge3A_1172 = arith.cmpf oge, %exp3A_1171, %get3A_1154 : vector<16xf32>
          %and3A_1173 = arith.andi %and3A_1148, %ge3A_1172 : vector<16xi1>
          %ge3A_1174 = arith.constant 5.000000e-01 : f32
          %ge3A_1175 = vector.broadcast %ge3A_1174 : f32 to vector<16xf32>
          %ge3A_1176 = arith.cmpf oge, %exp3A_1171, %ge3A_1175 : vector<16xf32>
          %jit3A_1177 = arith.constant 0.000000e+00 : f32
          %broadcast_in_dim3A_1178 = vector.broadcast %convert_element_type3A_959 : f32 to vector<16xf32>
          %broadcast_in_dim3A_1179 = vector.broadcast %jit3A_1177 : f32 to vector<16xf32>
          %select_n3A_1180 = arith.select %ge3A_1176, %broadcast_in_dim3A_1178, %broadcast_in_dim3A_1179 : vector<16xi1>, vector<16xf32>
          %max3A_1181 = arith.maximumf %get3A_1154, %exp3A_1171 : vector<16xf32>
          %select_n3A_1182 = arith.select %and3A_1173, %max3A_1181, %get3A_1154 : vector<16xi1>, vector<16xf32>
          %gt3A_1183 = arith.cmpf ogt, %exp3A_1171, %get3A_1154 : vector<16xf32>
          %and3A_1184 = arith.andi %and3A_1173, %gt3A_1183 : vector<16xi1>
          %eq3A_1185 = arith.cmpf oeq, %exp3A_1171, %get3A_1154 : vector<16xf32>
          %and3A_1186 = arith.andi %and3A_1173, %eq3A_1185 : vector<16xi1>
          %max3A_1187 = arith.maximumf %get3A_1156, %select_n3A_1180 : vector<16xf32>
          %select_n3A_1188 = arith.select %and3A_1186, %max3A_1187, %get3A_1156 : vector<16xi1>, vector<16xf32>
          %select_n3A_1189 = arith.select %and3A_1184, %select_n3A_1180, %select_n3A_1188 : vector<16xi1>, vector<16xf32>
          %swap3A_1190 = arith.index_cast %add3A_1139 : i32 to index
          %swap3A_1191 = tpu.vector_load %arg9[%swap3A_1190] {strides = array<i32>} : memref<8320xf32, #tpu.memory_space<vmem>>, vector<16xf32>,
          tpu.vector_store %arg9[%swap3A_1190], %select_n3A_1182 {strides = array<i32>} : memref<8320xf32, #tpu.memory_space<vmem>>, vector<16xf32>,
          %swap3A_1192 = arith.index_cast %add3A_1139 : i32 to index
          %swap3A_1193 = tpu.vector_load %arg10[%swap3A_1192] {strides = array<i32>} : memref<8320xf32, #tpu.memory_space<vmem>>, vector<16xf32>,
          tpu.vector_store %arg10[%swap3A_1192], %select_n3A_1189 {strides = array<i32>} : memref<8320xf32, #tpu.memory_space<vmem>>, vector<16xf32>,
          %add3A_1194 = arith.addi %mul3A_1027, %mul3A_986 : i32
          %add3A_1195 = arith.constant 48 : i32
          %add3A_1196 = arith.addi %add3A_1194, %add3A_1195 : i32
          %add3A_1197 = arith.constant 48 : i32
          %add3A_1198 = arith.addi %mul3A_986, %add3A_1197 : i32
          %add3A_1199 = vector.broadcast %add3A_1198 : i32 to vector<16xi32>
          %add3A_1200 = arith.addi %add3A_1199, %iota3A : vector<16xi32>
          %ge3A_1201 = vector.broadcast %max3A_968 : i32 to vector<16xi32>
          %ge3A_1202 = arith.cmpi sge, %add3A_1200, %ge3A_1201 : vector<16xi32>
          %lt3A_1203 = vector.broadcast %min3A_972 : i32 to vector<16xi32>
          %lt3A_1204 = arith.cmpi slt, %add3A_1200, %lt3A_1203 : vector<16xi32>
          %and3A_1205 = arith.andi %ge3A_1202, %lt3A_1204 : vector<16xi1>
          %get3A_1206 = arith.index_cast %add3A_1196 : i32 to index
          %get3A_1207 = tpu.vector_load %arg7[%get3A_1206] {strides = array<i32>} : memref<8320xf32, #tpu.memory_space<vmem>>, vector<16xf32>,
          %get3A_1208 = arith.index_cast %add3A_1196 : i32 to index
          %get3A_1209 = tpu.vector_load %arg8[%get3A_1208] {strides = array<i32>} : memref<8320xf32, #tpu.memory_space<vmem>>, vector<16xf32>,
          %get3A_1210 = arith.index_cast %add3A_1196 : i32 to index
          %get3A_1211 = tpu.vector_load %arg9[%get3A_1210] {strides = array<i32>} : memref<8320xf32, #tpu.memory_space<vmem>>, vector<16xf32>,
          %get3A_1212 = arith.index_cast %add3A_1196 : i32 to index
          %get3A_1213 = tpu.vector_load %arg10[%get3A_1212] {strides = array<i32>} : memref<8320xf32, #tpu.memory_space<vmem>>, vector<16xf32>,
          %sub3A_1214 = vector.broadcast %squeeze3A_950 : f32 to vector<16xf32>
          %sub3A_1215 = arith.subf %get3A_1207, %sub3A_1214 : vector<16xf32>
          %sub3A_1216 = vector.broadcast %squeeze3A_952 : f32 to vector<16xf32>
          %sub3A_1217 = arith.subf %get3A_1209, %sub3A_1216 : vector<16xf32>
          %mul3A_1218 = arith.mulf %sub3A_1215, %sub3A_1215 : vector<16xf32>
          %mul3A_1219 = vector.broadcast %squeeze3A_954 : f32 to vector<16xf32>
          %mul3A_1220 = arith.mulf %mul3A_1218, %mul3A_1219 : vector<16xf32>
          %mul3A_1221 = arith.mulf %sub3A_1217, %sub3A_1217 : vector<16xf32>
          %mul3A_1222 = vector.broadcast %squeeze3A_956 : f32 to vector<16xf32>
          %mul3A_1223 = arith.mulf %mul3A_1221, %mul3A_1222 : vector<16xf32>
          %add3A_1224 = arith.addf %mul3A_1220, %mul3A_1223 : vector<16xf32>
          %neg3A_1225 = arith.constant 0.000000e+00 : f32
          %neg3A_1226 = vector.broadcast %neg3A_1225 : f32 to vector<16xf32>
          %neg3A_1227 = arith.subf %neg3A_1226, %add3A_1224 : vector<16xf32>
          %exp3A_1228 = math.exp %neg3A_1227 : vector<16xf32>
          %ge3A_1229 = arith.cmpf oge, %exp3A_1228, %get3A_1211 : vector<16xf32>
          %and3A_1230 = arith.andi %and3A_1205, %ge3A_1229 : vector<16xi1>
          %ge3A_1231 = arith.constant 5.000000e-01 : f32
          %ge3A_1232 = vector.broadcast %ge3A_1231 : f32 to vector<16xf32>
          %ge3A_1233 = arith.cmpf oge, %exp3A_1228, %ge3A_1232 : vector<16xf32>
          %jit3A_1234 = arith.constant 0.000000e+00 : f32
          %broadcast_in_dim3A_1235 = vector.broadcast %convert_element_type3A_959 : f32 to vector<16xf32>
          %broadcast_in_dim3A_1236 = vector.broadcast %jit3A_1234 : f32 to vector<16xf32>
          %select_n3A_1237 = arith.select %ge3A_1233, %broadcast_in_dim3A_1235, %broadcast_in_dim3A_1236 : vector<16xi1>, vector<16xf32>
          %max3A_1238 = arith.maximumf %get3A_1211, %exp3A_1228 : vector<16xf32>
          %select_n3A_1239 = arith.select %and3A_1230, %max3A_1238, %get3A_1211 : vector<16xi1>, vector<16xf32>
          %gt3A_1240 = arith.cmpf ogt, %exp3A_1228, %get3A_1211 : vector<16xf32>
          %and3A_1241 = arith.andi %and3A_1230, %gt3A_1240 : vector<16xi1>
          %eq3A_1242 = arith.cmpf oeq, %exp3A_1228, %get3A_1211 : vector<16xf32>
          %and3A_1243 = arith.andi %and3A_1230, %eq3A_1242 : vector<16xi1>
          %max3A_1244 = arith.maximumf %get3A_1213, %select_n3A_1237 : vector<16xf32>
          %select_n3A_1245 = arith.select %and3A_1243, %max3A_1244, %get3A_1213 : vector<16xi1>, vector<16xf32>
          %select_n3A_1246 = arith.select %and3A_1241, %select_n3A_1237, %select_n3A_1245 : vector<16xi1>, vector<16xf32>
          %swap3A_1247 = arith.index_cast %add3A_1196 : i32 to index
          %swap3A_1248 = tpu.vector_load %arg9[%swap3A_1247] {strides = array<i32>} : memref<8320xf32, #tpu.memory_space<vmem>>, vector<16xf32>,
          tpu.vector_store %arg9[%swap3A_1247], %select_n3A_1239 {strides = array<i32>} : memref<8320xf32, #tpu.memory_space<vmem>>, vector<16xf32>,
          %swap3A_1249 = arith.index_cast %add3A_1196 : i32 to index
          %swap3A_1250 = tpu.vector_load %arg10[%swap3A_1249] {strides = array<i32>} : memref<8320xf32, #tpu.memory_space<vmem>>, vector<16xf32>,
          tpu.vector_store %arg10[%swap3A_1249], %select_n3A_1246 {strides = array<i32>} : memref<8320xf32, #tpu.memory_space<vmem>>, vector<16xf32>,
          %add3A_1251 = arith.addi %mul3A_1027, %mul3A_986 : i32
          %add3A_1252 = arith.constant 64 : i32
          %add3A_1253 = arith.addi %add3A_1251, %add3A_1252 : i32
          %add3A_1254 = arith.constant 64 : i32
          %add3A_1255 = arith.addi %mul3A_986, %add3A_1254 : i32
          %add3A_1256 = vector.broadcast %add3A_1255 : i32 to vector<16xi32>
          %add3A_1257 = arith.addi %add3A_1256, %iota3A : vector<16xi32>
          %ge3A_1258 = vector.broadcast %max3A_968 : i32 to vector<16xi32>
          %ge3A_1259 = arith.cmpi sge, %add3A_1257, %ge3A_1258 : vector<16xi32>
          %lt3A_1260 = vector.broadcast %min3A_972 : i32 to vector<16xi32>
          %lt3A_1261 = arith.cmpi slt, %add3A_1257, %lt3A_1260 : vector<16xi32>
          %and3A_1262 = arith.andi %ge3A_1259, %lt3A_1261 : vector<16xi1>
          %get3A_1263 = arith.index_cast %add3A_1253 : i32 to index
          %get3A_1264 = tpu.vector_load %arg7[%get3A_1263] {strides = array<i32>} : memref<8320xf32, #tpu.memory_space<vmem>>, vector<16xf32>,
          %get3A_1265 = arith.index_cast %add3A_1253 : i32 to index
          %get3A_1266 = tpu.vector_load %arg8[%get3A_1265] {strides = array<i32>} : memref<8320xf32, #tpu.memory_space<vmem>>, vector<16xf32>,
          %get3A_1267 = arith.index_cast %add3A_1253 : i32 to index
          %get3A_1268 = tpu.vector_load %arg9[%get3A_1267] {strides = array<i32>} : memref<8320xf32, #tpu.memory_space<vmem>>, vector<16xf32>,
          %get3A_1269 = arith.index_cast %add3A_1253 : i32 to index
          %get3A_1270 = tpu.vector_load %arg10[%get3A_1269] {strides = array<i32>} : memref<8320xf32, #tpu.memory_space<vmem>>, vector<16xf32>,
          %sub3A_1271 = vector.broadcast %squeeze3A_950 : f32 to vector<16xf32>
          %sub3A_1272 = arith.subf %get3A_1264, %sub3A_1271 : vector<16xf32>
          %sub3A_1273 = vector.broadcast %squeeze3A_952 : f32 to vector<16xf32>
          %sub3A_1274 = arith.subf %get3A_1266, %sub3A_1273 : vector<16xf32>
          %mul3A_1275 = arith.mulf %sub3A_1272, %sub3A_1272 : vector<16xf32>
          %mul3A_1276 = vector.broadcast %squeeze3A_954 : f32 to vector<16xf32>
          %mul3A_1277 = arith.mulf %mul3A_1275, %mul3A_1276 : vector<16xf32>
          %mul3A_1278 = arith.mulf %sub3A_1274, %sub3A_1274 : vector<16xf32>
          %mul3A_1279 = vector.broadcast %squeeze3A_956 : f32 to vector<16xf32>
          %mul3A_1280 = arith.mulf %mul3A_1278, %mul3A_1279 : vector<16xf32>
          %add3A_1281 = arith.addf %mul3A_1277, %mul3A_1280 : vector<16xf32>
          %neg3A_1282 = arith.constant 0.000000e+00 : f32
          %neg3A_1283 = vector.broadcast %neg3A_1282 : f32 to vector<16xf32>
          %neg3A_1284 = arith.subf %neg3A_1283, %add3A_1281 : vector<16xf32>
          %exp3A_1285 = math.exp %neg3A_1284 : vector<16xf32>
          %ge3A_1286 = arith.cmpf oge, %exp3A_1285, %get3A_1268 : vector<16xf32>
          %and3A_1287 = arith.andi %and3A_1262, %ge3A_1286 : vector<16xi1>
          %ge3A_1288 = arith.constant 5.000000e-01 : f32
          %ge3A_1289 = vector.broadcast %ge3A_1288 : f32 to vector<16xf32>
          %ge3A_1290 = arith.cmpf oge, %exp3A_1285, %ge3A_1289 : vector<16xf32>
          %jit3A_1291 = arith.constant 0.000000e+00 : f32
          %broadcast_in_dim3A_1292 = vector.broadcast %convert_element_type3A_959 : f32 to vector<16xf32>
          %broadcast_in_dim3A_1293 = vector.broadcast %jit3A_1291 : f32 to vector<16xf32>
          %select_n3A_1294 = arith.select %ge3A_1290, %broadcast_in_dim3A_1292, %broadcast_in_dim3A_1293 : vector<16xi1>, vector<16xf32>
          %max3A_1295 = arith.maximumf %get3A_1268, %exp3A_1285 : vector<16xf32>
          %select_n3A_1296 = arith.select %and3A_1287, %max3A_1295, %get3A_1268 : vector<16xi1>, vector<16xf32>
          %gt3A_1297 = arith.cmpf ogt, %exp3A_1285, %get3A_1268 : vector<16xf32>
          %and3A_1298 = arith.andi %and3A_1287, %gt3A_1297 : vector<16xi1>
          %eq3A_1299 = arith.cmpf oeq, %exp3A_1285, %get3A_1268 : vector<16xf32>
          %and3A_1300 = arith.andi %and3A_1287, %eq3A_1299 : vector<16xi1>
          %max3A_1301 = arith.maximumf %get3A_1270, %select_n3A_1294 : vector<16xf32>
          %select_n3A_1302 = arith.select %and3A_1300, %max3A_1301, %get3A_1270 : vector<16xi1>, vector<16xf32>
          %select_n3A_1303 = arith.select %and3A_1298, %select_n3A_1294, %select_n3A_1302 : vector<16xi1>, vector<16xf32>
          %swap3A_1304 = arith.index_cast %add3A_1253 : i32 to index
          %swap3A_1305 = tpu.vector_load %arg9[%swap3A_1304] {strides = array<i32>} : memref<8320xf32, #tpu.memory_space<vmem>>, vector<16xf32>,
          tpu.vector_store %arg9[%swap3A_1304], %select_n3A_1296 {strides = array<i32>} : memref<8320xf32, #tpu.memory_space<vmem>>, vector<16xf32>,
          %swap3A_1306 = arith.index_cast %add3A_1253 : i32 to index
          %swap3A_1307 = tpu.vector_load %arg10[%swap3A_1306] {strides = array<i32>} : memref<8320xf32, #tpu.memory_space<vmem>>, vector<16xf32>,
          tpu.vector_store %arg10[%swap3A_1306], %select_n3A_1303 {strides = array<i32>} : memref<8320xf32, #tpu.memory_space<vmem>>, vector<16xf32>,
        } else {
        }
        %add3A_997 = arith.constant 32 : i32
        %add3A_998 = arith.addi %add3A_983, %add3A_997 : i32
        %lt3A_999 = arith.cmpi slt, %add3A_998, %min3A_964 : i32
        %convert_element_type3A_1000 = arith.extui %lt3A_999 : i1 to i32
        %cond3A_1001 = arith.constant 0 : i32
        %cond3A_1002 = arith.cmpi ne, %convert_element_type3A_1000, %cond3A_1001 : i32
        scf.if %cond3A_1002 {
          %sub3A_1003 = arith.subi %add3A_998, %add3A : i32
          %jit3A_1004 = arith.constant 32 : i32
          %div3A = arith.divsi %sub3A_1003, %jit3A_1004 : i32
          %sign3A = arith.constant 0 : i32
          %sign3A_1005 = arith.cmpi sgt, %sub3A_1003, %sign3A : i32
          %sign3A_1006 = arith.extui %sign3A_1005 : i1 to i32
          %sign3A_1007 = arith.constant 0 : i32
          %sign3A_1008 = arith.cmpi slt, %sub3A_1003, %sign3A_1007 : i32
          %sign3A_1009 = arith.extui %sign3A_1008 : i1 to i32
          %sign3A_1010 = arith.subi %sign3A_1006, %sign3A_1009 : i32
          %sign3A_1011 = arith.constant 0 : i32
          %sign3A_1012 = arith.cmpi sgt, %jit3A_1004, %sign3A_1011 : i32
          %sign3A_1013 = arith.extui %sign3A_1012 : i1 to i32
          %sign3A_1014 = arith.constant 0 : i32
          %sign3A_1015 = arith.cmpi slt, %jit3A_1004, %sign3A_1014 : i32
          %sign3A_1016 = arith.extui %sign3A_1015 : i1 to i32
          %sign3A_1017 = arith.subi %sign3A_1013, %sign3A_1016 : i32
          %ne3A_1018 = arith.cmpi ne, %sign3A_1010, %sign3A_1017 : i32
          %rem3A_1019 = arith.remsi %sub3A_1003, %jit3A_1004 : i32
          %ne3A_1020 = arith.constant 0 : i32
          %ne3A_1021 = arith.cmpi ne, %rem3A_1019, %ne3A_1020 : i32
          %and3A_1022 = arith.andi %ne3A_1018, %ne3A_1021 : i1
          %sub3A_1023 = arith.constant 1 : i32
          %sub3A_1024 = arith.subi %div3A, %sub3A_1023 : i32
          %select_n3A_1025 = arith.select %and3A_1022, %sub3A_1024, %div3A : i32
          %mul3A_1026 = arith.constant 512 : i32
          %mul3A_1027 = arith.muli %select_n3A_1025, %mul3A_1026 : i32
          %add3A_1028 = arith.addi %mul3A_1027, %mul3A_986 : i32
          %add3A_1029 = arith.constant 0 : i32
          %add3A_1030 = arith.addi %add3A_1028, %add3A_1029 : i32
          %add3A_1031 = arith.constant 0 : i32
          %add3A_1032 = arith.addi %mul3A_986, %add3A_1031 : i32
          %add3A_1033 = vector.broadcast %add3A_1032 : i32 to vector<16xi32>
          %add3A_1034 = arith.addi %add3A_1033, %iota3A : vector<16xi32>
          %ge3A = vector.broadcast %max3A_968 : i32 to vector<16xi32>
          %ge3A_1035 = arith.cmpi sge, %add3A_1034, %ge3A : vector<16xi32>
          %lt3A_1036 = vector.broadcast %min3A_972 : i32 to vector<16xi32>
          %lt3A_1037 = arith.cmpi slt, %add3A_1034, %lt3A_1036 : vector<16xi32>
          %and3A_1038 = arith.andi %ge3A_1035, %lt3A_1037 : vector<16xi1>
          %get3A_1039 = arith.index_cast %add3A_1030 : i32 to index
          %get3A_1040 = tpu.vector_load %arg7[%get3A_1039] {strides = array<i32>} : memref<8320xf32, #tpu.memory_space<vmem>>, vector<16xf32>,
          %get3A_1041 = arith.index_cast %add3A_1030 : i32 to index
          %get3A_1042 = tpu.vector_load %arg8[%get3A_1041] {strides = array<i32>} : memref<8320xf32, #tpu.memory_space<vmem>>, vector<16xf32>,
          %get3A_1043 = arith.index_cast %add3A_1030 : i32 to index
          %get3A_1044 = tpu.vector_load %arg9[%get3A_1043] {strides = array<i32>} : memref<8320xf32, #tpu.memory_space<vmem>>, vector<16xf32>,
          %get3A_1045 = arith.index_cast %add3A_1030 : i32 to index
          %get3A_1046 = tpu.vector_load %arg10[%get3A_1045] {strides = array<i32>} : memref<8320xf32, #tpu.memory_space<vmem>>, vector<16xf32>,
          %sub3A_1047 = vector.broadcast %squeeze3A_950 : f32 to vector<16xf32>
          %sub3A_1048 = arith.subf %get3A_1040, %sub3A_1047 : vector<16xf32>
          %sub3A_1049 = vector.broadcast %squeeze3A_952 : f32 to vector<16xf32>
          %sub3A_1050 = arith.subf %get3A_1042, %sub3A_1049 : vector<16xf32>
          %mul3A_1051 = arith.mulf %sub3A_1048, %sub3A_1048 : vector<16xf32>
          %mul3A_1052 = vector.broadcast %squeeze3A_954 : f32 to vector<16xf32>
          %mul3A_1053 = arith.mulf %mul3A_1051, %mul3A_1052 : vector<16xf32>
          %mul3A_1054 = arith.mulf %sub3A_1050, %sub3A_1050 : vector<16xf32>
          %mul3A_1055 = vector.broadcast %squeeze3A_956 : f32 to vector<16xf32>
          %mul3A_1056 = arith.mulf %mul3A_1054, %mul3A_1055 : vector<16xf32>
          %add3A_1057 = arith.addf %mul3A_1053, %mul3A_1056 : vector<16xf32>
          %neg3A = arith.constant 0.000000e+00 : f32
          %neg3A_1058 = vector.broadcast %neg3A : f32 to vector<16xf32>
          %neg3A_1059 = arith.subf %neg3A_1058, %add3A_1057 : vector<16xf32>
          %exp3A = math.exp %neg3A_1059 : vector<16xf32>
          %ge3A_1060 = arith.cmpf oge, %exp3A, %get3A_1044 : vector<16xf32>
          %and3A_1061 = arith.andi %and3A_1038, %ge3A_1060 : vector<16xi1>
          %ge3A_1062 = arith.constant 5.000000e-01 : f32
          %ge3A_1063 = vector.broadcast %ge3A_1062 : f32 to vector<16xf32>
          %ge3A_1064 = arith.cmpf oge, %exp3A, %ge3A_1063 : vector<16xf32>
          %jit3A_1065 = arith.constant 0.000000e+00 : f32
          %broadcast_in_dim3A = vector.broadcast %convert_element_type3A_959 : f32 to vector<16xf32>
          %broadcast_in_dim3A_1066 = vector.broadcast %jit3A_1065 : f32 to vector<16xf32>
          %select_n3A_1067 = arith.select %ge3A_1064, %broadcast_in_dim3A, %broadcast_in_dim3A_1066 : vector<16xi1>, vector<16xf32>
          %max3A_1068 = arith.maximumf %get3A_1044, %exp3A : vector<16xf32>
          %select_n3A_1069 = arith.select %and3A_1061, %max3A_1068, %get3A_1044 : vector<16xi1>, vector<16xf32>
          %gt3A_1070 = arith.cmpf ogt, %exp3A, %get3A_1044 : vector<16xf32>
          %and3A_1071 = arith.andi %and3A_1061, %gt3A_1070 : vector<16xi1>
          %eq3A_1072 = arith.cmpf oeq, %exp3A, %get3A_1044 : vector<16xf32>
          %and3A_1073 = arith.andi %and3A_1061, %eq3A_1072 : vector<16xi1>
          %max3A_1074 = arith.maximumf %get3A_1046, %select_n3A_1067 : vector<16xf32>
          %select_n3A_1075 = arith.select %and3A_1073, %max3A_1074, %get3A_1046 : vector<16xi1>, vector<16xf32>
          %select_n3A_1076 = arith.select %and3A_1071, %select_n3A_1067, %select_n3A_1075 : vector<16xi1>, vector<16xf32>
          %swap3A = arith.index_cast %add3A_1030 : i32 to index
          %swap3A_1077 = tpu.vector_load %arg9[%swap3A] {strides = array<i32>} : memref<8320xf32, #tpu.memory_space<vmem>>, vector<16xf32>,
          tpu.vector_store %arg9[%swap3A], %select_n3A_1069 {strides = array<i32>} : memref<8320xf32, #tpu.memory_space<vmem>>, vector<16xf32>,
          %swap3A_1078 = arith.index_cast %add3A_1030 : i32 to index
          %swap3A_1079 = tpu.vector_load %arg10[%swap3A_1078] {strides = array<i32>} : memref<8320xf32, #tpu.memory_space<vmem>>, vector<16xf32>,
          tpu.vector_store %arg10[%swap3A_1078], %select_n3A_1076 {strides = array<i32>} : memref<8320xf32, #tpu.memory_space<vmem>>, vector<16xf32>,
          %add3A_1080 = arith.addi %mul3A_1027, %mul3A_986 : i32
          %add3A_1081 = arith.constant 16 : i32
          %add3A_1082 = arith.addi %add3A_1080, %add3A_1081 : i32
          %add3A_1083 = arith.constant 16 : i32
          %add3A_1084 = arith.addi %mul3A_986, %add3A_1083 : i32
          %add3A_1085 = vector.broadcast %add3A_1084 : i32 to vector<16xi32>
          %add3A_1086 = arith.addi %add3A_1085, %iota3A : vector<16xi32>
          %ge3A_1087 = vector.broadcast %max3A_968 : i32 to vector<16xi32>
          %ge3A_1088 = arith.cmpi sge, %add3A_1086, %ge3A_1087 : vector<16xi32>
          %lt3A_1089 = vector.broadcast %min3A_972 : i32 to vector<16xi32>
          %lt3A_1090 = arith.cmpi slt, %add3A_1086, %lt3A_1089 : vector<16xi32>
          %and3A_1091 = arith.andi %ge3A_1088, %lt3A_1090 : vector<16xi1>
          %get3A_1092 = arith.index_cast %add3A_1082 : i32 to index
          %get3A_1093 = tpu.vector_load %arg7[%get3A_1092] {strides = array<i32>} : memref<8320xf32, #tpu.memory_space<vmem>>, vector<16xf32>,
          %get3A_1094 = arith.index_cast %add3A_1082 : i32 to index
          %get3A_1095 = tpu.vector_load %arg8[%get3A_1094] {strides = array<i32>} : memref<8320xf32, #tpu.memory_space<vmem>>, vector<16xf32>,
          %get3A_1096 = arith.index_cast %add3A_1082 : i32 to index
          %get3A_1097 = tpu.vector_load %arg9[%get3A_1096] {strides = array<i32>} : memref<8320xf32, #tpu.memory_space<vmem>>, vector<16xf32>,
          %get3A_1098 = arith.index_cast %add3A_1082 : i32 to index
          %get3A_1099 = tpu.vector_load %arg10[%get3A_1098] {strides = array<i32>} : memref<8320xf32, #tpu.memory_space<vmem>>, vector<16xf32>,
          %sub3A_1100 = vector.broadcast %squeeze3A_950 : f32 to vector<16xf32>
          %sub3A_1101 = arith.subf %get3A_1093, %sub3A_1100 : vector<16xf32>
          %sub3A_1102 = vector.broadcast %squeeze3A_952 : f32 to vector<16xf32>
          %sub3A_1103 = arith.subf %get3A_1095, %sub3A_1102 : vector<16xf32>
          %mul3A_1104 = arith.mulf %sub3A_1101, %sub3A_1101 : vector<16xf32>
          %mul3A_1105 = vector.broadcast %squeeze3A_954 : f32 to vector<16xf32>
          %mul3A_1106 = arith.mulf %mul3A_1104, %mul3A_1105 : vector<16xf32>
          %mul3A_1107 = arith.mulf %sub3A_1103, %sub3A_1103 : vector<16xf32>
          %mul3A_1108 = vector.broadcast %squeeze3A_956 : f32 to vector<16xf32>
          %mul3A_1109 = arith.mulf %mul3A_1107, %mul3A_1108 : vector<16xf32>
          %add3A_1110 = arith.addf %mul3A_1106, %mul3A_1109 : vector<16xf32>
          %neg3A_1111 = arith.constant 0.000000e+00 : f32
          %neg3A_1112 = vector.broadcast %neg3A_1111 : f32 to vector<16xf32>
          %neg3A_1113 = arith.subf %neg3A_1112, %add3A_1110 : vector<16xf32>
          %exp3A_1114 = math.exp %neg3A_1113 : vector<16xf32>
          %ge3A_1115 = arith.cmpf oge, %exp3A_1114, %get3A_1097 : vector<16xf32>
          %and3A_1116 = arith.andi %and3A_1091, %ge3A_1115 : vector<16xi1>
          %ge3A_1117 = arith.constant 5.000000e-01 : f32
          %ge3A_1118 = vector.broadcast %ge3A_1117 : f32 to vector<16xf32>
          %ge3A_1119 = arith.cmpf oge, %exp3A_1114, %ge3A_1118 : vector<16xf32>
          %jit3A_1120 = arith.constant 0.000000e+00 : f32
          %broadcast_in_dim3A_1121 = vector.broadcast %convert_element_type3A_959 : f32 to vector<16xf32>
          %broadcast_in_dim3A_1122 = vector.broadcast %jit3A_1120 : f32 to vector<16xf32>
          %select_n3A_1123 = arith.select %ge3A_1119, %broadcast_in_dim3A_1121, %broadcast_in_dim3A_1122 : vector<16xi1>, vector<16xf32>
          %max3A_1124 = arith.maximumf %get3A_1097, %exp3A_1114 : vector<16xf32>
          %select_n3A_1125 = arith.select %and3A_1116, %max3A_1124, %get3A_1097 : vector<16xi1>, vector<16xf32>
          %gt3A_1126 = arith.cmpf ogt, %exp3A_1114, %get3A_1097 : vector<16xf32>
          %and3A_1127 = arith.andi %and3A_1116, %gt3A_1126 : vector<16xi1>
          %eq3A_1128 = arith.cmpf oeq, %exp3A_1114, %get3A_1097 : vector<16xf32>
          %and3A_1129 = arith.andi %and3A_1116, %eq3A_1128 : vector<16xi1>
          %max3A_1130 = arith.maximumf %get3A_1099, %select_n3A_1123 : vector<16xf32>
          %select_n3A_1131 = arith.select %and3A_1129, %max3A_1130, %get3A_1099 : vector<16xi1>, vector<16xf32>
          %select_n3A_1132 = arith.select %and3A_1127, %select_n3A_1123, %select_n3A_1131 : vector<16xi1>, vector<16xf32>
          %swap3A_1133 = arith.index_cast %add3A_1082 : i32 to index
          %swap3A_1134 = tpu.vector_load %arg9[%swap3A_1133] {strides = array<i32>} : memref<8320xf32, #tpu.memory_space<vmem>>, vector<16xf32>,
          tpu.vector_store %arg9[%swap3A_1133], %select_n3A_1125 {strides = array<i32>} : memref<8320xf32, #tpu.memory_space<vmem>>, vector<16xf32>,
          %swap3A_1135 = arith.index_cast %add3A_1082 : i32 to index
          %swap3A_1136 = tpu.vector_load %arg10[%swap3A_1135] {strides = array<i32>} : memref<8320xf32, #tpu.memory_space<vmem>>, vector<16xf32>,
          tpu.vector_store %arg10[%swap3A_1135], %select_n3A_1132 {strides = array<i32>} : memref<8320xf32, #tpu.memory_space<vmem>>, vector<16xf32>,
          %add3A_1137 = arith.addi %mul3A_1027, %mul3A_986 : i32
          %add3A_1138 = arith.constant 32 : i32
          %add3A_1139 = arith.addi %add3A_1137, %add3A_1138 : i32
          %add3A_1140 = arith.constant 32 : i32
          %add3A_1141 = arith.addi %mul3A_986, %add3A_1140 : i32
          %add3A_1142 = vector.broadcast %add3A_1141 : i32 to vector<16xi32>
          %add3A_1143 = arith.addi %add3A_1142, %iota3A : vector<16xi32>
          %ge3A_1144 = vector.broadcast %max3A_968 : i32 to vector<16xi32>
          %ge3A_1145 = arith.cmpi sge, %add3A_1143, %ge3A_1144 : vector<16xi32>
          %lt3A_1146 = vector.broadcast %min3A_972 : i32 to vector<16xi32>
          %lt3A_1147 = arith.cmpi slt, %add3A_1143, %lt3A_1146 : vector<16xi32>
          %and3A_1148 = arith.andi %ge3A_1145, %lt3A_1147 : vector<16xi1>
          %get3A_1149 = arith.index_cast %add3A_1139 : i32 to index
          %get3A_1150 = tpu.vector_load %arg7[%get3A_1149] {strides = array<i32>} : memref<8320xf32, #tpu.memory_space<vmem>>, vector<16xf32>,
          %get3A_1151 = arith.index_cast %add3A_1139 : i32 to index
          %get3A_1152 = tpu.vector_load %arg8[%get3A_1151] {strides = array<i32>} : memref<8320xf32, #tpu.memory_space<vmem>>, vector<16xf32>,
          %get3A_1153 = arith.index_cast %add3A_1139 : i32 to index
          %get3A_1154 = tpu.vector_load %arg9[%get3A_1153] {strides = array<i32>} : memref<8320xf32, #tpu.memory_space<vmem>>, vector<16xf32>,
          %get3A_1155 = arith.index_cast %add3A_1139 : i32 to index
          %get3A_1156 = tpu.vector_load %arg10[%get3A_1155] {strides = array<i32>} : memref<8320xf32, #tpu.memory_space<vmem>>, vector<16xf32>,
          %sub3A_1157 = vector.broadcast %squeeze3A_950 : f32 to vector<16xf32>
          %sub3A_1158 = arith.subf %get3A_1150, %sub3A_1157 : vector<16xf32>
          %sub3A_1159 = vector.broadcast %squeeze3A_952 : f32 to vector<16xf32>
          %sub3A_1160 = arith.subf %get3A_1152, %sub3A_1159 : vector<16xf32>
          %mul3A_1161 = arith.mulf %sub3A_1158, %sub3A_1158 : vector<16xf32>
          %mul3A_1162 = vector.broadcast %squeeze3A_954 : f32 to vector<16xf32>
          %mul3A_1163 = arith.mulf %mul3A_1161, %mul3A_1162 : vector<16xf32>
          %mul3A_1164 = arith.mulf %sub3A_1160, %sub3A_1160 : vector<16xf32>
          %mul3A_1165 = vector.broadcast %squeeze3A_956 : f32 to vector<16xf32>
          %mul3A_1166 = arith.mulf %mul3A_1164, %mul3A_1165 : vector<16xf32>
          %add3A_1167 = arith.addf %mul3A_1163, %mul3A_1166 : vector<16xf32>
          %neg3A_1168 = arith.constant 0.000000e+00 : f32
          %neg3A_1169 = vector.broadcast %neg3A_1168 : f32 to vector<16xf32>
          %neg3A_1170 = arith.subf %neg3A_1169, %add3A_1167 : vector<16xf32>
          %exp3A_1171 = math.exp %neg3A_1170 : vector<16xf32>
          %ge3A_1172 = arith.cmpf oge, %exp3A_1171, %get3A_1154 : vector<16xf32>
          %and3A_1173 = arith.andi %and3A_1148, %ge3A_1172 : vector<16xi1>
          %ge3A_1174 = arith.constant 5.000000e-01 : f32
          %ge3A_1175 = vector.broadcast %ge3A_1174 : f32 to vector<16xf32>
          %ge3A_1176 = arith.cmpf oge, %exp3A_1171, %ge3A_1175 : vector<16xf32>
          %jit3A_1177 = arith.constant 0.000000e+00 : f32
          %broadcast_in_dim3A_1178 = vector.broadcast %convert_element_type3A_959 : f32 to vector<16xf32>
          %broadcast_in_dim3A_1179 = vector.broadcast %jit3A_1177 : f32 to vector<16xf32>
          %select_n3A_1180 = arith.select %ge3A_1176, %broadcast_in_dim3A_1178, %broadcast_in_dim3A_1179 : vector<16xi1>, vector<16xf32>
          %max3A_1181 = arith.maximumf %get3A_1154, %exp3A_1171 : vector<16xf32>
          %select_n3A_1182 = arith.select %and3A_1173, %max3A_1181, %get3A_1154 : vector<16xi1>, vector<16xf32>
          %gt3A_1183 = arith.cmpf ogt, %exp3A_1171, %get3A_1154 : vector<16xf32>
          %and3A_1184 = arith.andi %and3A_1173, %gt3A_1183 : vector<16xi1>
          %eq3A_1185 = arith.cmpf oeq, %exp3A_1171, %get3A_1154 : vector<16xf32>
          %and3A_1186 = arith.andi %and3A_1173, %eq3A_1185 : vector<16xi1>
          %max3A_1187 = arith.maximumf %get3A_1156, %select_n3A_1180 : vector<16xf32>
          %select_n3A_1188 = arith.select %and3A_1186, %max3A_1187, %get3A_1156 : vector<16xi1>, vector<16xf32>
          %select_n3A_1189 = arith.select %and3A_1184, %select_n3A_1180, %select_n3A_1188 : vector<16xi1>, vector<16xf32>
          %swap3A_1190 = arith.index_cast %add3A_1139 : i32 to index
          %swap3A_1191 = tpu.vector_load %arg9[%swap3A_1190] {strides = array<i32>} : memref<8320xf32, #tpu.memory_space<vmem>>, vector<16xf32>,
          tpu.vector_store %arg9[%swap3A_1190], %select_n3A_1182 {strides = array<i32>} : memref<8320xf32, #tpu.memory_space<vmem>>, vector<16xf32>,
          %swap3A_1192 = arith.index_cast %add3A_1139 : i32 to index
          %swap3A_1193 = tpu.vector_load %arg10[%swap3A_1192] {strides = array<i32>} : memref<8320xf32, #tpu.memory_space<vmem>>, vector<16xf32>,
          tpu.vector_store %arg10[%swap3A_1192], %select_n3A_1189 {strides = array<i32>} : memref<8320xf32, #tpu.memory_space<vmem>>, vector<16xf32>,
          %add3A_1194 = arith.addi %mul3A_1027, %mul3A_986 : i32
          %add3A_1195 = arith.constant 48 : i32
          %add3A_1196 = arith.addi %add3A_1194, %add3A_1195 : i32
          %add3A_1197 = arith.constant 48 : i32
          %add3A_1198 = arith.addi %mul3A_986, %add3A_1197 : i32
          %add3A_1199 = vector.broadcast %add3A_1198 : i32 to vector<16xi32>
          %add3A_1200 = arith.addi %add3A_1199, %iota3A : vector<16xi32>
          %ge3A_1201 = vector.broadcast %max3A_968 : i32 to vector<16xi32>
          %ge3A_1202 = arith.cmpi sge, %add3A_1200, %ge3A_1201 : vector<16xi32>
          %lt3A_1203 = vector.broadcast %min3A_972 : i32 to vector<16xi32>
          %lt3A_1204 = arith.cmpi slt, %add3A_1200, %lt3A_1203 : vector<16xi32>
          %and3A_1205 = arith.andi %ge3A_1202, %lt3A_1204 : vector<16xi1>
          %get3A_1206 = arith.index_cast %add3A_1196 : i32 to index
          %get3A_1207 = tpu.vector_load %arg7[%get3A_1206] {strides = array<i32>} : memref<8320xf32, #tpu.memory_space<vmem>>, vector<16xf32>,
          %get3A_1208 = arith.index_cast %add3A_1196 : i32 to index
          %get3A_1209 = tpu.vector_load %arg8[%get3A_1208] {strides = array<i32>} : memref<8320xf32, #tpu.memory_space<vmem>>, vector<16xf32>,
          %get3A_1210 = arith.index_cast %add3A_1196 : i32 to index
          %get3A_1211 = tpu.vector_load %arg9[%get3A_1210] {strides = array<i32>} : memref<8320xf32, #tpu.memory_space<vmem>>, vector<16xf32>,
          %get3A_1212 = arith.index_cast %add3A_1196 : i32 to index
          %get3A_1213 = tpu.vector_load %arg10[%get3A_1212] {strides = array<i32>} : memref<8320xf32, #tpu.memory_space<vmem>>, vector<16xf32>,
          %sub3A_1214 = vector.broadcast %squeeze3A_950 : f32 to vector<16xf32>
          %sub3A_1215 = arith.subf %get3A_1207, %sub3A_1214 : vector<16xf32>
          %sub3A_1216 = vector.broadcast %squeeze3A_952 : f32 to vector<16xf32>
          %sub3A_1217 = arith.subf %get3A_1209, %sub3A_1216 : vector<16xf32>
          %mul3A_1218 = arith.mulf %sub3A_1215, %sub3A_1215 : vector<16xf32>
          %mul3A_1219 = vector.broadcast %squeeze3A_954 : f32 to vector<16xf32>
          %mul3A_1220 = arith.mulf %mul3A_1218, %mul3A_1219 : vector<16xf32>
          %mul3A_1221 = arith.mulf %sub3A_1217, %sub3A_1217 : vector<16xf32>
          %mul3A_1222 = vector.broadcast %squeeze3A_956 : f32 to vector<16xf32>
          %mul3A_1223 = arith.mulf %mul3A_1221, %mul3A_1222 : vector<16xf32>
          %add3A_1224 = arith.addf %mul3A_1220, %mul3A_1223 : vector<16xf32>
          %neg3A_1225 = arith.constant 0.000000e+00 : f32
          %neg3A_1226 = vector.broadcast %neg3A_1225 : f32 to vector<16xf32>
          %neg3A_1227 = arith.subf %neg3A_1226, %add3A_1224 : vector<16xf32>
          %exp3A_1228 = math.exp %neg3A_1227 : vector<16xf32>
          %ge3A_1229 = arith.cmpf oge, %exp3A_1228, %get3A_1211 : vector<16xf32>
          %and3A_1230 = arith.andi %and3A_1205, %ge3A_1229 : vector<16xi1>
          %ge3A_1231 = arith.constant 5.000000e-01 : f32
          %ge3A_1232 = vector.broadcast %ge3A_1231 : f32 to vector<16xf32>
          %ge3A_1233 = arith.cmpf oge, %exp3A_1228, %ge3A_1232 : vector<16xf32>
          %jit3A_1234 = arith.constant 0.000000e+00 : f32
          %broadcast_in_dim3A_1235 = vector.broadcast %convert_element_type3A_959 : f32 to vector<16xf32>
          %broadcast_in_dim3A_1236 = vector.broadcast %jit3A_1234 : f32 to vector<16xf32>
          %select_n3A_1237 = arith.select %ge3A_1233, %broadcast_in_dim3A_1235, %broadcast_in_dim3A_1236 : vector<16xi1>, vector<16xf32>
          %max3A_1238 = arith.maximumf %get3A_1211, %exp3A_1228 : vector<16xf32>
          %select_n3A_1239 = arith.select %and3A_1230, %max3A_1238, %get3A_1211 : vector<16xi1>, vector<16xf32>
          %gt3A_1240 = arith.cmpf ogt, %exp3A_1228, %get3A_1211 : vector<16xf32>
          %and3A_1241 = arith.andi %and3A_1230, %gt3A_1240 : vector<16xi1>
          %eq3A_1242 = arith.cmpf oeq, %exp3A_1228, %get3A_1211 : vector<16xf32>
          %and3A_1243 = arith.andi %and3A_1230, %eq3A_1242 : vector<16xi1>
          %max3A_1244 = arith.maximumf %get3A_1213, %select_n3A_1237 : vector<16xf32>
          %select_n3A_1245 = arith.select %and3A_1243, %max3A_1244, %get3A_1213 : vector<16xi1>, vector<16xf32>
          %select_n3A_1246 = arith.select %and3A_1241, %select_n3A_1237, %select_n3A_1245 : vector<16xi1>, vector<16xf32>
          %swap3A_1247 = arith.index_cast %add3A_1196 : i32 to index
          %swap3A_1248 = tpu.vector_load %arg9[%swap3A_1247] {strides = array<i32>} : memref<8320xf32, #tpu.memory_space<vmem>>, vector<16xf32>,
          tpu.vector_store %arg9[%swap3A_1247], %select_n3A_1239 {strides = array<i32>} : memref<8320xf32, #tpu.memory_space<vmem>>, vector<16xf32>,
          %swap3A_1249 = arith.index_cast %add3A_1196 : i32 to index
          %swap3A_1250 = tpu.vector_load %arg10[%swap3A_1249] {strides = array<i32>} : memref<8320xf32, #tpu.memory_space<vmem>>, vector<16xf32>,
          tpu.vector_store %arg10[%swap3A_1249], %select_n3A_1246 {strides = array<i32>} : memref<8320xf32, #tpu.memory_space<vmem>>, vector<16xf32>,
          %add3A_1251 = arith.addi %mul3A_1027, %mul3A_986 : i32
          %add3A_1252 = arith.constant 64 : i32
          %add3A_1253 = arith.addi %add3A_1251, %add3A_1252 : i32
          %add3A_1254 = arith.constant 64 : i32
          %add3A_1255 = arith.addi %mul3A_986, %add3A_1254 : i32
          %add3A_1256 = vector.broadcast %add3A_1255 : i32 to vector<16xi32>
          %add3A_1257 = arith.addi %add3A_1256, %iota3A : vector<16xi32>
          %ge3A_1258 = vector.broadcast %max3A_968 : i32 to vector<16xi32>
          %ge3A_1259 = arith.cmpi sge, %add3A_1257, %ge3A_1258 : vector<16xi32>
          %lt3A_1260 = vector.broadcast %min3A_972 : i32 to vector<16xi32>
          %lt3A_1261 = arith.cmpi slt, %add3A_1257, %lt3A_1260 : vector<16xi32>
          %and3A_1262 = arith.andi %ge3A_1259, %lt3A_1261 : vector<16xi1>
          %get3A_1263 = arith.index_cast %add3A_1253 : i32 to index
          %get3A_1264 = tpu.vector_load %arg7[%get3A_1263] {strides = array<i32>} : memref<8320xf32, #tpu.memory_space<vmem>>, vector<16xf32>,
          %get3A_1265 = arith.index_cast %add3A_1253 : i32 to index
          %get3A_1266 = tpu.vector_load %arg8[%get3A_1265] {strides = array<i32>} : memref<8320xf32, #tpu.memory_space<vmem>>, vector<16xf32>,
          %get3A_1267 = arith.index_cast %add3A_1253 : i32 to index
          %get3A_1268 = tpu.vector_load %arg9[%get3A_1267] {strides = array<i32>} : memref<8320xf32, #tpu.memory_space<vmem>>, vector<16xf32>,
          %get3A_1269 = arith.index_cast %add3A_1253 : i32 to index
          %get3A_1270 = tpu.vector_load %arg10[%get3A_1269] {strides = array<i32>} : memref<8320xf32, #tpu.memory_space<vmem>>, vector<16xf32>,
          %sub3A_1271 = vector.broadcast %squeeze3A_950 : f32 to vector<16xf32>
          %sub3A_1272 = arith.subf %get3A_1264, %sub3A_1271 : vector<16xf32>
          %sub3A_1273 = vector.broadcast %squeeze3A_952 : f32 to vector<16xf32>
          %sub3A_1274 = arith.subf %get3A_1266, %sub3A_1273 : vector<16xf32>
          %mul3A_1275 = arith.mulf %sub3A_1272, %sub3A_1272 : vector<16xf32>
          %mul3A_1276 = vector.broadcast %squeeze3A_954 : f32 to vector<16xf32>
          %mul3A_1277 = arith.mulf %mul3A_1275, %mul3A_1276 : vector<16xf32>
          %mul3A_1278 = arith.mulf %sub3A_1274, %sub3A_1274 : vector<16xf32>
          %mul3A_1279 = vector.broadcast %squeeze3A_956 : f32 to vector<16xf32>
          %mul3A_1280 = arith.mulf %mul3A_1278, %mul3A_1279 : vector<16xf32>
          %add3A_1281 = arith.addf %mul3A_1277, %mul3A_1280 : vector<16xf32>
          %neg3A_1282 = arith.constant 0.000000e+00 : f32
          %neg3A_1283 = vector.broadcast %neg3A_1282 : f32 to vector<16xf32>
          %neg3A_1284 = arith.subf %neg3A_1283, %add3A_1281 : vector<16xf32>
          %exp3A_1285 = math.exp %neg3A_1284 : vector<16xf32>
          %ge3A_1286 = arith.cmpf oge, %exp3A_1285, %get3A_1268 : vector<16xf32>
          %and3A_1287 = arith.andi %and3A_1262, %ge3A_1286 : vector<16xi1>
          %ge3A_1288 = arith.constant 5.000000e-01 : f32
          %ge3A_1289 = vector.broadcast %ge3A_1288 : f32 to vector<16xf32>
          %ge3A_1290 = arith.cmpf oge, %exp3A_1285, %ge3A_1289 : vector<16xf32>
          %jit3A_1291 = arith.constant 0.000000e+00 : f32
          %broadcast_in_dim3A_1292 = vector.broadcast %convert_element_type3A_959 : f32 to vector<16xf32>
          %broadcast_in_dim3A_1293 = vector.broadcast %jit3A_1291 : f32 to vector<16xf32>
          %select_n3A_1294 = arith.select %ge3A_1290, %broadcast_in_dim3A_1292, %broadcast_in_dim3A_1293 : vector<16xi1>, vector<16xf32>
          %max3A_1295 = arith.maximumf %get3A_1268, %exp3A_1285 : vector<16xf32>
          %select_n3A_1296 = arith.select %and3A_1287, %max3A_1295, %get3A_1268 : vector<16xi1>, vector<16xf32>
          %gt3A_1297 = arith.cmpf ogt, %exp3A_1285, %get3A_1268 : vector<16xf32>
          %and3A_1298 = arith.andi %and3A_1287, %gt3A_1297 : vector<16xi1>
          %eq3A_1299 = arith.cmpf oeq, %exp3A_1285, %get3A_1268 : vector<16xf32>
          %and3A_1300 = arith.andi %and3A_1287, %eq3A_1299 : vector<16xi1>
          %max3A_1301 = arith.maximumf %get3A_1270, %select_n3A_1294 : vector<16xf32>
          %select_n3A_1302 = arith.select %and3A_1300, %max3A_1301, %get3A_1270 : vector<16xi1>, vector<16xf32>
          %select_n3A_1303 = arith.select %and3A_1298, %select_n3A_1294, %select_n3A_1302 : vector<16xi1>, vector<16xf32>
          %swap3A_1304 = arith.index_cast %add3A_1253 : i32 to index
          %swap3A_1305 = tpu.vector_load %arg9[%swap3A_1304] {strides = array<i32>} : memref<8320xf32, #tpu.memory_space<vmem>>, vector<16xf32>,
          tpu.vector_store %arg9[%swap3A_1304], %select_n3A_1296 {strides = array<i32>} : memref<8320xf32, #tpu.memory_space<vmem>>, vector<16xf32>,
          %swap3A_1306 = arith.index_cast %add3A_1253 : i32 to index
          %swap3A_1307 = tpu.vector_load %arg10[%swap3A_1306] {strides = array<i32>} : memref<8320xf32, #tpu.memory_space<vmem>>, vector<16xf32>,
          tpu.vector_store %arg10[%swap3A_1306], %select_n3A_1303 {strides = array<i32>} : memref<8320xf32, #tpu.memory_space<vmem>>, vector<16xf32>,
        } else {
        }
      } else {
      }
      %scan3A_990 = arith.constant 0 : i32
      scf.yield %scan3A_990 : i32
    }
    %scan3A_491 = arith.constant 256 : i32
    %add3A_492 = arith.constant 0 : i32
    %add3A_493 = arith.addi %add3A, %add3A_492 : i32
    %mul3A_494 = arith.constant 512 : i32
    %mul3A_495 = arith.muli %add3A_493, %mul3A_494 : i32
    %dma_start3A_496 = arith.constant 0 : i32
    %dma_start3A_497 = tpu.memref_slice %arg10[%dma_start3A_496] : memref<8320xf32, #tpu.memory_space<vmem>> -> memref<512xf32, #tpu.memory_space<vmem>>
    %dma_start3A_498 = tpu.memref_slice %arg4[%mul3A_495] : memref<262144xf32, #tpu.memory_space<hbm>> -> memref<512xf32, #tpu.memory_space<hbm>>
    %dma_start3A_499 = tpu.memref_slice %arg4[%mul3A_495] : memref<262144xf32, #tpu.memory_space<hbm>> -> memref<512xf32, #tpu.memory_space<hbm>>
    %dma_start3A_500 = arith.constant 0 : i32
    %dma_start3A_501 = tpu.memref_slice %arg10[%dma_start3A_500] : memref<8320xf32, #tpu.memory_space<vmem>> -> memref<512xf32, #tpu.memory_space<vmem>>
    tpu.enqueue_dma source(%dma_start3A_501 : memref<512xf32, #tpu.memory_space<vmem>>) target(%dma_start3A_499 : memref<512xf32, #tpu.memory_space<hbm>>) target_semaphore(%arg11 : memref<!tpu.dma_semaphore, #tpu.memory_space<semaphore_mem>>)
    %dma_start3A_502 = arith.constant 0 : i32
    %dma_start3A_503 = tpu.memref_slice %arg9[%dma_start3A_502] : memref<8320xf32, #tpu.memory_space<vmem>> -> memref<512xf32, #tpu.memory_space<vmem>>
    %dma_start3A_504 = tpu.memref_slice %arg5[%mul3A_495] : memref<262144xf32, #tpu.memory_space<hbm>> -> memref<512xf32, #tpu.memory_space<hbm>>
    %dma_start3A_505 = tpu.memref_slice %arg5[%mul3A_495] : memref<262144xf32, #tpu.memory_space<hbm>> -> memref<512xf32, #tpu.memory_space<hbm>>
    %dma_start3A_506 = arith.constant 0 : i32
    %dma_start3A_507 = tpu.memref_slice %arg9[%dma_start3A_506] : memref<8320xf32, #tpu.memory_space<vmem>> -> memref<512xf32, #tpu.memory_space<vmem>>
    tpu.enqueue_dma source(%dma_start3A_507 : memref<512xf32, #tpu.memory_space<vmem>>) target(%dma_start3A_505 : memref<512xf32, #tpu.memory_space<hbm>>) target_semaphore(%arg11 : memref<!tpu.dma_semaphore, #tpu.memory_space<semaphore_mem>>)
    %add3A_508 = arith.constant 32 : i32
    %add3A_509 = arith.addi %add3A, %add3A_508 : i32
    %mul3A_510 = arith.constant 512 : i32
    %mul3A_511 = arith.muli %add3A_509, %mul3A_510 : i32
    %dma_start3A_512 = arith.constant 512 : i32
    %dma_start3A_513 = tpu.memref_slice %arg10[%dma_start3A_512] : memref<8320xf32, #tpu.memory_space<vmem>> -> memref<512xf32, #tpu.memory_space<vmem>>
    %dma_start3A_514 = tpu.memref_slice %arg4[%mul3A_511] : memref<262144xf32, #tpu.memory_space<hbm>> -> memref<512xf32, #tpu.memory_space<hbm>>
    %dma_start3A_515 = tpu.memref_slice %arg4[%mul3A_511] : memref<262144xf32, #tpu.memory_space<hbm>> -> memref<512xf32, #tpu.memory_space<hbm>>
    %dma_start3A_516 = arith.constant 512 : i32
    %dma_start3A_517 = tpu.memref_slice %arg10[%dma_start3A_516] : memref<8320xf32, #tpu.memory_space<vmem>> -> memref<512xf32, #tpu.memory_space<vmem>>
    tpu.enqueue_dma source(%dma_start3A_517 : memref<512xf32, #tpu.memory_space<vmem>>) target(%dma_start3A_515 : memref<512xf32, #tpu.memory_space<hbm>>) target_semaphore(%arg11 : memref<!tpu.dma_semaphore, #tpu.memory_space<semaphore_mem>>)
    %dma_start3A_518 = arith.constant 512 : i32
    %dma_start3A_519 = tpu.memref_slice %arg9[%dma_start3A_518] : memref<8320xf32, #tpu.memory_space<vmem>> -> memref<512xf32, #tpu.memory_space<vmem>>
    %dma_start3A_520 = tpu.memref_slice %arg5[%mul3A_511] : memref<262144xf32, #tpu.memory_space<hbm>> -> memref<512xf32, #tpu.memory_space<hbm>>
    %dma_start3A_521 = tpu.memref_slice %arg5[%mul3A_511] : memref<262144xf32, #tpu.memory_space<hbm>> -> memref<512xf32, #tpu.memory_space<hbm>>
    %dma_start3A_522 = arith.constant 512 : i32
    %dma_start3A_523 = tpu.memref_slice %arg9[%dma_start3A_522] : memref<8320xf32, #tpu.memory_space<vmem>> -> memref<512xf32, #tpu.memory_space<vmem>>
    tpu.enqueue_dma source(%dma_start3A_523 : memref<512xf32, #tpu.memory_space<vmem>>) target(%dma_start3A_521 : memref<512xf32, #tpu.memory_space<hbm>>) target_semaphore(%arg11 : memref<!tpu.dma_semaphore, #tpu.memory_space<semaphore_mem>>)
    %add3A_524 = arith.constant 64 : i32
    %add3A_525 = arith.addi %add3A, %add3A_524 : i32
    %mul3A_526 = arith.constant 512 : i32
    %mul3A_527 = arith.muli %add3A_525, %mul3A_526 : i32
    %dma_start3A_528 = arith.constant 1024 : i32
    %dma_start3A_529 = tpu.memref_slice %arg10[%dma_start3A_528] : memref<8320xf32, #tpu.memory_space<vmem>> -> memref<512xf32, #tpu.memory_space<vmem>>
    %dma_start3A_530 = tpu.memref_slice %arg4[%mul3A_527] : memref<262144xf32, #tpu.memory_space<hbm>> -> memref<512xf32, #tpu.memory_space<hbm>>
    %dma_start3A_531 = tpu.memref_slice %arg4[%mul3A_527] : memref<262144xf32, #tpu.memory_space<hbm>> -> memref<512xf32, #tpu.memory_space<hbm>>
    %dma_start3A_532 = arith.constant 1024 : i32
    %dma_start3A_533 = tpu.memref_slice %arg10[%dma_start3A_532] : memref<8320xf32, #tpu.memory_space<vmem>> -> memref<512xf32, #tpu.memory_space<vmem>>
    tpu.enqueue_dma source(%dma_start3A_533 : memref<512xf32, #tpu.memory_space<vmem>>) target(%dma_start3A_531 : memref<512xf32, #tpu.memory_space<hbm>>) target_semaphore(%arg11 : memref<!tpu.dma_semaphore, #tpu.memory_space<semaphore_mem>>)
    %dma_start3A_534 = arith.constant 1024 : i32
    %dma_start3A_535 = tpu.memref_slice %arg9[%dma_start3A_534] : memref<8320xf32, #tpu.memory_space<vmem>> -> memref<512xf32, #tpu.memory_space<vmem>>
    %dma_start3A_536 = tpu.memref_slice %arg5[%mul3A_527] : memref<262144xf32, #tpu.memory_space<hbm>> -> memref<512xf32, #tpu.memory_space<hbm>>
    %dma_start3A_537 = tpu.memref_slice %arg5[%mul3A_527] : memref<262144xf32, #tpu.memory_space<hbm>> -> memref<512xf32, #tpu.memory_space<hbm>>
    %dma_start3A_538 = arith.constant 1024 : i32
    %dma_start3A_539 = tpu.memref_slice %arg9[%dma_start3A_538] : memref<8320xf32, #tpu.memory_space<vmem>> -> memref<512xf32, #tpu.memory_space<vmem>>
    tpu.enqueue_dma source(%dma_start3A_539 : memref<512xf32, #tpu.memory_space<vmem>>) target(%dma_start3A_537 : memref<512xf32, #tpu.memory_space<hbm>>) target_semaphore(%arg11 : memref<!tpu.dma_semaphore, #tpu.memory_space<semaphore_mem>>)
    %add3A_540 = arith.constant 96 : i32
    %add3A_541 = arith.addi %add3A, %add3A_540 : i32
    %mul3A_542 = arith.constant 512 : i32
    %mul3A_543 = arith.muli %add3A_541, %mul3A_542 : i32
    %dma_start3A_544 = arith.constant 1536 : i32
    %dma_start3A_545 = tpu.memref_slice %arg10[%dma_start3A_544] : memref<8320xf32, #tpu.memory_space<vmem>> -> memref<512xf32, #tpu.memory_space<vmem>>
    %dma_start3A_546 = tpu.memref_slice %arg4[%mul3A_543] : memref<262144xf32, #tpu.memory_space<hbm>> -> memref<512xf32, #tpu.memory_space<hbm>>
    %dma_start3A_547 = tpu.memref_slice %arg4[%mul3A_543] : memref<262144xf32, #tpu.memory_space<hbm>> -> memref<512xf32, #tpu.memory_space<hbm>>
    %dma_start3A_548 = arith.constant 1536 : i32
    %dma_start3A_549 = tpu.memref_slice %arg10[%dma_start3A_548] : memref<8320xf32, #tpu.memory_space<vmem>> -> memref<512xf32, #tpu.memory_space<vmem>>
    tpu.enqueue_dma source(%dma_start3A_549 : memref<512xf32, #tpu.memory_space<vmem>>) target(%dma_start3A_547 : memref<512xf32, #tpu.memory_space<hbm>>) target_semaphore(%arg11 : memref<!tpu.dma_semaphore, #tpu.memory_space<semaphore_mem>>)
    %dma_start3A_550 = arith.constant 1536 : i32
    %dma_start3A_551 = tpu.memref_slice %arg9[%dma_start3A_550] : memref<8320xf32, #tpu.memory_space<vmem>> -> memref<512xf32, #tpu.memory_space<vmem>>
    %dma_start3A_552 = tpu.memref_slice %arg5[%mul3A_543] : memref<262144xf32, #tpu.memory_space<hbm>> -> memref<512xf32, #tpu.memory_space<hbm>>
    %dma_start3A_553 = tpu.memref_slice %arg5[%mul3A_543] : memref<262144xf32, #tpu.memory_space<hbm>> -> memref<512xf32, #tpu.memory_space<hbm>>
    %dma_start3A_554 = arith.constant 1536 : i32
    %dma_start3A_555 = tpu.memref_slice %arg9[%dma_start3A_554] : memref<8320xf32, #tpu.memory_space<vmem>> -> memref<512xf32, #tpu.memory_space<vmem>>
    tpu.enqueue_dma source(%dma_start3A_555 : memref<512xf32, #tpu.memory_space<vmem>>) target(%dma_start3A_553 : memref<512xf32, #tpu.memory_space<hbm>>) target_semaphore(%arg11 : memref<!tpu.dma_semaphore, #tpu.memory_space<semaphore_mem>>)
    %add3A_556 = arith.constant 128 : i32
    %add3A_557 = arith.addi %add3A, %add3A_556 : i32
    %mul3A_558 = arith.constant 512 : i32
    %mul3A_559 = arith.muli %add3A_557, %mul3A_558 : i32
    %dma_start3A_560 = arith.constant 2048 : i32
    %dma_start3A_561 = tpu.memref_slice %arg10[%dma_start3A_560] : memref<8320xf32, #tpu.memory_space<vmem>> -> memref<512xf32, #tpu.memory_space<vmem>>
    %dma_start3A_562 = tpu.memref_slice %arg4[%mul3A_559] : memref<262144xf32, #tpu.memory_space<hbm>> -> memref<512xf32, #tpu.memory_space<hbm>>
    %dma_start3A_563 = tpu.memref_slice %arg4[%mul3A_559] : memref<262144xf32, #tpu.memory_space<hbm>> -> memref<512xf32, #tpu.memory_space<hbm>>
    %dma_start3A_564 = arith.constant 2048 : i32
    %dma_start3A_565 = tpu.memref_slice %arg10[%dma_start3A_564] : memref<8320xf32, #tpu.memory_space<vmem>> -> memref<512xf32, #tpu.memory_space<vmem>>
    tpu.enqueue_dma source(%dma_start3A_565 : memref<512xf32, #tpu.memory_space<vmem>>) target(%dma_start3A_563 : memref<512xf32, #tpu.memory_space<hbm>>) target_semaphore(%arg11 : memref<!tpu.dma_semaphore, #tpu.memory_space<semaphore_mem>>)
    %dma_start3A_566 = arith.constant 2048 : i32
    %dma_start3A_567 = tpu.memref_slice %arg9[%dma_start3A_566] : memref<8320xf32, #tpu.memory_space<vmem>> -> memref<512xf32, #tpu.memory_space<vmem>>
    %dma_start3A_568 = tpu.memref_slice %arg5[%mul3A_559] : memref<262144xf32, #tpu.memory_space<hbm>> -> memref<512xf32, #tpu.memory_space<hbm>>
    %dma_start3A_569 = tpu.memref_slice %arg5[%mul3A_559] : memref<262144xf32, #tpu.memory_space<hbm>> -> memref<512xf32, #tpu.memory_space<hbm>>
    %dma_start3A_570 = arith.constant 2048 : i32
    %dma_start3A_571 = tpu.memref_slice %arg9[%dma_start3A_570] : memref<8320xf32, #tpu.memory_space<vmem>> -> memref<512xf32, #tpu.memory_space<vmem>>
    tpu.enqueue_dma source(%dma_start3A_571 : memref<512xf32, #tpu.memory_space<vmem>>) target(%dma_start3A_569 : memref<512xf32, #tpu.memory_space<hbm>>) target_semaphore(%arg11 : memref<!tpu.dma_semaphore, #tpu.memory_space<semaphore_mem>>)
    %add3A_572 = arith.constant 160 : i32
    %add3A_573 = arith.addi %add3A, %add3A_572 : i32
    %mul3A_574 = arith.constant 512 : i32
    %mul3A_575 = arith.muli %add3A_573, %mul3A_574 : i32
    %dma_start3A_576 = arith.constant 2560 : i32
    %dma_start3A_577 = tpu.memref_slice %arg10[%dma_start3A_576] : memref<8320xf32, #tpu.memory_space<vmem>> -> memref<512xf32, #tpu.memory_space<vmem>>
    %dma_start3A_578 = tpu.memref_slice %arg4[%mul3A_575] : memref<262144xf32, #tpu.memory_space<hbm>> -> memref<512xf32, #tpu.memory_space<hbm>>
    %dma_start3A_579 = tpu.memref_slice %arg4[%mul3A_575] : memref<262144xf32, #tpu.memory_space<hbm>> -> memref<512xf32, #tpu.memory_space<hbm>>
    %dma_start3A_580 = arith.constant 2560 : i32
    %dma_start3A_581 = tpu.memref_slice %arg10[%dma_start3A_580] : memref<8320xf32, #tpu.memory_space<vmem>> -> memref<512xf32, #tpu.memory_space<vmem>>
    tpu.enqueue_dma source(%dma_start3A_581 : memref<512xf32, #tpu.memory_space<vmem>>) target(%dma_start3A_579 : memref<512xf32, #tpu.memory_space<hbm>>) target_semaphore(%arg11 : memref<!tpu.dma_semaphore, #tpu.memory_space<semaphore_mem>>)
    %dma_start3A_582 = arith.constant 2560 : i32
    %dma_start3A_583 = tpu.memref_slice %arg9[%dma_start3A_582] : memref<8320xf32, #tpu.memory_space<vmem>> -> memref<512xf32, #tpu.memory_space<vmem>>
    %dma_start3A_584 = tpu.memref_slice %arg5[%mul3A_575] : memref<262144xf32, #tpu.memory_space<hbm>> -> memref<512xf32, #tpu.memory_space<hbm>>
    %dma_start3A_585 = tpu.memref_slice %arg5[%mul3A_575] : memref<262144xf32, #tpu.memory_space<hbm>> -> memref<512xf32, #tpu.memory_space<hbm>>
    %dma_start3A_586 = arith.constant 2560 : i32
    %dma_start3A_587 = tpu.memref_slice %arg9[%dma_start3A_586] : memref<8320xf32, #tpu.memory_space<vmem>> -> memref<512xf32, #tpu.memory_space<vmem>>
    tpu.enqueue_dma source(%dma_start3A_587 : memref<512xf32, #tpu.memory_space<vmem>>) target(%dma_start3A_585 : memref<512xf32, #tpu.memory_space<hbm>>) target_semaphore(%arg11 : memref<!tpu.dma_semaphore, #tpu.memory_space<semaphore_mem>>)
    %add3A_588 = arith.constant 192 : i32
    %add3A_589 = arith.addi %add3A, %add3A_588 : i32
    %mul3A_590 = arith.constant 512 : i32
    %mul3A_591 = arith.muli %add3A_589, %mul3A_590 : i32
    %dma_start3A_592 = arith.constant 3072 : i32
    %dma_start3A_593 = tpu.memref_slice %arg10[%dma_start3A_592] : memref<8320xf32, #tpu.memory_space<vmem>> -> memref<512xf32, #tpu.memory_space<vmem>>
    %dma_start3A_594 = tpu.memref_slice %arg4[%mul3A_591] : memref<262144xf32, #tpu.memory_space<hbm>> -> memref<512xf32, #tpu.memory_space<hbm>>
    %dma_start3A_595 = tpu.memref_slice %arg4[%mul3A_591] : memref<262144xf32, #tpu.memory_space<hbm>> -> memref<512xf32, #tpu.memory_space<hbm>>
    %dma_start3A_596 = arith.constant 3072 : i32
    %dma_start3A_597 = tpu.memref_slice %arg10[%dma_start3A_596] : memref<8320xf32, #tpu.memory_space<vmem>> -> memref<512xf32, #tpu.memory_space<vmem>>
    tpu.enqueue_dma source(%dma_start3A_597 : memref<512xf32, #tpu.memory_space<vmem>>) target(%dma_start3A_595 : memref<512xf32, #tpu.memory_space<hbm>>) target_semaphore(%arg11 : memref<!tpu.dma_semaphore, #tpu.memory_space<semaphore_mem>>)
    %dma_start3A_598 = arith.constant 3072 : i32
    %dma_start3A_599 = tpu.memref_slice %arg9[%dma_start3A_598] : memref<8320xf32, #tpu.memory_space<vmem>> -> memref<512xf32, #tpu.memory_space<vmem>>
    %dma_start3A_600 = tpu.memref_slice %arg5[%mul3A_591] : memref<262144xf32, #tpu.memory_space<hbm>> -> memref<512xf32, #tpu.memory_space<hbm>>
    %dma_start3A_601 = tpu.memref_slice %arg5[%mul3A_591] : memref<262144xf32, #tpu.memory_space<hbm>> -> memref<512xf32, #tpu.memory_space<hbm>>
    %dma_start3A_602 = arith.constant 3072 : i32
    %dma_start3A_603 = tpu.memref_slice %arg9[%dma_start3A_602] : memref<8320xf32, #tpu.memory_space<vmem>> -> memref<512xf32, #tpu.memory_space<vmem>>
    tpu.enqueue_dma source(%dma_start3A_603 : memref<512xf32, #tpu.memory_space<vmem>>) target(%dma_start3A_601 : memref<512xf32, #tpu.memory_space<hbm>>) target_semaphore(%arg11 : memref<!tpu.dma_semaphore, #tpu.memory_space<semaphore_mem>>)
    %add3A_604 = arith.constant 224 : i32
    %add3A_605 = arith.addi %add3A, %add3A_604 : i32
    %mul3A_606 = arith.constant 512 : i32
    %mul3A_607 = arith.muli %add3A_605, %mul3A_606 : i32
    %dma_start3A_608 = arith.constant 3584 : i32
    %dma_start3A_609 = tpu.memref_slice %arg10[%dma_start3A_608] : memref<8320xf32, #tpu.memory_space<vmem>> -> memref<512xf32, #tpu.memory_space<vmem>>
    %dma_start3A_610 = tpu.memref_slice %arg4[%mul3A_607] : memref<262144xf32, #tpu.memory_space<hbm>> -> memref<512xf32, #tpu.memory_space<hbm>>
    %dma_start3A_611 = tpu.memref_slice %arg4[%mul3A_607] : memref<262144xf32, #tpu.memory_space<hbm>> -> memref<512xf32, #tpu.memory_space<hbm>>
    %dma_start3A_612 = arith.constant 3584 : i32
    %dma_start3A_613 = tpu.memref_slice %arg10[%dma_start3A_612] : memref<8320xf32, #tpu.memory_space<vmem>> -> memref<512xf32, #tpu.memory_space<vmem>>
    tpu.enqueue_dma source(%dma_start3A_613 : memref<512xf32, #tpu.memory_space<vmem>>) target(%dma_start3A_611 : memref<512xf32, #tpu.memory_space<hbm>>) target_semaphore(%arg11 : memref<!tpu.dma_semaphore, #tpu.memory_space<semaphore_mem>>)
    %dma_start3A_614 = arith.constant 3584 : i32
    %dma_start3A_615 = tpu.memref_slice %arg9[%dma_start3A_614] : memref<8320xf32, #tpu.memory_space<vmem>> -> memref<512xf32, #tpu.memory_space<vmem>>
    %dma_start3A_616 = tpu.memref_slice %arg5[%mul3A_607] : memref<262144xf32, #tpu.memory_space<hbm>> -> memref<512xf32, #tpu.memory_space<hbm>>
    %dma_start3A_617 = tpu.memref_slice %arg5[%mul3A_607] : memref<262144xf32, #tpu.memory_space<hbm>> -> memref<512xf32, #tpu.memory_space<hbm>>
    %dma_start3A_618 = arith.constant 3584 : i32
    %dma_start3A_619 = tpu.memref_slice %arg9[%dma_start3A_618] : memref<8320xf32, #tpu.memory_space<vmem>> -> memref<512xf32, #tpu.memory_space<vmem>>
    tpu.enqueue_dma source(%dma_start3A_619 : memref<512xf32, #tpu.memory_space<vmem>>) target(%dma_start3A_617 : memref<512xf32, #tpu.memory_space<hbm>>) target_semaphore(%arg11 : memref<!tpu.dma_semaphore, #tpu.memory_space<semaphore_mem>>)
    %add3A_620 = arith.constant 256 : i32
    %add3A_621 = arith.addi %add3A, %add3A_620 : i32
    %mul3A_622 = arith.constant 512 : i32
    %mul3A_623 = arith.muli %add3A_621, %mul3A_622 : i32
    %dma_start3A_624 = arith.constant 4096 : i32
    %dma_start3A_625 = tpu.memref_slice %arg10[%dma_start3A_624] : memref<8320xf32, #tpu.memory_space<vmem>> -> memref<512xf32, #tpu.memory_space<vmem>>
    %dma_start3A_626 = tpu.memref_slice %arg4[%mul3A_623] : memref<262144xf32, #tpu.memory_space<hbm>> -> memref<512xf32, #tpu.memory_space<hbm>>
    %dma_start3A_627 = tpu.memref_slice %arg4[%mul3A_623] : memref<262144xf32, #tpu.memory_space<hbm>> -> memref<512xf32, #tpu.memory_space<hbm>>
    %dma_start3A_628 = arith.constant 4096 : i32
    %dma_start3A_629 = tpu.memref_slice %arg10[%dma_start3A_628] : memref<8320xf32, #tpu.memory_space<vmem>> -> memref<512xf32, #tpu.memory_space<vmem>>
    tpu.enqueue_dma source(%dma_start3A_629 : memref<512xf32, #tpu.memory_space<vmem>>) target(%dma_start3A_627 : memref<512xf32, #tpu.memory_space<hbm>>) target_semaphore(%arg11 : memref<!tpu.dma_semaphore, #tpu.memory_space<semaphore_mem>>)
    %dma_start3A_630 = arith.constant 4096 : i32
    %dma_start3A_631 = tpu.memref_slice %arg9[%dma_start3A_630] : memref<8320xf32, #tpu.memory_space<vmem>> -> memref<512xf32, #tpu.memory_space<vmem>>
    %dma_start3A_632 = tpu.memref_slice %arg5[%mul3A_623] : memref<262144xf32, #tpu.memory_space<hbm>> -> memref<512xf32, #tpu.memory_space<hbm>>
    %dma_start3A_633 = tpu.memref_slice %arg5[%mul3A_623] : memref<262144xf32, #tpu.memory_space<hbm>> -> memref<512xf32, #tpu.memory_space<hbm>>
    %dma_start3A_634 = arith.constant 4096 : i32
    %dma_start3A_635 = tpu.memref_slice %arg9[%dma_start3A_634] : memref<8320xf32, #tpu.memory_space<vmem>> -> memref<512xf32, #tpu.memory_space<vmem>>
    tpu.enqueue_dma source(%dma_start3A_635 : memref<512xf32, #tpu.memory_space<vmem>>) target(%dma_start3A_633 : memref<512xf32, #tpu.memory_space<hbm>>) target_semaphore(%arg11 : memref<!tpu.dma_semaphore, #tpu.memory_space<semaphore_mem>>)
    %add3A_636 = arith.constant 288 : i32
    %add3A_637 = arith.addi %add3A, %add3A_636 : i32
    %mul3A_638 = arith.constant 512 : i32
    %mul3A_639 = arith.muli %add3A_637, %mul3A_638 : i32
    %dma_start3A_640 = arith.constant 4608 : i32
    %dma_start3A_641 = tpu.memref_slice %arg10[%dma_start3A_640] : memref<8320xf32, #tpu.memory_space<vmem>> -> memref<512xf32, #tpu.memory_space<vmem>>
    %dma_start3A_642 = tpu.memref_slice %arg4[%mul3A_639] : memref<262144xf32, #tpu.memory_space<hbm>> -> memref<512xf32, #tpu.memory_space<hbm>>
    %dma_start3A_643 = tpu.memref_slice %arg4[%mul3A_639] : memref<262144xf32, #tpu.memory_space<hbm>> -> memref<512xf32, #tpu.memory_space<hbm>>
    %dma_start3A_644 = arith.constant 4608 : i32
    %dma_start3A_645 = tpu.memref_slice %arg10[%dma_start3A_644] : memref<8320xf32, #tpu.memory_space<vmem>> -> memref<512xf32, #tpu.memory_space<vmem>>
    tpu.enqueue_dma source(%dma_start3A_645 : memref<512xf32, #tpu.memory_space<vmem>>) target(%dma_start3A_643 : memref<512xf32, #tpu.memory_space<hbm>>) target_semaphore(%arg11 : memref<!tpu.dma_semaphore, #tpu.memory_space<semaphore_mem>>)
    %dma_start3A_646 = arith.constant 4608 : i32
    %dma_start3A_647 = tpu.memref_slice %arg9[%dma_start3A_646] : memref<8320xf32, #tpu.memory_space<vmem>> -> memref<512xf32, #tpu.memory_space<vmem>>
    %dma_start3A_648 = tpu.memref_slice %arg5[%mul3A_639] : memref<262144xf32, #tpu.memory_space<hbm>> -> memref<512xf32, #tpu.memory_space<hbm>>
    %dma_start3A_649 = tpu.memref_slice %arg5[%mul3A_639] : memref<262144xf32, #tpu.memory_space<hbm>> -> memref<512xf32, #tpu.memory_space<hbm>>
    %dma_start3A_650 = arith.constant 4608 : i32
    %dma_start3A_651 = tpu.memref_slice %arg9[%dma_start3A_650] : memref<8320xf32, #tpu.memory_space<vmem>> -> memref<512xf32, #tpu.memory_space<vmem>>
    tpu.enqueue_dma source(%dma_start3A_651 : memref<512xf32, #tpu.memory_space<vmem>>) target(%dma_start3A_649 : memref<512xf32, #tpu.memory_space<hbm>>) target_semaphore(%arg11 : memref<!tpu.dma_semaphore, #tpu.memory_space<semaphore_mem>>)
    %add3A_652 = arith.constant 320 : i32
    %add3A_653 = arith.addi %add3A, %add3A_652 : i32
    %mul3A_654 = arith.constant 512 : i32
    %mul3A_655 = arith.muli %add3A_653, %mul3A_654 : i32
    %dma_start3A_656 = arith.constant 5120 : i32
    %dma_start3A_657 = tpu.memref_slice %arg10[%dma_start3A_656] : memref<8320xf32, #tpu.memory_space<vmem>> -> memref<512xf32, #tpu.memory_space<vmem>>
    %dma_start3A_658 = tpu.memref_slice %arg4[%mul3A_655] : memref<262144xf32, #tpu.memory_space<hbm>> -> memref<512xf32, #tpu.memory_space<hbm>>
    %dma_start3A_659 = tpu.memref_slice %arg4[%mul3A_655] : memref<262144xf32, #tpu.memory_space<hbm>> -> memref<512xf32, #tpu.memory_space<hbm>>
    %dma_start3A_660 = arith.constant 5120 : i32
    %dma_start3A_661 = tpu.memref_slice %arg10[%dma_start3A_660] : memref<8320xf32, #tpu.memory_space<vmem>> -> memref<512xf32, #tpu.memory_space<vmem>>
    tpu.enqueue_dma source(%dma_start3A_661 : memref<512xf32, #tpu.memory_space<vmem>>) target(%dma_start3A_659 : memref<512xf32, #tpu.memory_space<hbm>>) target_semaphore(%arg11 : memref<!tpu.dma_semaphore, #tpu.memory_space<semaphore_mem>>)
    %dma_start3A_662 = arith.constant 5120 : i32
    %dma_start3A_663 = tpu.memref_slice %arg9[%dma_start3A_662] : memref<8320xf32, #tpu.memory_space<vmem>> -> memref<512xf32, #tpu.memory_space<vmem>>
    %dma_start3A_664 = tpu.memref_slice %arg5[%mul3A_655] : memref<262144xf32, #tpu.memory_space<hbm>> -> memref<512xf32, #tpu.memory_space<hbm>>
    %dma_start3A_665 = tpu.memref_slice %arg5[%mul3A_655] : memref<262144xf32, #tpu.memory_space<hbm>> -> memref<512xf32, #tpu.memory_space<hbm>>
    %dma_start3A_666 = arith.constant 5120 : i32
    %dma_start3A_667 = tpu.memref_slice %arg9[%dma_start3A_666] : memref<8320xf32, #tpu.memory_space<vmem>> -> memref<512xf32, #tpu.memory_space<vmem>>
    tpu.enqueue_dma source(%dma_start3A_667 : memref<512xf32, #tpu.memory_space<vmem>>) target(%dma_start3A_665 : memref<512xf32, #tpu.memory_space<hbm>>) target_semaphore(%arg11 : memref<!tpu.dma_semaphore, #tpu.memory_space<semaphore_mem>>)
    %add3A_668 = arith.constant 352 : i32
    %add3A_669 = arith.addi %add3A, %add3A_668 : i32
    %mul3A_670 = arith.constant 512 : i32
    %mul3A_671 = arith.muli %add3A_669, %mul3A_670 : i32
    %dma_start3A_672 = arith.constant 5632 : i32
    %dma_start3A_673 = tpu.memref_slice %arg10[%dma_start3A_672] : memref<8320xf32, #tpu.memory_space<vmem>> -> memref<512xf32, #tpu.memory_space<vmem>>
    %dma_start3A_674 = tpu.memref_slice %arg4[%mul3A_671] : memref<262144xf32, #tpu.memory_space<hbm>> -> memref<512xf32, #tpu.memory_space<hbm>>
    %dma_start3A_675 = tpu.memref_slice %arg4[%mul3A_671] : memref<262144xf32, #tpu.memory_space<hbm>> -> memref<512xf32, #tpu.memory_space<hbm>>
    %dma_start3A_676 = arith.constant 5632 : i32
    %dma_start3A_677 = tpu.memref_slice %arg10[%dma_start3A_676] : memref<8320xf32, #tpu.memory_space<vmem>> -> memref<512xf32, #tpu.memory_space<vmem>>
    tpu.enqueue_dma source(%dma_start3A_677 : memref<512xf32, #tpu.memory_space<vmem>>) target(%dma_start3A_675 : memref<512xf32, #tpu.memory_space<hbm>>) target_semaphore(%arg11 : memref<!tpu.dma_semaphore, #tpu.memory_space<semaphore_mem>>)
    %dma_start3A_678 = arith.constant 5632 : i32
    %dma_start3A_679 = tpu.memref_slice %arg9[%dma_start3A_678] : memref<8320xf32, #tpu.memory_space<vmem>> -> memref<512xf32, #tpu.memory_space<vmem>>
    %dma_start3A_680 = tpu.memref_slice %arg5[%mul3A_671] : memref<262144xf32, #tpu.memory_space<hbm>> -> memref<512xf32, #tpu.memory_space<hbm>>
    %dma_start3A_681 = tpu.memref_slice %arg5[%mul3A_671] : memref<262144xf32, #tpu.memory_space<hbm>> -> memref<512xf32, #tpu.memory_space<hbm>>
    %dma_start3A_682 = arith.constant 5632 : i32
    %dma_start3A_683 = tpu.memref_slice %arg9[%dma_start3A_682] : memref<8320xf32, #tpu.memory_space<vmem>> -> memref<512xf32, #tpu.memory_space<vmem>>
    tpu.enqueue_dma source(%dma_start3A_683 : memref<512xf32, #tpu.memory_space<vmem>>) target(%dma_start3A_681 : memref<512xf32, #tpu.memory_space<hbm>>) target_semaphore(%arg11 : memref<!tpu.dma_semaphore, #tpu.memory_space<semaphore_mem>>)
    %add3A_684 = arith.constant 384 : i32
    %add3A_685 = arith.addi %add3A, %add3A_684 : i32
    %mul3A_686 = arith.constant 512 : i32
    %mul3A_687 = arith.muli %add3A_685, %mul3A_686 : i32
    %dma_start3A_688 = arith.constant 6144 : i32
    %dma_start3A_689 = tpu.memref_slice %arg10[%dma_start3A_688] : memref<8320xf32, #tpu.memory_space<vmem>> -> memref<512xf32, #tpu.memory_space<vmem>>
    %dma_start3A_690 = tpu.memref_slice %arg4[%mul3A_687] : memref<262144xf32, #tpu.memory_space<hbm>> -> memref<512xf32, #tpu.memory_space<hbm>>
    %dma_start3A_691 = tpu.memref_slice %arg4[%mul3A_687] : memref<262144xf32, #tpu.memory_space<hbm>> -> memref<512xf32, #tpu.memory_space<hbm>>
    %dma_start3A_692 = arith.constant 6144 : i32
    %dma_start3A_693 = tpu.memref_slice %arg10[%dma_start3A_692] : memref<8320xf32, #tpu.memory_space<vmem>> -> memref<512xf32, #tpu.memory_space<vmem>>
    tpu.enqueue_dma source(%dma_start3A_693 : memref<512xf32, #tpu.memory_space<vmem>>) target(%dma_start3A_691 : memref<512xf32, #tpu.memory_space<hbm>>) target_semaphore(%arg11 : memref<!tpu.dma_semaphore, #tpu.memory_space<semaphore_mem>>)
    %dma_start3A_694 = arith.constant 6144 : i32
    %dma_start3A_695 = tpu.memref_slice %arg9[%dma_start3A_694] : memref<8320xf32, #tpu.memory_space<vmem>> -> memref<512xf32, #tpu.memory_space<vmem>>
    %dma_start3A_696 = tpu.memref_slice %arg5[%mul3A_687] : memref<262144xf32, #tpu.memory_space<hbm>> -> memref<512xf32, #tpu.memory_space<hbm>>
    %dma_start3A_697 = tpu.memref_slice %arg5[%mul3A_687] : memref<262144xf32, #tpu.memory_space<hbm>> -> memref<512xf32, #tpu.memory_space<hbm>>
    %dma_start3A_698 = arith.constant 6144 : i32
    %dma_start3A_699 = tpu.memref_slice %arg9[%dma_start3A_698] : memref<8320xf32, #tpu.memory_space<vmem>> -> memref<512xf32, #tpu.memory_space<vmem>>
    tpu.enqueue_dma source(%dma_start3A_699 : memref<512xf32, #tpu.memory_space<vmem>>) target(%dma_start3A_697 : memref<512xf32, #tpu.memory_space<hbm>>) target_semaphore(%arg11 : memref<!tpu.dma_semaphore, #tpu.memory_space<semaphore_mem>>)
    %add3A_700 = arith.constant 416 : i32
    %add3A_701 = arith.addi %add3A, %add3A_700 : i32
    %mul3A_702 = arith.constant 512 : i32
    %mul3A_703 = arith.muli %add3A_701, %mul3A_702 : i32
    %dma_start3A_704 = arith.constant 6656 : i32
    %dma_start3A_705 = tpu.memref_slice %arg10[%dma_start3A_704] : memref<8320xf32, #tpu.memory_space<vmem>> -> memref<512xf32, #tpu.memory_space<vmem>>
    %dma_start3A_706 = tpu.memref_slice %arg4[%mul3A_703] : memref<262144xf32, #tpu.memory_space<hbm>> -> memref<512xf32, #tpu.memory_space<hbm>>
    %dma_start3A_707 = tpu.memref_slice %arg4[%mul3A_703] : memref<262144xf32, #tpu.memory_space<hbm>> -> memref<512xf32, #tpu.memory_space<hbm>>
    %dma_start3A_708 = arith.constant 6656 : i32
    %dma_start3A_709 = tpu.memref_slice %arg10[%dma_start3A_708] : memref<8320xf32, #tpu.memory_space<vmem>> -> memref<512xf32, #tpu.memory_space<vmem>>
    tpu.enqueue_dma source(%dma_start3A_709 : memref<512xf32, #tpu.memory_space<vmem>>) target(%dma_start3A_707 : memref<512xf32, #tpu.memory_space<hbm>>) target_semaphore(%arg11 : memref<!tpu.dma_semaphore, #tpu.memory_space<semaphore_mem>>)
    %dma_start3A_710 = arith.constant 6656 : i32
    %dma_start3A_711 = tpu.memref_slice %arg9[%dma_start3A_710] : memref<8320xf32, #tpu.memory_space<vmem>> -> memref<512xf32, #tpu.memory_space<vmem>>
    %dma_start3A_712 = tpu.memref_slice %arg5[%mul3A_703] : memref<262144xf32, #tpu.memory_space<hbm>> -> memref<512xf32, #tpu.memory_space<hbm>>
    %dma_start3A_713 = tpu.memref_slice %arg5[%mul3A_703] : memref<262144xf32, #tpu.memory_space<hbm>> -> memref<512xf32, #tpu.memory_space<hbm>>
    %dma_start3A_714 = arith.constant 6656 : i32
    %dma_start3A_715 = tpu.memref_slice %arg9[%dma_start3A_714] : memref<8320xf32, #tpu.memory_space<vmem>> -> memref<512xf32, #tpu.memory_space<vmem>>
    tpu.enqueue_dma source(%dma_start3A_715 : memref<512xf32, #tpu.memory_space<vmem>>) target(%dma_start3A_713 : memref<512xf32, #tpu.memory_space<hbm>>) target_semaphore(%arg11 : memref<!tpu.dma_semaphore, #tpu.memory_space<semaphore_mem>>)
    %add3A_716 = arith.constant 448 : i32
    %add3A_717 = arith.addi %add3A, %add3A_716 : i32
    %mul3A_718 = arith.constant 512 : i32
    %mul3A_719 = arith.muli %add3A_717, %mul3A_718 : i32
    %dma_start3A_720 = arith.constant 7168 : i32
    %dma_start3A_721 = tpu.memref_slice %arg10[%dma_start3A_720] : memref<8320xf32, #tpu.memory_space<vmem>> -> memref<512xf32, #tpu.memory_space<vmem>>
    %dma_start3A_722 = tpu.memref_slice %arg4[%mul3A_719] : memref<262144xf32, #tpu.memory_space<hbm>> -> memref<512xf32, #tpu.memory_space<hbm>>
    %dma_start3A_723 = tpu.memref_slice %arg4[%mul3A_719] : memref<262144xf32, #tpu.memory_space<hbm>> -> memref<512xf32, #tpu.memory_space<hbm>>
    %dma_start3A_724 = arith.constant 7168 : i32
    %dma_start3A_725 = tpu.memref_slice %arg10[%dma_start3A_724] : memref<8320xf32, #tpu.memory_space<vmem>> -> memref<512xf32, #tpu.memory_space<vmem>>
    tpu.enqueue_dma source(%dma_start3A_725 : memref<512xf32, #tpu.memory_space<vmem>>) target(%dma_start3A_723 : memref<512xf32, #tpu.memory_space<hbm>>) target_semaphore(%arg11 : memref<!tpu.dma_semaphore, #tpu.memory_space<semaphore_mem>>)
    %dma_start3A_726 = arith.constant 7168 : i32
    %dma_start3A_727 = tpu.memref_slice %arg9[%dma_start3A_726] : memref<8320xf32, #tpu.memory_space<vmem>> -> memref<512xf32, #tpu.memory_space<vmem>>
    %dma_start3A_728 = tpu.memref_slice %arg5[%mul3A_719] : memref<262144xf32, #tpu.memory_space<hbm>> -> memref<512xf32, #tpu.memory_space<hbm>>
    %dma_start3A_729 = tpu.memref_slice %arg5[%mul3A_719] : memref<262144xf32, #tpu.memory_space<hbm>> -> memref<512xf32, #tpu.memory_space<hbm>>
    %dma_start3A_730 = arith.constant 7168 : i32
    %dma_start3A_731 = tpu.memref_slice %arg9[%dma_start3A_730] : memref<8320xf32, #tpu.memory_space<vmem>> -> memref<512xf32, #tpu.memory_space<vmem>>
    tpu.enqueue_dma source(%dma_start3A_731 : memref<512xf32, #tpu.memory_space<vmem>>) target(%dma_start3A_729 : memref<512xf32, #tpu.memory_space<hbm>>) target_semaphore(%arg11 : memref<!tpu.dma_semaphore, #tpu.memory_space<semaphore_mem>>)
    %add3A_732 = arith.constant 480 : i32
    %add3A_733 = arith.addi %add3A, %add3A_732 : i32
    %mul3A_734 = arith.constant 512 : i32
    %mul3A_735 = arith.muli %add3A_733, %mul3A_734 : i32
    %dma_start3A_736 = arith.constant 7680 : i32
    %dma_start3A_737 = tpu.memref_slice %arg10[%dma_start3A_736] : memref<8320xf32, #tpu.memory_space<vmem>> -> memref<512xf32, #tpu.memory_space<vmem>>
    %dma_start3A_738 = tpu.memref_slice %arg4[%mul3A_735] : memref<262144xf32, #tpu.memory_space<hbm>> -> memref<512xf32, #tpu.memory_space<hbm>>
    %dma_start3A_739 = tpu.memref_slice %arg4[%mul3A_735] : memref<262144xf32, #tpu.memory_space<hbm>> -> memref<512xf32, #tpu.memory_space<hbm>>
    %dma_start3A_740 = arith.constant 7680 : i32
    %dma_start3A_741 = tpu.memref_slice %arg10[%dma_start3A_740] : memref<8320xf32, #tpu.memory_space<vmem>> -> memref<512xf32, #tpu.memory_space<vmem>>
    tpu.enqueue_dma source(%dma_start3A_741 : memref<512xf32, #tpu.memory_space<vmem>>) target(%dma_start3A_739 : memref<512xf32, #tpu.memory_space<hbm>>) target_semaphore(%arg11 : memref<!tpu.dma_semaphore, #tpu.memory_space<semaphore_mem>>)
    %dma_start3A_742 = arith.constant 7680 : i32
    %dma_start3A_743 = tpu.memref_slice %arg9[%dma_start3A_742] : memref<8320xf32, #tpu.memory_space<vmem>> -> memref<512xf32, #tpu.memory_space<vmem>>
    %dma_start3A_744 = tpu.memref_slice %arg5[%mul3A_735] : memref<262144xf32, #tpu.memory_space<hbm>> -> memref<512xf32, #tpu.memory_space<hbm>>
    %dma_start3A_745 = tpu.memref_slice %arg5[%mul3A_735] : memref<262144xf32, #tpu.memory_space<hbm>> -> memref<512xf32, #tpu.memory_space<hbm>>
    %dma_start3A_746 = arith.constant 7680 : i32
    %dma_start3A_747 = tpu.memref_slice %arg9[%dma_start3A_746] : memref<8320xf32, #tpu.memory_space<vmem>> -> memref<512xf32, #tpu.memory_space<vmem>>
    tpu.enqueue_dma source(%dma_start3A_747 : memref<512xf32, #tpu.memory_space<vmem>>) target(%dma_start3A_745 : memref<512xf32, #tpu.memory_space<hbm>>) target_semaphore(%arg11 : memref<!tpu.dma_semaphore, #tpu.memory_space<semaphore_mem>>)
    %dma_wait3A_748 = arith.constant 0 : i32
    %dma_wait3A_749 = tpu.memref_slice %arg10[%dma_wait3A_748] : memref<8320xf32, #tpu.memory_space<vmem>> -> memref<512xf32, #tpu.memory_space<vmem>>
    %dma_wait3A_750 = tpu.memref_slice %arg4[%mul3A_495] : memref<262144xf32, #tpu.memory_space<hbm>> -> memref<512xf32, #tpu.memory_space<hbm>>
    %dma_wait3A_751 = tpu.memref_slice %arg4[%mul3A_495] : memref<262144xf32, #tpu.memory_space<hbm>> -> memref<512xf32, #tpu.memory_space<hbm>>
    %dma_wait3A_752 = arith.constant 0 : i32
    %dma_wait3A_753 = tpu.memref_slice %arg10[%dma_wait3A_752] : memref<8320xf32, #tpu.memory_space<vmem>> -> memref<512xf32, #tpu.memory_space<vmem>>
    tpu.wait_dma2 semaphore(%arg11 : memref<!tpu.dma_semaphore, #tpu.memory_space<semaphore_mem>>) src(%dma_wait3A_753 : memref<512xf32, #tpu.memory_space<vmem>>) dst(%dma_wait3A_751 : memref<512xf32, #tpu.memory_space<hbm>>)
    %dma_wait3A_754 = arith.constant 0 : i32
    %dma_wait3A_755 = tpu.memref_slice %arg9[%dma_wait3A_754] : memref<8320xf32, #tpu.memory_space<vmem>> -> memref<512xf32, #tpu.memory_space<vmem>>
    %dma_wait3A_756 = tpu.memref_slice %arg5[%mul3A_495] : memref<262144xf32, #tpu.memory_space<hbm>> -> memref<512xf32, #tpu.memory_space<hbm>>
    %dma_wait3A_757 = tpu.memref_slice %arg5[%mul3A_495] : memref<262144xf32, #tpu.memory_space<hbm>> -> memref<512xf32, #tpu.memory_space<hbm>>
    %dma_wait3A_758 = arith.constant 0 : i32
    %dma_wait3A_759 = tpu.memref_slice %arg9[%dma_wait3A_758] : memref<8320xf32, #tpu.memory_space<vmem>> -> memref<512xf32, #tpu.memory_space<vmem>>
    tpu.wait_dma2 semaphore(%arg11 : memref<!tpu.dma_semaphore, #tpu.memory_space<semaphore_mem>>) src(%dma_wait3A_759 : memref<512xf32, #tpu.memory_space<vmem>>) dst(%dma_wait3A_757 : memref<512xf32, #tpu.memory_space<hbm>>)
    %dma_wait3A_760 = arith.constant 512 : i32
    %dma_wait3A_761 = tpu.memref_slice %arg10[%dma_wait3A_760] : memref<8320xf32, #tpu.memory_space<vmem>> -> memref<512xf32, #tpu.memory_space<vmem>>
    %dma_wait3A_762 = tpu.memref_slice %arg4[%mul3A_511] : memref<262144xf32, #tpu.memory_space<hbm>> -> memref<512xf32, #tpu.memory_space<hbm>>
    %dma_wait3A_763 = tpu.memref_slice %arg4[%mul3A_511] : memref<262144xf32, #tpu.memory_space<hbm>> -> memref<512xf32, #tpu.memory_space<hbm>>
    %dma_wait3A_764 = arith.constant 512 : i32
    %dma_wait3A_765 = tpu.memref_slice %arg10[%dma_wait3A_764] : memref<8320xf32, #tpu.memory_space<vmem>> -> memref<512xf32, #tpu.memory_space<vmem>>
    tpu.wait_dma2 semaphore(%arg11 : memref<!tpu.dma_semaphore, #tpu.memory_space<semaphore_mem>>) src(%dma_wait3A_765 : memref<512xf32, #tpu.memory_space<vmem>>) dst(%dma_wait3A_763 : memref<512xf32, #tpu.memory_space<hbm>>)
    %dma_wait3A_766 = arith.constant 512 : i32
    %dma_wait3A_767 = tpu.memref_slice %arg9[%dma_wait3A_766] : memref<8320xf32, #tpu.memory_space<vmem>> -> memref<512xf32, #tpu.memory_space<vmem>>
    %dma_wait3A_768 = tpu.memref_slice %arg5[%mul3A_511] : memref<262144xf32, #tpu.memory_space<hbm>> -> memref<512xf32, #tpu.memory_space<hbm>>
    %dma_wait3A_769 = tpu.memref_slice %arg5[%mul3A_511] : memref<262144xf32, #tpu.memory_space<hbm>> -> memref<512xf32, #tpu.memory_space<hbm>>
    %dma_wait3A_770 = arith.constant 512 : i32
    %dma_wait3A_771 = tpu.memref_slice %arg9[%dma_wait3A_770] : memref<8320xf32, #tpu.memory_space<vmem>> -> memref<512xf32, #tpu.memory_space<vmem>>
    tpu.wait_dma2 semaphore(%arg11 : memref<!tpu.dma_semaphore, #tpu.memory_space<semaphore_mem>>) src(%dma_wait3A_771 : memref<512xf32, #tpu.memory_space<vmem>>) dst(%dma_wait3A_769 : memref<512xf32, #tpu.memory_space<hbm>>)
    %dma_wait3A_772 = arith.constant 1024 : i32
    %dma_wait3A_773 = tpu.memref_slice %arg10[%dma_wait3A_772] : memref<8320xf32, #tpu.memory_space<vmem>> -> memref<512xf32, #tpu.memory_space<vmem>>
    %dma_wait3A_774 = tpu.memref_slice %arg4[%mul3A_527] : memref<262144xf32, #tpu.memory_space<hbm>> -> memref<512xf32, #tpu.memory_space<hbm>>
    %dma_wait3A_775 = tpu.memref_slice %arg4[%mul3A_527] : memref<262144xf32, #tpu.memory_space<hbm>> -> memref<512xf32, #tpu.memory_space<hbm>>
    %dma_wait3A_776 = arith.constant 1024 : i32
    %dma_wait3A_777 = tpu.memref_slice %arg10[%dma_wait3A_776] : memref<8320xf32, #tpu.memory_space<vmem>> -> memref<512xf32, #tpu.memory_space<vmem>>
    tpu.wait_dma2 semaphore(%arg11 : memref<!tpu.dma_semaphore, #tpu.memory_space<semaphore_mem>>) src(%dma_wait3A_777 : memref<512xf32, #tpu.memory_space<vmem>>) dst(%dma_wait3A_775 : memref<512xf32, #tpu.memory_space<hbm>>)
    %dma_wait3A_778 = arith.constant 1024 : i32
    %dma_wait3A_779 = tpu.memref_slice %arg9[%dma_wait3A_778] : memref<8320xf32, #tpu.memory_space<vmem>> -> memref<512xf32, #tpu.memory_space<vmem>>
    %dma_wait3A_780 = tpu.memref_slice %arg5[%mul3A_527] : memref<262144xf32, #tpu.memory_space<hbm>> -> memref<512xf32, #tpu.memory_space<hbm>>
    %dma_wait3A_781 = tpu.memref_slice %arg5[%mul3A_527] : memref<262144xf32, #tpu.memory_space<hbm>> -> memref<512xf32, #tpu.memory_space<hbm>>
    %dma_wait3A_782 = arith.constant 1024 : i32
    %dma_wait3A_783 = tpu.memref_slice %arg9[%dma_wait3A_782] : memref<8320xf32, #tpu.memory_space<vmem>> -> memref<512xf32, #tpu.memory_space<vmem>>
    tpu.wait_dma2 semaphore(%arg11 : memref<!tpu.dma_semaphore, #tpu.memory_space<semaphore_mem>>) src(%dma_wait3A_783 : memref<512xf32, #tpu.memory_space<vmem>>) dst(%dma_wait3A_781 : memref<512xf32, #tpu.memory_space<hbm>>)
    %dma_wait3A_784 = arith.constant 1536 : i32
    %dma_wait3A_785 = tpu.memref_slice %arg10[%dma_wait3A_784] : memref<8320xf32, #tpu.memory_space<vmem>> -> memref<512xf32, #tpu.memory_space<vmem>>
    %dma_wait3A_786 = tpu.memref_slice %arg4[%mul3A_543] : memref<262144xf32, #tpu.memory_space<hbm>> -> memref<512xf32, #tpu.memory_space<hbm>>
    %dma_wait3A_787 = tpu.memref_slice %arg4[%mul3A_543] : memref<262144xf32, #tpu.memory_space<hbm>> -> memref<512xf32, #tpu.memory_space<hbm>>
    %dma_wait3A_788 = arith.constant 1536 : i32
    %dma_wait3A_789 = tpu.memref_slice %arg10[%dma_wait3A_788] : memref<8320xf32, #tpu.memory_space<vmem>> -> memref<512xf32, #tpu.memory_space<vmem>>
    tpu.wait_dma2 semaphore(%arg11 : memref<!tpu.dma_semaphore, #tpu.memory_space<semaphore_mem>>) src(%dma_wait3A_789 : memref<512xf32, #tpu.memory_space<vmem>>) dst(%dma_wait3A_787 : memref<512xf32, #tpu.memory_space<hbm>>)
    %dma_wait3A_790 = arith.constant 1536 : i32
    %dma_wait3A_791 = tpu.memref_slice %arg9[%dma_wait3A_790] : memref<8320xf32, #tpu.memory_space<vmem>> -> memref<512xf32, #tpu.memory_space<vmem>>
    %dma_wait3A_792 = tpu.memref_slice %arg5[%mul3A_543] : memref<262144xf32, #tpu.memory_space<hbm>> -> memref<512xf32, #tpu.memory_space<hbm>>
    %dma_wait3A_793 = tpu.memref_slice %arg5[%mul3A_543] : memref<262144xf32, #tpu.memory_space<hbm>> -> memref<512xf32, #tpu.memory_space<hbm>>
    %dma_wait3A_794 = arith.constant 1536 : i32
    %dma_wait3A_795 = tpu.memref_slice %arg9[%dma_wait3A_794] : memref<8320xf32, #tpu.memory_space<vmem>> -> memref<512xf32, #tpu.memory_space<vmem>>
    tpu.wait_dma2 semaphore(%arg11 : memref<!tpu.dma_semaphore, #tpu.memory_space<semaphore_mem>>) src(%dma_wait3A_795 : memref<512xf32, #tpu.memory_space<vmem>>) dst(%dma_wait3A_793 : memref<512xf32, #tpu.memory_space<hbm>>)
    %dma_wait3A_796 = arith.constant 2048 : i32
    %dma_wait3A_797 = tpu.memref_slice %arg10[%dma_wait3A_796] : memref<8320xf32, #tpu.memory_space<vmem>> -> memref<512xf32, #tpu.memory_space<vmem>>
    %dma_wait3A_798 = tpu.memref_slice %arg4[%mul3A_559] : memref<262144xf32, #tpu.memory_space<hbm>> -> memref<512xf32, #tpu.memory_space<hbm>>
    %dma_wait3A_799 = tpu.memref_slice %arg4[%mul3A_559] : memref<262144xf32, #tpu.memory_space<hbm>> -> memref<512xf32, #tpu.memory_space<hbm>>
    %dma_wait3A_800 = arith.constant 2048 : i32
    %dma_wait3A_801 = tpu.memref_slice %arg10[%dma_wait3A_800] : memref<8320xf32, #tpu.memory_space<vmem>> -> memref<512xf32, #tpu.memory_space<vmem>>
    tpu.wait_dma2 semaphore(%arg11 : memref<!tpu.dma_semaphore, #tpu.memory_space<semaphore_mem>>) src(%dma_wait3A_801 : memref<512xf32, #tpu.memory_space<vmem>>) dst(%dma_wait3A_799 : memref<512xf32, #tpu.memory_space<hbm>>)
    %dma_wait3A_802 = arith.constant 2048 : i32
    %dma_wait3A_803 = tpu.memref_slice %arg9[%dma_wait3A_802] : memref<8320xf32, #tpu.memory_space<vmem>> -> memref<512xf32, #tpu.memory_space<vmem>>
    %dma_wait3A_804 = tpu.memref_slice %arg5[%mul3A_559] : memref<262144xf32, #tpu.memory_space<hbm>> -> memref<512xf32, #tpu.memory_space<hbm>>
    %dma_wait3A_805 = tpu.memref_slice %arg5[%mul3A_559] : memref<262144xf32, #tpu.memory_space<hbm>> -> memref<512xf32, #tpu.memory_space<hbm>>
    %dma_wait3A_806 = arith.constant 2048 : i32
    %dma_wait3A_807 = tpu.memref_slice %arg9[%dma_wait3A_806] : memref<8320xf32, #tpu.memory_space<vmem>> -> memref<512xf32, #tpu.memory_space<vmem>>
    tpu.wait_dma2 semaphore(%arg11 : memref<!tpu.dma_semaphore, #tpu.memory_space<semaphore_mem>>) src(%dma_wait3A_807 : memref<512xf32, #tpu.memory_space<vmem>>) dst(%dma_wait3A_805 : memref<512xf32, #tpu.memory_space<hbm>>)
    %dma_wait3A_808 = arith.constant 2560 : i32
    %dma_wait3A_809 = tpu.memref_slice %arg10[%dma_wait3A_808] : memref<8320xf32, #tpu.memory_space<vmem>> -> memref<512xf32, #tpu.memory_space<vmem>>
    %dma_wait3A_810 = tpu.memref_slice %arg4[%mul3A_575] : memref<262144xf32, #tpu.memory_space<hbm>> -> memref<512xf32, #tpu.memory_space<hbm>>
    %dma_wait3A_811 = tpu.memref_slice %arg4[%mul3A_575] : memref<262144xf32, #tpu.memory_space<hbm>> -> memref<512xf32, #tpu.memory_space<hbm>>
    %dma_wait3A_812 = arith.constant 2560 : i32
    %dma_wait3A_813 = tpu.memref_slice %arg10[%dma_wait3A_812] : memref<8320xf32, #tpu.memory_space<vmem>> -> memref<512xf32, #tpu.memory_space<vmem>>
    tpu.wait_dma2 semaphore(%arg11 : memref<!tpu.dma_semaphore, #tpu.memory_space<semaphore_mem>>) src(%dma_wait3A_813 : memref<512xf32, #tpu.memory_space<vmem>>) dst(%dma_wait3A_811 : memref<512xf32, #tpu.memory_space<hbm>>)
    %dma_wait3A_814 = arith.constant 2560 : i32
    %dma_wait3A_815 = tpu.memref_slice %arg9[%dma_wait3A_814] : memref<8320xf32, #tpu.memory_space<vmem>> -> memref<512xf32, #tpu.memory_space<vmem>>
    %dma_wait3A_816 = tpu.memref_slice %arg5[%mul3A_575] : memref<262144xf32, #tpu.memory_space<hbm>> -> memref<512xf32, #tpu.memory_space<hbm>>
    %dma_wait3A_817 = tpu.memref_slice %arg5[%mul3A_575] : memref<262144xf32, #tpu.memory_space<hbm>> -> memref<512xf32, #tpu.memory_space<hbm>>
    %dma_wait3A_818 = arith.constant 2560 : i32
    %dma_wait3A_819 = tpu.memref_slice %arg9[%dma_wait3A_818] : memref<8320xf32, #tpu.memory_space<vmem>> -> memref<512xf32, #tpu.memory_space<vmem>>
    tpu.wait_dma2 semaphore(%arg11 : memref<!tpu.dma_semaphore, #tpu.memory_space<semaphore_mem>>) src(%dma_wait3A_819 : memref<512xf32, #tpu.memory_space<vmem>>) dst(%dma_wait3A_817 : memref<512xf32, #tpu.memory_space<hbm>>)
    %dma_wait3A_820 = arith.constant 3072 : i32
    %dma_wait3A_821 = tpu.memref_slice %arg10[%dma_wait3A_820] : memref<8320xf32, #tpu.memory_space<vmem>> -> memref<512xf32, #tpu.memory_space<vmem>>
    %dma_wait3A_822 = tpu.memref_slice %arg4[%mul3A_591] : memref<262144xf32, #tpu.memory_space<hbm>> -> memref<512xf32, #tpu.memory_space<hbm>>
    %dma_wait3A_823 = tpu.memref_slice %arg4[%mul3A_591] : memref<262144xf32, #tpu.memory_space<hbm>> -> memref<512xf32, #tpu.memory_space<hbm>>
    %dma_wait3A_824 = arith.constant 3072 : i32
    %dma_wait3A_825 = tpu.memref_slice %arg10[%dma_wait3A_824] : memref<8320xf32, #tpu.memory_space<vmem>> -> memref<512xf32, #tpu.memory_space<vmem>>
    tpu.wait_dma2 semaphore(%arg11 : memref<!tpu.dma_semaphore, #tpu.memory_space<semaphore_mem>>) src(%dma_wait3A_825 : memref<512xf32, #tpu.memory_space<vmem>>) dst(%dma_wait3A_823 : memref<512xf32, #tpu.memory_space<hbm>>)
    %dma_wait3A_826 = arith.constant 3072 : i32
    %dma_wait3A_827 = tpu.memref_slice %arg9[%dma_wait3A_826] : memref<8320xf32, #tpu.memory_space<vmem>> -> memref<512xf32, #tpu.memory_space<vmem>>
    %dma_wait3A_828 = tpu.memref_slice %arg5[%mul3A_591] : memref<262144xf32, #tpu.memory_space<hbm>> -> memref<512xf32, #tpu.memory_space<hbm>>
    %dma_wait3A_829 = tpu.memref_slice %arg5[%mul3A_591] : memref<262144xf32, #tpu.memory_space<hbm>> -> memref<512xf32, #tpu.memory_space<hbm>>
    %dma_wait3A_830 = arith.constant 3072 : i32
    %dma_wait3A_831 = tpu.memref_slice %arg9[%dma_wait3A_830] : memref<8320xf32, #tpu.memory_space<vmem>> -> memref<512xf32, #tpu.memory_space<vmem>>
    tpu.wait_dma2 semaphore(%arg11 : memref<!tpu.dma_semaphore, #tpu.memory_space<semaphore_mem>>) src(%dma_wait3A_831 : memref<512xf32, #tpu.memory_space<vmem>>) dst(%dma_wait3A_829 : memref<512xf32, #tpu.memory_space<hbm>>)
    %dma_wait3A_832 = arith.constant 3584 : i32
    %dma_wait3A_833 = tpu.memref_slice %arg10[%dma_wait3A_832] : memref<8320xf32, #tpu.memory_space<vmem>> -> memref<512xf32, #tpu.memory_space<vmem>>
    %dma_wait3A_834 = tpu.memref_slice %arg4[%mul3A_607] : memref<262144xf32, #tpu.memory_space<hbm>> -> memref<512xf32, #tpu.memory_space<hbm>>
    %dma_wait3A_835 = tpu.memref_slice %arg4[%mul3A_607] : memref<262144xf32, #tpu.memory_space<hbm>> -> memref<512xf32, #tpu.memory_space<hbm>>
    %dma_wait3A_836 = arith.constant 3584 : i32
    %dma_wait3A_837 = tpu.memref_slice %arg10[%dma_wait3A_836] : memref<8320xf32, #tpu.memory_space<vmem>> -> memref<512xf32, #tpu.memory_space<vmem>>
    tpu.wait_dma2 semaphore(%arg11 : memref<!tpu.dma_semaphore, #tpu.memory_space<semaphore_mem>>) src(%dma_wait3A_837 : memref<512xf32, #tpu.memory_space<vmem>>) dst(%dma_wait3A_835 : memref<512xf32, #tpu.memory_space<hbm>>)
    %dma_wait3A_838 = arith.constant 3584 : i32
    %dma_wait3A_839 = tpu.memref_slice %arg9[%dma_wait3A_838] : memref<8320xf32, #tpu.memory_space<vmem>> -> memref<512xf32, #tpu.memory_space<vmem>>
    %dma_wait3A_840 = tpu.memref_slice %arg5[%mul3A_607] : memref<262144xf32, #tpu.memory_space<hbm>> -> memref<512xf32, #tpu.memory_space<hbm>>
    %dma_wait3A_841 = tpu.memref_slice %arg5[%mul3A_607] : memref<262144xf32, #tpu.memory_space<hbm>> -> memref<512xf32, #tpu.memory_space<hbm>>
    %dma_wait3A_842 = arith.constant 3584 : i32
    %dma_wait3A_843 = tpu.memref_slice %arg9[%dma_wait3A_842] : memref<8320xf32, #tpu.memory_space<vmem>> -> memref<512xf32, #tpu.memory_space<vmem>>
    tpu.wait_dma2 semaphore(%arg11 : memref<!tpu.dma_semaphore, #tpu.memory_space<semaphore_mem>>) src(%dma_wait3A_843 : memref<512xf32, #tpu.memory_space<vmem>>) dst(%dma_wait3A_841 : memref<512xf32, #tpu.memory_space<hbm>>)
    %dma_wait3A_844 = arith.constant 4096 : i32
    %dma_wait3A_845 = tpu.memref_slice %arg10[%dma_wait3A_844] : memref<8320xf32, #tpu.memory_space<vmem>> -> memref<512xf32, #tpu.memory_space<vmem>>
    %dma_wait3A_846 = tpu.memref_slice %arg4[%mul3A_623] : memref<262144xf32, #tpu.memory_space<hbm>> -> memref<512xf32, #tpu.memory_space<hbm>>
    %dma_wait3A_847 = tpu.memref_slice %arg4[%mul3A_623] : memref<262144xf32, #tpu.memory_space<hbm>> -> memref<512xf32, #tpu.memory_space<hbm>>
    %dma_wait3A_848 = arith.constant 4096 : i32
    %dma_wait3A_849 = tpu.memref_slice %arg10[%dma_wait3A_848] : memref<8320xf32, #tpu.memory_space<vmem>> -> memref<512xf32, #tpu.memory_space<vmem>>
    tpu.wait_dma2 semaphore(%arg11 : memref<!tpu.dma_semaphore, #tpu.memory_space<semaphore_mem>>) src(%dma_wait3A_849 : memref<512xf32, #tpu.memory_space<vmem>>) dst(%dma_wait3A_847 : memref<512xf32, #tpu.memory_space<hbm>>)
    %dma_wait3A_850 = arith.constant 4096 : i32
    %dma_wait3A_851 = tpu.memref_slice %arg9[%dma_wait3A_850] : memref<8320xf32, #tpu.memory_space<vmem>> -> memref<512xf32, #tpu.memory_space<vmem>>
    %dma_wait3A_852 = tpu.memref_slice %arg5[%mul3A_623] : memref<262144xf32, #tpu.memory_space<hbm>> -> memref<512xf32, #tpu.memory_space<hbm>>
    %dma_wait3A_853 = tpu.memref_slice %arg5[%mul3A_623] : memref<262144xf32, #tpu.memory_space<hbm>> -> memref<512xf32, #tpu.memory_space<hbm>>
    %dma_wait3A_854 = arith.constant 4096 : i32
    %dma_wait3A_855 = tpu.memref_slice %arg9[%dma_wait3A_854] : memref<8320xf32, #tpu.memory_space<vmem>> -> memref<512xf32, #tpu.memory_space<vmem>>
    tpu.wait_dma2 semaphore(%arg11 : memref<!tpu.dma_semaphore, #tpu.memory_space<semaphore_mem>>) src(%dma_wait3A_855 : memref<512xf32, #tpu.memory_space<vmem>>) dst(%dma_wait3A_853 : memref<512xf32, #tpu.memory_space<hbm>>)
    %dma_wait3A_856 = arith.constant 4608 : i32
    %dma_wait3A_857 = tpu.memref_slice %arg10[%dma_wait3A_856] : memref<8320xf32, #tpu.memory_space<vmem>> -> memref<512xf32, #tpu.memory_space<vmem>>
    %dma_wait3A_858 = tpu.memref_slice %arg4[%mul3A_639] : memref<262144xf32, #tpu.memory_space<hbm>> -> memref<512xf32, #tpu.memory_space<hbm>>
    %dma_wait3A_859 = tpu.memref_slice %arg4[%mul3A_639] : memref<262144xf32, #tpu.memory_space<hbm>> -> memref<512xf32, #tpu.memory_space<hbm>>
    %dma_wait3A_860 = arith.constant 4608 : i32
    %dma_wait3A_861 = tpu.memref_slice %arg10[%dma_wait3A_860] : memref<8320xf32, #tpu.memory_space<vmem>> -> memref<512xf32, #tpu.memory_space<vmem>>
    tpu.wait_dma2 semaphore(%arg11 : memref<!tpu.dma_semaphore, #tpu.memory_space<semaphore_mem>>) src(%dma_wait3A_861 : memref<512xf32, #tpu.memory_space<vmem>>) dst(%dma_wait3A_859 : memref<512xf32, #tpu.memory_space<hbm>>)
    %dma_wait3A_862 = arith.constant 4608 : i32
    %dma_wait3A_863 = tpu.memref_slice %arg9[%dma_wait3A_862] : memref<8320xf32, #tpu.memory_space<vmem>> -> memref<512xf32, #tpu.memory_space<vmem>>
    %dma_wait3A_864 = tpu.memref_slice %arg5[%mul3A_639] : memref<262144xf32, #tpu.memory_space<hbm>> -> memref<512xf32, #tpu.memory_space<hbm>>
    %dma_wait3A_865 = tpu.memref_slice %arg5[%mul3A_639] : memref<262144xf32, #tpu.memory_space<hbm>> -> memref<512xf32, #tpu.memory_space<hbm>>
    %dma_wait3A_866 = arith.constant 4608 : i32
    %dma_wait3A_867 = tpu.memref_slice %arg9[%dma_wait3A_866] : memref<8320xf32, #tpu.memory_space<vmem>> -> memref<512xf32, #tpu.memory_space<vmem>>
    tpu.wait_dma2 semaphore(%arg11 : memref<!tpu.dma_semaphore, #tpu.memory_space<semaphore_mem>>) src(%dma_wait3A_867 : memref<512xf32, #tpu.memory_space<vmem>>) dst(%dma_wait3A_865 : memref<512xf32, #tpu.memory_space<hbm>>)
    %dma_wait3A_868 = arith.constant 5120 : i32
    %dma_wait3A_869 = tpu.memref_slice %arg10[%dma_wait3A_868] : memref<8320xf32, #tpu.memory_space<vmem>> -> memref<512xf32, #tpu.memory_space<vmem>>
    %dma_wait3A_870 = tpu.memref_slice %arg4[%mul3A_655] : memref<262144xf32, #tpu.memory_space<hbm>> -> memref<512xf32, #tpu.memory_space<hbm>>
    %dma_wait3A_871 = tpu.memref_slice %arg4[%mul3A_655] : memref<262144xf32, #tpu.memory_space<hbm>> -> memref<512xf32, #tpu.memory_space<hbm>>
    %dma_wait3A_872 = arith.constant 5120 : i32
    %dma_wait3A_873 = tpu.memref_slice %arg10[%dma_wait3A_872] : memref<8320xf32, #tpu.memory_space<vmem>> -> memref<512xf32, #tpu.memory_space<vmem>>
    tpu.wait_dma2 semaphore(%arg11 : memref<!tpu.dma_semaphore, #tpu.memory_space<semaphore_mem>>) src(%dma_wait3A_873 : memref<512xf32, #tpu.memory_space<vmem>>) dst(%dma_wait3A_871 : memref<512xf32, #tpu.memory_space<hbm>>)
    %dma_wait3A_874 = arith.constant 5120 : i32
    %dma_wait3A_875 = tpu.memref_slice %arg9[%dma_wait3A_874] : memref<8320xf32, #tpu.memory_space<vmem>> -> memref<512xf32, #tpu.memory_space<vmem>>
    %dma_wait3A_876 = tpu.memref_slice %arg5[%mul3A_655] : memref<262144xf32, #tpu.memory_space<hbm>> -> memref<512xf32, #tpu.memory_space<hbm>>
    %dma_wait3A_877 = tpu.memref_slice %arg5[%mul3A_655] : memref<262144xf32, #tpu.memory_space<hbm>> -> memref<512xf32, #tpu.memory_space<hbm>>
    %dma_wait3A_878 = arith.constant 5120 : i32
    %dma_wait3A_879 = tpu.memref_slice %arg9[%dma_wait3A_878] : memref<8320xf32, #tpu.memory_space<vmem>> -> memref<512xf32, #tpu.memory_space<vmem>>
    tpu.wait_dma2 semaphore(%arg11 : memref<!tpu.dma_semaphore, #tpu.memory_space<semaphore_mem>>) src(%dma_wait3A_879 : memref<512xf32, #tpu.memory_space<vmem>>) dst(%dma_wait3A_877 : memref<512xf32, #tpu.memory_space<hbm>>)
    %dma_wait3A_880 = arith.constant 5632 : i32
    %dma_wait3A_881 = tpu.memref_slice %arg10[%dma_wait3A_880] : memref<8320xf32, #tpu.memory_space<vmem>> -> memref<512xf32, #tpu.memory_space<vmem>>
    %dma_wait3A_882 = tpu.memref_slice %arg4[%mul3A_671] : memref<262144xf32, #tpu.memory_space<hbm>> -> memref<512xf32, #tpu.memory_space<hbm>>
    %dma_wait3A_883 = tpu.memref_slice %arg4[%mul3A_671] : memref<262144xf32, #tpu.memory_space<hbm>> -> memref<512xf32, #tpu.memory_space<hbm>>
    %dma_wait3A_884 = arith.constant 5632 : i32
    %dma_wait3A_885 = tpu.memref_slice %arg10[%dma_wait3A_884] : memref<8320xf32, #tpu.memory_space<vmem>> -> memref<512xf32, #tpu.memory_space<vmem>>
    tpu.wait_dma2 semaphore(%arg11 : memref<!tpu.dma_semaphore, #tpu.memory_space<semaphore_mem>>) src(%dma_wait3A_885 : memref<512xf32, #tpu.memory_space<vmem>>) dst(%dma_wait3A_883 : memref<512xf32, #tpu.memory_space<hbm>>)
    %dma_wait3A_886 = arith.constant 5632 : i32
    %dma_wait3A_887 = tpu.memref_slice %arg9[%dma_wait3A_886] : memref<8320xf32, #tpu.memory_space<vmem>> -> memref<512xf32, #tpu.memory_space<vmem>>
    %dma_wait3A_888 = tpu.memref_slice %arg5[%mul3A_671] : memref<262144xf32, #tpu.memory_space<hbm>> -> memref<512xf32, #tpu.memory_space<hbm>>
    %dma_wait3A_889 = tpu.memref_slice %arg5[%mul3A_671] : memref<262144xf32, #tpu.memory_space<hbm>> -> memref<512xf32, #tpu.memory_space<hbm>>
    %dma_wait3A_890 = arith.constant 5632 : i32
    %dma_wait3A_891 = tpu.memref_slice %arg9[%dma_wait3A_890] : memref<8320xf32, #tpu.memory_space<vmem>> -> memref<512xf32, #tpu.memory_space<vmem>>
    tpu.wait_dma2 semaphore(%arg11 : memref<!tpu.dma_semaphore, #tpu.memory_space<semaphore_mem>>) src(%dma_wait3A_891 : memref<512xf32, #tpu.memory_space<vmem>>) dst(%dma_wait3A_889 : memref<512xf32, #tpu.memory_space<hbm>>)
    %dma_wait3A_892 = arith.constant 6144 : i32
    %dma_wait3A_893 = tpu.memref_slice %arg10[%dma_wait3A_892] : memref<8320xf32, #tpu.memory_space<vmem>> -> memref<512xf32, #tpu.memory_space<vmem>>
    %dma_wait3A_894 = tpu.memref_slice %arg4[%mul3A_687] : memref<262144xf32, #tpu.memory_space<hbm>> -> memref<512xf32, #tpu.memory_space<hbm>>
    %dma_wait3A_895 = tpu.memref_slice %arg4[%mul3A_687] : memref<262144xf32, #tpu.memory_space<hbm>> -> memref<512xf32, #tpu.memory_space<hbm>>
    %dma_wait3A_896 = arith.constant 6144 : i32
    %dma_wait3A_897 = tpu.memref_slice %arg10[%dma_wait3A_896] : memref<8320xf32, #tpu.memory_space<vmem>> -> memref<512xf32, #tpu.memory_space<vmem>>
    tpu.wait_dma2 semaphore(%arg11 : memref<!tpu.dma_semaphore, #tpu.memory_space<semaphore_mem>>) src(%dma_wait3A_897 : memref<512xf32, #tpu.memory_space<vmem>>) dst(%dma_wait3A_895 : memref<512xf32, #tpu.memory_space<hbm>>)
    %dma_wait3A_898 = arith.constant 6144 : i32
    %dma_wait3A_899 = tpu.memref_slice %arg9[%dma_wait3A_898] : memref<8320xf32, #tpu.memory_space<vmem>> -> memref<512xf32, #tpu.memory_space<vmem>>
    %dma_wait3A_900 = tpu.memref_slice %arg5[%mul3A_687] : memref<262144xf32, #tpu.memory_space<hbm>> -> memref<512xf32, #tpu.memory_space<hbm>>
    %dma_wait3A_901 = tpu.memref_slice %arg5[%mul3A_687] : memref<262144xf32, #tpu.memory_space<hbm>> -> memref<512xf32, #tpu.memory_space<hbm>>
    %dma_wait3A_902 = arith.constant 6144 : i32
    %dma_wait3A_903 = tpu.memref_slice %arg9[%dma_wait3A_902] : memref<8320xf32, #tpu.memory_space<vmem>> -> memref<512xf32, #tpu.memory_space<vmem>>
    tpu.wait_dma2 semaphore(%arg11 : memref<!tpu.dma_semaphore, #tpu.memory_space<semaphore_mem>>) src(%dma_wait3A_903 : memref<512xf32, #tpu.memory_space<vmem>>) dst(%dma_wait3A_901 : memref<512xf32, #tpu.memory_space<hbm>>)
    %dma_wait3A_904 = arith.constant 6656 : i32
    %dma_wait3A_905 = tpu.memref_slice %arg10[%dma_wait3A_904] : memref<8320xf32, #tpu.memory_space<vmem>> -> memref<512xf32, #tpu.memory_space<vmem>>
    %dma_wait3A_906 = tpu.memref_slice %arg4[%mul3A_703] : memref<262144xf32, #tpu.memory_space<hbm>> -> memref<512xf32, #tpu.memory_space<hbm>>
    %dma_wait3A_907 = tpu.memref_slice %arg4[%mul3A_703] : memref<262144xf32, #tpu.memory_space<hbm>> -> memref<512xf32, #tpu.memory_space<hbm>>
    %dma_wait3A_908 = arith.constant 6656 : i32
    %dma_wait3A_909 = tpu.memref_slice %arg10[%dma_wait3A_908] : memref<8320xf32, #tpu.memory_space<vmem>> -> memref<512xf32, #tpu.memory_space<vmem>>
    tpu.wait_dma2 semaphore(%arg11 : memref<!tpu.dma_semaphore, #tpu.memory_space<semaphore_mem>>) src(%dma_wait3A_909 : memref<512xf32, #tpu.memory_space<vmem>>) dst(%dma_wait3A_907 : memref<512xf32, #tpu.memory_space<hbm>>)
    %dma_wait3A_910 = arith.constant 6656 : i32
    %dma_wait3A_911 = tpu.memref_slice %arg9[%dma_wait3A_910] : memref<8320xf32, #tpu.memory_space<vmem>> -> memref<512xf32, #tpu.memory_space<vmem>>
    %dma_wait3A_912 = tpu.memref_slice %arg5[%mul3A_703] : memref<262144xf32, #tpu.memory_space<hbm>> -> memref<512xf32, #tpu.memory_space<hbm>>
    %dma_wait3A_913 = tpu.memref_slice %arg5[%mul3A_703] : memref<262144xf32, #tpu.memory_space<hbm>> -> memref<512xf32, #tpu.memory_space<hbm>>
    %dma_wait3A_914 = arith.constant 6656 : i32
    %dma_wait3A_915 = tpu.memref_slice %arg9[%dma_wait3A_914] : memref<8320xf32, #tpu.memory_space<vmem>> -> memref<512xf32, #tpu.memory_space<vmem>>
    tpu.wait_dma2 semaphore(%arg11 : memref<!tpu.dma_semaphore, #tpu.memory_space<semaphore_mem>>) src(%dma_wait3A_915 : memref<512xf32, #tpu.memory_space<vmem>>) dst(%dma_wait3A_913 : memref<512xf32, #tpu.memory_space<hbm>>)
    %dma_wait3A_916 = arith.constant 7168 : i32
    %dma_wait3A_917 = tpu.memref_slice %arg10[%dma_wait3A_916] : memref<8320xf32, #tpu.memory_space<vmem>> -> memref<512xf32, #tpu.memory_space<vmem>>
    %dma_wait3A_918 = tpu.memref_slice %arg4[%mul3A_719] : memref<262144xf32, #tpu.memory_space<hbm>> -> memref<512xf32, #tpu.memory_space<hbm>>
    %dma_wait3A_919 = tpu.memref_slice %arg4[%mul3A_719] : memref<262144xf32, #tpu.memory_space<hbm>> -> memref<512xf32, #tpu.memory_space<hbm>>
    %dma_wait3A_920 = arith.constant 7168 : i32
    %dma_wait3A_921 = tpu.memref_slice %arg10[%dma_wait3A_920] : memref<8320xf32, #tpu.memory_space<vmem>> -> memref<512xf32, #tpu.memory_space<vmem>>
    tpu.wait_dma2 semaphore(%arg11 : memref<!tpu.dma_semaphore, #tpu.memory_space<semaphore_mem>>) src(%dma_wait3A_921 : memref<512xf32, #tpu.memory_space<vmem>>) dst(%dma_wait3A_919 : memref<512xf32, #tpu.memory_space<hbm>>)
    %dma_wait3A_922 = arith.constant 7168 : i32
    %dma_wait3A_923 = tpu.memref_slice %arg9[%dma_wait3A_922] : memref<8320xf32, #tpu.memory_space<vmem>> -> memref<512xf32, #tpu.memory_space<vmem>>
    %dma_wait3A_924 = tpu.memref_slice %arg5[%mul3A_719] : memref<262144xf32, #tpu.memory_space<hbm>> -> memref<512xf32, #tpu.memory_space<hbm>>
    %dma_wait3A_925 = tpu.memref_slice %arg5[%mul3A_719] : memref<262144xf32, #tpu.memory_space<hbm>> -> memref<512xf32, #tpu.memory_space<hbm>>
    %dma_wait3A_926 = arith.constant 7168 : i32
    %dma_wait3A_927 = tpu.memref_slice %arg9[%dma_wait3A_926] : memref<8320xf32, #tpu.memory_space<vmem>> -> memref<512xf32, #tpu.memory_space<vmem>>
    tpu.wait_dma2 semaphore(%arg11 : memref<!tpu.dma_semaphore, #tpu.memory_space<semaphore_mem>>) src(%dma_wait3A_927 : memref<512xf32, #tpu.memory_space<vmem>>) dst(%dma_wait3A_925 : memref<512xf32, #tpu.memory_space<hbm>>)
    %dma_wait3A_928 = arith.constant 7680 : i32
    %dma_wait3A_929 = tpu.memref_slice %arg10[%dma_wait3A_928] : memref<8320xf32, #tpu.memory_space<vmem>> -> memref<512xf32, #tpu.memory_space<vmem>>
    %dma_wait3A_930 = tpu.memref_slice %arg4[%mul3A_735] : memref<262144xf32, #tpu.memory_space<hbm>> -> memref<512xf32, #tpu.memory_space<hbm>>
    %dma_wait3A_931 = tpu.memref_slice %arg4[%mul3A_735] : memref<262144xf32, #tpu.memory_space<hbm>> -> memref<512xf32, #tpu.memory_space<hbm>>
    %dma_wait3A_932 = arith.constant 7680 : i32
    %dma_wait3A_933 = tpu.memref_slice %arg10[%dma_wait3A_932] : memref<8320xf32, #tpu.memory_space<vmem>> -> memref<512xf32, #tpu.memory_space<vmem>>
    tpu.wait_dma2 semaphore(%arg11 : memref<!tpu.dma_semaphore, #tpu.memory_space<semaphore_mem>>) src(%dma_wait3A_933 : memref<512xf32, #tpu.memory_space<vmem>>) dst(%dma_wait3A_931 : memref<512xf32, #tpu.memory_space<hbm>>)
    %dma_wait3A_934 = arith.constant 7680 : i32
    %dma_wait3A_935 = tpu.memref_slice %arg9[%dma_wait3A_934] : memref<8320xf32, #tpu.memory_space<vmem>> -> memref<512xf32, #tpu.memory_space<vmem>>
    %dma_wait3A_936 = tpu.memref_slice %arg5[%mul3A_735] : memref<262144xf32, #tpu.memory_space<hbm>> -> memref<512xf32, #tpu.memory_space<hbm>>
    %dma_wait3A_937 = tpu.memref_slice %arg5[%mul3A_735] : memref<262144xf32, #tpu.memory_space<hbm>> -> memref<512xf32, #tpu.memory_space<hbm>>
    %dma_wait3A_938 = arith.constant 7680 : i32
    %dma_wait3A_939 = tpu.memref_slice %arg9[%dma_wait3A_938] : memref<8320xf32, #tpu.memory_space<vmem>> -> memref<512xf32, #tpu.memory_space<vmem>>
    tpu.wait_dma2 semaphore(%arg11 : memref<!tpu.dma_semaphore, #tpu.memory_space<semaphore_mem>>) src(%dma_wait3A_939 : memref<512xf32, #tpu.memory_space<vmem>>) dst(%dma_wait3A_937 : memref<512xf32, #tpu.memory_space<hbm>>)
    return
  }
}

module attributes {stable_mosaic.version = 14 : i64} {
  func.func @_tc_body(%arg0: memref<2x512x512xf32, #tpu.memory_space<vmem>>, %arg1: memref<2x512x512xf32, #tpu.memory_space<vmem>>, %arg2: memref<1x512x512xf32, #tpu.memory_space<vmem>>, %arg3: memref<4096x128xf32, #tpu.memory_space<vmem>>, %arg4: memref<4096x128xf32, #tpu.memory_space<vmem>>, %arg5: memref<2048x128xi32, #tpu.memory_space<vmem>>) attributes {dimension_semantics = [], scalar_prefetch = 0 : i64, scratch_operands = 0 : i64, tpu.core_type = #tpu.core_type<tc>} {
    %get3A = arith.constant 0 : index
    %get3A_0 = arith.constant 0 : index
    %get3A_1 = arith.constant 0 : index
    %get3A_2 = vector.load %arg0[%get3A, %get3A_0, %get3A_1] : memref<2x512x512xf32, #tpu.memory_space<vmem>>, vector<2x512x512xf32>
    %iota3A = tpu.iota {dimensions = array<i32: 1>} : vector<512x512xi32>
    %convert_element_type3A = arith.sitofp %iota3A : vector<512x512xi32> to vector<512x512xf32>
    %mul3A = arith.constant 0.250489235 : f32
    %mul3A_3 = vector.broadcast %mul3A : f32 to vector<512x512xf32>
    %mul3A_4 = arith.mulf %convert_element_type3A, %mul3A_3 : vector<512x512xf32>
    %iota3A_5 = tpu.iota {dimensions = array<i32: 0>} : vector<512x512xi32>
    %convert_element_type3A_6 = arith.sitofp %iota3A_5 : vector<512x512xi32> to vector<512x512xf32>
    %mul3A_7 = arith.constant 0.250489235 : f32
    %mul3A_8 = vector.broadcast %mul3A_7 : f32 to vector<512x512xf32>
    %mul3A_9 = arith.mulf %convert_element_type3A_6, %mul3A_8 : vector<512x512xf32>
    %slice3A = vector.extract_strided_slice %get3A_2 {offsets = [0, 0, 0], sizes = [1, 512, 512], strides = [1, 1, 1]} : vector<2x512x512xf32> to vector<1x512x512xf32>
    %squeeze3A = vector.shape_cast %slice3A : vector<1x512x512xf32> to vector<512x512xf32>
    %tanh3A = math.tanh %squeeze3A : vector<512x512xf32>
    %add3A = arith.addf %tanh3A, %mul3A_4 : vector<512x512xf32>
    %reshape3A = vector.shape_cast %add3A : vector<512x512xf32> to vector<2048x128xf32>
    %swap3A = arith.constant 0 : index
    %swap3A_10 = arith.constant 0 : index
    %swap3A_11 = vector.load %arg3[%swap3A, %swap3A_10] : memref<4096x128xf32, #tpu.memory_space<vmem>>, vector<2048x128xf32>
    tpu.vector_store %arg3[%swap3A, %swap3A_10], %reshape3A {strides = array<i32>} : memref<4096x128xf32, #tpu.memory_space<vmem>>, vector<2048x128xf32>,
    %slice3A_12 = vector.extract_strided_slice %get3A_2 {offsets = [1, 0, 0], sizes = [1, 512, 512], strides = [1, 1, 1]} : vector<2x512x512xf32> to vector<1x512x512xf32>
    %squeeze3A_13 = vector.shape_cast %slice3A_12 : vector<1x512x512xf32> to vector<512x512xf32>
    %tanh3A_14 = math.tanh %squeeze3A_13 : vector<512x512xf32>
    %add3A_15 = arith.addf %tanh3A_14, %mul3A_9 : vector<512x512xf32>
    %reshape3A_16 = vector.shape_cast %add3A_15 : vector<512x512xf32> to vector<2048x128xf32>
    %swap3A_17 = arith.constant 2048 : index
    %swap3A_18 = arith.constant 0 : index
    %swap3A_19 = vector.load %arg3[%swap3A_17, %swap3A_18] : memref<4096x128xf32, #tpu.memory_space<vmem>>, vector<2048x128xf32>
    tpu.vector_store %arg3[%swap3A_17, %swap3A_18], %reshape3A_16 {strides = array<i32>} : memref<4096x128xf32, #tpu.memory_space<vmem>>, vector<2048x128xf32>,
    %get3A_20 = arith.constant 0 : index
    %get3A_21 = arith.constant 0 : index
    %get3A_22 = arith.constant 0 : index
    %get3A_23 = vector.load %arg1[%get3A_20, %get3A_21, %get3A_22] : memref<2x512x512xf32, #tpu.memory_space<vmem>>, vector<2x512x512xf32>
    %slice3A_24 = vector.extract_strided_slice %get3A_23 {offsets = [0, 0, 0], sizes = [1, 512, 512], strides = [1, 1, 1]} : vector<2x512x512xf32> to vector<1x512x512xf32>
    %squeeze3A_25 = vector.shape_cast %slice3A_24 : vector<1x512x512xf32> to vector<512x512xf32>
    %reshape3A_26 = vector.shape_cast %squeeze3A_25 : vector<512x512xf32> to vector<2048x128xf32>
    %swap3A_27 = arith.constant 0 : index
    %swap3A_28 = arith.constant 0 : index
    %swap3A_29 = vector.load %arg4[%swap3A_27, %swap3A_28] : memref<4096x128xf32, #tpu.memory_space<vmem>>, vector<2048x128xf32>
    tpu.vector_store %arg4[%swap3A_27, %swap3A_28], %reshape3A_26 {strides = array<i32>} : memref<4096x128xf32, #tpu.memory_space<vmem>>, vector<2048x128xf32>,
    %slice3A_30 = vector.extract_strided_slice %get3A_23 {offsets = [1, 0, 0], sizes = [1, 512, 512], strides = [1, 1, 1]} : vector<2x512x512xf32> to vector<1x512x512xf32>
    %squeeze3A_31 = vector.shape_cast %slice3A_30 : vector<1x512x512xf32> to vector<512x512xf32>
    %reshape3A_32 = vector.shape_cast %squeeze3A_31 : vector<512x512xf32> to vector<2048x128xf32>
    %swap3A_33 = arith.constant 2048 : index
    %swap3A_34 = arith.constant 0 : index
    %swap3A_35 = vector.load %arg4[%swap3A_33, %swap3A_34] : memref<4096x128xf32, #tpu.memory_space<vmem>>, vector<2048x128xf32>
    tpu.vector_store %arg4[%swap3A_33, %swap3A_34], %reshape3A_32 {strides = array<i32>} : memref<4096x128xf32, #tpu.memory_space<vmem>>, vector<2048x128xf32>,
    %get3A_36 = arith.constant 0 : index
    %get3A_37 = arith.constant 0 : index
    %get3A_38 = arith.constant 0 : index
    %get3A_39 = vector.load %arg2[%get3A_36, %get3A_37, %get3A_38] : memref<1x512x512xf32, #tpu.memory_space<vmem>>, vector<1x512x512xf32>
    %get3A_40 = vector.shape_cast %get3A_39 : vector<1x512x512xf32> to vector<512x512xf32>
    %broadcast_in_dim3A = arith.constant 0xFF800000 : f32
    %broadcast_in_dim3A_41 = vector.broadcast %broadcast_in_dim3A : f32 to vector<512x1xf32>
    %slice3A_42 = vector.extract_strided_slice %get3A_40 {offsets = [0, 0], sizes = [512, 511], strides = [1, 1]} : vector<512x512xf32> to vector<512x511xf32>
    %concatenate3A = tpu.concatenate %broadcast_in_dim3A_41, %slice3A_42 in 1 : vector<512x1xf32>, vector<512x511xf32> -> vector<512x512xf32>
    %slice3A_43 = vector.extract_strided_slice %get3A_40 {offsets = [0, 1], sizes = [512, 511], strides = [1, 1]} : vector<512x512xf32> to vector<512x511xf32>
    %broadcast_in_dim3A_44 = arith.constant 0xFF800000 : f32
    %broadcast_in_dim3A_45 = vector.broadcast %broadcast_in_dim3A_44 : f32 to vector<512x1xf32>
    %concatenate3A_46 = tpu.concatenate %slice3A_43, %broadcast_in_dim3A_45 in 1 : vector<512x511xf32>, vector<512x1xf32> -> vector<512x512xf32>
    %max3A = arith.maximumf %concatenate3A, %concatenate3A_46 : vector<512x512xf32>
    %max3A_47 = arith.maximumf %get3A_40, %max3A : vector<512x512xf32>
    %broadcast_in_dim3A_48 = arith.constant 0xFF800000 : f32
    %broadcast_in_dim3A_49 = vector.broadcast %broadcast_in_dim3A_48 : f32 to vector<512x2xf32>
    %slice3A_50 = vector.extract_strided_slice %get3A_40 {offsets = [0, 0], sizes = [512, 510], strides = [1, 1]} : vector<512x512xf32> to vector<512x510xf32>
    %concatenate3A_51 = tpu.concatenate %broadcast_in_dim3A_49, %slice3A_50 in 1 : vector<512x2xf32>, vector<512x510xf32> -> vector<512x512xf32>
    %slice3A_52 = vector.extract_strided_slice %get3A_40 {offsets = [0, 2], sizes = [512, 510], strides = [1, 1]} : vector<512x512xf32> to vector<512x510xf32>
    %broadcast_in_dim3A_53 = arith.constant 0xFF800000 : f32
    %broadcast_in_dim3A_54 = vector.broadcast %broadcast_in_dim3A_53 : f32 to vector<512x2xf32>
    %concatenate3A_55 = tpu.concatenate %slice3A_52, %broadcast_in_dim3A_54 in 1 : vector<512x510xf32>, vector<512x2xf32> -> vector<512x512xf32>
    %max3A_56 = arith.maximumf %concatenate3A_51, %concatenate3A_55 : vector<512x512xf32>
    %max3A_57 = arith.maximumf %max3A_47, %max3A_56 : vector<512x512xf32>
    %broadcast_in_dim3A_58 = arith.constant 0xFF800000 : f32
    %broadcast_in_dim3A_59 = vector.broadcast %broadcast_in_dim3A_58 : f32 to vector<512x3xf32>
    %slice3A_60 = vector.extract_strided_slice %get3A_40 {offsets = [0, 0], sizes = [512, 509], strides = [1, 1]} : vector<512x512xf32> to vector<512x509xf32>
    %concatenate3A_61 = tpu.concatenate %broadcast_in_dim3A_59, %slice3A_60 in 1 : vector<512x3xf32>, vector<512x509xf32> -> vector<512x512xf32>
    %slice3A_62 = vector.extract_strided_slice %get3A_40 {offsets = [0, 3], sizes = [512, 509], strides = [1, 1]} : vector<512x512xf32> to vector<512x509xf32>
    %broadcast_in_dim3A_63 = arith.constant 0xFF800000 : f32
    %broadcast_in_dim3A_64 = vector.broadcast %broadcast_in_dim3A_63 : f32 to vector<512x3xf32>
    %concatenate3A_65 = tpu.concatenate %slice3A_62, %broadcast_in_dim3A_64 in 1 : vector<512x509xf32>, vector<512x3xf32> -> vector<512x512xf32>
    %max3A_66 = arith.maximumf %concatenate3A_61, %concatenate3A_65 : vector<512x512xf32>
    %max3A_67 = arith.maximumf %max3A_57, %max3A_66 : vector<512x512xf32>
    %broadcast_in_dim3A_68 = arith.constant 0xFF800000 : f32
    %broadcast_in_dim3A_69 = vector.broadcast %broadcast_in_dim3A_68 : f32 to vector<512x4xf32>
    %slice3A_70 = vector.extract_strided_slice %get3A_40 {offsets = [0, 0], sizes = [512, 508], strides = [1, 1]} : vector<512x512xf32> to vector<512x508xf32>
    %concatenate3A_71 = tpu.concatenate %broadcast_in_dim3A_69, %slice3A_70 in 1 : vector<512x4xf32>, vector<512x508xf32> -> vector<512x512xf32>
    %slice3A_72 = vector.extract_strided_slice %get3A_40 {offsets = [0, 4], sizes = [512, 508], strides = [1, 1]} : vector<512x512xf32> to vector<512x508xf32>
    %broadcast_in_dim3A_73 = arith.constant 0xFF800000 : f32
    %broadcast_in_dim3A_74 = vector.broadcast %broadcast_in_dim3A_73 : f32 to vector<512x4xf32>
    %concatenate3A_75 = tpu.concatenate %slice3A_72, %broadcast_in_dim3A_74 in 1 : vector<512x508xf32>, vector<512x4xf32> -> vector<512x512xf32>
    %max3A_76 = arith.maximumf %concatenate3A_71, %concatenate3A_75 : vector<512x512xf32>
    %max3A_77 = arith.maximumf %max3A_67, %max3A_76 : vector<512x512xf32>
    %broadcast_in_dim3A_78 = arith.constant 0xFF800000 : f32
    %broadcast_in_dim3A_79 = vector.broadcast %broadcast_in_dim3A_78 : f32 to vector<512x5xf32>
    %slice3A_80 = vector.extract_strided_slice %get3A_40 {offsets = [0, 0], sizes = [512, 507], strides = [1, 1]} : vector<512x512xf32> to vector<512x507xf32>
    %concatenate3A_81 = tpu.concatenate %broadcast_in_dim3A_79, %slice3A_80 in 1 : vector<512x5xf32>, vector<512x507xf32> -> vector<512x512xf32>
    %slice3A_82 = vector.extract_strided_slice %get3A_40 {offsets = [0, 5], sizes = [512, 507], strides = [1, 1]} : vector<512x512xf32> to vector<512x507xf32>
    %broadcast_in_dim3A_83 = arith.constant 0xFF800000 : f32
    %broadcast_in_dim3A_84 = vector.broadcast %broadcast_in_dim3A_83 : f32 to vector<512x5xf32>
    %concatenate3A_85 = tpu.concatenate %slice3A_82, %broadcast_in_dim3A_84 in 1 : vector<512x507xf32>, vector<512x5xf32> -> vector<512x512xf32>
    %max3A_86 = arith.maximumf %concatenate3A_81, %concatenate3A_85 : vector<512x512xf32>
    %max3A_87 = arith.maximumf %max3A_77, %max3A_86 : vector<512x512xf32>
    %broadcast_in_dim3A_88 = arith.constant 0xFF800000 : f32
    %broadcast_in_dim3A_89 = vector.broadcast %broadcast_in_dim3A_88 : f32 to vector<1x512xf32>
    %slice3A_90 = vector.extract_strided_slice %max3A_87 {offsets = [0, 0], sizes = [511, 512], strides = [1, 1]} : vector<512x512xf32> to vector<511x512xf32>
    %concatenate3A_91 = tpu.concatenate %broadcast_in_dim3A_89, %slice3A_90 in 0 : vector<1x512xf32>, vector<511x512xf32> -> vector<512x512xf32>
    %slice3A_92 = vector.extract_strided_slice %max3A_87 {offsets = [1, 0], sizes = [511, 512], strides = [1, 1]} : vector<512x512xf32> to vector<511x512xf32>
    %broadcast_in_dim3A_93 = arith.constant 0xFF800000 : f32
    %broadcast_in_dim3A_94 = vector.broadcast %broadcast_in_dim3A_93 : f32 to vector<1x512xf32>
    %concatenate3A_95 = tpu.concatenate %slice3A_92, %broadcast_in_dim3A_94 in 0 : vector<511x512xf32>, vector<1x512xf32> -> vector<512x512xf32>
    %max3A_96 = arith.maximumf %concatenate3A_91, %concatenate3A_95 : vector<512x512xf32>
    %max3A_97 = arith.maximumf %max3A_87, %max3A_96 : vector<512x512xf32>
    %broadcast_in_dim3A_98 = arith.constant 0xFF800000 : f32
    %broadcast_in_dim3A_99 = vector.broadcast %broadcast_in_dim3A_98 : f32 to vector<2x512xf32>
    %slice3A_100 = vector.extract_strided_slice %max3A_87 {offsets = [0, 0], sizes = [510, 512], strides = [1, 1]} : vector<512x512xf32> to vector<510x512xf32>
    %concatenate3A_101 = tpu.concatenate %broadcast_in_dim3A_99, %slice3A_100 in 0 : vector<2x512xf32>, vector<510x512xf32> -> vector<512x512xf32>
    %slice3A_102 = vector.extract_strided_slice %max3A_87 {offsets = [2, 0], sizes = [510, 512], strides = [1, 1]} : vector<512x512xf32> to vector<510x512xf32>
    %broadcast_in_dim3A_103 = arith.constant 0xFF800000 : f32
    %broadcast_in_dim3A_104 = vector.broadcast %broadcast_in_dim3A_103 : f32 to vector<2x512xf32>
    %concatenate3A_105 = tpu.concatenate %slice3A_102, %broadcast_in_dim3A_104 in 0 : vector<510x512xf32>, vector<2x512xf32> -> vector<512x512xf32>
    %max3A_106 = arith.maximumf %concatenate3A_101, %concatenate3A_105 : vector<512x512xf32>
    %max3A_107 = arith.maximumf %max3A_97, %max3A_106 : vector<512x512xf32>
    %broadcast_in_dim3A_108 = arith.constant 0xFF800000 : f32
    %broadcast_in_dim3A_109 = vector.broadcast %broadcast_in_dim3A_108 : f32 to vector<3x512xf32>
    %slice3A_110 = vector.extract_strided_slice %max3A_87 {offsets = [0, 0], sizes = [509, 512], strides = [1, 1]} : vector<512x512xf32> to vector<509x512xf32>
    %concatenate3A_111 = tpu.concatenate %broadcast_in_dim3A_109, %slice3A_110 in 0 : vector<3x512xf32>, vector<509x512xf32> -> vector<512x512xf32>
    %slice3A_112 = vector.extract_strided_slice %max3A_87 {offsets = [3, 0], sizes = [509, 512], strides = [1, 1]} : vector<512x512xf32> to vector<509x512xf32>
    %broadcast_in_dim3A_113 = arith.constant 0xFF800000 : f32
    %broadcast_in_dim3A_114 = vector.broadcast %broadcast_in_dim3A_113 : f32 to vector<3x512xf32>
    %concatenate3A_115 = tpu.concatenate %slice3A_112, %broadcast_in_dim3A_114 in 0 : vector<509x512xf32>, vector<3x512xf32> -> vector<512x512xf32>
    %max3A_116 = arith.maximumf %concatenate3A_111, %concatenate3A_115 : vector<512x512xf32>
    %max3A_117 = arith.maximumf %max3A_107, %max3A_116 : vector<512x512xf32>
    %broadcast_in_dim3A_118 = arith.constant 0xFF800000 : f32
    %broadcast_in_dim3A_119 = vector.broadcast %broadcast_in_dim3A_118 : f32 to vector<4x512xf32>
    %slice3A_120 = vector.extract_strided_slice %max3A_87 {offsets = [0, 0], sizes = [508, 512], strides = [1, 1]} : vector<512x512xf32> to vector<508x512xf32>
    %concatenate3A_121 = tpu.concatenate %broadcast_in_dim3A_119, %slice3A_120 in 0 : vector<4x512xf32>, vector<508x512xf32> -> vector<512x512xf32>
    %slice3A_122 = vector.extract_strided_slice %max3A_87 {offsets = [4, 0], sizes = [508, 512], strides = [1, 1]} : vector<512x512xf32> to vector<508x512xf32>
    %broadcast_in_dim3A_123 = arith.constant 0xFF800000 : f32
    %broadcast_in_dim3A_124 = vector.broadcast %broadcast_in_dim3A_123 : f32 to vector<4x512xf32>
    %concatenate3A_125 = tpu.concatenate %slice3A_122, %broadcast_in_dim3A_124 in 0 : vector<508x512xf32>, vector<4x512xf32> -> vector<512x512xf32>
    %max3A_126 = arith.maximumf %concatenate3A_121, %concatenate3A_125 : vector<512x512xf32>
    %max3A_127 = arith.maximumf %max3A_117, %max3A_126 : vector<512x512xf32>
    %broadcast_in_dim3A_128 = arith.constant 0xFF800000 : f32
    %broadcast_in_dim3A_129 = vector.broadcast %broadcast_in_dim3A_128 : f32 to vector<5x512xf32>
    %slice3A_130 = vector.extract_strided_slice %max3A_87 {offsets = [0, 0], sizes = [507, 512], strides = [1, 1]} : vector<512x512xf32> to vector<507x512xf32>
    %concatenate3A_131 = tpu.concatenate %broadcast_in_dim3A_129, %slice3A_130 in 0 : vector<5x512xf32>, vector<507x512xf32> -> vector<512x512xf32>
    %slice3A_132 = vector.extract_strided_slice %max3A_87 {offsets = [5, 0], sizes = [507, 512], strides = [1, 1]} : vector<512x512xf32> to vector<507x512xf32>
    %broadcast_in_dim3A_133 = arith.constant 0xFF800000 : f32
    %broadcast_in_dim3A_134 = vector.broadcast %broadcast_in_dim3A_133 : f32 to vector<5x512xf32>
    %concatenate3A_135 = tpu.concatenate %slice3A_132, %broadcast_in_dim3A_134 in 0 : vector<507x512xf32>, vector<5x512xf32> -> vector<512x512xf32>
    %max3A_136 = arith.maximumf %concatenate3A_131, %concatenate3A_135 : vector<512x512xf32>
    %max3A_137 = arith.maximumf %max3A_127, %max3A_136 : vector<512x512xf32>
    %eq3A = arith.cmpf oeq, %get3A_40, %max3A_137 : vector<512x512xf32>
    %gt3A = arith.constant 5.000000e-01 : f32
    %gt3A_138 = vector.broadcast %gt3A : f32 to vector<512x512xf32>
    %gt3A_139 = arith.cmpf ogt, %get3A_40, %gt3A_138 : vector<512x512xf32>
    %and3A = arith.andi %eq3A, %gt3A_139 : vector<512x512xi1>
    %bitcast_convert_type3A = tpu.bitcast %get3A_40 : vector<512x512xf32> -> vector<512x512xi32>
    %jit3A = arith.constant 0 : i32
    %broadcast_in_dim3A_140 = vector.broadcast %jit3A : i32 to vector<512x512xi32>
    %select_n3A = arith.select %and3A, %bitcast_convert_type3A, %broadcast_in_dim3A_140 : vector<512x512xi1>, vector<512x512xi32>
    %reshape3A_141 = vector.shape_cast %select_n3A : vector<512x512xi32> to vector<2048x128xi32>
    %swap3A_142 = arith.constant 0 : index
    %swap3A_143 = arith.constant 0 : index
    %swap3A_144 = vector.load %arg5[%swap3A_142, %swap3A_143] : memref<2048x128xi32, #tpu.memory_space<vmem>>, vector<2048x128xi32>
    tpu.vector_store %arg5[%swap3A_142, %swap3A_143], %reshape3A_141 {strides = array<i32>} : memref<2048x128xi32, #tpu.memory_space<vmem>>, vector<2048x128xi32>,
    return
  }
}

</mosaic_0001>

<sc_bundles>
// kernel: kernel.12.cloned.1.call-start
scs
__scs_entry_jumppad:
0x0: {  	(pc) =	sbr.rel $0x88, $3  }
0x1: {  	(tag) =	ssettag $0x0;
	lr =	simm.s32 $0x1  }
0x2: {  	[smem:$0x3F9E] =	sst lr;
	_ =	strace $0xD0000000  }
0x3: {  	_ = 	snop  }
0x4: {  	_ = 	snop  }
0x5: {  	_ = 	snop  }
0x6: {  	_ = 	snop  }
0x7: {  	_ = 	snop  }
__scs_overlays_trampoline_lowered:
0x8: {  	[smem:$0x3FAD] =	sst s0  }
0x9: {  	[smem:$0x3FAE] =	sst s1  }
0xa: {  	[smem:$0x3FAF] =	sst s2  }
0xb: {  	[smem:$0x3FB0] =	sst s3  }
0xc: {  	[smem:$0x3FB1] =	sst s4  }
0xd: {  	[smem:$0x3FB2] =	sst s5  }
0xe: {  	[smem:$0x3FB3] =	sst s6  }
0xf: {  	[smem:$0x3FB4] =	sst s7  }
0x10: {  	[smem:$0x3FB5] =	sst s8  }
0x11: {  	[smem:$0x3FB6] =	sst s9;
	s0 =	simm.s32 @!p0 $0x0  }
0x12: {  	s1 =	sld [smem:$0x3F9C];
	s0 =	simm.s32 @p0 $0x1  }
0x13: {  	[smem:$0x3FB7] =	sst s0;
	s0 =	simm.s32 @!p1 $0x0  }
0x14: {  	s2 =	sld [smem:$0x3F9B];
	s0 =	simm.s32 @p1 $0x1  }
0x15: {  	[smem:$0x3FB8] =	sst s0;
	s0 =	simm.s32 @!p2 $0x0  }
0x16: {  	s3 =	sld [smem:$0x3FDB];
	s0 =	simm.s32 @p2 $0x1  }
0x17: {  	s4 =	simm.s32 $0x1BF5;
	[smem:$0x3FBA] =	sst s0  }
0x18: {  	s0 =	sld [smem:$0x3F9D];
	_ =	swait.ge [sflag:s4], $0x0  }
0x19: {  	s7 =	sld [smem:$0x3F9E]  }
0x1a: {  	s8 =	sadd.s32 $0xFFFFE003, lr  }
0x1b: {  	s9 =	sadd.s32 $0xFFFFFEF7, lr;
	s5 =	simm.s32 $0xFFFFFFFF;
	p2 =	slt.u32 s8, $0xFFFFF086  }
0x1c: {  	p1 =	slt.u32 s9, $0xF7A;
	s5 =	simm.s32 @!p2 $0x0  }
0x1d: {  	s5 =	simm.s32 @p1 $0x1;
	p0 =	seq.s32 s7, s2  }
0x1e: {  	s7 =	smul.u32 @!p0 $0xF7A, s2;
	p2 =	seq.s32 @!p0 s5, $0x0  }
0x1f: {  	s9 =	smul.u32 $0xF7A, s1;
	s8 =	simm.s32 @!p0 $0x1BF5;
	p2 =	por !p2, p0  }
0x20: {  	[sflag:s8] =	ssyncset.s32 @!p0 $0xFFFFF086;
	s6 =	sadd.s32 @!p0 s3, s7;
	s7 =	simm.s32 @!p0 $0x108  }
0x21: {  	s3 =	sadd.s32 s3, s9;
	s6 =	sadd.s32 @!p0 $0x88, s6;
	s7 =	simm.s32 @p2 $0x1082  }
0x22: {  	[simem:s7], [sflag:s8] =	dma.local @!p0 [hbm:s6], $0xF7A  }
0x23: {  	s9 =	sor.u32 $0xD0000000, s2;
	s6 =	simm.s32 $0x108;
	_ =	swait.ge @!p0 [sflag:s8], $0x0  }
0x24: {  	s3 =	sadd.s32 $0x88, s3;
	s6 =	simm.s32 @!p1 $0x1082;
	[sflag:s4] =	ssyncset.s32 $0xFFFFF086  }
0x25: {  	[simem:s6], [sflag:s4] =	dma.local [hbm:s3], $0xF7A  }
0x26: {  	[smem:$0x3F9E] =	sst s1;
	(tag) =	ssettag s2;
	_ =	strace s9  }
0x27: {  	s1 =	sld [smem:$0x3FAE]  }
0x28: {  	s2 =	sld [smem:$0x3FAF]  }
0x29: {  	s4 =	sld [smem:$0x3FB1]  }
0x2a: {  	p0 =	seq.s32 s5, $0x0;
	s5 =	sld [smem:$0x3FB2]  }
0x2b: {  	s6 =	sld [smem:$0x3FB3]  }
0x2c: {  	s7 =	sld [smem:$0x3FB4]  }
0x2d: {  	s3 =	simm.s32 $0x108;
	s8 =	sld [smem:$0x3FB5]  }
0x2e: {  	s3 =	simm.s32 @!p0 $0x1082;
	s9 =	sld [smem:$0x3FB6]  }
0x2f: {  	lr =	sadd.s32 s0, s3;
	s0 =	sld [smem:$0x3FAD]  }
0x30: {  	s3 =	sld [smem:$0x3FB0]  }
0x31: {  	[smem:$0x3FB9] =	sst s10  }
0x32: {  	s10 =	sld [smem:$0x3FB7];
	_ =	sdelay $0x3  }
0x33: {  	p0 =	seq.s32 s10, $0x1;
	s10 =	sld [smem:$0x3FB9];
	_ =	sdelay $0x3  }
0x34: {  	[smem:$0x3FB9] =	sst s10  }
0x35: {  	s10 =	sld [smem:$0x3FB8];
	_ =	sdelay $0x3  }
0x36: {  	p1 =	seq.s32 s10, $0x1;
	s10 =	sld [smem:$0x3FB9];
	_ =	sdelay $0x3  }
0x37: {  	[smem:$0x3FB9] =	sst s10  }
0x38: {  	s10 =	sld [smem:$0x3FBA]  }
0x39: {  	_ = 	snop;
	(pc) =	sbr.ind lr, $3  }
0x3a: {  	_ = 	snop  }
0x3b: {  	_ = 	snop  }
0x3c: {  	p2 =	seq.s32 s10, $0x1;
	s10 =	sld [smem:$0x3FB9]  }
0x3d: {  	_ =	shalt  }
0x3e: {  	_ =	shalt  }
0x3f: {  	_ =	shalt  }
0x40: {  	_ =	shalt  }
0x41: {  	_ =	shalt  }
0x42: {  	_ =	shalt  }
0x43: {  	_ =	shalt  }
0x44: {  	_ =	shalt  }
0x45: {  	_ =	shalt  }
0x46: {  	_ =	shalt  }
0x47: {  	_ =	shalt  }
0x48: {  	_ =	shalt  }
0x49: {  	_ =	shalt  }
0x4a: {  	_ =	shalt  }
0x4b: {  	_ =	shalt  }
0x4c: {  	_ =	shalt  }
0x4d: {  	_ =	shalt  }
0x4e: {  	_ =	shalt  }
0x4f: {  	_ =	shalt  }
0x50: {  	_ =	shalt  }
0x51: {  	_ =	shalt  }
0x52: {  	_ =	shalt  }
0x53: {  	_ =	shalt  }
0x54: {  	_ =	shalt  }
0x55: {  	_ =	shalt  }
0x56: {  	_ =	shalt  }
0x57: {  	_ =	shalt  }
0x58: {  	_ =	shalt  }
0x59: {  	_ =	shalt  }
0x5a: {  	_ =	shalt  }
0x5b: {  	_ =	shalt  }
0x5c: {  	_ =	shalt  }
0x5d: {  	_ =	shalt  }
0x5e: {  	_ =	shalt  }
0x5f: {  	_ =	shalt  }
0x60: {  	_ =	shalt  }
0x61: {  	_ =	shalt  }
0x62: {  	_ =	shalt  }
0x63: {  	_ =	shalt  }
0x64: {  	_ =	shalt  }
0x65: {  	_ =	shalt  }
0x66: {  	_ =	shalt  }
0x67: {  	_ =	shalt  }
0x68: {  	_ =	shalt  }
0x69: {  	_ =	shalt  }
0x6a: {  	_ =	shalt  }
0x6b: {  	_ =	shalt  }
0x6c: {  	_ =	shalt  }
0x6d: {  	_ =	shalt  }
0x6e: {  	_ =	shalt  }
0x6f: {  	_ =	shalt  }
0x70: {  	_ =	shalt  }
0x71: {  	_ =	shalt  }
0x72: {  	_ =	shalt  }
0x73: {  	_ =	shalt  }
0x74: {  	_ =	shalt  }
0x75: {  	_ =	shalt  }
0x76: {  	_ =	shalt  }
0x77: {  	_ =	shalt  }
0x78: {  	_ =	shalt  }
0x79: {  	_ =	shalt  }
0x7a: {  	_ =	shalt  }
0x7b: {  	_ =	shalt  }
0x7c: {  	_ =	shalt  }
0x7d: {  	_ =	shalt  }
0x7e: {  	_ =	shalt  }
0x7f: {  	_ =	shalt  }
0x80: {  	_ =	shalt  }
0x81: {  	_ =	shalt  }
0x82: {  	_ =	shalt  }
0x83: {  	_ =	shalt  }
0x84: {  	_ =	shalt  }
0x85: {  	_ =	shalt  }
0x86: {  	_ =	shalt  }
0x87: {  	_ =	shalt  }
.Lfunc_end0:
.L_simem_size_0:
called_computation.2_lowered:
.L_overlay_start_0:
0x88: {  	s2 =	sld [smem:$0x3FD9]  }
0x89: {  	s3 =	sld [smem:$0x3FFE];
	_ =	sdelay $0x1  }
0x8a: {  	s1 =	srdreg.scid  }
0x8b: {  	s0 =	sand.u32 $0x1, s1  }
0x8c: {  	s14 =	sshll.u32 s0, $0xA;
	s2 =	sadd.s32 s3, s2  }
0x8d: {  	s2 =	sadd.s32 s2, s14  }
0x8e: {  	[smem:$0x3FC5] =	sst s2  }
0x8f: {  	_ = 	snop  }
0x90: {  	s2 =	sld [smem:$0x3FD0];
	_ =	sdelay $0x2  }
0x91: {  	s15 =	simm.s32 $0xA;
	s4 =	simm.s32 $0x10  }
0x92: {  	[smem:s4], [sflag:s15] =	dma.local [hbm:s2], $0x1  }
0x93: {  	_ =	swait.eq [sflag:s15], $0x1  }
0x94: {  	[sflag:s15] =	ssyncset.done $0x0  }
0x95: {  	s16 =	sld [smem:$0x10];
	[sflag:s15] =	ssyncadd.s32 $0xFFFFFFFF  }
0x96: {  	s17 =	sld [smem:$0x11];
	(tm) =	ssettm $0x1  }
0x97: {  	s18 =	sld [smem:$0x3FFB];
	_ =	sdelay $0x3  }
0x98: {  	_ =	strace s18  }
0x99: {  	s4 =	sld [smem:$0x3FFC];
	_ =	sdelay $0x3  }
0x9a: {  	_ =	strace s4  }
0x9b: {  	s4 =	sld [smem:$0x3FFD];
	_ =	sdelay $0x3  }
0x9c: {  	_ =	strace s4  }
0x9d: {  	_ =	strace $0x8FFFFFFF  }
0x9e: {  	s19 =	sld [smem:$0x3FDB];
	_ =	sdelay $0x1  }
0x9f: {  	s5 =	simm.s32 $_scs_section_size  }
0xa0: {  	s6 =	simm.s32 $_size__tile_overlayer_lowered;
	s7 =	simm.s32 $_tile_overlayer_lowered  }
0xa1: {  	s22 =	simm.s32 $0x1BFF;
	s21 =	sshll.u32 s7, $0x1;
	s4 =	sadd.s32 s5, s19  }
0xa2: {  	s8 =	simm.s32 $0x0;
	s20 =	sshll.u32 s6, $0x1;
	s6 =	sadd.s32 s21, s4  }
0xa3: {  	[timem:s8], [sflag:s22] =	dma.local [hbm:s6], s20  }
0xa4: {  	_ =	swait.ge [sflag:s22], s20  }
0xa5: {  	s5 =	ssub.s32 $0x0, s20;
	[sflag:s22] =	ssyncset.done $0x0  }
0xa6: {  	[sflag:s22] =	ssyncadd.s32 s5;
	_ =	sdelay $0x1  }
0xa7: {  	s23 =	simm.s32 $0x1B8B  }
0xa8: {  	_ =	swait.ge [sflag:s23], $0x1  }
0xa9: {  	[sflag:s23] =	ssyncset.done $0x0  }
0xaa: {  	s25 =	simm.s32 $0x1B8E;
	s24 =	sld [smem:$0x3FFE];
	[sflag:s23] =	ssyncadd.s32 $0xFFFFFFFF  }
0xab: {  	s26 =	simm.s32 $execute0_lowered;
	[smem:$0x3FD2] =	sst s25  }
0xac: {  	s6 =	sshll.u32 s26, $0x1;
	_ =	strace $0x8000004C;
	[dreg:$0x1] =	wrdreg $0xFFFFFFFF  }
0xad: {  	s28 =	simm.s32 $_size_execute0_lowered;
	s4 =	sadd.s32 s4, s6;
	[dreg:$0x0] =	wrdreg $0x0  }
0xae: {  	s6 =	sshll.u32 s28, $0x1;
	[dreg:$0x2] =	wrdreg s4  }
0xaf: {  	[dreg:$0x3] =	wrdreg s6  }
0xb0: {  	[dreg:$0x4] =	wrdreg $0xC0  }
0xb1: {  	_ =	task [dreg:s8], $0x5FFFF  }
0xb2: {  	[dreg:$0x1] =	wrdreg $0xFFFFFFFF  }
0xb3: {  	[dreg:$0x0] =	wrdreg $0x60  }
0xb4: {  	[dreg:$0x2] =	wrdreg s16  }
0xb5: {  	[dreg:$0x3] =	wrdreg s24  }
0xb6: {  	[dreg:$0x4] =	wrdreg s17  }
0xb7: {  	[dreg:$0x5] =	wrdreg $0x9  }
0xb8: {  	_ =	task.clear_ibuf [dreg:s8], $0x6FFFF;
	_ =	strace $0x9000004C  }
0xb9: {  	s29 =	simm.s32 $0x9;
	_ =	strace $0x8000004E  }
0xba: {  	_ =	swait.ge [sflag:s29], $0x1  }
0xbb: {  	[sflag:s29] =	ssyncadd.s32 $0xFFFFFFFF  }
0xbc: {  	_ =	strace $0x9000004E  }
0xbd: {  	_ =	sfence  }
0xbe: {  	s30 =	sld [smem:$0x0];
	_ =	sdelay $0x2  }
0xbf: {  	s31 =	sshll.u32 s1, $0xD;
	s1 =	sshrl.u32 s1, $0x2  }
0xc0: {  	s3 =	sand.u32 $0x4000, s31;
	s1 =	sadd.s32 s1, s30  }
0xc1: {  	s0 =	sor.u32 s3, s0;
	s1 =	sshll.u32 s1, $0x11  }
0xc2: {  	s0 =	sor.u32 s1, s0  }
0xc3: {  	s0 =	sadd.s32 $0x8F2B, s0  }
0xc4: {  	[sflag:s0] =	ssyncadd.remote.s32 $0x1  }
0xc5: {  	_ =	sfence.sel $0xFFFF  }
0xc6: {  	[dreg:$0x0] =	wrdreg $0xFFFFFFFF;
	(pc) =	sbr.abs _section_cstart, $3  }
0xc7: {  	[dreg:$0x1] =	wrdreg $0xFFFFFFFF  }
0xc8: {  	_ =	task.clear_ibuf [dreg:s8], $0x2FFFF;
	_ =	strace $0x9FFFFFFF  }
0xc9: {  	(tm) =	ssettm $0x7FFFFFFF  }
tec
execute0_lowered:
.L_overlay_start_1:
0x0: {  	(tag) =	ssettag $0x1  }
0x1: {  	s2 =	srdreg.scid  }
0x2: {  	s3 =	rddreg [dreg:$0x1];
	s5 =	stileid.u32;
	s2 =	sand.u32 $0x1, s2  }
0x3: {  	s0 =	rddreg [dreg:$0x2];
	s5 =	sshll.u32 s5, $0x1;
	s4 =	ssub.s32 $0x2, s2  }
0x4: {  	s1 =	simm.s32 $0x0;
	s2 =	sor.u32 s2, s5;
	s7 =	sshrl.u32 s4, $0x1  }
0x5: {  	[smem:$0x7FF] =	sst s1;
	s4 =	ssub.s32 s4, s7;
	s7 =	sshll.u32 s2, $0x6  }
0x6: {  	s6 =	sadd.s32 $0x12400, s3;
	s8 =	sor.u32 $0x800, s7;
	s26 =	sadd.s32 s0, s7  }
0x7: {  	s9 =	sor.u32 $0x1000, s7;
	s10 =	sadd.s32 s6, s8;
	[dreg:$0x13] =	wrdreg s26  }
0x8: {  	s12 =	sor.u32 $0x2800, s7;
	s21 =	sadd.s32 s6, s9;
	[dreg:$0x4] =	wrdreg s10  }
0x9: {  	s15 =	sor.u32 $0x4000, s7;
	s22 =	sadd.s32 s6, s12;
	[dreg:$0x5] =	wrdreg s21  }
0xa: {  	s18 =	sor.u32 $0x5800, s7;
	s23 =	sadd.s32 s6, s15;
	[dreg:$0x8] =	wrdreg s22  }
0xb: {  	s5 =	sadd.s32 $0x2400, s3;
	s24 =	sadd.s32 s6, s18;
	[dreg:$0xb] =	wrdreg s23  }
0xc: {  	s26 =	sadd.s32 s5, s9;
	[dreg:$0xe] =	wrdreg s24  }
0xd: {  	s23 =	sadd.s32 s0, s8;
	[dreg:$0x18] =	wrdreg s26  }
0xe: {  	s10 =	sor.u32 $0x1800, s7;
	s24 =	sadd.s32 s5, s8;
	[dreg:$0x15] =	wrdreg s23  }
0xf: {  	s21 =	sor.u32 $0x7000, s7;
	s11 =	sadd.s32 s6, s10;
	[dreg:$0x16] =	wrdreg s24  }
0x10: {  	s25 =	sadd.s32 s6, s21;
	[dreg:$0x6] =	wrdreg s11  }
0x11: {  	s8 =	sadd.s32 s5, s10;
	[dreg:$0x11] =	wrdreg s25  }
0x12: {  	s23 =	sadd.s32 s5, s12;
	[dreg:$0x1a] =	wrdreg s8  }
0x13: {  	s25 =	sadd.s32 s0, s9;
	[dreg:$0x1e] =	wrdreg s23  }
0x14: {  	s11 =	sor.u32 $0x2000, s7;
	s8 =	sadd.s32 s0, s15;
	[dreg:$0x17] =	wrdreg s25  }
0x15: {  	s13 =	sadd.s32 s6, s11;
	[smem:$0x7EA] =	sst s8  }
0x16: {  	s9 =	sadd.s32 s0, s11;
	[dreg:$0x7] =	wrdreg s13  }
0x17: {  	s13 =	sor.u32 $0x3000, s7;
	[dreg:$0x1b] =	wrdreg s9;
	s9 =	sadd.s32 s5, s15  }
0x18: {  	s14 =	sadd.s32 s6, s13;
	[smem:$0x7EB] =	sst s9  }
0x19: {  	s15 =	sadd.s32 s5, s18;
	[dreg:$0x9] =	wrdreg s14;
	s14 =	sor.u32 $0x3800, s7  }
0x1a: {  	[smem:$0x7F1] =	sst s15;
	s16 =	sadd.s32 s6, s14  }
0x1b: {  	s24 =	sadd.s32 s0, s13;
	[dreg:$0xa] =	wrdreg s16;
	s16 =	sor.u32 $0x4800, s7  }
0x1c: {  	[dreg:$0x1f] =	wrdreg s24;
	s17 =	sadd.s32 s6, s16  }
0x1d: {  	s25 =	sadd.s32 s5, s13;
	[dreg:$0xc] =	wrdreg s17;
	s17 =	sor.u32 $0x5000, s7  }
0x1e: {  	[smem:$0x7E7] =	sst s25;
	s19 =	sadd.s32 s6, s17  }
0x1f: {  	s26 =	sadd.s32 s0, s14;
	[dreg:$0xd] =	wrdreg s19;
	s19 =	sor.u32 $0x6000, s7  }
0x20: {  	[smem:$0x7E8] =	sst s26;
	s20 =	sadd.s32 s6, s19  }
0x21: {  	s13 =	sadd.s32 s5, s17;
	[dreg:$0xf] =	wrdreg s20;
	s20 =	sor.u32 $0x6800, s7  }
0x22: {  	s3 =	sadd.s32 s6, s7;
	[smem:$0x7EF] =	sst s13;
	s22 =	sadd.s32 s6, s20  }
0x23: {  	[dreg:$0x10] =	wrdreg s22;
	s22 =	sor.u32 $0x7800, s7;
	s7 =	sadd.s32 s5, s7  }
0x24: {  	s6 =	sadd.s32 s6, s22;
	[dreg:$0x14] =	wrdreg s7  }
0x25: {  	s7 =	sadd.s32 s0, s10;
	[dreg:$0x12] =	wrdreg s6  }
0x26: {  	s10 =	sadd.s32 s5, s11;
	[dreg:$0x19] =	wrdreg s7  }
0x27: {  	s11 =	sadd.s32 s0, s12;
	[dreg:$0x1c] =	wrdreg s10  }
0x28: {  	s12 =	sadd.s32 s0, s17;
	[dreg:$0x1d] =	wrdreg s11  }
0x29: {  	s28 =	sadd.s32 $0x9800, s3;
	s17 =	sadd.s32 s5, s19;
	[smem:$0x7EE] =	sst s12  }
0x2a: {  	s29 =	sadd.s32 $0xA000, s3;
	s7 =	sadd.s32 s5, s14;
	[smem:$0x7F3] =	sst s17  }
0x2b: {  	s30 =	sadd.s32 $0xA800, s3;
	s10 =	sadd.s32 s0, s16;
	[smem:$0x7E9] =	sst s7  }
0x2c: {  	s31 =	sadd.s32 $0xB000, s3;
	s11 =	sadd.s32 s5, s16;
	[smem:$0x7EC] =	sst s10  }
0x2d: {  	s23 =	smax.u32 s4, $0x1;
	s14 =	sadd.s32 s0, s18;
	[smem:$0x7ED] =	sst s11  }
0x2e: {  	s4 =	sadd.s32 $0xC000, s3;
	s16 =	sadd.s32 s0, s19;
	[smem:$0x7F0] =	sst s14  }
0x2f: {  	s8 =	sadd.s32 $0xE000, s3;
	s18 =	sadd.s32 s0, s20;
	[smem:$0x7F2] =	sst s16  }
0x30: {  	s9 =	sadd.s32 $0xE800, s3;
	s19 =	sadd.s32 s5, s20;
	[smem:$0x7F4] =	sst s18  }
0x31: {  	s24 =	sadd.s32 $0x8000, s3;
	s20 =	sadd.s32 s0, s21;
	[smem:$0x7F5] =	sst s19  }
0x32: {  	s25 =	sadd.s32 $0x8800, s3;
	s21 =	sadd.s32 s5, s21;
	[smem:$0x7F6] =	sst s20  }
0x33: {  	s26 =	sadd.s32 $0x9000, s3;
	s0 =	sadd.s32 s0, s22;
	[smem:$0x7F7] =	sst s21  }
0x34: {  	s13 =	simm.s32 $0x1;
	s22 =	sadd.s32 s5, s22;
	[smem:$0x7F8] =	sst s0  }
.Ltmp0:
0x35: {  	s5 =	sadd.s32 $0xC800, s3;
	[smem:$0x7F9] =	sst s22;
	(pc) =	sbr.rel .LBB2_1-.Ltmp0, $4  }
0x36: {  	s6 =	sadd.s32 $0xD000, s3;
	_ =	strace $0x8000004D;
	[smem:$0x7FA] =	sst s23  }
0x37: {  	s12 =	simm.s32 $0x2;
	s0 =	sadd.s32 $0xB800, s3;
	[smem:$0x7FB] =	sst s24  }
0x38: {  	s7 =	sadd.s32 $0xD800, s3;
	s10 =	sadd.s32 $0xF000, s3;
	[smem:$0x7FC] =	sst s25  }
0x39: {  	v0 =	vimm.f32 $0.0e+00;
	v1 =	vlaneseq.u32;
	s11 =	sadd.s32 $0xF800, s3;
	s14 =	simm.s32 $0x0;
	[smem:$0x7FD] =	sst s26  }
.LBB2_10:
0x3a: {  	s15 =	rddreg [dreg:$0x13]  }
0x3b: {  	s16 =	simm.s32 $0xE180;
	s25 =	rddreg [dreg:$0x14]  }
0x3c: {  	[hbm4b:s15+s1] =	stream.linear.scatter [tilespmem:s16], [sflag:$0x1], $0x200, $0x38;
	[tilespmem:$0x10200] =	vst v63  }
0x3d: {  	s26 =	simm.s32 $0xC100;
	s17 =	rddreg [dreg:$0x15]  }
0x3e: {  	[hbm4b:s25+s1] =	stream.linear.scatter [tilespmem:s26], [sflag:$0x1], $0x200, $0x38;
	[tilespmem:$0x10200] =	vst v63  }
0x3f: {  	s18 =	simm.s32 $0xE380;
	s19 =	rddreg [dreg:$0x16]  }
0x40: {  	[hbm4b:s17+s1] =	stream.linear.scatter [tilespmem:s18], [sflag:$0x1], $0x200, $0x38;
	[tilespmem:$0x10200] =	vst v63  }
0x41: {  	s20 =	simm.s32 $0xC300;
	s21 =	rddreg [dreg:$0x17]  }
0x42: {  	[hbm4b:s19+s1] =	stream.linear.scatter [tilespmem:s20], [sflag:$0x1], $0x200, $0x38;
	[tilespmem:$0x10200] =	vst v63  }
0x43: {  	s22 =	simm.s32 $0xE580;
	s23 =	rddreg [dreg:$0x18]  }
0x44: {  	[hbm4b:s21+s1] =	stream.linear.scatter [tilespmem:s22], [sflag:$0x1], $0x200, $0x38;
	[tilespmem:$0x10200] =	vst v63  }
0x45: {  	s24 =	simm.s32 $0xC500;
	s25 =	rddreg [dreg:$0x19]  }
0x46: {  	[hbm4b:s23+s1] =	stream.linear.scatter [tilespmem:s24], [sflag:$0x1], $0x200, $0x38;
	[tilespmem:$0x10200] =	vst v63  }
0x47: {  	s26 =	simm.s32 $0xE780;
	s17 =	rddreg [dreg:$0x1a]  }
0x48: {  	[hbm4b:s25+s1] =	stream.linear.scatter [tilespmem:s26], [sflag:$0x1], $0x200, $0x38;
	[tilespmem:$0x10200] =	vst v63  }
0x49: {  	s18 =	simm.s32 $0xC700;
	s19 =	rddreg [dreg:$0x1b]  }
0x4a: {  	[hbm4b:s17+s1] =	stream.linear.scatter [tilespmem:s18], [sflag:$0x1], $0x200, $0x38;
	[tilespmem:$0x10200] =	vst v63  }
0x4b: {  	s20 =	simm.s32 $0xE980;
	s21 =	rddreg [dreg:$0x1c]  }
0x4c: {  	[hbm4b:s19+s1] =	stream.linear.scatter [tilespmem:s20], [sflag:$0x1], $0x200, $0x38;
	[tilespmem:$0x10200] =	vst v63  }
0x4d: {  	s22 =	simm.s32 $0xC900;
	s23 =	rddreg [dreg:$0x1d]  }
0x4e: {  	[hbm4b:s21+s1] =	stream.linear.scatter [tilespmem:s22], [sflag:$0x1], $0x200, $0x38;
	[tilespmem:$0x10200] =	vst v63  }
0x4f: {  	s24 =	simm.s32 $0xEB80;
	s25 =	rddreg [dreg:$0x1e]  }
0x50: {  	[hbm4b:s23+s1] =	stream.linear.scatter [tilespmem:s24], [sflag:$0x1], $0x200, $0x38;
	[tilespmem:$0x10200] =	vst v63  }
0x51: {  	s26 =	simm.s32 $0xCB00;
	s17 =	rddreg [dreg:$0x1f]  }
0x52: {  	[hbm4b:s25+s1] =	stream.linear.scatter [tilespmem:s26], [sflag:$0x1], $0x200, $0x38;
	[tilespmem:$0x10200] =	vst v63  }
0x53: {  	s18 =	simm.s32 $0xED80;
	s19 =	sld [smem:$0x7E7]  }
0x54: {  	[hbm4b:s17+s1] =	stream.linear.scatter [tilespmem:s18], [sflag:$0x1], $0x200, $0x38;
	[tilespmem:$0x10200] =	vst v63  }
0x55: {  	s20 =	simm.s32 $0xCD00;
	s21 =	sld [smem:$0x7E8]  }
0x56: {  	[hbm4b:s19+s1] =	stream.linear.scatter [tilespmem:s20], [sflag:$0x1], $0x200, $0x38;
	[tilespmem:$0x10200] =	vst v63  }
0x57: {  	s22 =	simm.s32 $0xEF80;
	s23 =	sld [smem:$0x7E9]  }
0x58: {  	[hbm4b:s21+s1] =	stream.linear.scatter [tilespmem:s22], [sflag:$0x1], $0x200, $0x38;
	[tilespmem:$0x10200] =	vst v63  }
0x59: {  	s24 =	simm.s32 $0xCF00;
	s25 =	sld [smem:$0x7EA]  }
0x5a: {  	[hbm4b:s23+s1] =	stream.linear.scatter [tilespmem:s24], [sflag:$0x1], $0x200, $0x38;
	[tilespmem:$0x10200] =	vst v63  }
0x5b: {  	s26 =	simm.s32 $0xF180;
	s17 =	sld [smem:$0x7EB]  }
0x5c: {  	[hbm4b:s25+s1] =	stream.linear.scatter [tilespmem:s26], [sflag:$0x1], $0x200, $0x38;
	[tilespmem:$0x10200] =	vst v63  }
0x5d: {  	s18 =	simm.s32 $0xD100;
	s19 =	sld [smem:$0x7EC]  }
0x5e: {  	[hbm4b:s17+s1] =	stream.linear.scatter [tilespmem:s18], [sflag:$0x1], $0x200, $0x38;
	[tilespmem:$0x10200] =	vst v63  }
0x5f: {  	s20 =	simm.s32 $0xF380;
	s21 =	sld [smem:$0x7ED]  }
0x60: {  	[hbm4b:s19+s1] =	stream.linear.scatter [tilespmem:s20], [sflag:$0x1], $0x200, $0x38;
	[tilespmem:$0x10200] =	vst v63  }
0x61: {  	s22 =	simm.s32 $0xD300;
	s23 =	sld [smem:$0x7EE]  }
0x62: {  	[hbm4b:s21+s1] =	stream.linear.scatter [tilespmem:s22], [sflag:$0x1], $0x200, $0x38;
	[tilespmem:$0x10200] =	vst v63  }
0x63: {  	s24 =	simm.s32 $0xF580;
	s25 =	sld [smem:$0x7EF]  }
0x64: {  	[hbm4b:s23+s1] =	stream.linear.scatter [tilespmem:s24], [sflag:$0x1], $0x200, $0x38;
	[tilespmem:$0x10200] =	vst v63  }
0x65: {  	s26 =	simm.s32 $0xD500;
	s17 =	sld [smem:$0x7F0]  }
0x66: {  	[hbm4b:s25+s1] =	stream.linear.scatter [tilespmem:s26], [sflag:$0x1], $0x200, $0x38;
	[tilespmem:$0x10200] =	vst v63  }
0x67: {  	s18 =	simm.s32 $0xF780;
	s19 =	sld [smem:$0x7F1]  }
0x68: {  	[hbm4b:s17+s1] =	stream.linear.scatter [tilespmem:s18], [sflag:$0x1], $0x200, $0x38;
	[tilespmem:$0x10200] =	vst v63  }
0x69: {  	s20 =	simm.s32 $0xD700;
	s21 =	sld [smem:$0x7F2]  }
0x6a: {  	[hbm4b:s19+s1] =	stream.linear.scatter [tilespmem:s20], [sflag:$0x1], $0x200, $0x38;
	[tilespmem:$0x10200] =	vst v63  }
0x6b: {  	s22 =	simm.s32 $0xF980;
	s23 =	sld [smem:$0x7F3]  }
0x6c: {  	[hbm4b:s21+s1] =	stream.linear.scatter [tilespmem:s22], [sflag:$0x1], $0x200, $0x38;
	[tilespmem:$0x10200] =	vst v63  }
0x6d: {  	s24 =	simm.s32 $0xD900;
	s25 =	sld [smem:$0x7F4]  }
0x6e: {  	[hbm4b:s23+s1] =	stream.linear.scatter [tilespmem:s24], [sflag:$0x1], $0x200, $0x38;
	[tilespmem:$0x10200] =	vst v63  }
0x6f: {  	s16 =	sld [smem:$0x7F5];
	s26 =	simm.s32 $0xFB80  }
0x70: {  	[hbm4b:s25+s1] =	stream.linear.scatter [tilespmem:s26], [sflag:$0x1], $0x200, $0x38;
	[tilespmem:$0x10200] =	vst v63  }
0x71: {  	s17 =	simm.s32 $0xDB00;
	s18 =	sld [smem:$0x7F6]  }
0x72: {  	[hbm4b:s16+s1] =	stream.linear.scatter [tilespmem:s17], [sflag:$0x1], $0x200, $0x38;
	[tilespmem:$0x10200] =	vst v63  }
0x73: {  	s19 =	simm.s32 $0xFD80;
	s20 =	sld [smem:$0x7F7]  }
0x74: {  	[hbm4b:s18+s1] =	stream.linear.scatter [tilespmem:s19], [sflag:$0x1], $0x200, $0x38;
	[tilespmem:$0x10200] =	vst v63  }
0x75: {  	s21 =	simm.s32 $0xDD00;
	s22 =	sld [smem:$0x7F8]  }
0x76: {  	[hbm4b:s20+s1] =	stream.linear.scatter [tilespmem:s21], [sflag:$0x1], $0x200, $0x38;
	[tilespmem:$0x10200] =	vst v63  }
0x77: {  	s23 =	simm.s32 $0xFF80;
	s24 =	sld [smem:$0x7F9]  }
0x78: {  	[hbm4b:s22+s1] =	stream.linear.scatter [tilespmem:s23], [sflag:$0x1], $0x200, $0x38;
	[tilespmem:$0x10200] =	vst v63  }
0x79: {  	s25 =	simm.s32 $0xDF00  }
0x7a: {  	[hbm4b:s24+s1] =	stream.linear.scatter [tilespmem:s25], [sflag:$0x1], $0x200, $0x38;
	[tilespmem:$0x10200] =	vst v63  }
0x7b: {  	_ =	swait.ge [sflag:s13], $0x200  }
0x7c: {  	[sflag:s13] =	ssyncset.done $0x0  }
0x7d: {  	[sflag:s13] =	ssyncadd.s32 $0xFFFFFE00  }
0x7e: {  	_ =	swait.ge [sflag:s13], $0x200  }
0x7f: {  	[sflag:s13] =	ssyncset.done $0x0  }
0x80: {  	[sflag:s13] =	ssyncadd.s32 $0xFFFFFE00  }
0x81: {  	_ =	swait.ge [sflag:s13], $0x200  }
0x82: {  	[sflag:s13] =	ssyncset.done $0x0  }
0x83: {  	[sflag:s13] =	ssyncadd.s32 $0xFFFFFE00  }
0x84: {  	_ =	swait.ge [sflag:s13], $0x200  }
0x85: {  	[sflag:s13] =	ssyncset.done $0x0  }
0x86: {  	[sflag:s13] =	ssyncadd.s32 $0xFFFFFE00  }
0x87: {  	_ =	swait.ge [sflag:s13], $0x200  }
0x88: {  	[sflag:s13] =	ssyncset.done $0x0  }
0x89: {  	[sflag:s13] =	ssyncadd.s32 $0xFFFFFE00  }
0x8a: {  	_ =	swait.ge [sflag:s13], $0x200  }
0x8b: {  	[sflag:s13] =	ssyncset.done $0x0  }
0x8c: {  	[sflag:s13] =	ssyncadd.s32 $0xFFFFFE00  }
0x8d: {  	_ =	swait.ge [sflag:s13], $0x200  }
0x8e: {  	[sflag:s13] =	ssyncset.done $0x0  }
0x8f: {  	[sflag:s13] =	ssyncadd.s32 $0xFFFFFE00  }
0x90: {  	_ =	swait.ge [sflag:s13], $0x200  }
0x91: {  	[sflag:s13] =	ssyncset.done $0x0  }
0x92: {  	[sflag:s13] =	ssyncadd.s32 $0xFFFFFE00  }
0x93: {  	_ =	swait.ge [sflag:s13], $0x200  }
0x94: {  	[sflag:s13] =	ssyncset.done $0x0  }
0x95: {  	[sflag:s13] =	ssyncadd.s32 $0xFFFFFE00  }
0x96: {  	_ =	swait.ge [sflag:s13], $0x200  }
0x97: {  	[sflag:s13] =	ssyncset.done $0x0  }
0x98: {  	[sflag:s13] =	ssyncadd.s32 $0xFFFFFE00  }
0x99: {  	_ =	swait.ge [sflag:s13], $0x200  }
0x9a: {  	[sflag:s13] =	ssyncset.done $0x0  }
0x9b: {  	[sflag:s13] =	ssyncadd.s32 $0xFFFFFE00  }
0x9c: {  	_ =	swait.ge [sflag:s13], $0x200  }
0x9d: {  	[sflag:s13] =	ssyncset.done $0x0  }
0x9e: {  	[sflag:s13] =	ssyncadd.s32 $0xFFFFFE00  }
0x9f: {  	_ =	swait.ge [sflag:s13], $0x200  }
0xa0: {  	[sflag:s13] =	ssyncset.done $0x0  }
0xa1: {  	[sflag:s13] =	ssyncadd.s32 $0xFFFFFE00  }
0xa2: {  	_ =	swait.ge [sflag:s13], $0x200  }
0xa3: {  	[sflag:s13] =	ssyncset.done $0x0  }
0xa4: {  	[sflag:s13] =	ssyncadd.s32 $0xFFFFFE00  }
0xa5: {  	_ =	swait.ge [sflag:s13], $0x200  }
0xa6: {  	[sflag:s13] =	ssyncset.done $0x0  }
0xa7: {  	[sflag:s13] =	ssyncadd.s32 $0xFFFFFE00  }
0xa8: {  	_ =	swait.ge [sflag:s13], $0x200  }
0xa9: {  	[sflag:s13] =	ssyncset.done $0x0  }
0xaa: {  	[sflag:s13] =	ssyncadd.s32 $0xFFFFFE00  }
0xab: {  	_ =	swait.ge [sflag:s13], $0x200  }
0xac: {  	[sflag:s13] =	ssyncset.done $0x0  }
0xad: {  	[sflag:s13] =	ssyncadd.s32 $0xFFFFFE00  }
0xae: {  	_ =	swait.ge [sflag:s13], $0x200  }
0xaf: {  	[sflag:s13] =	ssyncset.done $0x0  }
0xb0: {  	[sflag:s13] =	ssyncadd.s32 $0xFFFFFE00  }
0xb1: {  	_ =	swait.ge [sflag:s13], $0x200  }
0xb2: {  	[sflag:s13] =	ssyncset.done $0x0  }
0xb3: {  	[sflag:s13] =	ssyncadd.s32 $0xFFFFFE00  }
0xb4: {  	_ =	swait.ge [sflag:s13], $0x200  }
0xb5: {  	[sflag:s13] =	ssyncset.done $0x0  }
0xb6: {  	[sflag:s13] =	ssyncadd.s32 $0xFFFFFE00  }
0xb7: {  	_ =	swait.ge [sflag:s13], $0x200  }
0xb8: {  	[sflag:s13] =	ssyncset.done $0x0  }
0xb9: {  	[sflag:s13] =	ssyncadd.s32 $0xFFFFFE00  }
0xba: {  	_ =	swait.ge [sflag:s13], $0x200  }
0xbb: {  	[sflag:s13] =	ssyncset.done $0x0  }
0xbc: {  	[sflag:s13] =	ssyncadd.s32 $0xFFFFFE00  }
0xbd: {  	_ =	swait.ge [sflag:s13], $0x200  }
0xbe: {  	[sflag:s13] =	ssyncset.done $0x0  }
0xbf: {  	[sflag:s13] =	ssyncadd.s32 $0xFFFFFE00  }
0xc0: {  	_ =	swait.ge [sflag:s13], $0x200  }
0xc1: {  	[sflag:s13] =	ssyncset.done $0x0  }
0xc2: {  	[sflag:s13] =	ssyncadd.s32 $0xFFFFFE00  }
0xc3: {  	_ =	swait.ge [sflag:s13], $0x200  }
0xc4: {  	[sflag:s13] =	ssyncset.done $0x0  }
0xc5: {  	[sflag:s13] =	ssyncadd.s32 $0xFFFFFE00  }
0xc6: {  	_ =	swait.ge [sflag:s13], $0x200  }
0xc7: {  	[sflag:s13] =	ssyncset.done $0x0  }
0xc8: {  	[sflag:s13] =	ssyncadd.s32 $0xFFFFFE00  }
0xc9: {  	_ =	swait.ge [sflag:s13], $0x200  }
0xca: {  	[sflag:s13] =	ssyncset.done $0x0  }
0xcb: {  	[sflag:s13] =	ssyncadd.s32 $0xFFFFFE00  }
0xcc: {  	_ =	swait.ge [sflag:s13], $0x200  }
0xcd: {  	[sflag:s13] =	ssyncset.done $0x0  }
0xce: {  	[sflag:s13] =	ssyncadd.s32 $0xFFFFFE00  }
0xcf: {  	_ =	swait.ge [sflag:s13], $0x200  }
0xd0: {  	[sflag:s13] =	ssyncset.done $0x0  }
0xd1: {  	[sflag:s13] =	ssyncadd.s32 $0xFFFFFE00  }
0xd2: {  	_ =	swait.ge [sflag:s13], $0x200  }
0xd3: {  	[sflag:s13] =	ssyncset.done $0x0  }
0xd4: {  	[sflag:s13] =	ssyncadd.s32 $0xFFFFFE00  }
0xd5: {  	_ =	swait.ge [sflag:s13], $0x200  }
0xd6: {  	[sflag:s13] =	ssyncset.done $0x0  }
0xd7: {  	[sflag:s13] =	ssyncadd.s32 $0xFFFFFE00  }
0xd8: {  	_ =	swait.ge [sflag:s13], $0x200  }
0xd9: {  	s26 =	sld [smem:$0x7FA];
	_ =	sdelay $0x1  }
0xda: {  	s14 =	sadd.s32 $0x1, s14  }
0xdb: {  	p0 =	sne.s32 s14, s26  }
.Ltmp1:
0xdc: {  	_ = 	snop;
	(pc) =	sbr.rel @!p0 .LBB2_11-.Ltmp1, $3  }
0xdd: {  	_ =	sdelay $0x1  }
0xde: {  	[sflag:s13] =	ssyncset.done $0x0  }
0xdf: {  	[sflag:s13] =	ssyncadd.s32 $0xFFFFFE00  }
.LBB2_1:
0xe0: {  	s15 =	rddreg [dreg:$0x0]  }
0xe1: {  	[tilespmem:s1], [sflag:$0x2] =	stream.linear.gather [hbm4b:s15+s1], $0x8000, $0x38;
	[tilespmem:$0x10200] =	vst v63  }
0xe2: {  	_ =	swait.ge [sflag:s12], $0x8000  }
0xe3: {  	[sflag:s12] =	ssyncset.done $0x0  }
0xe4: {  	s19 =	simm.s32 $0x8000;
	s20 =	sld [smem:$0x7FB];
	[sflag:s12] =	ssyncadd.s32 $0xFFFF8000  }
0xe5: {  	[tilespmem:s19], [sflag:$0x1] =	stream.linear.gather [hbm4b:s3+s1], $0x200, $0x38;
	[tilespmem:$0x10200] =	vst v63  }
0xe6: {  	s16 =	simm.s32 $0xA080;
	s21 =	rddreg [dreg:$0x4]  }
0xe7: {  	[tilespmem:s16], [sflag:$0x1] =	stream.linear.gather [hbm4b:s20+s1], $0x200, $0x38;
	[tilespmem:$0x10200] =	vst v63  }
0xe8: {  	s22 =	simm.s32 $0x8200;
	s23 =	sld [smem:$0x7FC]  }
0xe9: {  	[tilespmem:s22], [sflag:$0x1] =	stream.linear.gather [hbm4b:s21+s1], $0x200, $0x38;
	[tilespmem:$0x10200] =	vst v63  }
0xea: {  	s24 =	simm.s32 $0xA280;
	s25 =	rddreg [dreg:$0x5]  }
0xeb: {  	[tilespmem:s24], [sflag:$0x1] =	stream.linear.gather [hbm4b:s23+s1], $0x200, $0x38;
	[tilespmem:$0x10200] =	vst v63  }
0xec: {  	s26 =	simm.s32 $0x8400;
	s17 =	sld [smem:$0x7FD]  }
0xed: {  	[tilespmem:s26], [sflag:$0x1] =	stream.linear.gather [hbm4b:s25+s1], $0x200, $0x38;
	[tilespmem:$0x10200] =	vst v63  }
0xee: {  	s18 =	simm.s32 $0xA480  }
0xef: {  	[tilespmem:s18], [sflag:$0x1] =	stream.linear.gather [hbm4b:s17+s1], $0x200, $0x38;
	[tilespmem:$0x10200] =	vst v63  }
0xf0: {  	s19 =	rddreg [dreg:$0x6];
	s20 =	simm.s32 $0x8600  }
0xf1: {  	[tilespmem:s20], [sflag:$0x1] =	stream.linear.gather [hbm4b:s19+s1], $0x200, $0x38;
	[tilespmem:$0x10200] =	vst v63  }
0xf2: {  	s21 =	simm.s32 $0xA680  }
0xf3: {  	[tilespmem:s21], [sflag:$0x1] =	stream.linear.gather [hbm4b:s28+s1], $0x200, $0x38;
	[tilespmem:$0x10200] =	vst v63  }
0xf4: {  	s22 =	rddreg [dreg:$0x7];
	s23 =	simm.s32 $0x8800  }
0xf5: {  	[tilespmem:s23], [sflag:$0x1] =	stream.linear.gather [hbm4b:s22+s1], $0x200, $0x38;
	[tilespmem:$0x10200] =	vst v63  }
0xf6: {  	s24 =	simm.s32 $0xA880  }
0xf7: {  	[tilespmem:s24], [sflag:$0x1] =	stream.linear.gather [hbm4b:s29+s1], $0x200, $0x38;
	[tilespmem:$0x10200] =	vst v63  }
0xf8: {  	s25 =	rddreg [dreg:$0x8];
	s26 =	simm.s32 $0x8A00  }
0xf9: {  	[tilespmem:s26], [sflag:$0x1] =	stream.linear.gather [hbm4b:s25+s1], $0x200, $0x38;
	[tilespmem:$0x10200] =	vst v63  }
0xfa: {  	s17 =	simm.s32 $0xAA80  }
0xfb: {  	[tilespmem:s17], [sflag:$0x1] =	stream.linear.gather [hbm4b:s30+s1], $0x200, $0x38;
	[tilespmem:$0x10200] =	vst v63  }
0xfc: {  	s18 =	rddreg [dreg:$0x9];
	s19 =	simm.s32 $0x8C00  }
0xfd: {  	[tilespmem:s19], [sflag:$0x1] =	stream.linear.gather [hbm4b:s18+s1], $0x200, $0x38;
	[tilespmem:$0x10200] =	vst v63  }
0xfe: {  	s20 =	simm.s32 $0xAC80  }
0xff: {  	[tilespmem:s20], [sflag:$0x1] =	stream.linear.gather [hbm4b:s31+s1], $0x200, $0x38;
	[tilespmem:$0x10200] =	vst v63  }
0x100: {  	s21 =	rddreg [dreg:$0xa];
	s22 =	simm.s32 $0x8E00  }
0x101: {  	[tilespmem:s22], [sflag:$0x1] =	stream.linear.gather [hbm4b:s21+s1], $0x200, $0x38;
	[tilespmem:$0x10200] =	vst v63  }
0x102: {  	s23 =	simm.s32 $0xAE80  }
0x103: {  	[tilespmem:s23], [sflag:$0x1] =	stream.linear.gather [hbm4b:s0+s1], $0x200, $0x38;
	[tilespmem:$0x10200] =	vst v63  }
0x104: {  	s24 =	rddreg [dreg:$0xb];
	s25 =	simm.s32 $0x9000  }
0x105: {  	[tilespmem:s25], [sflag:$0x1] =	stream.linear.gather [hbm4b:s24+s1], $0x200, $0x38;
	[tilespmem:$0x10200] =	vst v63  }
0x106: {  	s26 =	simm.s32 $0xB080  }
0x107: {  	[tilespmem:s26], [sflag:$0x1] =	stream.linear.gather [hbm4b:s4+s1], $0x200, $0x38;
	[tilespmem:$0x10200] =	vst v63  }
0x108: {  	s16 =	rddreg [dreg:$0xc];
	s17 =	simm.s32 $0x9200  }
0x109: {  	[tilespmem:s17], [sflag:$0x1] =	stream.linear.gather [hbm4b:s16+s1], $0x200, $0x38;
	[tilespmem:$0x10200] =	vst v63  }
0x10a: {  	s18 =	simm.s32 $0xB280  }
0x10b: {  	[tilespmem:s18], [sflag:$0x1] =	stream.linear.gather [hbm4b:s5+s1], $0x200, $0x38;
	[tilespmem:$0x10200] =	vst v63  }
0x10c: {  	s19 =	rddreg [dreg:$0xd];
	s20 =	simm.s32 $0x9400  }
0x10d: {  	[tilespmem:s20], [sflag:$0x1] =	stream.linear.gather [hbm4b:s19+s1], $0x200, $0x38;
	[tilespmem:$0x10200] =	vst v63  }
0x10e: {  	s21 =	simm.s32 $0xB480  }
0x10f: {  	[tilespmem:s21], [sflag:$0x1] =	stream.linear.gather [hbm4b:s6+s1], $0x200, $0x38;
	[tilespmem:$0x10200] =	vst v63  }
0x110: {  	s22 =	rddreg [dreg:$0xe];
	s23 =	simm.s32 $0x9600  }
0x111: {  	[tilespmem:s23], [sflag:$0x1] =	stream.linear.gather [hbm4b:s22+s1], $0x200, $0x38;
	[tilespmem:$0x10200] =	vst v63  }
0x112: {  	s24 =	simm.s32 $0xB680  }
0x113: {  	[tilespmem:s24], [sflag:$0x1] =	stream.linear.gather [hbm4b:s7+s1], $0x200, $0x38;
	[tilespmem:$0x10200] =	vst v63  }
0x114: {  	s25 =	rddreg [dreg:$0xf];
	s26 =	simm.s32 $0x9800  }
0x115: {  	[tilespmem:s26], [sflag:$0x1] =	stream.linear.gather [hbm4b:s25+s1], $0x200, $0x38;
	[tilespmem:$0x10200] =	vst v63  }
0x116: {  	s17 =	simm.s32 $0xB880  }
0x117: {  	[tilespmem:s17], [sflag:$0x1] =	stream.linear.gather [hbm4b:s8+s1], $0x200, $0x38;
	[tilespmem:$0x10200] =	vst v63  }
0x118: {  	s18 =	rddreg [dreg:$0x10];
	s19 =	simm.s32 $0x9A00  }
0x119: {  	[tilespmem:s19], [sflag:$0x1] =	stream.linear.gather [hbm4b:s18+s1], $0x200, $0x38;
	[tilespmem:$0x10200] =	vst v63  }
0x11a: {  	s20 =	simm.s32 $0xBA80  }
0x11b: {  	[tilespmem:s20], [sflag:$0x1] =	stream.linear.gather [hbm4b:s9+s1], $0x200, $0x38;
	[tilespmem:$0x10200] =	vst v63  }
0x11c: {  	s21 =	rddreg [dreg:$0x11];
	s22 =	simm.s32 $0x9C00  }
0x11d: {  	[tilespmem:s22], [sflag:$0x1] =	stream.linear.gather [hbm4b:s21+s1], $0x200, $0x38;
	[tilespmem:$0x10200] =	vst v63  }
0x11e: {  	s23 =	simm.s32 $0xBC80  }
0x11f: {  	[tilespmem:s23], [sflag:$0x1] =	stream.linear.gather [hbm4b:s10+s1], $0x200, $0x38;
	[tilespmem:$0x10200] =	vst v63  }
0x120: {  	s24 =	rddreg [dreg:$0x12];
	s25 =	simm.s32 $0x9E00  }
0x121: {  	[tilespmem:s25], [sflag:$0x1] =	stream.linear.gather [hbm4b:s24+s1], $0x200, $0x38;
	[tilespmem:$0x10200] =	vst v63  }
0x122: {  	s26 =	simm.s32 $0xBE80  }
0x123: {  	[tilespmem:s26], [sflag:$0x1] =	stream.linear.gather [hbm4b:s11+s1], $0x200, $0x38;
	[tilespmem:$0x10200] =	vst v63  }
0x124: {  	_ =	swait.ge [sflag:s13], $0x200  }
0x125: {  	[sflag:s13] =	ssyncset.done $0x0  }
0x126: {  	[sflag:s13] =	ssyncadd.s32 $0xFFFFFE00  }
0x127: {  	_ =	swait.ge [sflag:s13], $0x200  }
0x128: {  	[sflag:s13] =	ssyncset.done $0x0  }
0x129: {  	[sflag:s13] =	ssyncadd.s32 $0xFFFFFE00  }
0x12a: {  	_ =	swait.ge [sflag:s13], $0x200  }
0x12b: {  	[sflag:s13] =	ssyncset.done $0x0  }
0x12c: {  	[sflag:s13] =	ssyncadd.s32 $0xFFFFFE00  }
0x12d: {  	_ =	swait.ge [sflag:s13], $0x200  }
0x12e: {  	[sflag:s13] =	ssyncset.done $0x0  }
0x12f: {  	[sflag:s13] =	ssyncadd.s32 $0xFFFFFE00  }
0x130: {  	_ =	swait.ge [sflag:s13], $0x200  }
0x131: {  	[sflag:s13] =	ssyncset.done $0x0  }
0x132: {  	[sflag:s13] =	ssyncadd.s32 $0xFFFFFE00  }
0x133: {  	_ =	swait.ge [sflag:s13], $0x200  }
0x134: {  	[sflag:s13] =	ssyncset.done $0x0  }
0x135: {  	[sflag:s13] =	ssyncadd.s32 $0xFFFFFE00  }
0x136: {  	_ =	swait.ge [sflag:s13], $0x200  }
0x137: {  	[sflag:s13] =	ssyncset.done $0x0  }
0x138: {  	[sflag:s13] =	ssyncadd.s32 $0xFFFFFE00  }
0x139: {  	_ =	swait.ge [sflag:s13], $0x200  }
0x13a: {  	[sflag:s13] =	ssyncset.done $0x0  }
0x13b: {  	[sflag:s13] =	ssyncadd.s32 $0xFFFFFE00  }
0x13c: {  	_ =	swait.ge [sflag:s13], $0x200  }
0x13d: {  	[sflag:s13] =	ssyncset.done $0x0  }
0x13e: {  	[sflag:s13] =	ssyncadd.s32 $0xFFFFFE00  }
0x13f: {  	_ =	swait.ge [sflag:s13], $0x200  }
0x140: {  	[sflag:s13] =	ssyncset.done $0x0  }
0x141: {  	[sflag:s13] =	ssyncadd.s32 $0xFFFFFE00  }
0x142: {  	_ =	swait.ge [sflag:s13], $0x200  }
0x143: {  	[sflag:s13] =	ssyncset.done $0x0  }
0x144: {  	[sflag:s13] =	ssyncadd.s32 $0xFFFFFE00  }
0x145: {  	_ =	swait.ge [sflag:s13], $0x200  }
0x146: {  	[sflag:s13] =	ssyncset.done $0x0  }
0x147: {  	[sflag:s13] =	ssyncadd.s32 $0xFFFFFE00  }
0x148: {  	_ =	swait.ge [sflag:s13], $0x200  }
0x149: {  	[sflag:s13] =	ssyncset.done $0x0  }
0x14a: {  	[sflag:s13] =	ssyncadd.s32 $0xFFFFFE00  }
0x14b: {  	_ =	swait.ge [sflag:s13], $0x200  }
0x14c: {  	[sflag:s13] =	ssyncset.done $0x0  }
0x14d: {  	[sflag:s13] =	ssyncadd.s32 $0xFFFFFE00  }
0x14e: {  	_ =	swait.ge [sflag:s13], $0x200  }
0x14f: {  	[sflag:s13] =	ssyncset.done $0x0  }
0x150: {  	[sflag:s13] =	ssyncadd.s32 $0xFFFFFE00  }
0x151: {  	_ =	swait.ge [sflag:s13], $0x200  }
0x152: {  	[sflag:s13] =	ssyncset.done $0x0  }
0x153: {  	[sflag:s13] =	ssyncadd.s32 $0xFFFFFE00  }
0x154: {  	_ =	swait.ge [sflag:s13], $0x200  }
0x155: {  	[sflag:s13] =	ssyncset.done $0x0  }
0x156: {  	[sflag:s13] =	ssyncadd.s32 $0xFFFFFE00  }
0x157: {  	_ =	swait.ge [sflag:s13], $0x200  }
0x158: {  	[sflag:s13] =	ssyncset.done $0x0  }
0x159: {  	[sflag:s13] =	ssyncadd.s32 $0xFFFFFE00  }
0x15a: {  	_ =	swait.ge [sflag:s13], $0x200  }
0x15b: {  	[sflag:s13] =	ssyncset.done $0x0  }
0x15c: {  	[sflag:s13] =	ssyncadd.s32 $0xFFFFFE00  }
0x15d: {  	_ =	swait.ge [sflag:s13], $0x200  }
0x15e: {  	[sflag:s13] =	ssyncset.done $0x0  }
0x15f: {  	[sflag:s13] =	ssyncadd.s32 $0xFFFFFE00  }
0x160: {  	_ =	swait.ge [sflag:s13], $0x200  }
0x161: {  	[sflag:s13] =	ssyncset.done $0x0  }
0x162: {  	[sflag:s13] =	ssyncadd.s32 $0xFFFFFE00  }
0x163: {  	_ =	swait.ge [sflag:s13], $0x200  }
0x164: {  	[sflag:s13] =	ssyncset.done $0x0  }
0x165: {  	[sflag:s13] =	ssyncadd.s32 $0xFFFFFE00  }
0x166: {  	_ =	swait.ge [sflag:s13], $0x200  }
0x167: {  	[sflag:s13] =	ssyncset.done $0x0  }
0x168: {  	[sflag:s13] =	ssyncadd.s32 $0xFFFFFE00  }
0x169: {  	_ =	swait.ge [sflag:s13], $0x200  }
0x16a: {  	[sflag:s13] =	ssyncset.done $0x0  }
0x16b: {  	[sflag:s13] =	ssyncadd.s32 $0xFFFFFE00  }
0x16c: {  	_ =	swait.ge [sflag:s13], $0x200  }
0x16d: {  	[sflag:s13] =	ssyncset.done $0x0  }
0x16e: {  	[sflag:s13] =	ssyncadd.s32 $0xFFFFFE00  }
0x16f: {  	_ =	swait.ge [sflag:s13], $0x200  }
0x170: {  	[sflag:s13] =	ssyncset.done $0x0  }
0x171: {  	[sflag:s13] =	ssyncadd.s32 $0xFFFFFE00  }
0x172: {  	_ =	swait.ge [sflag:s13], $0x200  }
0x173: {  	[sflag:s13] =	ssyncset.done $0x0  }
0x174: {  	[sflag:s13] =	ssyncadd.s32 $0xFFFFFE00  }
0x175: {  	_ =	swait.ge [sflag:s13], $0x200  }
0x176: {  	[sflag:s13] =	ssyncset.done $0x0  }
0x177: {  	[sflag:s13] =	ssyncadd.s32 $0xFFFFFE00  }
0x178: {  	_ =	swait.ge [sflag:s13], $0x200  }
0x179: {  	[sflag:s13] =	ssyncset.done $0x0  }
0x17a: {  	[sflag:s13] =	ssyncadd.s32 $0xFFFFFE00  }
0x17b: {  	_ =	swait.ge [sflag:s13], $0x200  }
0x17c: {  	[sflag:s13] =	ssyncset.done $0x0  }
0x17d: {  	[sflag:s13] =	ssyncadd.s32 $0xFFFFFE00  }
0x17e: {  	_ =	swait.ge [sflag:s13], $0x200  }
0x17f: {  	[sflag:s13] =	ssyncset.done $0x0  }
0x180: {  	[sflag:s13] =	ssyncadd.s32 $0xFFFFFE00  }
0x181: {  	_ =	swait.ge [sflag:s13], $0x200  }
0x182: {  	[sflag:s13] =	ssyncset.done $0x0  }
0x183: {  	s15 =	simm.s32 $0x0;
	[sflag:s13] =	ssyncadd.s32 $0xFFFFFE00  }
.LBB2_2:
0x184: {  	p0 =	sne.s32 s15, $0x7FC0  }
.Ltmp2:
0x185: {  	_ = 	snop;
	(pc) =	sbr.rel @p0 .LBB2_2-.Ltmp2, $4  }
0x186: {  	_ = 	snop  }
0x187: {  	s16 =	sshra.s32 s15, $0x2  }
0x188: {  	[tilespmem:s16+$0xC100] =	vst v0  }
0x189: {  	s15 =	sadd.s32 $0x40, s15;
	[tilespmem:s16+$0xE180] =	vst v0  }
.Ltmp3:
0x18a: {  	(pc) =	sbr.rel .LBB2_4-.Ltmp3, $2  }
0x18b: {  	_ =	sdelay $0x2  }
0x18c: {  	s15 =	simm.s32 $0x1;
	s16 =	simm.s32 $0x0  }
.LBB2_9:
0x18d: {  	s15 =	sadd.s32 $0x1, s15  }
0x18e: {  	p0 =	sne.s32 s15, $0x101  }
.Ltmp4:
0x18f: {  	_ = 	snop;
	(pc) =	sbr.rel @!p0 .LBB2_10-.Ltmp4, $2  }
0x190: {  	_ =	sdelay $0x2  }
0x191: {  	s16 =	sadd.s32 $0x80, s16  }
.LBB2_4:
0x192: {  	v2 =	vld [tilespmem:s16+$0x0];
	_ =	sdelay $0x4  }
0x193: {  	(v2sf) =	vpush v2, $0x6;
	_ =	sdelay $0x4  }
0x194: {  	(v2sf) =	vpush v2, $0x0  }
0x195: {  	(v2sf) =	vpush v2, $0x1;
	_ =	sdelay $0x8  }
0x196: {  	s17 =	spop (v2sf)  }
0x197: {  	p0 =	sgt.f32 s17, $0.0e+00  }
.Ltmp5:
0x198: {  	_ = 	snop;
	(pc) =	sbr.rel @!p0 .LBB2_9-.Ltmp5, $3  }
0x199: {  	_ =	sdelay $0x1  }
0x19a: {  	s18 =	spop (v2sf)  }
0x19b: {  	s17 =	spop (v2sf)  }
0x19c: {  	s18 =	scvt.f32.s32 s18;
	_ =	sdelay $0x1  }
0x19d: {  	s19 =	sadd.s32 $0xFFFFFFE0, s18  }
0x19e: {  	p0 =	sgt.s32 s19, $0x0  }
0x19f: {  	s19 =	simm.s32 @!p0 $0x0  }
0x1a0: {  	s21 =	sadd.s32 $0x20, s18;
	s26 =	ssub.s32 s2, s19  }
0x1a1: {  	p0 =	slt.s32 s21, $0x200;
	s22 =	sand.u32 $0x1F, s26  }
0x1a2: {  	s21 =	simm.s32 @!p0 $0x200;
	s22 =	sadd.s32 s19, s22  }
0x1a3: {  	s20 =	scvt.f32.s32 s17;
	p1 =	sge.s32 s22, s21  }
.Ltmp6:
0x1a4: {  	_ = 	snop;
	(pc) =	sbr.rel @p1 .LBB2_7-.Ltmp6, $4  }
0x1a5: {  	s17 =	sadd.s32 $0xFFFFFFE0, s20  }
0x1a6: {  	s18 =	sadd.s32 $0x20, s20;
	p0 =	sgt.s32 s17, $0x0  }
0x1a7: {  	s17 =	simm.s32 @!p0 $0x0;
	p0 =	slt.s32 s18, $0x200  }
0x1a8: {  	s20 =	scvt.s32.f32 s15;
	s18 =	simm.s32 @!p0 $0x200;
	s19 =	sand.u32 $0x7FFFFFF0, s17  }
0x1a9: {  	s23 =	ssub.s32 s22, s2;
	p0 =	sne.s32 s22, s2;
	s24 =	simm.s32 $0x1  }
0x1aa: {  	s25 =	sshra.s32 s23, $0x1F;
	s24 =	simm.s32 @!p0 $0x0  }
0x1ab: {  	s26 =	sand.u32 $0x1F, s23;
	s24 =	sor.u32 s24, s25  }
0x1ac: {  	p1 =	sne.s32 s26, $0x0;
	p6 =	sne.s32 s24, $0x1  }
0x1ad: {  	s26 =	sshrl.u32 s25, $0x1B;
	p0 =	por !p1, !p6  }
0x1ae: {  	s23 =	sadd.s32 s26, s23;
	s24 =	simm.s32 $0x1;
	p0 =	por !p0, !p0  }
0x1af: {  	s23 =	sshrl.u32 s23, $0x5;
	s24 =	simm.s32 @!p0 $0x0  }
0x1b0: {  	s23 =	ssub.s32 s23, s24  }
0x1b1: {  	s23 =	sshll.u32 s23, $0x9  }
0x1b2: {  	s23 =	sadd.s32 s19, s23  }
0x1b3: {  	s26 =	sand.u32 $0x70, s17;
	s25 =	sand.u32 $0xFFFFFF80, s23  }
0x1b4: {  	s24 =	sor.u32 s26, s25  }
0x1b5: {  	v3 =	vld [tilespmem:s24+$0x8000]  }
0x1b6: {  	v4 =	vld [tilespmem:s24+$0xA080];
	_ =	sdelay $0x2  }
0x1b7: {  	v5 =	vbroadcast v2, $0x2;
	v6 =	vbroadcast v2, $0x3;
	_ =	sdelay $0x1  }
0x1b8: {  	v3 =	vsub.f32 v3, v5;
	v4 =	vsub.f32 v4, v6  }
0x1b9: {  	v7 =	vbroadcast v2, $0x4;
	v8 =	vbroadcast v2, $0x5  }
0x1ba: {  	v3 =	vmul.f32 v3, v3;
	v4 =	vmul.f32 v4, v4;
	_ =	sdelay $0x1  }
0x1bb: {  	v3 =	vmul.f32 v3, v7;
	v4 =	vmul.f32 v4, v8;
	_ =	sdelay $0x1  }
0x1bc: {  	v3 =	vadd.f32 v4, v3;
	_ =	sdelay $0x1  }
0x1bd: {  	v3 =	vsub.f32 $0.0e+00, v3;
	_ =	sdelay $0x1  }
0x1be: {  	v3 =	vmul.f32 $1.442695020e+00, v3;
	_ =	sdelay $0x1  }
0x1bf: {  	(erf) = vpow2.f32 v3;
	_ =	sdelay $0x4  }
0x1c0: {  	v19 =	vld [tilespmem:s24+$0xC100];
	_ =	sdelay $0x1  }
0x1c1: {  	v9 =	vld [tilespmem:s24+$0xE180];
	v3 =	vor.u32 s19, v1  }
0x1c2: {  	vm0 =	vge.u32 v3, s17;
	vm1 =	vlt.s32 v3, s18  }
0x1c3: {  	v3 =	vmov s20;
	vm0 =	vmand vm0, vm1;
	v10 =	vpop (erf)  }
0x1c4: {  	vm6 =	vge.f32 v10, v19;
	vm2 =	vge.f32 v10, $5.000000000e-01;
	v12 =	vmax.f32 v19, v10  }
0x1c5: {  	vm7 =	veq.f32 v10, v19;
	vm3 =	vgt.f32 v10, v19;
	v11 =	vnsel vm2, $0x0, v3  }
0x1c6: {  	vm1 =	vmand vm0, vm6;
	vm2 =	vmand vm0, vm7;
	v20 =	vmax.f32 v9, v11  }
0x1c7: {  	vm0 =	vmand vm0, vm3;
	v4 =	vsel vm1, v12, v19;
	v9 =	vsel vm2, v20, v9  }
0x1c8: {  	[tilespmem:s24+$0xC100] =	vst v4;
	v9 =	vsel vm0, v11, v9  }
0x1c9: {  	[tilespmem:s24+$0xE180] =	vst v9  }
0x1ca: {  	v4 =	vld [tilespmem:s23+$0x8010]  }
0x1cb: {  	v9 =	vld [tilespmem:s23+$0xA090];
	_ =	sdelay $0x4  }
0x1cc: {  	v22 =	vld [tilespmem:s23+$0xA0A0];
	v4 =	vsub.f32 v4, v5;
	v9 =	vsub.f32 v9, v6  }
0x1cd: {  	v21 =	vld [tilespmem:s23+$0x8020]  }
0x1ce: {  	v4 =	vmul.f32 v4, v4;
	v9 =	vmul.f32 v9, v9;
	_ =	sdelay $0x1  }
0x1cf: {  	v26 =	vld [tilespmem:s23+$0xA0B0];
	v4 =	vmul.f32 v4, v7;
	v9 =	vmul.f32 v9, v8  }
0x1d0: {  	v25 =	vld [tilespmem:s23+$0x8030];
	v24 =	vsub.f32 v22, v6  }
0x1d1: {  	v23 =	vsub.f32 v21, v5;
	v4 =	vadd.f32 v9, v4  }
0x1d2: {  	v10 =	vmul.f32 v24, v24  }
0x1d3: {  	v9 =	vmul.f32 v23, v23;
	v4 =	vsub.f32 $0.0e+00, v4  }
0x1d4: {  	v31 =	vsub.f32 v26, v6;
	v28 =	vmul.f32 v10, v8  }
0x1d5: {  	v30 =	vsub.f32 v25, v5;
	v27 =	vmul.f32 v9, v7;
	v4 =	vmul.f32 $1.442695020e+00, v4  }
0x1d6: {  	v29 =	vld [tilespmem:s23+$0x8040];
	v11 =	vmul.f32 v31, v31  }
0x1d7: {  	v32 =	vld [tilespmem:s23+$0xA0C0];
	v10 =	vmul.f32 v30, v30;
	(erf) = vpow2.f32 v4;
	v4 =	vadd.f32 v28, v27;
	_ =	sdelay $0x1  }
0x1d8: {  	s25 =	sadd.s32 $0x10, s19;
	s26 =	sadd.s32 $0x20, s19;
	v11 =	vmul.f32 v11, v8;
	v10 =	vmul.f32 v10, v7;
	v4 =	vsub.f32 $0.0e+00, v4  }
0x1d9: {  	v13 =	vor.u32 s25, v1;
	v42 =	vor.u32 s26, v1  }
0x1da: {  	vm8 =	vge.s32 v13, s17;
	v36 =	vadd.f32 v11, v10;
	v4 =	vmul.f32 $1.442695020e+00, v4  }
0x1db: {  	vm9 =	vlt.s32 v13, s18;
	v14 =	vld [tilespmem:s23+$0xC110];
	v33 =	vsub.f32 v29, v5;
	v34 =	vsub.f32 v32, v6  }
0x1dc: {  	vm14 =	vge.s32 v42, s17;
	v9 =	vsub.f32 $0.0e+00, v36;
	(erf) = vpow2.f32 v4  }
0x1dd: {  	s25 =	sadd.s32 $0x30, s19;
	s26 =	sadd.s32 $0x40, s19;
	vm15 =	vlt.s32 v42, s18;
	v5 =	vmul.f32 v34, v34;
	v4 =	vmul.f32 v33, v33  }
0x1de: {  	v49 =	vor.u32 s25, v1;
	v56 =	vor.u32 s26, v1;
	v9 =	vmul.f32 $1.442695020e+00, v9  }
0x1df: {  	vm0 =	vmand vm8, vm9;
	v37 =	vld [tilespmem:s23+$0xE190];
	v5 =	vmul.f32 v5, v8;
	v4 =	vmul.f32 v4, v7;
	v35 =	vpop (erf)  }
0x1e0: {  	(erf) = vpow2.f32 v9;
	vm10 =	vge.f32 v35, v14;
	vm11 =	vge.f32 v35, $5.000000000e-01  }
0x1e1: {  	v40 =	vld [tilespmem:s23+$0xC120];
	v39 =	vmax.f32 v14, v35;
	vm12 =	vgt.f32 v35, v14;
	v4 =	vadd.f32 v5, v4  }
0x1e2: {  	vm13 =	veq.f32 v35, v14;
	vm1 =	vmand vm0, vm10;
	v38 =	vnsel vm11, $0x0, v3  }
0x1e3: {  	vm2 =	vmand vm0, vm12;
	vm0 =	vmand vm0, vm13;
	v4 =	vsub.f32 $0.0e+00, v4  }
0x1e4: {  	vm11 =	vge.s32 v49, s17;
	vm12 =	vlt.s32 v49, s18;
	v41 =	vmax.f32 v37, v38  }
0x1e5: {  	v43 =	vld [tilespmem:s23+$0xE1A0];
	v8 =	vsel vm1, v39, v14;
	v5 =	vsel vm0, v41, v37;
	v4 =	vmul.f32 $1.442695020e+00, v4;
	v44 =	vpop (erf)  }
0x1e6: {  	v46 =	vld [tilespmem:s23+$0xC130];
	vm0 =	vmand vm14, vm15;
	v5 =	vsel vm2, v38, v5;
	vm6 =	vge.f32 v44, v40  }
0x1e7: {  	vm8 =	vge.f32 v44, $5.000000000e-01;
	v45 =	vmax.f32 v40, v44;
	(erf) = vpow2.f32 v4  }
0x1e8: {  	vm9 =	veq.f32 v44, v40;
	vm10 =	vgt.f32 v44, v40;
	vm7 =	vmand vm0, vm6  }
0x1e9: {  	v50 =	vld [tilespmem:s23+$0xE1B0];
	v47 =	vnsel vm8, $0x0, v3;
	vm1 =	vmand vm0, vm9;
	vm0 =	vmand vm0, vm10  }
0x1ea: {  	vm8 =	vlt.s32 v56, s18;
	v7 =	vsel vm7, v45, v40;
	v48 =	vmax.f32 v43, v47;
	v51 =	vpop (erf)  }
0x1eb: {  	vm7 =	vge.s32 v56, s17;
	v6 =	vsel vm1, v48, v43;
	vm13 =	vge.f32 v51, v46  }
0x1ec: {  	v52 =	vld [tilespmem:s23+$0xC140];
	vm14 =	vge.f32 v51, $5.000000000e-01;
	v54 =	vmax.f32 v46, v51;
	vm6 =	veq.f32 v51, v46  }
0x1ed: {  	v4 =	vsel vm0, v47, v6;
	vm0 =	vmand vm11, vm12;
	v53 =	vnsel vm14, $0x0, v3  }
0x1ee: {  	v57 =	vld [tilespmem:s23+$0xE1C0];
	vm15 =	vgt.f32 v51, v46;
	vm2 =	vmand vm0, vm6;
	v55 =	vmax.f32 v50, v53  }
0x1ef: {  	[tilespmem:s23+$0xC110] =	vst v8;
	vm1 =	vmand vm0, vm13;
	vm0 =	vmand vm0, vm15;
	v58 =	vsel vm2, v55, v50  }
0x1f0: {  	[tilespmem:s23+$0xE190] =	vst v5;
	vm9 =	vmand vm7, vm8;
	v13 =	vsel vm1, v54, v46;
	v60 =	vsel vm0, v53, v58;
	v59 =	vpop (erf)  }
0x1f1: {  	[tilespmem:s23+$0xC120] =	vst v7;
	vm10 =	vge.f32 v59, v52;
	vm12 =	vge.f32 v59, $5.000000000e-01;
	v61 =	vmax.f32 v52, v59  }
0x1f2: {  	[tilespmem:s23+$0xE1A0] =	vst v4;
	vm13 =	veq.f32 v59, v52;
	vm14 =	vgt.f32 v59, v52;
	v3 =	vnsel vm12, $0x0, v3  }
0x1f3: {  	[tilespmem:s23+$0xC130] =	vst v13;
	vm11 =	vmand vm9, vm10;
	vm2 =	vmand vm9, vm13;
	v62 =	vmax.f32 v57, v3  }
0x1f4: {  	[tilespmem:s23+$0xE1B0] =	vst v60;
	vm15 =	vmand vm9, vm14;
	v4 =	vsel vm11, v61, v52;
	v63 =	vsel vm2, v62, v57  }
0x1f5: {  	[tilespmem:s23+$0xC140] =	vst v4;
	v3 =	vsel vm15, v3, v63  }
0x1f6: {  	[tilespmem:s23+$0xE1C0] =	vst v3  }
.LBB2_7:
0x1f7: {  	s22 =	sadd.s32 $0x20, s22  }
0x1f8: {  	p0 =	sge.s32 s22, s21  }
.Ltmp7:
0x1f9: {  	_ = 	snop;
	(pc) =	sbr.rel @p0 .LBB2_9-.Ltmp7, $1  }
0x1fa: {  	_ =	sdelay $0x3  }
0x1fb: {  	s21 =	ssub.s32 s22, s2  }
0x1fc: {  	s22 =	sand.u32 $0x1F, s21  }
0x1fd: {  	s23 =	sshra.s32 s21, $0x1F;
	p0 =	slt.s32 s21, $0x0;
	p1 =	sne.s32 s22, $0x0  }
0x1fe: {  	s24 =	sshrl.u32 s23, $0x1B;
	p0 =	por !p0, !p1  }
0x1ff: {  	s22 =	simm.s32 $0x1;
	s21 =	sadd.s32 s24, s21;
	p0 =	por !p0, !p0  }
0x200: {  	s21 =	sshrl.u32 s21, $0x5;
	s22 =	simm.s32 @!p0 $0x0  }
0x201: {  	s21 =	ssub.s32 s21, s22  }
0x202: {  	s21 =	sshll.u32 s21, $0x9  }
0x203: {  	s21 =	sadd.s32 s19, s21  }
0x204: {  	s26 =	sand.u32 $0x70, s17;
	s25 =	sand.u32 $0xFFFFFF80, s21  }
0x205: {  	s22 =	sor.u32 s26, s25  }
0x206: {  	v3 =	vld [tilespmem:s22+$0x8000]  }
0x207: {  	v4 =	vld [tilespmem:s22+$0xA080];
	_ =	sdelay $0x2  }
0x208: {  	v5 =	vbroadcast v2, $0x2;
	v6 =	vbroadcast v2, $0x3;
	_ =	sdelay $0x1  }
0x209: {  	v3 =	vsub.f32 v3, v5;
	v4 =	vsub.f32 v4, v6  }
0x20a: {  	v7 =	vbroadcast v2, $0x4;
	v8 =	vbroadcast v2, $0x5  }
0x20b: {  	v3 =	vmul.f32 v3, v3;
	v4 =	vmul.f32 v4, v4;
	_ =	sdelay $0x1  }
0x20c: {  	v2 =	vmul.f32 v3, v7;
	v3 =	vmul.f32 v4, v8;
	_ =	sdelay $0x1  }
0x20d: {  	v2 =	vadd.f32 v3, v2;
	_ =	sdelay $0x1  }
0x20e: {  	v2 =	vsub.f32 $0.0e+00, v2;
	_ =	sdelay $0x1  }
0x20f: {  	v2 =	vmul.f32 $1.442695020e+00, v2;
	_ =	sdelay $0x1  }
0x210: {  	(erf) = vpow2.f32 v2;
	_ =	sdelay $0x4  }
0x211: {  	v3 =	vld [tilespmem:s22+$0xC100];
	_ =	sdelay $0x1  }
0x212: {  	v23 =	vld [tilespmem:s22+$0xE180];
	v2 =	vor.u32 s19, v1  }
0x213: {  	vm0 =	vge.u32 v2, s17;
	vm1 =	vlt.s32 v2, s18  }
0x214: {  	v2 =	vmov s20;
	vm0 =	vmand vm0, vm1;
	v9 =	vpop (erf)  }
0x215: {  	vm6 =	vge.f32 v9, v3;
	vm2 =	vge.f32 v9, $5.000000000e-01;
	v11 =	vmax.f32 v3, v9  }
0x216: {  	vm7 =	veq.f32 v9, v3;
	vm3 =	vgt.f32 v9, v3;
	v10 =	vnsel vm2, $0x0, v2  }
0x217: {  	vm1 =	vmand vm0, vm6;
	vm2 =	vmand vm0, vm7;
	v24 =	vmax.f32 v23, v10  }
0x218: {  	vm0 =	vmand vm0, vm3;
	v3 =	vsel vm1, v11, v3;
	v4 =	vsel vm2, v24, v23  }
0x219: {  	[tilespmem:s22+$0xC100] =	vst v3;
	v4 =	vsel vm0, v10, v4  }
0x21a: {  	[tilespmem:s22+$0xE180] =	vst v4  }
0x21b: {  	v3 =	vld [tilespmem:s21+$0x8010]  }
0x21c: {  	v4 =	vld [tilespmem:s21+$0xA090];
	_ =	sdelay $0x4  }
0x21d: {  	v3 =	vsub.f32 v3, v5;
	v4 =	vsub.f32 v4, v6;
	_ =	sdelay $0x1  }
0x21e: {  	v26 =	vld [tilespmem:s21+$0xA0A0];
	v3 =	vmul.f32 v3, v3;
	v4 =	vmul.f32 v4, v4  }
0x21f: {  	v25 =	vld [tilespmem:s21+$0x8020]  }
0x220: {  	v3 =	vmul.f32 v3, v7;
	v4 =	vmul.f32 v4, v8;
	_ =	sdelay $0x1  }
0x221: {  	v29 =	vld [tilespmem:s21+$0x8030];
	v3 =	vadd.f32 v4, v3  }
0x222: {  	v30 =	vld [tilespmem:s21+$0xA0B0];
	v28 =	vsub.f32 v26, v6  }
0x223: {  	v27 =	vsub.f32 v25, v5;
	v3 =	vsub.f32 $0.0e+00, v3  }
0x224: {  	v9 =	vmul.f32 v28, v28  }
0x225: {  	v4 =	vmul.f32 v27, v27;
	v3 =	vmul.f32 $1.442695020e+00, v3  }
0x226: {  	v33 =	vsub.f32 v29, v5;
	v31 =	vmul.f32 v9, v8  }
0x227: {  	v34 =	vsub.f32 v30, v6;
	(erf) = vpow2.f32 v3;
	v3 =	vmul.f32 v4, v7;
	_ =	sdelay $0x1  }
0x228: {  	v35 =	vld [tilespmem:s21+$0xA0C0];
	v10 =	vmul.f32 v34, v34;
	v9 =	vmul.f32 v33, v33;
	v3 =	vadd.f32 v31, v3  }
0x229: {  	v32 =	vld [tilespmem:s21+$0x8040]  }
0x22a: {  	v10 =	vmul.f32 v10, v8;
	v9 =	vmul.f32 v9, v7;
	v3 =	vsub.f32 $0.0e+00, v3  }
0x22b: {  	s23 =	sadd.s32 $0x10, s19  }
0x22c: {  	v12 =	vor.u32 s23, v1;
	v38 =	vadd.f32 v10, v9;
	v3 =	vmul.f32 $1.442695020e+00, v3  }
0x22d: {  	vm8 =	vge.s32 v12, s17;
	v36 =	vsub.f32 v35, v6  }
0x22e: {  	s24 =	sadd.s32 $0x20, s19;
	v13 =	vld [tilespmem:s21+$0xC110];
	v6 =	vsub.f32 $0.0e+00, v38;
	(erf) = vpow2.f32 v3;
	v3 =	vsub.f32 v32, v5  }
0x22f: {  	vm9 =	vlt.s32 v12, s18;
	v44 =	vor.u32 s24, v1;
	v4 =	vmul.f32 v36, v36  }
0x230: {  	vm14 =	vge.s32 v44, s17;
	s25 =	sadd.s32 $0x30, s19;
	v6 =	vmul.f32 $1.442695020e+00, v6;
	v3 =	vmul.f32 v3, v3  }
0x231: {  	vm15 =	vlt.s32 v44, s18;
	s26 =	sadd.s32 $0x40, s19;
	v50 =	vor.u32 s25, v1;
	v4 =	vmul.f32 v4, v8  }
0x232: {  	v57 =	vor.u32 s26, v1;
	v39 =	vld [tilespmem:s21+$0xE190];
	v37 =	vpop (erf);
	(erf) = vpow2.f32 v6;
	v3 =	vmul.f32 v3, v7  }
0x233: {  	vm0 =	vmand vm8, vm9;
	vm10 =	vge.f32 v37, v13;
	vm11 =	vge.f32 v37, $5.000000000e-01  }
0x234: {  	v42 =	vld [tilespmem:s21+$0xC120];
	v41 =	vmax.f32 v13, v37;
	vm12 =	vgt.f32 v37, v13;
	v3 =	vadd.f32 v4, v3  }
0x235: {  	vm13 =	veq.f32 v37, v13;
	vm1 =	vmand vm0, vm10;
	v40 =	vnsel vm11, $0x0, v2  }
0x236: {  	vm2 =	vmand vm0, vm12;
	vm0 =	vmand vm0, vm13;
	v3 =	vsub.f32 $0.0e+00, v3  }
0x237: {  	v48 =	vld [tilespmem:s21+$0xC130];
	vm11 =	vge.s32 v50, s17;
	vm12 =	vlt.s32 v50, s18;
	v43 =	vmax.f32 v39, v40  }
0x238: {  	v8 =	vsel vm1, v41, v13;
	v4 =	vsel vm0, v43, v39;
	v46 =	vpop (erf);
	v3 =	vmul.f32 $1.442695020e+00, v3  }
0x239: {  	v45 =	vld [tilespmem:s21+$0xE1A0];
	vm0 =	vmand vm14, vm15;
	v4 =	vsel vm2, v40, v4;
	vm6 =	vge.f32 v46, v42  }
0x23a: {  	vm8 =	vge.f32 v46, $5.000000000e-01;
	v47 =	vmax.f32 v42, v46;
	(erf) = vpow2.f32 v3  }
0x23b: {  	vm9 =	veq.f32 v46, v42;
	vm10 =	vgt.f32 v46, v42;
	v52 =	vpop (erf);
	vm7 =	vmand vm0, vm6  }
0x23c: {  	v51 =	vld [tilespmem:s21+$0xE1B0];
	vm1 =	vmand vm0, vm9;
	vm0 =	vmand vm0, vm10;
	vm13 =	vge.f32 v52, v48  }
0x23d: {  	vm14 =	vge.f32 v52, $5.000000000e-01;
	v55 =	vmax.f32 v48, v52;
	v3 =	vnsel vm8, $0x0, v2  }
0x23e: {  	vm15 =	vgt.f32 v52, v48;
	vm6 =	veq.f32 v52, v48;
	v49 =	vmax.f32 v45, v3  }
0x23f: {  	v53 =	vld [tilespmem:s21+$0xC140];
	v7 =	vsel vm7, v47, v42;
	v54 =	vnsel vm14, $0x0, v2;
	v5 =	vsel vm1, v49, v45  }
0x240: {  	vm7 =	vge.s32 v57, s17;
	v3 =	vsel vm0, v3, v5;
	vm0 =	vmand vm11, vm12  }
0x241: {  	v58 =	vld [tilespmem:s21+$0xE1C0];
	vm8 =	vlt.s32 v57, s18;
	v56 =	vmax.f32 v51, v54;
	vm2 =	vmand vm0, vm6  }
0x242: {  	[tilespmem:s21+$0xC110] =	vst v8;
	vm1 =	vmand vm0, vm13;
	vm0 =	vmand vm0, vm15;
	v59 =	vsel vm2, v56, v51  }
0x243: {  	[tilespmem:s21+$0xE190] =	vst v4;
	vm9 =	vmand vm7, vm8;
	v12 =	vsel vm1, v55, v48;
	v61 =	vsel vm0, v54, v59;
	v60 =	vpop (erf)  }
0x244: {  	[tilespmem:s21+$0xE1A0] =	vst v3;
	vm10 =	vge.f32 v60, v53;
	vm12 =	vge.f32 v60, $5.000000000e-01;
	v3 =	vmax.f32 v53, v60  }
.Ltmp8:
0x245: {  	[tilespmem:s21+$0xC120] =	vst v7;
	vm13 =	veq.f32 v60, v53;
	vm14 =	vgt.f32 v60, v53;
	v2 =	vnsel vm12, $0x0, v2;
	(pc) =	sbr.rel .LBB2_9-.Ltmp8, $4  }
0x246: {  	[tilespmem:s21+$0xC130] =	vst v12;
	vm11 =	vmand vm9, vm10;
	vm2 =	vmand vm9, vm13;
	v62 =	vmax.f32 v58, v2  }
0x247: {  	[tilespmem:s21+$0xE1B0] =	vst v61;
	vm15 =	vmand vm9, vm14;
	v3 =	vsel vm11, v3, v53;
	v63 =	vsel vm2, v62, v58  }
0x248: {  	[tilespmem:s21+$0xC140] =	vst v3;
	v2 =	vsel vm15, v2, v63  }
0x249: {  	[tilespmem:s21+$0xE1C0] =	vst v2  }
.LBB2_11:
0x24a: {  	_ =	sfence.sel $0x180000  }
0x24b: {  	[bflag:$0x0] =	sbarrier.arrive $0xFFFF  }
0x24c: {  	_ =	strace $0x9000004D  }
0x24d: {  	s0 =	stileid.u32;
	[bflag:$0x2] =	sbarrier.arrive $0xFFFF  }
0x24e: {  	p0 =	sne.s32 s0, $0x0;
	s0 =	rddreg [dreg:$0x3]  }
0x24f: {  	s0 =	sadd.s32 @!p0 $0x100000, s0  }
0x250: {  	[sflag:s0] =	ssyncadd.tile.s32 @!p0 $0x1;
	_ =	shalt  }
.Lfunc_end2:
_tile_overlayer_lowered:
.L_overlay_start_2:
0x251: {  	(tag) =	ssettag $0x2  }
0x252: {  	s0 =	rddreg [dreg:$0x0];
	s2 =	stileid.u32  }
0x253: {  	s1 =	rddreg [dreg:$0x1];
	p0 =	sne.s32 s2, $0x0  }
0x254: {  	s3 =	rddreg [dreg:$0x2];
	[bflag:$0x3] =	sbarrier.arrive $0xFFFF;
	s2 =	simm.s32 @!p0 $0x1C02  }
0x255: {  	[timem:s3], [sflag:s2] =	dma.local @!p0 [hbm:s0], s1  }
0x256: {  	s0 =	simm.s32 @!p0 $0x2  }
0x257: {  	_ =	swait.ge @!p0 [sflag:s0], s1  }
0x258: {  	s1 =	ssub.s32 @!p0 $0x0, s1;
	[sflag:s0] =	ssyncset.done @!p0 $0x0  }
0x259: {  	[sflag:s0] =	ssyncadd.s32 @!p0 s1  }
0x25a: {  	[bflag:$0x3] =	sbarrier.arrive $0xFFFF  }
0x25b: {  	_ =	shalt  }

// kernel: kernel.6.cloned.1.call-start
scs
__scs_entry_jumppad:
0x0: {  	(pc) =	sbr.rel $0x88, $3  }
0x1: {  	(tag) =	ssettag $0x0;
	lr =	simm.s32 $0x1  }
0x2: {  	[smem:$0x3F9E] =	sst lr;
	_ =	strace $0xD0000000  }
0x3: {  	_ = 	snop  }
0x4: {  	_ = 	snop  }
0x5: {  	_ = 	snop  }
0x6: {  	_ = 	snop  }
0x7: {  	_ = 	snop  }
__scs_overlays_trampoline_lowered:
0x8: {  	[smem:$0x3FAD] =	sst s0  }
0x9: {  	[smem:$0x3FAE] =	sst s1  }
0xa: {  	[smem:$0x3FAF] =	sst s2  }
0xb: {  	[smem:$0x3FB0] =	sst s3  }
0xc: {  	[smem:$0x3FB1] =	sst s4  }
0xd: {  	[smem:$0x3FB2] =	sst s5  }
0xe: {  	[smem:$0x3FB3] =	sst s6  }
0xf: {  	[smem:$0x3FB4] =	sst s7  }
0x10: {  	[smem:$0x3FB5] =	sst s8  }
0x11: {  	[smem:$0x3FB6] =	sst s9;
	s0 =	simm.s32 @!p0 $0x0  }
0x12: {  	s1 =	sld [smem:$0x3F9C];
	s0 =	simm.s32 @p0 $0x1  }
0x13: {  	[smem:$0x3FB7] =	sst s0;
	s0 =	simm.s32 @!p1 $0x0  }
0x14: {  	s2 =	sld [smem:$0x3F9B];
	s0 =	simm.s32 @p1 $0x1  }
0x15: {  	[smem:$0x3FB8] =	sst s0;
	s0 =	simm.s32 @!p2 $0x0  }
0x16: {  	s3 =	sld [smem:$0x3FDB];
	s0 =	simm.s32 @p2 $0x1  }
0x17: {  	s4 =	simm.s32 $0x1BF5;
	[smem:$0x3FBA] =	sst s0  }
0x18: {  	s0 =	sld [smem:$0x3F9D];
	_ =	swait.ge [sflag:s4], $0x0  }
0x19: {  	s7 =	sld [smem:$0x3F9E]  }
0x1a: {  	s8 =	sadd.s32 $0xFFFFE003, lr  }
0x1b: {  	s9 =	sadd.s32 $0xFFFFFEF7, lr;
	s5 =	simm.s32 $0xFFFFFFFF;
	p2 =	slt.u32 s8, $0xFFFFF086  }
0x1c: {  	p1 =	slt.u32 s9, $0xF7A;
	s5 =	simm.s32 @!p2 $0x0  }
0x1d: {  	s5 =	simm.s32 @p1 $0x1;
	p0 =	seq.s32 s7, s2  }
0x1e: {  	s7 =	smul.u32 @!p0 $0xF7A, s2;
	p2 =	seq.s32 @!p0 s5, $0x0  }
0x1f: {  	s9 =	smul.u32 $0xF7A, s1;
	s8 =	simm.s32 @!p0 $0x1BF5;
	p2 =	por !p2, p0  }
0x20: {  	[sflag:s8] =	ssyncset.s32 @!p0 $0xFFFFF086;
	s6 =	sadd.s32 @!p0 s3, s7;
	s7 =	simm.s32 @!p0 $0x108  }
0x21: {  	s3 =	sadd.s32 s3, s9;
	s6 =	sadd.s32 @!p0 $0x88, s6;
	s7 =	simm.s32 @p2 $0x1082  }
0x22: {  	[simem:s7], [sflag:s8] =	dma.local @!p0 [hbm:s6], $0xF7A  }
0x23: {  	s9 =	sor.u32 $0xD0000000, s2;
	s6 =	simm.s32 $0x108;
	_ =	swait.ge @!p0 [sflag:s8], $0x0  }
0x24: {  	s3 =	sadd.s32 $0x88, s3;
	s6 =	simm.s32 @!p1 $0x1082;
	[sflag:s4] =	ssyncset.s32 $0xFFFFF086  }
0x25: {  	[simem:s6], [sflag:s4] =	dma.local [hbm:s3], $0xF7A  }
0x26: {  	[smem:$0x3F9E] =	sst s1;
	(tag) =	ssettag s2;
	_ =	strace s9  }
0x27: {  	s1 =	sld [smem:$0x3FAE]  }
0x28: {  	s2 =	sld [smem:$0x3FAF]  }
0x29: {  	s4 =	sld [smem:$0x3FB1]  }
0x2a: {  	p0 =	seq.s32 s5, $0x0;
	s5 =	sld [smem:$0x3FB2]  }
0x2b: {  	s6 =	sld [smem:$0x3FB3]  }
0x2c: {  	s7 =	sld [smem:$0x3FB4]  }
0x2d: {  	s3 =	simm.s32 $0x108;
	s8 =	sld [smem:$0x3FB5]  }
0x2e: {  	s3 =	simm.s32 @!p0 $0x1082;
	s9 =	sld [smem:$0x3FB6]  }
0x2f: {  	lr =	sadd.s32 s0, s3;
	s0 =	sld [smem:$0x3FAD]  }
0x30: {  	s3 =	sld [smem:$0x3FB0]  }
0x31: {  	[smem:$0x3FB9] =	sst s10  }
0x32: {  	s10 =	sld [smem:$0x3FB7];
	_ =	sdelay $0x3  }
0x33: {  	p0 =	seq.s32 s10, $0x1;
	s10 =	sld [smem:$0x3FB9];
	_ =	sdelay $0x3  }
0x34: {  	[smem:$0x3FB9] =	sst s10  }
0x35: {  	s10 =	sld [smem:$0x3FB8];
	_ =	sdelay $0x3  }
0x36: {  	p1 =	seq.s32 s10, $0x1;
	s10 =	sld [smem:$0x3FB9];
	_ =	sdelay $0x3  }
0x37: {  	[smem:$0x3FB9] =	sst s10  }
0x38: {  	s10 =	sld [smem:$0x3FBA]  }
0x39: {  	_ = 	snop;
	(pc) =	sbr.ind lr, $3  }
0x3a: {  	_ = 	snop  }
0x3b: {  	_ = 	snop  }
0x3c: {  	p2 =	seq.s32 s10, $0x1;
	s10 =	sld [smem:$0x3FB9]  }
0x3d: {  	_ =	shalt  }
0x3e: {  	_ =	shalt  }
0x3f: {  	_ =	shalt  }
0x40: {  	_ =	shalt  }
0x41: {  	_ =	shalt  }
0x42: {  	_ =	shalt  }
0x43: {  	_ =	shalt  }
0x44: {  	_ =	shalt  }
0x45: {  	_ =	shalt  }
0x46: {  	_ =	shalt  }
0x47: {  	_ =	shalt  }
0x48: {  	_ =	shalt  }
0x49: {  	_ =	shalt  }
0x4a: {  	_ =	shalt  }
0x4b: {  	_ =	shalt  }
0x4c: {  	_ =	shalt  }
0x4d: {  	_ =	shalt  }
0x4e: {  	_ =	shalt  }
0x4f: {  	_ =	shalt  }
0x50: {  	_ =	shalt  }
0x51: {  	_ =	shalt  }
0x52: {  	_ =	shalt  }
0x53: {  	_ =	shalt  }
0x54: {  	_ =	shalt  }
0x55: {  	_ =	shalt  }
0x56: {  	_ =	shalt  }
0x57: {  	_ =	shalt  }
0x58: {  	_ =	shalt  }
0x59: {  	_ =	shalt  }
0x5a: {  	_ =	shalt  }
0x5b: {  	_ =	shalt  }
0x5c: {  	_ =	shalt  }
0x5d: {  	_ =	shalt  }
0x5e: {  	_ =	shalt  }
0x5f: {  	_ =	shalt  }
0x60: {  	_ =	shalt  }
0x61: {  	_ =	shalt  }
0x62: {  	_ =	shalt  }
0x63: {  	_ =	shalt  }
0x64: {  	_ =	shalt  }
0x65: {  	_ =	shalt  }
0x66: {  	_ =	shalt  }
0x67: {  	_ =	shalt  }
0x68: {  	_ =	shalt  }
0x69: {  	_ =	shalt  }
0x6a: {  	_ =	shalt  }
0x6b: {  	_ =	shalt  }
0x6c: {  	_ =	shalt  }
0x6d: {  	_ =	shalt  }
0x6e: {  	_ =	shalt  }
0x6f: {  	_ =	shalt  }
0x70: {  	_ =	shalt  }
0x71: {  	_ =	shalt  }
0x72: {  	_ =	shalt  }
0x73: {  	_ =	shalt  }
0x74: {  	_ =	shalt  }
0x75: {  	_ =	shalt  }
0x76: {  	_ =	shalt  }
0x77: {  	_ =	shalt  }
0x78: {  	_ =	shalt  }
0x79: {  	_ =	shalt  }
0x7a: {  	_ =	shalt  }
0x7b: {  	_ =	shalt  }
0x7c: {  	_ =	shalt  }
0x7d: {  	_ =	shalt  }
0x7e: {  	_ =	shalt  }
0x7f: {  	_ =	shalt  }
0x80: {  	_ =	shalt  }
0x81: {  	_ =	shalt  }
0x82: {  	_ =	shalt  }
0x83: {  	_ =	shalt  }
0x84: {  	_ =	shalt  }
0x85: {  	_ =	shalt  }
0x86: {  	_ =	shalt  }
0x87: {  	_ =	shalt  }
.Lfunc_end0:
.L_simem_size_0:
called_computation_lowered:
.L_overlay_start_0:
0x88: {  	s2 =	sld [smem:$0x3FD9]  }
0x89: {  	s3 =	sld [smem:$0x3FFE];
	_ =	sdelay $0x1  }
0x8a: {  	s1 =	srdreg.scid  }
0x8b: {  	s0 =	sand.u32 $0x1, s1  }
0x8c: {  	s14 =	sshll.u32 s0, $0xA;
	s2 =	sadd.s32 s3, s2  }
0x8d: {  	s2 =	sadd.s32 s2, s14  }
0x8e: {  	[smem:$0x3FC5] =	sst s2  }
0x8f: {  	_ = 	snop  }
0x90: {  	s2 =	sld [smem:$0x3FD0];
	_ =	sdelay $0x2  }
0x91: {  	s15 =	simm.s32 $0xA;
	s4 =	simm.s32 $0x10  }
0x92: {  	[smem:s4], [sflag:s15] =	dma.local [hbm:s2], $0x1  }
0x93: {  	_ =	swait.eq [sflag:s15], $0x1  }
0x94: {  	[sflag:s15] =	ssyncset.done $0x0  }
0x95: {  	[sflag:s15] =	ssyncadd.s32 $0xFFFFFFFF  }
0x96: {  	s16 =	sld [smem:$0x11];
	(tm) =	ssettm $0x1  }
0x97: {  	s17 =	sld [smem:$0x3FFB];
	_ =	sdelay $0x3  }
0x98: {  	_ =	strace s17  }
0x99: {  	s3 =	sld [smem:$0x3FFC];
	_ =	sdelay $0x3  }
0x9a: {  	_ =	strace s3  }
0x9b: {  	s3 =	sld [smem:$0x3FFD];
	_ =	sdelay $0x3  }
0x9c: {  	_ =	strace s3  }
0x9d: {  	_ =	strace $0x8FFFFFFF  }
0x9e: {  	s18 =	sld [smem:$0x3FDB];
	_ =	sdelay $0x1  }
0x9f: {  	s19 =	simm.s32 $_scs_section_size  }
0xa0: {  	s5 =	simm.s32 $_size__tile_overlayer_lowered;
	s6 =	simm.s32 $_tile_overlayer_lowered  }
0xa1: {  	s22 =	simm.s32 $0x1BFF;
	s21 =	sshll.u32 s6, $0x1;
	s3 =	sadd.s32 s19, s18  }
0xa2: {  	s7 =	simm.s32 $0x0;
	s20 =	sshll.u32 s5, $0x1;
	s5 =	sadd.s32 s21, s3  }
0xa3: {  	[timem:s7], [sflag:s22] =	dma.local [hbm:s5], s20  }
0xa4: {  	_ =	swait.ge [sflag:s22], s20  }
0xa5: {  	s4 =	ssub.s32 $0x0, s20;
	[sflag:s22] =	ssyncset.done $0x0  }
0xa6: {  	[sflag:s22] =	ssyncadd.s32 s4;
	_ =	sdelay $0x1  }
0xa7: {  	s23 =	simm.s32 $0x1B8B  }
0xa8: {  	_ =	swait.ge [sflag:s23], $0x1  }
0xa9: {  	[sflag:s23] =	ssyncset.done $0x0  }
0xaa: {  	s25 =	simm.s32 $0x1B8E;
	s24 =	sld [smem:$0x3FFE];
	[sflag:s23] =	ssyncadd.s32 $0xFFFFFFFF  }
0xab: {  	s26 =	simm.s32 $execute0_lowered;
	[smem:$0x3FD2] =	sst s25  }
0xac: {  	s5 =	sshll.u32 s26, $0x1;
	_ =	strace $0x80000046;
	[dreg:$0x1] =	wrdreg $0xFFFFFFFF  }
0xad: {  	s28 =	simm.s32 $_size_execute0_lowered;
	s3 =	sadd.s32 s3, s5;
	[dreg:$0x0] =	wrdreg $0x0  }
0xae: {  	s5 =	sshll.u32 s28, $0x1;
	[dreg:$0x2] =	wrdreg s3  }
0xaf: {  	[dreg:$0x3] =	wrdreg s5  }
0xb0: {  	[dreg:$0x4] =	wrdreg $0xC0  }
0xb1: {  	_ =	task [dreg:s7], $0x5FFFF  }
0xb2: {  	[dreg:$0x1] =	wrdreg $0xFFFFFFFF  }
0xb3: {  	[dreg:$0x0] =	wrdreg $0x60  }
0xb4: {  	[dreg:$0x2] =	wrdreg s16  }
0xb5: {  	[dreg:$0x3] =	wrdreg s24  }
0xb6: {  	[dreg:$0x4] =	wrdreg $0x9  }
0xb7: {  	_ =	task.clear_ibuf [dreg:s7], $0x5FFFF;
	_ =	strace $0x90000046  }
0xb8: {  	s29 =	simm.s32 $0x9;
	_ =	strace $0x80000048  }
0xb9: {  	_ =	swait.ge [sflag:s29], $0x1  }
0xba: {  	[sflag:s29] =	ssyncadd.s32 $0xFFFFFFFF  }
0xbb: {  	_ =	strace $0x90000048  }
0xbc: {  	_ =	sfence  }
0xbd: {  	s30 =	sld [smem:$0x0];
	_ =	sdelay $0x2  }
0xbe: {  	s31 =	sshll.u32 s1, $0xD;
	s1 =	sshrl.u32 s1, $0x2  }
0xbf: {  	s3 =	sand.u32 $0x4000, s31;
	s1 =	sadd.s32 s1, s30  }
0xc0: {  	s0 =	sor.u32 s3, s0;
	s1 =	sshll.u32 s1, $0x11  }
0xc1: {  	s0 =	sor.u32 s1, s0  }
0xc2: {  	s0 =	sadd.s32 $0x8F2B, s0  }
0xc3: {  	[sflag:s0] =	ssyncadd.remote.s32 $0x1  }
0xc4: {  	_ =	sfence.sel $0xFFFF  }
0xc5: {  	[dreg:$0x0] =	wrdreg $0xFFFFFFFF;
	(pc) =	sbr.abs _section_cstart, $3  }
0xc6: {  	[dreg:$0x1] =	wrdreg $0xFFFFFFFF  }
0xc7: {  	_ =	task.clear_ibuf [dreg:s7], $0x2FFFF;
	_ =	strace $0x9FFFFFFF  }
0xc8: {  	(tm) =	ssettm $0x7FFFFFFF  }
0xc9: {  	_ =	shalt  }
tec
execute0_lowered:
.L_overlay_start_1:
0x0: {  	(tag) =	ssettag $0x1  }
0x1: {  	s3 =	rddreg [dreg:$0x0];
	s1 =	srdreg.scid  }
0x2: {  	s0 =	stileid.u32;
	s4 =	rddreg [dreg:$0x1];
	s11 =	simm.s32 $0x2200  }
0x3: {  	s12 =	simm.s32 $0x80;
	s13 =	simm.s32 $0x400;
	s14 =	simm.s32 $0x2400  }
0x4: {  	s15 =	simm.s32 $0x0;
	s7 =	sand.u32 $0x1, s1;
	s2 =	sshll.u32 s0, $0x1  }
0x5: {  	s1 =	rddreg [dreg:$0x2];
	s6 =	sshrl.u32 s0, $0x2;
	s30 =	sshll.u32 s0, $0xE  }
0x6: {  	s5 =	sor.u32 s7, s2;
	s2 =	simm.s32 $0x0;
	s9 =	sshll.u32 s6, $0xC  }
0x7: {  	s6 =	sshll.u32 s6, $0xA;
	s28 =	ssub.s32 $0x2, s7;
	s31 =	sshll.u32 s7, $0xD  }
0x8: {  	s8 =	sshll.u32 s5, $0x7;
	[smem:$0x7FF] =	sst s2;
	s10 =	sshrl.u32 s28, $0x1  }
0x9: {  	s29 =	sshll.u32 s5, $0xA;
	s8 =	sand.u32 $0x380, s8;
	_ =	strace $0x80000047  }
0xa: {  	s3 =	sadd.s32 s3, s29;
	s9 =	sor.u32 s9, s8;
	s6 =	sor.u32 s6, s8  }
0xb: {  	s8 =	ssub.s32 s28, s10;
	s10 =	simm.s32 $0x2000;
	s9 =	sshrl.u32 s9, $0x3  }
0xc: {  	s6 =	sshrl.u32 s6, $0x3;
	s7 =	smax.u32 s8, $0x1;
	s9 =	sadd.s32 s9, s4  }
0xd: {  	s8 =	sor.u32 s31, s30;
	s6 =	sadd.s32 s6, s4;
	s4 =	sadd.s32 $0x22400, s9  }
0xe: {  	v0 =	vimm.s32 $0x0;
	v1 =	vlaneseq.u32;
	s5 =	sadd.s32 $0x22C00, s9;
	s6 =	sadd.s32 $0x23400, s6;
	s9 =	simm.s32 $0x1  }
.LBB2_1:
0xf: {  	[tilespmem:s2], [sflag:$0x1] =	stream.linear.gather [hbm4b:s3+s2], $0x2000, $0x38;
	[tilespmem:$0x2480] =	vst v63  }
0x10: {  	_ =	swait.ge [sflag:s9], $0x2000  }
0x11: {  	[sflag:s9] =	ssyncset.done $0x0  }
0x12: {  	s16 =	simm.s32 $0x0;
	[sflag:s9] =	ssyncadd.s32 $0xFFFFE000  }
0x13: {  	v2 =	vld [tilespmem:s16+$0x0];
	_ =	sdelay $0x4  }
0x14: {  	vm0 =	vgt.s32 v2, $0x0  }
0x15: {  	v3 =	vsel vm0, $0x1, v0  }
0x16: {  	(xrf0) =	vadd.scan.msk.s32 $0xffff, v3;
	_ =	sdelay $0x5  }
0x17: {  	v3, _, _ =	vpop (xrf0)  }
0x18: {  	v3 =	vadd.s32 v3, v0  }
0x19: {  	v3 =	vadd.s32 $0xFFFFFFFF, v3  }
0x1a: {  	vm1 =	vlt.s32 v3, $0x200  }
0x1b: {  	vm0 =	vmand vm0, vm1;
	_ =	sdelay $0x5  }
0x1c: {  	v4 =	vmpcnt.ones.xlane vm0;
	[tilespmem:v3+s10+$0x0] =	vst.idx.msk vm0, v2;
	v2 =	vor.u32 s8, v1  }
0x1d: {  	s31 =	simm.s32 $0x10;
	[tilespmem:v3+s11+$0x0] =	vst.idx.msk vm0, v2  }
0x1e: {  	s17 =	simm.s32 $0x80;
	s16 =	smov.u32 s8;
	v2 =	vadd.s32 v0, v4;
	v3 =	vld [tilespmem:s31+$0x0]  }
.LBB2_2:
0x1f: {  	p0 =	sne.s32 s17, $0x7FC0;
	_ =	sdelay $0x3  }
0x20: {  	vm0 =	vgt.s32 v3, $0x0  }
0x21: {  	v4 =	vsel vm0, $0x1, v0  }
0x22: {  	(xrf0) =	vadd.scan.msk.s32 $0xffff, v4;
	_ =	sdelay $0x5  }
0x23: {  	v4, _, _ =	vpop (xrf0)  }
0x24: {  	v4 =	vadd.s32 v4, v2  }
0x25: {  	v4 =	vadd.s32 $0xFFFFFFFF, v4  }
0x26: {  	vm1 =	vlt.s32 v4, $0x200  }
0x27: {  	vm0 =	vmand vm0, vm1  }
0x28: {  	v5 =	vmpcnt.ones.xlane vm0;
	_ =	sdelay $0x1  }
0x29: {  	v2 =	vadd.s32 v2, v5  }
.Ltmp0:
0x2a: {  	(pc) =	sbr.rel @p0 .LBB2_2-.Ltmp0, $4  }
0x2b: {  	s16 =	sadd.s32 $0x10, s16  }
0x2c: {  	[tilespmem:v4+s10+$0x0] =	vst.idx.msk vm0, v3;
	v3 =	vor.u32 s16, v1  }
0x2d: {  	s18 =	sshra.s32 s17, $0x2;
	[tilespmem:v4+s11+$0x0] =	vst.idx.msk vm0, v3  }
0x2e: {  	s17 =	sadd.s32 $0x40, s17;
	v3 =	vld [tilespmem:s18+$0x0]  }
0x2f: {  	_ =	sdelay $0x3  }
0x30: {  	vm0 =	vgt.s32 v3, $0x0  }
0x31: {  	v4 =	vsel vm0, $0x1, v0  }
0x32: {  	(xrf0) =	vadd.scan.msk.s32 $0xffff, v4;
	_ =	sdelay $0x5  }
0x33: {  	v4, _, _ =	vpop (xrf0)  }
0x34: {  	v4 =	vadd.s32 v4, v2  }
0x35: {  	v4 =	vadd.s32 $0xFFFFFFFF, v4  }
0x36: {  	vm1 =	vlt.s32 v4, $0x200  }
0x37: {  	vm0 =	vmand vm0, vm1;
	_ =	sdelay $0x4  }
0x38: {  	s16 =	sadd.s32 $0x10, s16;
	v5 =	vmpcnt.ones.xlane vm0  }
0x39: {  	[tilespmem:v4+s10+$0x0] =	vst.idx.msk vm0, v3;
	v3 =	vor.u32 s16, v1  }
0x3a: {  	v2 =	vadd.s32 v2, v5;
	[tilespmem:v4+s11+$0x0] =	vst.idx.msk vm0, v3  }
0x3b: {  	[tilespmem:$0x2400] =	vst v2  }
0x3c: {  	[hbm4b:s4+s12] =	stream.strided.scatter [tilespmem:s10], [sflag:$0x1], $0x200, s13, s12, $0x38;
	[tilespmem:$0x2480] =	vst v63  }
0x3d: {  	_ =	swait.ge [sflag:s9], $0x200  }
0x3e: {  	[sflag:s9] =	ssyncset.done $0x0  }
0x3f: {  	[sflag:s9] =	ssyncadd.s32 $0xFFFFFE00  }
0x40: {  	[hbm4b:s5+s12] =	stream.strided.scatter [tilespmem:s11], [sflag:$0x1], $0x200, s13, s12, $0x38;
	[tilespmem:$0x2480] =	vst v63  }
0x41: {  	s15 =	sadd.s32 $0x1, s15;
	_ =	swait.ge [sflag:s9], $0x200  }
0x42: {  	p0 =	sne.s32 s15, s7;
	[sflag:s9] =	ssyncset.done $0x0  }
.Ltmp1:
0x43: {  	[sflag:s9] =	ssyncadd.s32 $0xFFFFFE00;
	(pc) =	sbr.rel @p0 .LBB2_1-.Ltmp1, $4  }
0x44: {  	[hbm4b:s6+s2] =	stream.linear.scatter [tilespmem:s14], [sflag:$0x1], $0x80, $0x38;
	[tilespmem:$0x2480] =	vst v63  }
0x45: {  	_ =	swait.ge [sflag:s9], $0x80  }
0x46: {  	[sflag:s9] =	ssyncset.done $0x0  }
0x47: {  	[sflag:s9] =	ssyncadd.s32 $0xFFFFFF80  }
0x48: {  	_ =	sfence.sel $0x180000  }
0x49: {  	[bflag:$0x0] =	sbarrier.arrive $0xFFFF  }
0x4a: {  	p0 =	sne.s32 s0, $0x0;
	_ =	strace $0x90000047  }
0x4b: {  	s0 =	sadd.s32 @!p0 $0x100000, s1;
	[bflag:$0x2] =	sbarrier.arrive $0xFFFF  }
0x4c: {  	[sflag:s0] =	ssyncadd.tile.s32 @!p0 $0x1;
	_ =	shalt  }
.Lfunc_end2:
_tile_overlayer_lowered:
.L_overlay_start_2:
0x4d: {  	(tag) =	ssettag $0x2  }
0x4e: {  	s0 =	rddreg [dreg:$0x0];
	s2 =	stileid.u32  }
0x4f: {  	s1 =	rddreg [dreg:$0x1];
	p0 =	sne.s32 s2, $0x0  }
0x50: {  	s3 =	rddreg [dreg:$0x2];
	[bflag:$0x3] =	sbarrier.arrive $0xFFFF;
	s2 =	simm.s32 @!p0 $0x1C01  }
0x51: {  	[timem:s3], [sflag:s2] =	dma.local @!p0 [hbm:s0], s1  }
0x52: {  	s0 =	simm.s32 @!p0 $0x1  }
0x53: {  	_ =	swait.ge @!p0 [sflag:s0], s1  }
0x54: {  	s1 =	ssub.s32 @!p0 $0x0, s1;
	[sflag:s0] =	ssyncset.done @!p0 $0x0  }
0x55: {  	[sflag:s0] =	ssyncadd.s32 @!p0 s1  }
0x56: {  	[bflag:$0x3] =	sbarrier.arrive $0xFFFF  }
0x57: {  	_ =	shalt  }

// kernel: kernel.9.cloned.1.call-start
scs
__scs_entry_jumppad:
0x0: {  	(pc) =	sbr.rel $0x88, $3  }
0x1: {  	(tag) =	ssettag $0x0;
	lr =	simm.s32 $0x1  }
0x2: {  	[smem:$0x3F9E] =	sst lr;
	_ =	strace $0xD0000000  }
0x3: {  	_ = 	snop  }
0x4: {  	_ = 	snop  }
0x5: {  	_ = 	snop  }
0x6: {  	_ = 	snop  }
0x7: {  	_ = 	snop  }
__scs_overlays_trampoline_lowered:
0x8: {  	[smem:$0x3FAD] =	sst s0  }
0x9: {  	[smem:$0x3FAE] =	sst s1  }
0xa: {  	[smem:$0x3FAF] =	sst s2  }
0xb: {  	[smem:$0x3FB0] =	sst s3  }
0xc: {  	[smem:$0x3FB1] =	sst s4  }
0xd: {  	[smem:$0x3FB2] =	sst s5  }
0xe: {  	[smem:$0x3FB3] =	sst s6  }
0xf: {  	[smem:$0x3FB4] =	sst s7  }
0x10: {  	[smem:$0x3FB5] =	sst s8  }
0x11: {  	[smem:$0x3FB6] =	sst s9;
	s0 =	simm.s32 @!p0 $0x0  }
0x12: {  	s1 =	sld [smem:$0x3F9C];
	s0 =	simm.s32 @p0 $0x1  }
0x13: {  	[smem:$0x3FB7] =	sst s0;
	s0 =	simm.s32 @!p1 $0x0  }
0x14: {  	s2 =	sld [smem:$0x3F9B];
	s0 =	simm.s32 @p1 $0x1  }
0x15: {  	[smem:$0x3FB8] =	sst s0;
	s0 =	simm.s32 @!p2 $0x0  }
0x16: {  	s3 =	sld [smem:$0x3FDB];
	s0 =	simm.s32 @p2 $0x1  }
0x17: {  	s4 =	simm.s32 $0x1BF5;
	[smem:$0x3FBA] =	sst s0  }
0x18: {  	s0 =	sld [smem:$0x3F9D];
	_ =	swait.ge [sflag:s4], $0x0  }
0x19: {  	s7 =	sld [smem:$0x3F9E]  }
0x1a: {  	s8 =	sadd.s32 $0xFFFFE003, lr  }
0x1b: {  	s9 =	sadd.s32 $0xFFFFFEF7, lr;
	s5 =	simm.s32 $0xFFFFFFFF;
	p2 =	slt.u32 s8, $0xFFFFF086  }
0x1c: {  	p1 =	slt.u32 s9, $0xF7A;
	s5 =	simm.s32 @!p2 $0x0  }
0x1d: {  	s5 =	simm.s32 @p1 $0x1;
	p0 =	seq.s32 s7, s2  }
0x1e: {  	s7 =	smul.u32 @!p0 $0xF7A, s2;
	p2 =	seq.s32 @!p0 s5, $0x0  }
0x1f: {  	s9 =	smul.u32 $0xF7A, s1;
	s8 =	simm.s32 @!p0 $0x1BF5;
	p2 =	por !p2, p0  }
0x20: {  	[sflag:s8] =	ssyncset.s32 @!p0 $0xFFFFF086;
	s6 =	sadd.s32 @!p0 s3, s7;
	s7 =	simm.s32 @!p0 $0x108  }
0x21: {  	s3 =	sadd.s32 s3, s9;
	s6 =	sadd.s32 @!p0 $0x88, s6;
	s7 =	simm.s32 @p2 $0x1082  }
0x22: {  	[simem:s7], [sflag:s8] =	dma.local @!p0 [hbm:s6], $0xF7A  }
0x23: {  	s9 =	sor.u32 $0xD0000000, s2;
	s6 =	simm.s32 $0x108;
	_ =	swait.ge @!p0 [sflag:s8], $0x0  }
0x24: {  	s3 =	sadd.s32 $0x88, s3;
	s6 =	simm.s32 @!p1 $0x1082;
	[sflag:s4] =	ssyncset.s32 $0xFFFFF086  }
0x25: {  	[simem:s6], [sflag:s4] =	dma.local [hbm:s3], $0xF7A  }
0x26: {  	[smem:$0x3F9E] =	sst s1;
	(tag) =	ssettag s2;
	_ =	strace s9  }
0x27: {  	s1 =	sld [smem:$0x3FAE]  }
0x28: {  	s2 =	sld [smem:$0x3FAF]  }
0x29: {  	s4 =	sld [smem:$0x3FB1]  }
0x2a: {  	p0 =	seq.s32 s5, $0x0;
	s5 =	sld [smem:$0x3FB2]  }
0x2b: {  	s6 =	sld [smem:$0x3FB3]  }
0x2c: {  	s7 =	sld [smem:$0x3FB4]  }
0x2d: {  	s3 =	simm.s32 $0x108;
	s8 =	sld [smem:$0x3FB5]  }
0x2e: {  	s3 =	simm.s32 @!p0 $0x1082;
	s9 =	sld [smem:$0x3FB6]  }
0x2f: {  	lr =	sadd.s32 s0, s3;
	s0 =	sld [smem:$0x3FAD]  }
0x30: {  	s3 =	sld [smem:$0x3FB0]  }
0x31: {  	[smem:$0x3FB9] =	sst s10  }
0x32: {  	s10 =	sld [smem:$0x3FB7];
	_ =	sdelay $0x3  }
0x33: {  	p0 =	seq.s32 s10, $0x1;
	s10 =	sld [smem:$0x3FB9];
	_ =	sdelay $0x3  }
0x34: {  	[smem:$0x3FB9] =	sst s10  }
0x35: {  	s10 =	sld [smem:$0x3FB8];
	_ =	sdelay $0x3  }
0x36: {  	p1 =	seq.s32 s10, $0x1;
	s10 =	sld [smem:$0x3FB9];
	_ =	sdelay $0x3  }
0x37: {  	[smem:$0x3FB9] =	sst s10  }
0x38: {  	s10 =	sld [smem:$0x3FBA]  }
0x39: {  	_ = 	snop;
	(pc) =	sbr.ind lr, $3  }
0x3a: {  	_ = 	snop  }
0x3b: {  	_ = 	snop  }
0x3c: {  	p2 =	seq.s32 s10, $0x1;
	s10 =	sld [smem:$0x3FB9]  }
0x3d: {  	_ =	shalt  }
0x3e: {  	_ =	shalt  }
0x3f: {  	_ =	shalt  }
0x40: {  	_ =	shalt  }
0x41: {  	_ =	shalt  }
0x42: {  	_ =	shalt  }
0x43: {  	_ =	shalt  }
0x44: {  	_ =	shalt  }
0x45: {  	_ =	shalt  }
0x46: {  	_ =	shalt  }
0x47: {  	_ =	shalt  }
0x48: {  	_ =	shalt  }
0x49: {  	_ =	shalt  }
0x4a: {  	_ =	shalt  }
0x4b: {  	_ =	shalt  }
0x4c: {  	_ =	shalt  }
0x4d: {  	_ =	shalt  }
0x4e: {  	_ =	shalt  }
0x4f: {  	_ =	shalt  }
0x50: {  	_ =	shalt  }
0x51: {  	_ =	shalt  }
0x52: {  	_ =	shalt  }
0x53: {  	_ =	shalt  }
0x54: {  	_ =	shalt  }
0x55: {  	_ =	shalt  }
0x56: {  	_ =	shalt  }
0x57: {  	_ =	shalt  }
0x58: {  	_ =	shalt  }
0x59: {  	_ =	shalt  }
0x5a: {  	_ =	shalt  }
0x5b: {  	_ =	shalt  }
0x5c: {  	_ =	shalt  }
0x5d: {  	_ =	shalt  }
0x5e: {  	_ =	shalt  }
0x5f: {  	_ =	shalt  }
0x60: {  	_ =	shalt  }
0x61: {  	_ =	shalt  }
0x62: {  	_ =	shalt  }
0x63: {  	_ =	shalt  }
0x64: {  	_ =	shalt  }
0x65: {  	_ =	shalt  }
0x66: {  	_ =	shalt  }
0x67: {  	_ =	shalt  }
0x68: {  	_ =	shalt  }
0x69: {  	_ =	shalt  }
0x6a: {  	_ =	shalt  }
0x6b: {  	_ =	shalt  }
0x6c: {  	_ =	shalt  }
0x6d: {  	_ =	shalt  }
0x6e: {  	_ =	shalt  }
0x6f: {  	_ =	shalt  }
0x70: {  	_ =	shalt  }
0x71: {  	_ =	shalt  }
0x72: {  	_ =	shalt  }
0x73: {  	_ =	shalt  }
0x74: {  	_ =	shalt  }
0x75: {  	_ =	shalt  }
0x76: {  	_ =	shalt  }
0x77: {  	_ =	shalt  }
0x78: {  	_ =	shalt  }
0x79: {  	_ =	shalt  }
0x7a: {  	_ =	shalt  }
0x7b: {  	_ =	shalt  }
0x7c: {  	_ =	shalt  }
0x7d: {  	_ =	shalt  }
0x7e: {  	_ =	shalt  }
0x7f: {  	_ =	shalt  }
0x80: {  	_ =	shalt  }
0x81: {  	_ =	shalt  }
0x82: {  	_ =	shalt  }
0x83: {  	_ =	shalt  }
0x84: {  	_ =	shalt  }
0x85: {  	_ =	shalt  }
0x86: {  	_ =	shalt  }
0x87: {  	_ =	shalt  }
.Lfunc_end0:
.L_simem_size_0:
called_computation.1_lowered:
.L_overlay_start_0:
0x88: {  	s2 =	sld [smem:$0x3FD9]  }
0x89: {  	s3 =	sld [smem:$0x3FFE];
	_ =	sdelay $0x1  }
0x8a: {  	s1 =	srdreg.scid  }
0x8b: {  	s0 =	sand.u32 $0x1, s1  }
0x8c: {  	s14 =	sshll.u32 s0, $0xA;
	s2 =	sadd.s32 s3, s2  }
0x8d: {  	s2 =	sadd.s32 s2, s14  }
0x8e: {  	[smem:$0x3FC5] =	sst s2  }
0x8f: {  	_ = 	snop  }
0x90: {  	s2 =	sld [smem:$0x3FD0];
	_ =	sdelay $0x2  }
0x91: {  	s15 =	simm.s32 $0xA;
	s4 =	simm.s32 $0x10  }
0x92: {  	[smem:s4], [sflag:s15] =	dma.local [hbm:s2], $0x1  }
0x93: {  	_ =	swait.eq [sflag:s15], $0x1  }
0x94: {  	[sflag:s15] =	ssyncset.done $0x0  }
0x95: {  	[sflag:s15] =	ssyncadd.s32 $0xFFFFFFFF  }
0x96: {  	s16 =	sld [smem:$0x10];
	(tm) =	ssettm $0x1  }
0x97: {  	s17 =	sld [smem:$0x3FFB];
	_ =	sdelay $0x3  }
0x98: {  	_ =	strace s17  }
0x99: {  	s3 =	sld [smem:$0x3FFC];
	_ =	sdelay $0x3  }
0x9a: {  	_ =	strace s3  }
0x9b: {  	s3 =	sld [smem:$0x3FFD];
	_ =	sdelay $0x3  }
0x9c: {  	_ =	strace s3  }
0x9d: {  	_ =	strace $0x8FFFFFFF  }
0x9e: {  	s18 =	sld [smem:$0x3FDB];
	_ =	sdelay $0x1  }
0x9f: {  	s19 =	simm.s32 $_scs_section_size  }
0xa0: {  	s5 =	simm.s32 $_size__tile_overlayer_lowered;
	s6 =	simm.s32 $_tile_overlayer_lowered  }
0xa1: {  	s22 =	simm.s32 $0x1BFF;
	s21 =	sshll.u32 s6, $0x1;
	s3 =	sadd.s32 s19, s18  }
0xa2: {  	s7 =	simm.s32 $0x0;
	s20 =	sshll.u32 s5, $0x1;
	s5 =	sadd.s32 s21, s3  }
0xa3: {  	[timem:s7], [sflag:s22] =	dma.local [hbm:s5], s20  }
0xa4: {  	_ =	swait.ge [sflag:s22], s20  }
0xa5: {  	s4 =	ssub.s32 $0x0, s20;
	[sflag:s22] =	ssyncset.done $0x0  }
0xa6: {  	[sflag:s22] =	ssyncadd.s32 s4;
	_ =	sdelay $0x1  }
0xa7: {  	s23 =	simm.s32 $0x1B8B  }
0xa8: {  	_ =	swait.ge [sflag:s23], $0x1  }
0xa9: {  	[sflag:s23] =	ssyncset.done $0x0  }
0xaa: {  	s25 =	simm.s32 $0x1B8E;
	s24 =	sld [smem:$0x3FFE];
	[sflag:s23] =	ssyncadd.s32 $0xFFFFFFFF  }
0xab: {  	s26 =	simm.s32 $execute0_lowered;
	[smem:$0x3FD2] =	sst s25  }
0xac: {  	s5 =	sshll.u32 s26, $0x1;
	_ =	strace $0x80000049;
	[dreg:$0x1] =	wrdreg $0xFFFFFFFF  }
0xad: {  	s28 =	simm.s32 $_size_execute0_lowered;
	s3 =	sadd.s32 s3, s5;
	[dreg:$0x0] =	wrdreg $0x0  }
0xae: {  	s5 =	sshll.u32 s28, $0x1;
	[dreg:$0x2] =	wrdreg s3  }
0xaf: {  	[dreg:$0x3] =	wrdreg s5  }
0xb0: {  	[dreg:$0x4] =	wrdreg $0xC0  }
0xb1: {  	_ =	task [dreg:s7], $0x5FFFF  }
0xb2: {  	[dreg:$0x1] =	wrdreg $0xFFFFFFFF  }
0xb3: {  	[dreg:$0x0] =	wrdreg $0x60  }
0xb4: {  	[dreg:$0x2] =	wrdreg s24  }
0xb5: {  	[dreg:$0x3] =	wrdreg s16  }
0xb6: {  	[dreg:$0x4] =	wrdreg $0x9  }
0xb7: {  	_ =	task.clear_ibuf [dreg:s7], $0x5FFFF;
	_ =	strace $0x90000049  }
0xb8: {  	s29 =	simm.s32 $0x9;
	_ =	strace $0x8000004B  }
0xb9: {  	_ =	swait.ge [sflag:s29], $0x1  }
0xba: {  	[sflag:s29] =	ssyncadd.s32 $0xFFFFFFFF  }
0xbb: {  	_ =	strace $0x9000004B  }
0xbc: {  	_ =	sfence  }
0xbd: {  	s30 =	sld [smem:$0x0];
	_ =	sdelay $0x2  }
0xbe: {  	s31 =	sshll.u32 s1, $0xD;
	s1 =	sshrl.u32 s1, $0x2  }
0xbf: {  	s3 =	sand.u32 $0x4000, s31;
	s1 =	sadd.s32 s1, s30  }
0xc0: {  	s0 =	sor.u32 s3, s0;
	s1 =	sshll.u32 s1, $0x11  }
0xc1: {  	s0 =	sor.u32 s1, s0  }
0xc2: {  	s0 =	sadd.s32 $0x8F2B, s0  }
0xc3: {  	[sflag:s0] =	ssyncadd.remote.s32 $0x1  }
0xc4: {  	_ =	sfence.sel $0xFFFF  }
0xc5: {  	[dreg:$0x0] =	wrdreg $0xFFFFFFFF;
	(pc) =	sbr.abs _section_cstart, $3  }
0xc6: {  	[dreg:$0x1] =	wrdreg $0xFFFFFFFF  }
0xc7: {  	_ =	task.clear_ibuf [dreg:s7], $0x2FFFF;
	_ =	strace $0x9FFFFFFF  }
0xc8: {  	(tm) =	ssettm $0x7FFFFFFF  }
0xc9: {  	_ =	shalt  }
tec
execute0_lowered:
.L_overlay_start_1:
0x0: {  	(tag) =	ssettag $0x1  }
0x1: {  	s0 =	rddreg [dreg:$0x0]  }
0x2: {  	s1 =	rddreg [dreg:$0x1]  }
0x3: {  	s2 =	simm.s32 $0x0;
	s25 =	srdreg.scid;
	s4 =	stileid.u32  }
0x4: {  	s12 =	simm.s32 $0x2;
	s15 =	simm.s32 $0x1;
	s16 =	simm.s32 $0x9000  }
0x5: {  	s17 =	simm.s32 $0xD000;
	s18 =	simm.s32 $0x400000;
	s19 =	simm.s32 $0x11000  }
0x6: {  	s20 =	simm.s32 $0x15000;
	s21 =	simm.s32 $0x19000;
	s22 =	simm.s32 $0x19200  }
0x7: {  	s23 =	simm.s32 $0x19400;
	s28 =	simm.s32 $0x19D80;
	s29 =	simm.s32 $0x0  }
0x8: {  	[smem:$0x7FF] =	sst s2;
	s24 =	sadd.s32 $0x22400, s0;
	s3 =	sadd.s32 $0x22C00, s0  }
0x9: {  	s2 =	sand.u32 $0x1, s25;
	s26 =	sadd.s32 $0x23400, s0;
	s4 =	sshll.u32 s4, $0x1  }
0xa: {  	s7 =	sadd.s32 $0x12400, s0;
	s9 =	sadd.s32 $0x2400, s0;
	_ =	strace $0x8000004A  }
.Ltmp0:
0xb: {  	v0 =	vlaneseq.u32;
	v2 =	vimm.s32 $0x0;
	[dreg:$0x3] =	wrdreg s24;
	s30 =	ssub.s32 $0x2, s2;
	(pc) =	sbr.rel .LBB2_1-.Ltmp0, $4  }
0xc: {  	vm0 =	vmxor vm0, vm0;
	vm1 =	vmmov $0x1;
	v1 =	vmul.u32 $0x80, v0;
	[dreg:$0x4] =	wrdreg s3;
	s8 =	sor.u32 s2, s4;
	s5 =	sshrl.u32 s30, $0x1  }
0xd: {  	v3 =	vimm.f32 $0.0e+00;
	vm2 =	vmmov $0xffff;
	v10 =	vimm.f32 $1.000000000e+00;
	[dreg:$0x5] =	wrdreg s26;
	s2 =	sxor.u32 $0x1F, s8;
	s31 =	ssub.s32 s30, s5  }
0xe: {  	s25 =	simm.s32 $0x19C80;
	v4 =	vor.u32 $0x1, v1;
	v5 =	vor.u32 $0x2, v1;
	v6 =	vor.u32 $0x3, v1;
	[dreg:$0x6] =	wrdreg s2;
	s0 =	smax.u32 s31, $0x1  }
0xf: {  	s24 =	simm.s32 $0x19C00;
	s26 =	simm.s32 $0x19D00;
	v7 =	vor.u32 $0x4, v1;
	v8 =	vor.u32 $0x5, v1;
	v9 =	vor.u32 $0x6, v1;
	[dreg:$0x7] =	wrdreg s0  }
.LBB2_44:
0x10: {  	s29 =	sadd.s32 $0x1, s29;
	s0 =	rddreg [dreg:$0x7]  }
0x11: {  	p0 =	sne.s32 s29, s0  }
.Ltmp1:
0x12: {  	_ = 	snop;
	(pc) =	sbr.rel @!p0 .LBB2_45-.Ltmp1, $1  }
0x13: {  	_ =	sdelay $0x3  }
.LBB2_1:
0x14: {  	s0 =	simm.s32 $0x0;
	s2 =	rddreg [dreg:$0x3]  }
0x15: {  	[tilespmem:s0], [sflag:$0x2] =	stream.linear.gather [hbm4b:s2+s0], $0x4000, $0x38;
	[tilespmem:$0x19E00] =	vst v63  }
0x16: {  	_ =	swait.ge [sflag:s12], $0x4000  }
0x17: {  	[sflag:s12] =	ssyncset.done $0x0  }
0x18: {  	s3 =	simm.s32 $0x4000;
	s14 =	rddreg [dreg:$0x4];
	[sflag:s12] =	ssyncadd.s32 $0xFFFFC000  }
0x19: {  	[tilespmem:s3], [sflag:$0x2] =	stream.linear.gather [hbm4b:s14+s0], $0x4000, $0x38;
	[tilespmem:$0x19E00] =	vst v63  }
0x1a: {  	_ =	swait.ge [sflag:s12], $0x4000  }
0x1b: {  	s31 =	simm.s32 $0x8000;
	[sflag:s12] =	ssyncset.done $0x0  }
.Ltmp2:
0x1c: {  	s30 =	rddreg [dreg:$0x5];
	[sflag:s12] =	ssyncadd.s32 $0xFFFFC000;
	(pc) =	sbr.rel .LBB2_2-.Ltmp2, $4  }
0x1d: {  	[tilespmem:s31], [sflag:$0x2] =	stream.linear.gather [hbm4b:s30+s0], $0x1000, $0x38;
	[tilespmem:$0x19E00] =	vst v63  }
0x1e: {  	_ =	swait.ge [sflag:s12], $0x1000  }
0x1f: {  	[sflag:s12] =	ssyncset.done $0x0  }
0x20: {  	v11 =	vimm.s32 $0x0;
	s0 =	simm.s32 $0x0;
	[sflag:s12] =	ssyncadd.s32 $0xFFFFF000  }
.LBB2_4:
0x21: {  	v16 =	vmov v11;
	s13 =	simm.s32 $0x0;
	s14 =	simm.s32 $0x0  }
.LBB2_11:
0x22: {  	_ =	sdelay $0x3  }
0x23: {  	v12 =	vadd.s32 @p1 v16, v17  }
0x24: {  	s2 =	sand.u32 @p0 $0x70, s2;
	s5 =	sadd.s32 @p0 s3, s30;
	v16, _, _ =	vpop @p0 (xrf0);
	[tilespmem:v13+s16+$0x0] =	vst.idx.msk @p1 vm5, v14;
	v12 =	vpsel p1, v12, v11  }
0x25: {  	v61 =	vsel vm3, $0x1, v2;
	vm4 =	vmmov @p0 vm4;
	s2 =	sor.u32 @p0 s2, s5;
	[tilespmem:v13+s17+$0x0] =	vst.idx.msk @p1 vm5, v15;
	v16 =	vadd.s32 @p0 v16, v12  }
0x26: {  	(xrf0) =	vadd.scan.msk.s32 $0xffff, v61;
	vm5 =	vmmov @p0 vm4;
	v13 =	vld @p0 [tilespmem:s2+$0x0];
	v14 =	vadd.s32 @p0 $0xFFFFFFFF, v16  }
0x27: {  	v15 =	vld @p0 [tilespmem:s2+$0x4000];
	v14 =	vpsel p0, v14, v0  }
0x28: {  	v16 =	vmpcnt.ones.xlane @p0 vm4  }
0x29: {  	s2 =	sadd.s32 @p0 $0x80, s14  }
0x2a: {  	s4 =	smov.u32 @p0 s2;
	v16 =	vpsel p0, v16, v0  }
0x2b: {  	s2 =	sand.u32 $0xFFFFFC00, s4;
	v12 =	vadd.s32 @p0 v12, v16;
	v13 =	vpsel p0, v13, v0  }
0x2c: {  	vm3 =	vmmov vm3;
	s31 =	sand.u32 $0x70, s13;
	s2 =	sadd.s32 s3, s2;
	v15 =	vpsel p0, v15, v0;
	v62, _, _ =	vpop (xrf0);
	v11 =	vpsel p0, v12, v11;
	[tilespmem:v14+s16+$0x0] =	vst.idx.msk @p0 vm5, v13  }
0x2d: {  	vm3 =	vmmov vm3;
	s2 =	sor.u32 s31, s2;
	v12 =	vadd.s32 v62, v11;
	[tilespmem:v14+s17+$0x0] =	vst.idx.msk @p0 vm5, v15  }
0x2e: {  	v12 =	vadd.s32 $0xFFFFFFFF, v12;
	v13 =	vld [tilespmem:s2+$0x0]  }
0x2f: {  	v14 =	vld [tilespmem:s2+$0x4000];
	_ =	sdelay $0x2  }
0x30: {  	v63 =	vmpcnt.ones.xlane vm3  }
0x31: {  	[tilespmem:v12+s16+$0x0] =	vst.idx.msk vm3, v13  }
0x32: {  	v11 =	vadd.s32 v11, v63;
	[tilespmem:v12+s17+$0x0] =	vst.idx.msk vm3, v14  }
.LBB2_12:
0x33: {  	s0 =	sadd.s32 $0x1, s0  }
0x34: {  	p0 =	sne.s32 s0, $0x20  }
.Ltmp3:
0x35: {  	_ = 	snop;
	(pc) =	sbr.rel @!p0 .LBB2_13-.Ltmp3, $1  }
0x36: {  	_ =	sdelay $0x3  }
.LBB2_2:
0x37: {  	s2 =	sshll.u32 s0, $0x9  }
0x38: {  	s3 =	sshrl.u32 s2, $0x2  }
0x39: {  	v12 =	vld [tilespmem:s3+$0x8000];
	_ =	sdelay $0x4  }
0x3a: {  	(v2sf) =	vpush v12, $0x0;
	_ =	sdelay $0xe  }
0x3b: {  	s30 =	spop (v2sf)  }
0x3c: {  	s3 =	sadd.s32 $0xF, s30  }
0x3d: {  	s4 =	sand.u32 $0xF, s3  }
0x3e: {  	s31 =	sshra.s32 s3, $0x1F;
	p1 =	slt.s32 s3, $0x1;
	p0 =	sne.s32 s4, $0x0  }
0x3f: {  	s4 =	sshrl.u32 s31, $0x1C;
	p0 =	por !p1, !p0  }
0x40: {  	s3 =	sadd.s32 s4, s3;
	s4 =	simm.s32 $0x1;
	p0 =	por !p0, !p0  }
0x41: {  	s3 =	sshra.s32 s3, $0x4;
	s4 =	simm.s32 @!p0 $0x0  }
0x42: {  	s5 =	ssub.s32 s3, s4  }
0x43: {  	p0 =	slt.s32 s5, $0x1  }
.Ltmp4:
0x44: {  	_ = 	snop;
	(pc) =	sbr.rel @p0 .LBB2_12-.Ltmp4, $1  }
0x45: {  	_ =	sdelay $0x3  }
0x46: {  	p2 =	sne.s32 s5, $0x1  }
.Ltmp5:
0x47: {  	_ = 	snop;
	(pc) =	sbr.rel @!p2 .LBB2_4-.Ltmp5, $4  }
0x48: {  	_ = 	snop  }
0x49: {  	s3 =	sshll.u32 s0, $0x7;
	v12 =	vbroadcast v12, $0x0;
	s4 =	simm.s32 $0x0  }
0x4a: {  	s2 =	sand.u32 $0x3000, s2;
	p0 =	por $0x0, $0x0;
	s3 =	sand.u32 $0x380, s3;
	v13 =	vor.u32 s4, v0  }
0x4b: {  	p1 =	por $0x0, $0x0;
	s3 =	sor.u32 s3, s2;
	vm3 =	vlt.s32 v13, v12;
	s2 =	sadd.s32 $0xFFFFFFFF, s5  }
0x4c: {  	p2 =	sne.s32 s2, $0x1  }
.Ltmp6:
0x4d: {  	_ = 	snop;
	(pc) =	sbr.rel @!p2 .LBB2_6-.Ltmp6, $4  }
0x4e: {  	_ = 	snop  }
0x4f: {  	s13 =	simm.s32 $0x10  }
0x50: {  	v13 =	vsel vm3, $0x1, v2;
	v14 =	vor.u32 s13, v0  }
0x51: {  	vm4 =	vmmov vm3;
	s2 =	sadd.s32 $0xFFFFFFFF, s2;
	s30 =	sand.u32 $0xFFFFFC00, s4;
	p0 =	por $0x1, $0x1;
	(xrf0) =	vadd.scan.msk.s32 $0xffff, v13;
	vm3 =	vlt.s32 v14, v12  }
0x52: {  	_ =	sdelay $0x4  }
0x53: {  	s5 =	sand.u32 $0x70, s4;
	s6 =	sadd.s32 s3, s30;
	v13 =	vsel vm3, $0x1, v2;
	v14, _, _ =	vpop (xrf0)  }
0x54: {  	vm5 =	vmmov vm4;
	p2 =	sne.s32 s2, $0x1;
	s6 =	sor.u32 s5, s6;
	(xrf0) =	vadd.scan.msk.s32 $0xffff, v13;
	v15 =	vadd.s32 v14, v11  }
.Ltmp7:
0x55: {  	s5 =	simm.s32 $0x20;
	v14 =	vld [tilespmem:s6+$0x0];
	v13 =	vadd.s32 $0xFFFFFFFF, v15;
	(pc) =	sbr.rel @!p2 .LBB2_8-.Ltmp7, $3  }
0x56: {  	v16 =	vor.u32 s5, v0;
	v15 =	vld [tilespmem:s6+$0x4000];
	_ =	sdelay $0x1  }
0x57: {  	s14 =	simm.s32 $0x80;
	v17 =	vmpcnt.ones.xlane vm5  }
0x58: {  	vm4 =	vmmov vm3;
	s31 =	sadd.s32 $0xFFFFFFFF, s2;
	p1 =	por $0x1, $0x1;
	s30 =	sand.u32 $0xFFFFFC00, s14;
	vm3 =	vlt.s32 v16, v12;
	v16 =	vmov v11  }
.LBB2_9:
0x59: {  	p2 =	sne.s32 s31, $0x1;
	v18 =	vsel vm3, $0x1, v2;
	s2 =	sand.u32 $0x70, s13;
	s6 =	sadd.s32 s3, s30;
	v19, _, _ =	vpop (xrf0);
	[tilespmem:v13+s16+$0x0] =	vst.idx.msk vm5, v14;
	v16 =	vadd.s32 v16, v17  }
0x5a: {  	s13 =	smov.u32 s5;
	(xrf0) =	vadd.scan.msk.s32 $0xffff, v18;
	s2 =	sor.u32 s2, s6;
	v17 =	vadd.s32 v19, v16;
	[tilespmem:v13+s17+$0x0] =	vst.idx.msk vm5, v15;
	vm5 =	vmmov vm4  }
.Ltmp8:
0x5b: {  	vm4 =	vmmov vm3;
	v14 =	vld [tilespmem:s2+$0x0];
	v13 =	vadd.s32 $0xFFFFFFFF, v17;
	(pc) =	sbr.rel @p2 .LBB2_9-.Ltmp8, $4  }
0x5c: {  	v15 =	vld [tilespmem:s2+$0x4000]  }
0x5d: {  	s5 =	sadd.s32 $0x10, s5  }
0x5e: {  	s14 =	sadd.s32 $0x80, s14;
	v18 =	vor.u32 s5, v0;
	v17 =	vmpcnt.ones.xlane vm5  }
0x5f: {  	s31 =	sadd.s32 $0xFFFFFFFF, s31;
	s30 =	sand.u32 $0xFFFFFC00, s14;
	vm3 =	vlt.s32 v18, v12  }
.Ltmp9:
0x60: {  	(pc) =	sbr.rel .LBB2_11-.Ltmp9, $2  }
0x61: {  	_ =	sdelay $0x2  }
0x62: {  	s2 =	smov.u32 s13;
	s13 =	smov.u32 s5  }
.LBB2_6:
.Ltmp10:
0x63: {  	(pc) =	sbr.rel .LBB2_11-.Ltmp10, $2  }
0x64: {  	_ =	sdelay $0x2  }
0x65: {  	s2 =	simm.s32 $0x0;
	v16 =	vmov v11;
	s14 =	simm.s32 $0x0  }
.LBB2_8:
.Ltmp11:
0x66: {  	(pc) =	sbr.rel .LBB2_11-.Ltmp11, $2  }
0x67: {  	_ =	sdelay $0x2  }
0x68: {  	s2 =	simm.s32 $0x10;
	v16 =	vmov v11;
	s13 =	simm.s32 $0x20  }
.LBB2_13:
0x69: {  	(v2sf) =	vpush v11, $0x0;
	_ =	sdelay $0xe  }
0x6a: {  	s30 =	spop (v2sf)  }
0x6b: {  	s0 =	sadd.s32 $0xF, s30  }
0x6c: {  	s2 =	sand.u32 $0xF, s0  }
0x6d: {  	s3 =	sshra.s32 s0, $0x1F;
	p0 =	slt.s32 s0, $0x1;
	p1 =	sne.s32 s2, $0x0  }
0x6e: {  	s31 =	sshrl.u32 s3, $0x1C;
	p0 =	por !p0, !p1  }
0x6f: {  	s2 =	simm.s32 $0x1;
	s0 =	sadd.s32 s31, s0;
	p0 =	por !p0, !p0  }
0x70: {  	s0 =	sshra.s32 s0, $0x4;
	s2 =	simm.s32 @!p0 $0x0  }
0x71: {  	v11 =	vbroadcast v11, $0x0;
	s13 =	ssub.s32 s0, s2  }
0x72: {  	s3 =	simm.s32 $0x0;
	s0 =	simm.s32 $0x0;
	p0 =	slt.s32 s13, $0x1  }
.LBB2_14:
.Ltmp12:
0x73: {  	(pc) =	sbr.rel @!p0 .LBB2_15-.Ltmp12, $1  }
0x74: {  	_ =	sdelay $0x3  }
0x75: {  	s3 =	sadd.s32 $0x1, s3  }
0x76: {  	p1 =	seq.s32 s3, $0x6  }
.Ltmp13:
0x77: {  	_ = 	snop;
	(pc) =	sbr.rel @!p1 .LBB2_14-.Ltmp13, $4  }
.Ltmp14:
0x78: {  	_ = 	snop;
	(pc) =	sbr.rel @p1 .LBB2_21-.Ltmp14, $4  }
0x79: {  	_ = 	snop  }
0x7a: {  	_ = 	snop  }
0x7b: {  	_ = 	snop  }
0x7c: {  	_ = 	snop  }
.LBB2_15:
0x7d: {  	s2 =	simm.s32 $0x9000  }
0x7e: {  	p1 =	sne.s32 s13, $0x1;
	v14 =	vld [tilespmem:s2+$0x0]  }
.Ltmp15:
0x7f: {  	_ = 	snop;
	(pc) =	sbr.rel @!p1 .LBB2_17-.Ltmp15, $4  }
0x80: {  	_ = 	snop  }
0x81: {  	s31 =	sshrl.u32 s18, s3  }
0x82: {  	v13 =	vimm.s32 $0x0;
	s4 =	sor.u32 s31, s0;
	s2 =	simm.s32 $0x0  }
0x83: {  	s5 =	sadd.s32 $0xFFFFFFFF, s13;
	s6 =	simm.s32 $0x9010;
	v12 =	vmov s4;
	v15 =	vor.u32 s2, v0;
	v14 =	vand.u32 $0x7FFFFF, v14  }
.LBB2_16:
0x84: {  	v16 =	vld [tilespmem:s6+$0x0];
	p2 =	sne.s32 s5, $0x1;
	s5 =	sadd.s32 $0xFFFFFFFF, s5;
	vm3 =	vlt.s32 v15, v11;
	vm4 =	vge.s32 v14, v12  }
.Ltmp16:
0x85: {  	vm3 =	vmand vm3, vm4;
	(pc) =	sbr.rel @p2 .LBB2_16-.Ltmp16, $3  }
0x86: {  	v14 =	vmpcnt.ones.xlane vm3;
	_ =	sdelay $0x1  }
0x87: {  	s2 =	sadd.s32 $0x10, s2;
	v13 =	vadd.s32 v13, v14  }
0x88: {  	s6 =	sadd.s32 $0x10, s6;
	v15 =	vor.u32 s2, v0;
	v14 =	vand.u32 $0x7FFFFF, v16  }
.LBB2_17:
0x89: {  	vm3 =	vlt.s32 v15, v11;
	vm4 =	vge.s32 v14, v12  }
0x8a: {  	vm3 =	vmand vm3, vm4  }
0x8b: {  	v63 =	vmpcnt.ones.xlane vm3;
	_ =	sdelay $0x1  }
0x8c: {  	v12 =	vadd.s32 v13, v63  }
0x8d: {  	(v2sf) =	vpush v12, $0x0;
	_ =	sdelay $0xb  }
0x8e: {  	p3 =	seq.s32 s3, $0x5  }
.Ltmp17:
0x8f: {  	_ = 	snop;
	(pc) =	sbr.rel @!p3 .LBB2_14-.Ltmp17, $4  }
0x90: {  	_ = 	snop  }
0x91: {  	s2 =	spop (v2sf)  }
0x92: {  	p2 =	sgt.s32 s2, $0xFF  }
0x93: {  	s3 =	sadd.s32 $0x1, s3;
	s0 =	smov.u32 @p2 s4  }
.Ltmp18:
0x94: {  	(pc) =	sbr.rel @!p1 .LBB2_19-.Ltmp18, $3  }
0x95: {  	_ =	sdelay $0x1  }
0x96: {  	s2 =	simm.s32 $0x9000;
	s3 =	simm.s32 $0xD000  }
0x97: {  	v12 =	vmov s0;
	v16 =	vimm.s32 $0x0;
	s4 =	simm.s32 $0x0;
	p0 =	por $0x0, $0x0;
	v13 =	vld [tilespmem:s2+$0x0];
	s2 =	sadd.s32 $0xFFFFFFFF, s13  }
0x98: {  	_ =	sdelay $0x3  }
0x99: {  	v14 =	vor.u32 s4, v0;
	v15 =	vand.u32 $0x7FFFFF, v13  }
0x9a: {  	vm3 =	vlt.s32 v14, v11;
	vm4 =	vge.s32 v15, v12  }
0x9b: {  	vm3 =	vmand vm3, vm4  }
0x9c: {  	v14 =	vsel vm3, $0x1, v2  }
0x9d: {  	(xrf0) =	vadd.scan.msk.s32 $0xffff, v14;
	_ =	sdelay $0x5  }
0x9e: {  	v14, _, _ =	vpop (xrf0)  }
0x9f: {  	v14 =	vadd.s32 v14, v16  }
0xa0: {  	v14 =	vadd.s32 $0xFFFFFFFF, v14  }
0xa1: {  	v17 =	vld [tilespmem:s3+$0x0];
	_ =	sdelay $0x1  }
0xa2: {  	p1 =	sne.s32 s2, $0x1  }
.Ltmp19:
0xa3: {  	_ = 	snop;
	(pc) =	sbr.rel @!p1 .LBB2_23-.Ltmp19, $4  }
0xa4: {  	v15 =	vmpcnt.ones.xlane vm3;
	[tilespmem:v14+s19+$0x0] =	vst.idx.msk vm3, v13  }
0xa5: {  	s14 =	simm.s32 $0x9010;
	[tilespmem:v14+s20+$0x0] =	vst.idx.msk vm3, v17  }
0xa6: {  	s31 =	sadd.s32 $0xFFFFFFFF, s2;
	v15 =	vadd.s32 v16, v15;
	v13 =	vld [tilespmem:s14+$0x0]  }
0xa7: {  	p0 =	por $0x1, $0x1;
	s13 =	simm.s32 $0x0;
	s5 =	simm.s32 $0xD000;
	v14 =	vmov v15  }
.LBB2_24:
0xa8: {  	p1 =	sne.s32 s31, $0x1;
	_ =	sdelay $0x1  }
0xa9: {  	s13 =	sadd.s32 $0x10, s13  }
0xaa: {  	v16 =	vor.u32 s13, v0;
	v17 =	vand.u32 $0x7FFFFF, v13  }
0xab: {  	vm3 =	vlt.s32 v16, v11;
	vm4 =	vge.s32 v17, v12  }
0xac: {  	vm3 =	vmand vm3, vm4  }
0xad: {  	v16 =	vsel vm3, $0x1, v2;
	v17 =	vmpcnt.ones.xlane vm3  }
0xae: {  	(xrf0) =	vadd.scan.msk.s32 $0xffff, v16  }
0xaf: {  	v15 =	vadd.s32 v15, v17;
	_ =	sdelay $0x4  }
0xb0: {  	v16, _, _ =	vpop (xrf0)  }
0xb1: {  	v16 =	vadd.s32 v16, v14;
	v14 =	vmov v15  }
0xb2: {  	s5 =	sadd.s32 $0x10, s5;
	v16 =	vadd.s32 $0xFFFFFFFF, v16  }
0xb3: {  	v17 =	vld [tilespmem:s5+$0x0];
	_ =	sdelay $0x2  }
.Ltmp20:
0xb4: {  	(pc) =	sbr.rel @p1 .LBB2_24-.Ltmp20, $4  }
0xb5: {  	[tilespmem:v16+s19+$0x0] =	vst.idx.msk vm3, v13  }
0xb6: {  	s14 =	sadd.s32 $0x10, s14;
	[tilespmem:v16+s20+$0x0] =	vst.idx.msk vm3, v17  }
0xb7: {  	v13 =	vld [tilespmem:s14+$0x0]  }
0xb8: {  	s31 =	sadd.s32 $0xFFFFFFFF, s31  }
0xb9: {  	v16 =	vmov v15  }
.LBB2_26:
0xba: {  	s2 =	sadd.s32 @p0 $0x10, s13  }
0xbb: {  	s4 =	smov.u32 @p0 s2  }
0xbc: {  	v15 =	vor.u32 s4, v0;
	v17 =	vand.u32 $0x7FFFFF, v13  }
0xbd: {  	vm3 =	vlt.s32 v15, v11;
	vm4 =	vge.s32 v17, v12  }
0xbe: {  	vm3 =	vmand vm3, vm4  }
0xbf: {  	v11 =	vsel vm3, $0x1, v2  }
0xc0: {  	(xrf0) =	vadd.scan.msk.s32 $0xffff, v11;
	_ =	sdelay $0x5  }
0xc1: {  	v11, _, _ =	vpop (xrf0)  }
0xc2: {  	s2 =	sadd.s32 @p0 $0x10, s5;
	v11 =	vadd.s32 v11, v14  }
0xc3: {  	s3 =	smov.u32 @p0 s2;
	v62 =	vadd.s32 $0xFFFFFFFF, v11  }
0xc4: {  	v63 =	vld [tilespmem:s3+$0x0]  }
.Ltmp21:
0xc5: {  	_ = 	snop;
	(pc) =	sbr.rel .LBB2_27-.Ltmp21, $4  }
0xc6: {  	_ = 	snop  }
0xc7: {  	v11 =	vmpcnt.ones.xlane vm3  }
0xc8: {  	[tilespmem:v62+s19+$0x0] =	vst.idx.msk vm3, v13  }
0xc9: {  	v11 =	vadd.s32 v16, v11;
	[tilespmem:v62+s20+$0x0] =	vst.idx.msk vm3, v63  }
.LBB2_21:
0xca: {  	v11 =	vimm.s32 $0x0  }
.LBB2_27:
0xcb: {  	(v2sf) =	vpush v11, $0x0;
	_ =	sdelay $0xe  }
0xcc: {  	s3 =	spop (v2sf)  }
0xcd: {  	s2 =	sadd.s32 $0xF, s3  }
0xce: {  	s4 =	sand.u32 $0xF, s2  }
0xcf: {  	s31 =	sshra.s32 s2, $0x1F;
	p1 =	slt.s32 s2, $0x1;
	p0 =	sne.s32 s4, $0x0  }
.Ltmp22:
0xd0: {  	s4 =	sshrl.u32 s31, $0x1C;
	p0 =	por !p1, !p0;
	(pc) =	sbr.rel .LBB2_28-.Ltmp22, $4  }
0xd1: {  	s2 =	sadd.s32 s4, s2;
	s4 =	simm.s32 $0x1;
	p0 =	por !p0, !p0  }
0xd2: {  	s2 =	sshra.s32 s2, $0x4;
	s4 =	simm.s32 @!p0 $0x0  }
0xd3: {  	v11 =	vbroadcast v11, $0x0;
	s13 =	ssub.s32 s2, s4  }
0xd4: {  	s4 =	simm.s32 $0x6;
	p0 =	slt.s32 s13, $0x1  }
.LBB2_29:
0xd5: {  	v12 =	vimm.s32 $0x0  }
.LBB2_33:
0xd6: {  	(v2sf) =	vpush v12, $0x0;
	_ =	sdelay $0xa  }
0xd7: {  	s4 =	sadd.s32 $0x1, s4  }
0xd8: {  	p2 =	sne.s32 s4, $0x17  }
.Ltmp23:
0xd9: {  	_ = 	snop;
	(pc) =	sbr.rel @!p2 .LBB2_34-.Ltmp23, $4  }
0xda: {  	_ = 	snop  }
0xdb: {  	s2 =	spop (v2sf)  }
0xdc: {  	p1 =	sgt.s32 s2, $0xFF  }
0xdd: {  	s0 =	smov.u32 @p1 s5  }
.LBB2_28:
.Ltmp24:
0xde: {  	(pc) =	sbr.rel @p0 .LBB2_29-.Ltmp24, $3  }
0xdf: {  	_ =	sdelay $0x1  }
0xe0: {  	s2 =	sshrl.u32 s18, s4  }
0xe1: {  	s5 =	sor.u32 s2, s0  }
0xe2: {  	s2 =	simm.s32 $0x11000  }
0xe3: {  	p1 =	sne.s32 s13, $0x1;
	v14 =	vld [tilespmem:s2+$0x0]  }
.Ltmp25:
0xe4: {  	_ = 	snop;
	(pc) =	sbr.rel @!p1 .LBB2_32-.Ltmp25, $3  }
0xe5: {  	_ =	sdelay $0x1  }
0xe6: {  	v12 =	vmov s5;
	s2 =	simm.s32 $0x0  }
0xe7: {  	v13 =	vimm.s32 $0x0;
	s6 =	sadd.s32 $0xFFFFFFFF, s13;
	s10 =	simm.s32 $0x11010;
	v15 =	vor.u32 s2, v0;
	v14 =	vand.u32 $0x7FFFFF, v14  }
.LBB2_31:
0xe8: {  	v16 =	vld [tilespmem:s10+$0x0];
	p1 =	sne.s32 s6, $0x1;
	s6 =	sadd.s32 $0xFFFFFFFF, s6;
	vm3 =	vlt.s32 v15, v11;
	vm4 =	vge.s32 v14, v12  }
.Ltmp26:
0xe9: {  	vm3 =	vmand vm3, vm4;
	(pc) =	sbr.rel @p1 .LBB2_31-.Ltmp26, $3  }
0xea: {  	v14 =	vmpcnt.ones.xlane vm3;
	_ =	sdelay $0x1  }
0xeb: {  	s2 =	sadd.s32 $0x10, s2;
	v13 =	vadd.s32 v13, v14  }
0xec: {  	s10 =	sadd.s32 $0x10, s10;
	v15 =	vor.u32 s2, v0;
	v14 =	vand.u32 $0x7FFFFF, v16  }
.LBB2_32:
.Ltmp27:
0xed: {  	vm3 =	vlt.s32 v15, v11;
	vm4 =	vge.s32 v14, v12;
	(pc) =	sbr.rel .LBB2_33-.Ltmp27, $3  }
0xee: {  	vm3 =	vmand vm3, vm4  }
0xef: {  	v12 =	vmpcnt.ones.xlane vm3;
	_ =	sdelay $0x1  }
0xf0: {  	v12 =	vadd.s32 v13, v12  }
.LBB2_34:
0xf1: {  	s2 =	rddreg [dreg:$0x6]  }
0xf2: {  	s2 =	sadd.s32 s2, s3  }
0xf3: {  	s4 =	sand.u32 $0x1F, s2  }
0xf4: {  	s5 =	sshra.s32 s2, $0x1F;
	p1 =	slt.s32 s2, $0x1;
	p2 =	sne.s32 s4, $0x0  }
0xf5: {  	s14 =	sshrl.u32 s5, $0x1B;
	p1 =	por !p1, !p2  }
0xf6: {  	s4 =	simm.s32 $0x1;
	s2 =	sadd.s32 s14, s2;
	p1 =	por !p1, !p1  }
0xf7: {  	s2 =	sshra.s32 s2, $0x5;
	s4 =	simm.s32 @!p1 $0x0  }
0xf8: {  	s14 =	ssub.s32 s2, s4  }
0xf9: {  	p1 =	sgt.s32 s14, $0x0  }
.Ltmp28:
0xfa: {  	_ = 	snop;
	(pc) =	sbr.rel @p1 .LBB2_46-.Ltmp28, $2  }
0xfb: {  	_ =	sdelay $0x2  }
0xfc: {  	s31 =	simm.s32 $0x0;
	s4 =	simm.s32 $0x0  }
.LBB2_35:
0xfd: {  	p0 =	slt.s32 s30, $0x100;
	s2 =	simm.s32 $0x0  }
0xfe: {  	s0 =	simm.s32 $0x1;
	s30 =	simm.s32 @!p0 $0x100;
	v11 =	vor.u32 s2, v0  }
.LBB2_36:
0xff: {  	p0 =	sne.s32 s0, $0xF  }
.Ltmp29:
0x100: {  	_ = 	snop;
	(pc) =	sbr.rel @p0 .LBB2_36-.Ltmp29, $3  }
0x101: {  	_ =	sdelay $0x1  }
0x102: {  	s2 =	sshll.u32 s0, $0x7;
	s0 =	sadd.s32 $0x1, s0;
	[tilespmem:v11+s23+$0x0] =	vst.idx.msk $0xffff, v3  }
0x103: {  	v11 =	vor.u32 s2, v0  }
0x104: {  	s0 =	ssub.s32 s8, s30  }
0x105: {  	s0 =	sand.u32 $0x1F, s0  }
0x106: {  	s0 =	sadd.s32 s30, s0  }
0x107: {  	s2 =	sshll.u32 s0, $0x7;
	p1 =	sgt.s32 s0, $0xFF  }
0x108: {  	s3 =	sshrl.u32 @!p1 s2, $0x3;
	s4 =	simm.s32 @!p1 $0x0;
	p0 =	sgt.s32 @!p1 s0, $0xDF  }
0x109: {  	[tilespmem:v11+s23+$0x0] =	vst.idx.msk $0xffff, v3;
	s5 =	simm.s32 @!p1 $0x19400;
	s3 =	sadd.s32 @!p1 s1, s3;
	p0 =	por p1, p0  }
0x10a: {  	[hbm4b:s3+s4] =	stream.linear.scatter @!p1 [tilespmem:s5], [sflag:$0x2], $0x80, $0x38;
	[tilespmem:$0x19E00] =	vst v63  }
0x10b: {  	s3 =	sand.u32 $0x380, s2;
	s5 =	simm.s32 @!p1 $0x2;
	s4 =	sand.u32 @!p0 $0xFFFFFC00, s2  }
0x10c: {  	_ =	swait.ge @!p1 [sflag:s5], $0x80;
	s2 =	sor.u32 @!p0 s3, s4  }
0x10d: {  	[sflag:s5] =	ssyncset.done @!p1 $0x0;
	s2 =	sadd.s32 @!p0 $0x1000, s2  }
0x10e: {  	s6 =	simm.s32 @!p0 $0x19400;
	[sflag:s5] =	ssyncadd.s32 @!p1 $0xFFFFFF80;
	s2 =	sshrl.u32 @!p0 s2, $0x3  }
0x10f: {  	s5 =	simm.s32 @!p0 $0x0;
	p1 =	sgt.s32 @!p0 s0, $0xBF;
	s2 =	sadd.s32 @!p0 s1, s2  }
0x110: {  	[hbm4b:s2+s5] =	stream.linear.scatter @!p0 [tilespmem:s6], [sflag:$0x2], $0x80, $0x38;
	[tilespmem:$0x19E00] =	vst v63  }
0x111: {  	p1 =	por p0, p1;
	s2 =	simm.s32 @!p0 $0x2  }
0x112: {  	s5 =	sadd.s32 @!p1 s3, s4;
	_ =	swait.ge @!p0 [sflag:s2], $0x80  }
0x113: {  	s5 =	sadd.s32 @!p1 $0x2000, s5;
	[sflag:s2] =	ssyncset.done @!p0 $0x0  }
0x114: {  	s6 =	simm.s32 @!p1 $0x19400;
	[sflag:s2] =	ssyncadd.s32 @!p0 $0xFFFFFF80;
	s2 =	sshrl.u32 @!p1 s5, $0x3  }
0x115: {  	s5 =	simm.s32 @!p1 $0x0;
	p0 =	sgt.s32 @!p1 s0, $0x9F;
	s2 =	sadd.s32 @!p1 s1, s2  }
0x116: {  	[hbm4b:s2+s5] =	stream.linear.scatter @!p1 [tilespmem:s6], [sflag:$0x2], $0x80, $0x38;
	[tilespmem:$0x19E00] =	vst v63  }
0x117: {  	p0 =	por p1, p0;
	s2 =	simm.s32 @!p1 $0x2  }
0x118: {  	s5 =	sadd.s32 @!p0 s3, s4;
	_ =	swait.ge @!p1 [sflag:s2], $0x80  }
0x119: {  	s6 =	simm.s32 @!p0 $0x19400;
	s5 =	sadd.s32 @!p0 $0x3000, s5;
	[sflag:s2] =	ssyncset.done @!p1 $0x0  }
0x11a: {  	[sflag:s2] =	ssyncadd.s32 @!p1 $0xFFFFFF80;
	s2 =	sshrl.u32 @!p0 s5, $0x3;
	p1 =	sgt.s32 @!p0 s0, $0x7F  }
0x11b: {  	s5 =	simm.s32 @!p0 $0x0;
	s2 =	sadd.s32 @!p0 s1, s2;
	p1 =	por p0, p1  }
0x11c: {  	[hbm4b:s2+s5] =	stream.linear.scatter @!p0 [tilespmem:s6], [sflag:$0x2], $0x80, $0x38;
	[tilespmem:$0x19E00] =	vst v63  }
.Ltmp30:
0x11d: {  	_ = 	snop;
	(pc) =	sbr.rel @p1 .LBB2_39-.Ltmp30, $4  }
0x11e: {  	s2 =	simm.s32 @!p0 $0x2  }
0x11f: {  	_ =	swait.ge @!p0 [sflag:s2], $0x80  }
0x120: {  	[sflag:s2] =	ssyncset.done @!p0 $0x0  }
0x121: {  	[sflag:s2] =	ssyncadd.s32 @!p0 $0xFFFFFF80  }
0x122: {  	s2 =	sadd.s32 s3, s4  }
0x123: {  	s2 =	sadd.s32 $0x4000, s2  }
0x124: {  	s2 =	sshrl.u32 s2, $0x3  }
0x125: {  	s5 =	simm.s32 $0x0;
	p0 =	sgt.s32 s0, $0x5F;
	s2 =	sadd.s32 s1, s2  }
0x126: {  	[hbm4b:s2+s5] =	stream.linear.scatter [tilespmem:s23], [sflag:$0x2], $0x80, $0x38;
	[tilespmem:$0x19E00] =	vst v63  }
0x127: {  	s6 =	simm.s32 @!p0 $0x19400;
	s2 =	sadd.s32 @!p0 s3, s4  }
0x128: {  	p2 =	sgt.s32 @!p0 s0, $0x3F;
	_ =	swait.ge [sflag:s12], $0x80;
	s2 =	sadd.s32 @!p0 $0x5000, s2  }
0x129: {  	p1 =	por p2, p0;
	[sflag:s12] =	ssyncset.done $0x0;
	s2 =	sshrl.u32 @!p0 s2, $0x3  }
0x12a: {  	s5 =	simm.s32 @!p0 $0x0;
	[sflag:s12] =	ssyncadd.s32 $0xFFFFFF80;
	s2 =	sadd.s32 @!p0 s1, s2  }
0x12b: {  	[hbm4b:s2+s5] =	stream.linear.scatter @!p0 [tilespmem:s6], [sflag:$0x2], $0x80, $0x38;
	[tilespmem:$0x19E00] =	vst v63  }
0x12c: {  	p3 =	sgt.s32 @!p1 s0, $0x1F;
	s2 =	simm.s32 @!p0 $0x2;
	s5 =	sadd.s32 @!p1 s3, s4  }
0x12d: {  	p2 =	por @!p0 p3, p2;
	_ =	swait.ge @!p0 [sflag:s2], $0x80;
	s5 =	sadd.s32 @!p1 $0x6000, s5  }
0x12e: {  	[sflag:s2] =	ssyncset.done @!p0 $0x0;
	s0 =	sshrl.u32 @!p1 s5, $0x3;
	s5 =	simm.s32 @!p1 $0x19400  }
0x12f: {  	[sflag:s2] =	ssyncadd.s32 @!p0 $0xFFFFFF80;
	s0 =	sadd.s32 @!p1 s1, s0;
	s2 =	simm.s32 @!p1 $0x0  }
0x130: {  	[hbm4b:s0+s2] =	stream.linear.scatter @!p1 [tilespmem:s5], [sflag:$0x2], $0x80, $0x38;
	[tilespmem:$0x19E00] =	vst v63  }
0x131: {  	p0 =	por p2, p0;
	s0 =	simm.s32 @!p1 $0x2  }
0x132: {  	s2 =	sadd.s32 @!p0 s3, s4;
	_ =	swait.ge @!p1 [sflag:s0], $0x80  }
0x133: {  	s2 =	sadd.s32 @!p0 $0x7000, s2;
	[sflag:s0] =	ssyncset.done @!p1 $0x0  }
0x134: {  	[sflag:s0] =	ssyncadd.s32 @!p1 $0xFFFFFF80;
	s0 =	sshrl.u32 @!p0 s2, $0x3  }
0x135: {  	s3 =	simm.s32 @!p0 $0x19400;
	s2 =	simm.s32 @!p0 $0x0;
	s0 =	sadd.s32 @!p0 s1, s0  }
0x136: {  	[hbm4b:s0+s2] =	stream.linear.scatter @!p0 [tilespmem:s3], [sflag:$0x2], $0x80, $0x38;
	[tilespmem:$0x19E00] =	vst v63  }
0x137: {  	s0 =	simm.s32 @!p0 $0x2  }
0x138: {  	_ =	swait.ge @!p0 [sflag:s0], $0x80  }
0x139: {  	[sflag:s0] =	ssyncset.done @!p0 $0x0  }
0x13a: {  	[sflag:s0] =	ssyncadd.s32 @!p0 $0xFFFFFF80  }
.LBB2_39:
0x13b: {  	s0 =	sadd.s32 $0xF, s31  }
0x13c: {  	s2 =	sand.u32 $0xF, s0  }
0x13d: {  	s3 =	sshra.s32 s0, $0x1F;
	p0 =	slt.s32 s0, $0x1;
	p1 =	sne.s32 s2, $0x0  }
0x13e: {  	s30 =	sshrl.u32 s3, $0x1C;
	p0 =	por !p0, !p1  }
0x13f: {  	s2 =	simm.s32 $0x1;
	s0 =	sadd.s32 s30, s0;
	p0 =	por !p0, !p0  }
0x140: {  	s0 =	sshra.s32 s0, $0x4;
	s2 =	simm.s32 @!p0 $0x0  }
0x141: {  	s0 =	ssub.s32 s0, s2  }
0x142: {  	p0 =	slt.s32 s0, $0x1  }
.Ltmp31:
0x143: {  	_ = 	snop;
	(pc) =	sbr.rel @p0 .LBB2_44-.Ltmp31, $1  }
0x144: {  	_ =	sdelay $0x3  }
0x145: {  	v11 =	vmov s31;
	s3 =	simm.s32 $0x0;
	s13 =	simm.s32 $0x0;
	s30 =	simm.s32 $0x0  }
.LBB2_41:
0x146: {  	s2 =	sshll.u32 s30, $0x4  }
0x147: {  	v12 =	vld [tilespmem:s2+$0x19000];
	_ =	sdelay $0x2  }
0x148: {  	v13 =	vor.u32 s2, v0  }
0x149: {  	vm3 =	vlt.s32 v13, v11  }
0x14a: {  	v12 =	vnsel vm3, $0x0, v12;
	_ =	sdelay $0x3  }
0x14b: {  	v13 =	vadd.s32 $0x40000, v12  }
0x14c: {  	[tilespmem:s24], [sflag:$0x1] =	stream.indirect_vreg.gather [hbm4b:s7+s3], $0x1, v12, vm2, $0xb8;
	[tilespmem:$0x19E00] =	vst v63  }
0x14d: {  	_ =	swait.ge [sflag:s15], $0x10  }
0x14e: {  	[sflag:s15] =	ssyncset.done $0x0  }
0x14f: {  	[sflag:s15] =	ssyncadd.s32 $0xFFFFFFF0  }
0x150: {  	[tilespmem:s25], [sflag:$0x1] =	stream.indirect_vreg.gather [hbm4b:s7+s3], $0x1, v13, vm2, $0xb8;
	[tilespmem:$0x19E00] =	vst v63  }
0x151: {  	_ =	swait.ge [sflag:s15], $0x10  }
0x152: {  	[sflag:s15] =	ssyncset.done $0x0  }
0x153: {  	[sflag:s15] =	ssyncadd.s32 $0xFFFFFFF0  }
0x154: {  	[tilespmem:s26], [sflag:$0x1] =	stream.indirect_vreg.gather [hbm4b:s9+s3], $0x1, v12, vm2, $0xb8;
	[tilespmem:$0x19E00] =	vst v63  }
0x155: {  	_ =	swait.ge [sflag:s15], $0x10  }
0x156: {  	[sflag:s15] =	ssyncset.done $0x0  }
0x157: {  	[sflag:s15] =	ssyncadd.s32 $0xFFFFFFF0  }
0x158: {  	[tilespmem:s28], [sflag:$0x1] =	stream.indirect_vreg.gather [hbm4b:s9+s3], $0x1, v13, vm2, $0xb8;
	[tilespmem:$0x19E00] =	vst v63  }
0x159: {  	v13 =	vshrl.u32 v12, $0x9;
	_ =	swait.ge [sflag:s15], $0x10  }
0x15a: {  	v12 =	vand.u32 $0x1FF, v12;
	v13 =	vcvt.s32.f32 v13;
	[sflag:s15] =	ssyncset.done $0x0  }
0x15b: {  	s4 =	simm.s32 $0x19400;
	v12 =	vcvt.s32.f32 v12;
	[sflag:s15] =	ssyncadd.s32 $0xFFFFFFF0  }
0x15c: {  	[tilespmem:v1+s4+$0x0] =	vst.idx.msk $0xffff, v13  }
0x15d: {  	[tilespmem:v4+s4+$0x0] =	vst.idx.msk $0xffff, v12  }
0x15e: {  	v12 =	vld [tilespmem:$0x19C00];
	_ =	sdelay $0x4  }
0x15f: {  	[tilespmem:v5+s4+$0x0] =	vst.idx.msk $0xffff, v12  }
0x160: {  	v12 =	vld [tilespmem:$0x19C80];
	_ =	sdelay $0x4  }
0x161: {  	[tilespmem:v6+s4+$0x0] =	vst.idx.msk $0xffff, v12  }
0x162: {  	v12 =	vld [tilespmem:$0x19D00];
	_ =	sdelay $0x4  }
0x163: {  	v12 =	vmul.f32 $1.000000000e+01, v12;
	_ =	sdelay $0x1  }
0x164: {  	v12 =	vmul.f32 $1.442695020e+00, v12;
	_ =	sdelay $0x1  }
0x165: {  	(erf) = vpow2.f32 v12;
	_ =	sdelay $0x8  }
0x166: {  	v12 =	vpop (erf)  }
0x167: {  	[tilespmem:v7+s4+$0x0] =	vst.idx.msk $0xffff, v12  }
0x168: {  	v12 =	vld [tilespmem:$0x19D80];
	_ =	sdelay $0x4  }
0x169: {  	v12 =	vmul.f32 $1.000000000e+01, v12;
	_ =	sdelay $0x1  }
0x16a: {  	v12 =	vmul.f32 $1.442695020e+00, v12;
	_ =	sdelay $0x1  }
0x16b: {  	(erf) = vpow2.f32 v12;
	_ =	sdelay $0x4  }
0x16c: {  	s2 =	sadd.s32 $0x0, s13  }
0x16d: {  	p1 =	sge.s32 s2, s31  }
0x16e: {  	v12 =	vmov @!p1 s2;
	_ =	sdelay $0x1  }
0x16f: {  	v13 =	vpop (erf)  }
0x170: {  	[tilespmem:v8+s4+$0x0] =	vst.idx.msk $0xffff, v13  }
0x171: {  	p0 =	por p1, p1;
	s2 =	simm.s32 @!p1 $0x19200;
	[tilespmem:v9+s4+$0x0] =	vst.idx.msk $0xffff, v10  }
0x172: {  	v12 =	vld.idx.msk @!p0 [tilespmem:v12+s2+$0x0], $0xffff;
	_ =	sdelay $0x4  }
0x173: {  	(v2sf) =	vpush @!p0 v12, $0x0;
	_ =	sdelay $0xe  }
0x174: {  	s2 =	spop @!p1 (v2sf)  }
0x175: {  	s2 =	sshll.u32 @!p0 s2, $0x4  }
0x176: {  	s6 =	sadd.s32 $0x1, s13;
	s10 =	simm.s32 @!p0 $0x0;
	s5 =	sand.u32 @!p0 $0x1FFFFFF0, s2  }
0x177: {  	p1 =	sge.s32 s6, s31;
	s2 =	simm.s32 @!p0 $0x2;
	s5 =	sadd.s32 @!p0 s1, s5  }
0x178: {  	v12 =	vmov @!p1 s6;
	[hbm4b:s5+s10] =	stream.linear.scatter @!p0 [tilespmem:s4], [sflag:$0x2], $0x80, $0x38;
	[tilespmem:$0x19E00] =	vst v63  }
0x179: {  	_ =	swait.ge @!p0 [sflag:s2], $0x80  }
0x17a: {  	s6 =	simm.s32 @!p1 $0x19200;
	s5 =	simm.s32 $0x2;
	[sflag:s2] =	ssyncset.done @!p0 $0x0  }
.LBB2_42:
0x17b: {  	[sflag:s2] =	ssyncadd.s32 @!p0 $0xFFFFFF80;
	s4 =	sadd.s32 $0x80, s4  }
0x17c: {  	s2 =	smov.u32 s5;
	s5 =	sadd.s32 $0x1, s5;
	p0 =	por p1, p1  }
0x17d: {  	p2 =	sne.s32 s5, $0x10;
	v12 =	vld.idx.msk @!p0 [tilespmem:v12+s6+$0x0], $0xffff;
	_ =	sdelay $0x5  }
0x17e: {  	(v2sf) =	vpush @!p0 v12, $0x0;
	_ =	sdelay $0xe  }
0x17f: {  	s6 =	spop @!p1 (v2sf)  }
0x180: {  	s10 =	sadd.s32 s2, s13;
	s2 =	simm.s32 @!p0 $0x2;
	s6 =	sshll.u32 @!p0 s6, $0x4  }
.Ltmp32:
0x181: {  	p1 =	sge.s32 s10, s31;
	s11 =	sand.u32 @!p0 $0x1FFFFFF0, s6;
	(pc) =	sbr.rel @p2 .LBB2_42-.Ltmp32, $4  }
0x182: {  	v12 =	vmov @!p1 s10;
	s6 =	simm.s32 @!p1 $0x19200;
	s10 =	sadd.s32 @!p0 s1, s11;
	s11 =	simm.s32 @!p0 $0x0  }
0x183: {  	[hbm4b:s10+s11] =	stream.linear.scatter @!p0 [tilespmem:s4], [sflag:$0x2], $0x80, $0x38;
	[tilespmem:$0x19E00] =	vst v63  }
0x184: {  	_ =	swait.ge @!p0 [sflag:s2], $0x80  }
0x185: {  	[sflag:s2] =	ssyncset.done @!p0 $0x0  }
0x186: {  	_ =	sdelay $0x2  }
0x187: {  	[sflag:s2] =	ssyncadd.s32 @!p0 $0xFFFFFF80;
	p0 =	por p1, p1  }
0x188: {  	v12 =	vld.idx.msk @!p0 [tilespmem:v12+s6+$0x0], $0xffff;
	_ =	sdelay $0x4  }
0x189: {  	(v2sf) =	vpush @!p0 v12, $0x0;
	_ =	sdelay $0xe  }
0x18a: {  	s2 =	spop @!p1 (v2sf)  }
0x18b: {  	s2 =	sshll.u32 @!p0 s2, $0x4  }
0x18c: {  	s4 =	sadd.s32 $0x80, s4;
	s30 =	sadd.s32 $0x1, s30;
	s2 =	sand.u32 @!p0 $0x1FFFFFF0, s2  }
0x18d: {  	s6 =	simm.s32 @!p0 $0x0;
	p1 =	sne.s32 s30, s0;
	s2 =	sadd.s32 @!p0 s1, s2  }
0x18e: {  	[hbm4b:s2+s6] =	stream.linear.scatter @!p0 [tilespmem:s4], [sflag:$0x2], $0x80, $0x38;
	[tilespmem:$0x19E00] =	vst v63  }
.Ltmp33:
0x18f: {  	_ = 	snop;
	(pc) =	sbr.rel @p1 .LBB2_41-.Ltmp33, $4  }
.Ltmp34:
0x190: {  	s5 =	simm.s32 @!p0 $0x2;
	(pc) =	sbr.rel @!p1 .LBB2_44-.Ltmp34, $4  }
0x191: {  	_ =	swait.ge @!p0 [sflag:s5], $0x80  }
0x192: {  	[sflag:s5] =	ssyncset.done @!p0 $0x0  }
0x193: {  	s13 =	sadd.s32 $0x10, s13;
	[sflag:s5] =	ssyncadd.s32 @!p0 $0xFFFFFF80  }
0x194: {  	_ = 	snop  }
.LBB2_48:
0x195: {  	v13 =	vimm.s32 $0x0  }
.LBB2_55:
0x196: {  	(v2sf) =	vpush v13, $0x0;
	_ =	sdelay $0xe  }
0x197: {  	s2 =	spop (v2sf)  }
.LBB2_56:
0x198: {  	p2 =	slt.s32 s2, $0x100  }
0x199: {  	p1 =	por !p1, !p2  }
0x19a: {  	vm3 =	vmmov vm0;
	p1 =	por !p1, !p1  }
0x19b: {  	vm3 =	vmneg @p1 vm3  }
0x19c: {  	vm3 =	vmand vm3, vm1  }
0x19d: {  	v13 =	vmov s31;
	s5 =	simm.s32 $0x1;
	s4 =	sadd.s32 $0x1, s4  }
0x19e: {  	s5 =	simm.s32 @!p1 $0x0;
	p1 =	seq.s32 s4, s14  }
.Ltmp35:
0x19f: {  	_ = 	snop;
	(pc) =	sbr.rel @p1 .LBB2_35-.Ltmp35, $3  }
0x1a0: {  	v12 =	vbroadcast v12, $0x0;
	_ =	sdelay $0x1  }
0x1a1: {  	v14 =	vmov s2;
	[tilespmem:v13+s21+$0x0] =	vst.idx.msk vm3, v12  }
0x1a2: {  	s31 =	sadd.s32 s5, s31;
	[tilespmem:v13+s22+$0x0] =	vst.idx.msk vm3, v14  }
.LBB2_46:
0x1a3: {  	s2 =	sshll.u32 s4, $0x5  }
0x1a4: {  	s2 =	sor.u32 s8, s2  }
0x1a5: {  	p2 =	slt.s32 s2, $0x3FFF  }
0x1a6: {  	p1 =	slt.s32 s2, s3;
	s2 =	simm.s32 @!p2 $0x3FFF  }
0x1a7: {  	v12 =	vmov s2;
	_ =	sdelay $0x4  }
0x1a8: {  	v13 =	vld.idx.msk [tilespmem:v12+s19+$0x0], $0xffff;
	_ =	sdelay $0x4  }
0x1a9: {  	(v2sf) =	vpush v13, $0x0;
	_ =	sdelay $0xe  }
0x1aa: {  	s11 =	spop (v2sf)  }
0x1ab: {  	s5 =	sand.u32 $0x7FFFFF, s11  }
0x1ac: {  	p6 =	sge.s32 s5, s0  }
0x1ad: {  	p1 =	por !p1, !p6  }
0x1ae: {  	p1 =	por !p1, !p1  }
.Ltmp36:
0x1af: {  	_ = 	snop;
	(pc) =	sbr.rel @!p1 .LBB2_56-.Ltmp36, $2  }
0x1b0: {  	_ =	sdelay $0x2  }
0x1b1: {  	s2 =	simm.s32 $0x100;
	v12 =	vld.idx.msk [tilespmem:v12+s20+$0x0], $0xffff  }
.Ltmp37:
0x1b2: {  	(pc) =	sbr.rel @p0 .LBB2_48-.Ltmp37, $1  }
0x1b3: {  	_ =	sdelay $0x3  }
0x1b4: {  	s2 =	simm.s32 $0x11000  }
0x1b5: {  	p3 =	sne.s32 s13, $0x1;
	v17 =	vld [tilespmem:s2+$0x0]  }
.Ltmp38:
0x1b6: {  	_ = 	snop;
	(pc) =	sbr.rel @!p3 .LBB2_50-.Ltmp38, $3  }
0x1b7: {  	_ =	sdelay $0x1  }
0x1b8: {  	s6 =	simm.s32 $0x15000;
	v14 =	vmov s5;
	s5 =	simm.s32 $0x0;
	s11 =	simm.s32 $0x15010;
	v15 =	vbroadcast v12, $0x0  }
0x1b9: {  	v13 =	vimm.s32 $0x0;
	p2 =	por $0x0, $0x0;
	s2 =	sadd.s32 $0xFFFFFFFF, s13;
	v16 =	vld [tilespmem:s6+$0x0];
	s6 =	simm.s32 $0x11010;
	v17 =	vand.u32 $0x7FFFFF, v17  }
0x1ba: {  	_ =	sdelay $0x3  }
0x1bb: {  	v18 =	vld [tilespmem:s6+$0x0];
	vm3 =	veq.s32 v17, v14;
	p3 =	sne.s32 s2, $0x1;
	vm4 =	vlt.s32 v16, v15;
	v16 =	vor.u32 s5, v0  }
.Ltmp39:
0x1bc: {  	vm5 =	vgt.u32 v17, v14;
	vm3 =	vmand vm3, vm4;
	vm15 =	vlt.s32 v16, v11;
	v16 =	vld [tilespmem:s11+$0x0];
	(pc) =	sbr.rel @!p3 .LBB2_52-.Ltmp39, $4  }
0x1bd: {  	vm3 =	vmor vm5, vm3  }
0x1be: {  	vm3 =	vmand vm15, vm3  }
0x1bf: {  	s6 =	sadd.s32 $0xFFFFFFFF, s2;
	s10 =	simm.s32 $0x11020;
	v19 =	vmpcnt.ones.xlane vm3  }
0x1c0: {  	s2 =	simm.s32 $0x15020;
	p2 =	por $0x1, $0x1;
	v17 =	vand.u32 $0x7FFFFF, v18;
	v18 =	vimm.s32 $0x0;
	s11 =	simm.s32 $0x0  }
.LBB2_53:
0x1c1: {  	v20 =	vld [tilespmem:s10+$0x0];
	p3 =	sne.s32 s6, $0x1;
	s6 =	sadd.s32 $0xFFFFFFFF, s6;
	vm3 =	veq.s32 v17, v14;
	vm4 =	vlt.s32 v16, v15;
	v18 =	vadd.s32 v18, v19;
	s11 =	sadd.s32 $0x10, s11  }
.Ltmp40:
0x1c2: {  	vm5 =	vgt.u32 v17, v14;
	v16 =	vld [tilespmem:s2+$0x0];
	v19 =	vor.u32 s11, v0;
	vm3 =	vmand vm3, vm4;
	(pc) =	sbr.rel @p3 .LBB2_53-.Ltmp40, $4  }
0x1c3: {  	vm4 =	vlt.s32 v19, v11;
	vm3 =	vmor vm5, vm3  }
0x1c4: {  	vm3 =	vmand vm4, vm3  }
0x1c5: {  	v19 =	vmpcnt.ones.xlane vm3  }
0x1c6: {  	s10 =	sadd.s32 $0x10, s10;
	s2 =	sadd.s32 $0x10, s2;
	v17 =	vand.u32 $0x7FFFFF, v20  }
.LBB2_54:
0x1c7: {  	s2 =	sadd.s32 @p2 $0x10, s11  }
0x1c8: {  	vm3 =	veq.s32 v17, v14;
	vm4 =	vlt.s32 v16, v15;
	s5 =	smov.u32 @p2 s2  }
0x1c9: {  	vm5 =	vgt.u32 v17, v14;
	vm3 =	vmand vm3, vm4;
	v15 =	vor.u32 s5, v0  }
.Ltmp41:
0x1ca: {  	vm3 =	vmor vm5, vm3;
	vm15 =	vlt.s32 v15, v11;
	(pc) =	sbr.rel .LBB2_55-.Ltmp41, $4  }
0x1cb: {  	vm3 =	vmand vm15, vm3  }
0x1cc: {  	v14 =	vadd.s32 @p2 v18, v19;
	v15 =	vmpcnt.ones.xlane vm3  }
0x1cd: {  	v13 =	vpsel p2, v14, v13  }
0x1ce: {  	v13 =	vadd.s32 v13, v15  }
.LBB2_50:
.Ltmp42:
0x1cf: {  	(pc) =	sbr.rel .LBB2_54-.Ltmp42, $2  }
0x1d0: {  	_ =	sdelay $0x2  }
0x1d1: {  	v18 =	vimm.s32 $0x0;
	s11 =	simm.s32 $0x0  }
.LBB2_52:
.Ltmp43:
0x1d2: {  	(pc) =	sbr.rel .LBB2_54-.Ltmp43, $2  }
0x1d3: {  	_ =	sdelay $0x2  }
0x1d4: {  	v18 =	vimm.s32 $0x0;
	s11 =	simm.s32 $0x0  }
.LBB2_19:
.Ltmp44:
0x1d5: {  	(pc) =	sbr.rel .LBB2_26-.Ltmp44, $2  }
0x1d6: {  	_ =	sdelay $0x2  }
0x1d7: {  	s13 =	simm.s32 $0x0;
	v14 =	vimm.s32 $0x0;
	s5 =	simm.s32 $0xD000  }
.LBB2_23:
.Ltmp45:
0x1d8: {  	(pc) =	sbr.rel .LBB2_26-.Ltmp45, $2  }
0x1d9: {  	_ =	sdelay $0x2  }
0x1da: {  	s13 =	simm.s32 $0x0;
	v16 =	vmov v15;
	v14 =	vmov v15;
	s5 =	simm.s32 $0xD000  }
.LBB2_45:
0x1db: {  	_ =	sfence.sel $0x180000  }
0x1dc: {  	[bflag:$0x0] =	sbarrier.arrive $0xFFFF  }
0x1dd: {  	_ =	strace $0x9000004A  }
0x1de: {  	s0 =	stileid.u32;
	[bflag:$0x2] =	sbarrier.arrive $0xFFFF  }
0x1df: {  	p0 =	sne.s32 s0, $0x0;
	s0 =	rddreg [dreg:$0x2]  }
0x1e0: {  	s0 =	sadd.s32 @!p0 $0x100000, s0  }
0x1e1: {  	[sflag:s0] =	ssyncadd.tile.s32 @!p0 $0x1;
	_ =	shalt  }
.Lfunc_end2:
_tile_overlayer_lowered:
.L_overlay_start_2:
0x1e2: {  	(tag) =	ssettag $0x2  }
0x1e3: {  	s0 =	rddreg [dreg:$0x0];
	s2 =	stileid.u32  }
0x1e4: {  	s1 =	rddreg [dreg:$0x1];
	p0 =	sne.s32 s2, $0x0  }
0x1e5: {  	s3 =	rddreg [dreg:$0x2];
	[bflag:$0x3] =	sbarrier.arrive $0xFFFF;
	s2 =	simm.s32 @!p0 $0x1C02  }
0x1e6: {  	[timem:s3], [sflag:s2] =	dma.local @!p0 [hbm:s0], s1  }
0x1e7: {  	s0 =	simm.s32 @!p0 $0x2  }
0x1e8: {  	_ =	swait.ge @!p0 [sflag:s0], s1  }
0x1e9: {  	s1 =	ssub.s32 @!p0 $0x0, s1;
	[sflag:s0] =	ssyncset.done @!p0 $0x0  }
0x1ea: {  	[sflag:s0] =	ssyncadd.s32 @!p0 s1  }
0x1eb: {  	[bflag:$0x3] =	sbarrier.arrive $0xFFFF  }
0x1ec: {  	_ =	shalt  }

</sc_bundles>
